<compile_context>
chip_gen: v7x
topology: tpu7x:2x2x1
jax: 0.10.2.dev20260603
libtpu: 0.0.44.dev20260713+nightly
codegen_flags: <defaults>
</compile_context>

<pallas_src>
import functools

import jax
import jax.numpy as jnp
from jax import lax
from jax.experimental import pallas as pl
from jax.experimental.pallas import tpu as pltpu
from jax.experimental.pallas import tpu_sc as plsc

_N = 10000
_E = 320000
_D = 128
_TAU0 = 0.1

_NPAD = 10240
_NW = 32
_EPW = _E // _NW
_WIN = 10240
_ITERS = _EPW // 16
_SEG = _NPAD // 16


def _mesh():
    return plsc.VectorSubcoreMesh(core_axis_name="c", subcore_axis_name="s")


@functools.partial(
    pl.kernel,
    mesh=_mesh(),
    out_type=jax.ShapeDtypeStruct((2, _NPAD), jnp.float32),
    scratch_types=[
        pltpu.VMEM((_WIN,), jnp.int32),
        pltpu.VMEM((_WIN,), jnp.int32),
        pltpu.VMEM((_WIN,), jnp.float32),
        pltpu.VMEM((16 * _SEG,), jnp.float32),
        pltpu.VMEM((_SEG,), jnp.float32),
        pltpu.VMEM_SHARED((16 * _NPAD,), jnp.float32),
        pltpu.SemaphoreType.DMA,
        pltpu.SemaphoreType.DMA,
    ],
)
def _sc_deg(ei_hbm, zeros_hbm, degp_hbm,
            src_v, dst_v, val_v, comb_v, res_v, parts_sh, dsem, ssem):
    c = lax.axis_index("c")
    s = lax.axis_index("s")
    w = c * 16 + s
    base = w * _EPW
    base_al = jnp.minimum((base // 128) * 128, _E - _WIN)
    base_al = pl.multiple_of(base_al, 128)
    off = base - base_al
    nh = off // 16
    seg = pl.ds(s * (_NPAD // 16), _NPAD // 16)

    pltpu.async_copy(ei_hbm.at[0].at[pl.ds(base_al, _WIN)], src_v, dsem)
    pltpu.async_copy(ei_hbm.at[1].at[pl.ds(base_al, _WIN)], dst_v, dsem)
    pltpu.sync_copy(zeros_hbm, parts_sh.at[pl.ds(s * _NPAD, _NPAD)])
    pltpu.make_async_copy(ei_hbm.at[0].at[pl.ds(base_al, _WIN)], src_v, dsem).wait()
    pltpu.make_async_copy(ei_hbm.at[1].at[pl.ds(base_al, _WIN)], dst_v, dsem).wait()

    my0 = s * _NPAD
    zi = jnp.full((16,), 0, jnp.int32)
    zf = jnp.zeros((16,), jnp.float32)

    def headz(j, carry):
        sl = pl.ds(j * 16, 16)
        dst_v[sl] = zi + my0
        val_v[sl] = zf
        return carry

    lax.fori_loop(0, nh, headz, 0)

    def tailz(j, carry):
        sl = pl.ds(off + _EPW + j * 16, 16)
        dst_v[sl] = zi + my0
        val_v[sl] = zf
        return carry

    lax.fori_loop(0, 15 - nh, tailz, 0)

    def lane(k, carry):
        sl = pl.ds(off + k * 16, 16)
        sv = src_v[sl]
        dv = dst_v[sl]
        val_v[sl] = jnp.where(sv != dv, 1.0, 0.0)
        dst_v[sl] = dv + my0
        return carry

    lax.fori_loop(0, _ITERS, lane, 0, unroll=8)

    pltpu.sync_copy(val_v, parts_sh.at[dst_v], add=True)
    plsc.subcore_barrier()

    for t in range(16):
        pltpu.async_copy(
            parts_sh.at[pl.ds(t * _NPAD + s * _SEG, _SEG)],
            comb_v.at[pl.ds(t * _SEG, _SEG)], dsem)
    for t in range(16):
        pltpu.make_async_copy(
            parts_sh.at[pl.ds(t * _NPAD + s * _SEG, _SEG)],
            comb_v.at[pl.ds(t * _SEG, _SEG)], dsem).wait()

    def red(q, carry):
        acc = comb_v[pl.ds(q * 16, 16)]
        for t in range(1, 16):
            acc = acc + comb_v[pl.ds(t * _SEG + q * 16, 16)]
        res_v[pl.ds(q * 16, 16)] = acc
        return carry

    lax.fori_loop(0, _SEG // 16, red, 0, unroll=4)
    pltpu.sync_copy(res_v, degp_hbm.at[c].at[seg])


@functools.partial(
    pl.kernel,
    mesh=_mesh(),
    out_type=jax.ShapeDtypeStruct((2, _NPAD), jnp.float32),
    compiler_params=pltpu.CompilerParams(needs_layout_passes=False),
    scratch_types=[
        pltpu.VMEM((_WIN,), jnp.int32),
        pltpu.VMEM((_WIN,), jnp.int32),
        pltpu.VMEM((_WIN,), jnp.float32),
        pltpu.VMEM((_NPAD,), jnp.float32),
        pltpu.VMEM((16 * _SEG,), jnp.float32),
        pltpu.VMEM((_SEG,), jnp.float32),
        pltpu.VMEM_SHARED((16 * _NPAD,), jnp.float32),
        pltpu.SemaphoreType.DMA,
        pltpu.SemaphoreType.DMA,
    ],
)
def _sc_agg(ei_hbm, z_hbm, zeros_hbm, outp_hbm,
            src_v, dst_v, val_v, z_v, comb_v, res_v, parts_sh, dsem, ssem):
    c = lax.axis_index("c")
    s = lax.axis_index("s")
    w = c * 16 + s
    base = w * _EPW
    base_al = jnp.minimum((base // 128) * 128, _E - _WIN)
    base_al = pl.multiple_of(base_al, 128)
    off = base - base_al
    nh = off // 16
    seg = pl.ds(s * (_NPAD // 16), _NPAD // 16)

    pltpu.async_copy(ei_hbm.at[0].at[pl.ds(base_al, _WIN)], src_v, dsem)
    pltpu.async_copy(ei_hbm.at[1].at[pl.ds(base_al, _WIN)], dst_v, dsem)
    pltpu.async_copy(z_hbm, z_v, dsem)
    pltpu.sync_copy(zeros_hbm, parts_sh.at[pl.ds(s * _NPAD, _NPAD)])
    pltpu.make_async_copy(ei_hbm.at[0].at[pl.ds(base_al, _WIN)], src_v, dsem).wait()
    pltpu.make_async_copy(ei_hbm.at[1].at[pl.ds(base_al, _WIN)], dst_v, dsem).wait()
    pltpu.make_async_copy(z_hbm, z_v, dsem).wait()

    my0 = s * _NPAD
    zi = jnp.full((16,), 0, jnp.int32)
    zf = jnp.zeros((16,), jnp.float32)

    def headz(j, carry):
        sl = pl.ds(j * 16, 16)
        dst_v[sl] = zi + my0
        val_v[sl] = zf
        return carry

    lax.fori_loop(0, nh, headz, 0)

    def tailz(j, carry):
        sl = pl.ds(off + _EPW + j * 16, 16)
        dst_v[sl] = zi + my0
        val_v[sl] = zf
        return carry

    lax.fori_loop(0, 15 - nh, tailz, 0)

    def lane(k, carry):
        sl = pl.ds(off + k * 16, 16)
        sv = src_v[sl]
        dv = dst_v[sl]
        zz = plsc.load_gather(z_v, [sv])
        val_v[sl] = jnp.where(sv != dv, zz, 0.0)
        dst_v[sl] = dv + my0
        return carry

    lax.fori_loop(0, _ITERS, lane, 0, unroll=8)

    pltpu.sync_copy(val_v, parts_sh.at[dst_v], add=True)
    plsc.subcore_barrier()

    for t in range(16):
        pltpu.async_copy(
            parts_sh.at[pl.ds(t * _NPAD + s * _SEG, _SEG)],
            comb_v.at[pl.ds(t * _SEG, _SEG)], dsem)
    for t in range(16):
        pltpu.make_async_copy(
            parts_sh.at[pl.ds(t * _NPAD + s * _SEG, _SEG)],
            comb_v.at[pl.ds(t * _SEG, _SEG)], dsem).wait()

    def red(q, carry):
        acc = comb_v[pl.ds(q * 16, 16)]
        for t in range(1, 16):
            acc = acc + comb_v[pl.ds(t * _SEG + q * 16, 16)]
        res_v[pl.ds(q * 16, 16)] = acc
        return carry

    lax.fori_loop(0, _SEG // 16, red, 0, unroll=4)
    pltpu.sync_copy(res_v, outp_hbm.at[c].at[seg])


def _tc_matvec_body(xt_ref, w_ref, y_ref):
    y_ref[...] = jnp.sum(xt_ref[...] * w_ref[...], axis=0, keepdims=True)


_tc_matvec = pl.pallas_call(
    _tc_matvec_body,
    out_shape=jax.ShapeDtypeStruct((1, _NPAD), jnp.float32),
)


def _tc_prep_body(degp_ref, y_ref, dinv_ref, z_ref):
    deg = degp_ref[0:1, :] + degp_ref[1:2, :]
    dinv = jnp.where(deg > 0.0, lax.rsqrt(deg), 0.0)
    dinv_ref[...] = dinv
    z_ref[...] = dinv * y_ref[...]


_tc_prep = pl.pallas_call(
    _tc_prep_body,
    out_shape=(
        jax.ShapeDtypeStruct((1, _NPAD), jnp.float32),
        jax.ShapeDtypeStruct((1, _NPAD), jnp.float32),
    ),
)


def _tc_head_body(outp_ref, dinv_ref, temp_ref):
    o = (outp_ref[0:1, :] + outp_ref[1:2, :]) * dinv_ref[...]
    sp = jnp.maximum(o, 0.0) + jnp.log1p(jnp.exp(-jnp.abs(o))) + _TAU0
    temp_ref[...] = 1.0 / sp


_tc_head = pl.pallas_call(
    _tc_head_body,
    out_shape=jax.ShapeDtypeStruct((1, _NPAD), jnp.float32),
)


def kernel(x, edge_index, W):
    zeros = jnp.zeros((_NPAD,), jnp.float32)
    xt = jnp.pad(x, ((0, _NPAD - _N), (0, 0))).T
    y = _tc_matvec(xt, W)
    degp = _sc_deg(edge_index, zeros)
    dinv, z = _tc_prep(degp, y)
    outp = _sc_agg(edge_index, z.reshape(_NPAD), zeros)
    temp = _tc_head(outp, dinv)
    return temp[0, :_N].reshape(_N, 1)

# --- scband reference (transcript-rebuilt; emitter-appended) ---
"""Pipeline reference for scband-temp-soft-plus-20401094656133 (READ-ONLY COPY).

The authoritative reference and input builder live on the scoring server;
editing this copy changes nothing except your own understanding.
"""

import jax, jax.numpy as jnp
import numpy as np

N = 10000
E = 320000
D = 128
TAU0 = 0.1


def setup_inputs(seed: int = 0) -> dict:
    key = jax.random.key(seed)
    k1, k2, k3 = jax.random.split(key, 3)
    x = jax.random.normal(k1, (N, D), dtype=jnp.float32)
    edge_index = jax.random.randint(k2, (2, E), 0, N, dtype=jnp.int32)
    # Linear(env_dim, 1, bias=False) weight of the single WeightedGCNConv layer
    W = jax.random.normal(k3, (D, 1), dtype=jnp.float32) * (1.0 / jnp.sqrt(D))
    return {"x": x, "edge_index": edge_index, "W": W}


def reference(x, edge_index, W):
    src = edge_index[0]
    dst = edge_index[1]
    # remove_self_loops: equivalently zero the weight of self-loop edges
    ew = (src != dst).astype(x.dtype)
    # gcn_norm with add_self_loops=False, edge_weight=ones (masked)
    deg = jax.ops.segment_sum(ew, dst, num_segments=N)
    dinv = jnp.where(deg > 0, deg ** -0.5, 0.0)
    norm = dinv[src] * dinv[dst] * ew
    # message: norm * x_j ; aggregate: scatter-add over dst
    msg = x[src] * norm[:, None]
    agg = jnp.zeros((N, x.shape[1]), dtype=x.dtype).at[dst].add(msg)
    # lin: env_dim -> 1, no bias
    out = agg @ W
    # TempSoftPlus head
    sp = jax.nn.softplus(out) + TAU0
    temp = 1.0 / sp
    temp = jnp.where(jnp.isinf(temp), 0.0, temp)
    return temp

if __name__ == "__main__":
    import jax
    _d = setup_inputs()
    print(jax.jit(kernel)(*tuple(_d.values())))

</pallas_src>

<mosaic_0001>
#map = affine_map<(d0, d1) -> (0, 0)>
#map1 = affine_map<(d0, d1) -> (0)>
module attributes {stable_mosaic.version = 14 : i64} {
  func.func @_sc_deg(%arg0: i32, %arg1: i32, %arg2: memref<2x320000xi32, #tpu.memory_space<hbm>>, %arg3: memref<10240xf32, #tpu.memory_space<hbm>>, %arg4: memref<2x10240xf32, #tpu.memory_space<hbm>>, %arg5: memref<10240xi32, #tpu.memory_space<vmem>>, %arg6: memref<10240xi32, #tpu.memory_space<vmem>>, %arg7: memref<10240xf32, #tpu.memory_space<vmem>>, %arg8: memref<10240xf32, #tpu.memory_space<vmem>>, %arg9: memref<640xf32, #tpu.memory_space<vmem>>, %arg10: memref<163840xf32, #tpu.memory_space<vmem_shared>>, %arg11: memref<!tpu.dma_semaphore, #tpu.memory_space<semaphore_mem>>, %arg12: memref<!tpu.dma_semaphore, #tpu.memory_space<semaphore_mem>>) attributes {dimension_semantics = [#tpu.dimension_semantics<core_parallel>, #tpu.dimension_semantics<subcore_parallel>], iteration_bounds = array<i64: 2, 16>, scalar_prefetch = 0 : i64, scratch_operands = 8 : i64, tpu.core_type = #tpu.core_type<sc_vector_subcore>, window_params = [{transform_indices = #map}, {transform_indices = #map1}, {transform_indices = #map}]} {
    %mul3A = arith.constant 16 : i32
    %mul3A_0 = arith.muli %arg0, %mul3A : i32
    %add3A = arith.addi %mul3A_0, %arg1 : i32
    %mul3A_1 = arith.constant 10000 : i32
    %mul3A_2 = arith.muli %add3A, %mul3A_1 : i32
    %jit3A = arith.constant 128 : i32
    %div3A = arith.divsi %mul3A_2, %jit3A : i32
    %sign3A = arith.constant 0 : i32
    %sign3A_3 = arith.cmpi sgt, %mul3A_2, %sign3A : i32
    %sign3A_4 = arith.extui %sign3A_3 : i1 to i32
    %sign3A_5 = arith.constant 0 : i32
    %sign3A_6 = arith.cmpi slt, %mul3A_2, %sign3A_5 : i32
    %sign3A_7 = arith.extui %sign3A_6 : i1 to i32
    %sign3A_8 = arith.subi %sign3A_4, %sign3A_7 : i32
    %sign3A_9 = arith.constant 0 : i32
    %sign3A_10 = arith.cmpi sgt, %jit3A, %sign3A_9 : i32
    %sign3A_11 = arith.extui %sign3A_10 : i1 to i32
    %sign3A_12 = arith.constant 0 : i32
    %sign3A_13 = arith.cmpi slt, %jit3A, %sign3A_12 : i32
    %sign3A_14 = arith.extui %sign3A_13 : i1 to i32
    %sign3A_15 = arith.subi %sign3A_11, %sign3A_14 : i32
    %ne3A = arith.cmpi ne, %sign3A_8, %sign3A_15 : i32
    %rem3A = arith.remsi %mul3A_2, %jit3A : i32
    %ne3A_16 = arith.constant 0 : i32
    %ne3A_17 = arith.cmpi ne, %rem3A, %ne3A_16 : i32
    %and3A = arith.andi %ne3A, %ne3A_17 : i1
    %sub3A = arith.constant 1 : i32
    %sub3A_18 = arith.subi %div3A, %sub3A : i32
    %select_n3A = arith.select %and3A, %sub3A_18, %div3A : i32
    %mul3A_19 = arith.constant 128 : i32
    %mul3A_20 = arith.muli %select_n3A, %mul3A_19 : i32
    %min3A = arith.constant 309760 : i32
    %min3A_21 = arith.minsi %mul3A_20, %min3A : i32
    %multiple_of3A = tpu.assume_multiple %min3A_21, 128 : i32
    %sub3A_22 = arith.subi %mul3A_2, %multiple_of3A : i32
    %jit3A_23 = arith.constant 16 : i32
    %div3A_24 = arith.divsi %sub3A_22, %jit3A_23 : i32
    %sign3A_25 = arith.constant 0 : i32
    %sign3A_26 = arith.cmpi sgt, %sub3A_22, %sign3A_25 : i32
    %sign3A_27 = arith.extui %sign3A_26 : i1 to i32
    %sign3A_28 = arith.constant 0 : i32
    %sign3A_29 = arith.cmpi slt, %sub3A_22, %sign3A_28 : i32
    %sign3A_30 = arith.extui %sign3A_29 : i1 to i32
    %sign3A_31 = arith.subi %sign3A_27, %sign3A_30 : i32
    %sign3A_32 = arith.constant 0 : i32
    %sign3A_33 = arith.cmpi sgt, %jit3A_23, %sign3A_32 : i32
    %sign3A_34 = arith.extui %sign3A_33 : i1 to i32
    %sign3A_35 = arith.constant 0 : i32
    %sign3A_36 = arith.cmpi slt, %jit3A_23, %sign3A_35 : i32
    %sign3A_37 = arith.extui %sign3A_36 : i1 to i32
    %sign3A_38 = arith.subi %sign3A_34, %sign3A_37 : i32
    %ne3A_39 = arith.cmpi ne, %sign3A_31, %sign3A_38 : i32
    %rem3A_40 = arith.remsi %sub3A_22, %jit3A_23 : i32
    %ne3A_41 = arith.constant 0 : i32
    %ne3A_42 = arith.cmpi ne, %rem3A_40, %ne3A_41 : i32
    %and3A_43 = arith.andi %ne3A_39, %ne3A_42 : i1
    %sub3A_44 = arith.constant 1 : i32
    %sub3A_45 = arith.subi %div3A_24, %sub3A_44 : i32
    %select_n3A_46 = arith.select %and3A_43, %sub3A_45, %div3A_24 : i32
    %mul3A_47 = arith.constant 640 : i32
    %mul3A_48 = arith.muli %arg1, %mul3A_47 : i32
    %dma_start3A = arith.constant 0 : i32
    %dma_start3A_49 = arith.constant 0 : i32
    %dma_start3A_50 = tpu.memref_slice %arg2[%dma_start3A, %dma_start3A_49] : memref<2x320000xi32, #tpu.memory_space<hbm>> -> memref<1x320000xi32, #tpu.memory_space<hbm>>
    %dma_start3A_51 = tpu.memref_squeeze %dma_start3A_50 : memref<1x320000xi32, #tpu.memory_space<hbm>> -> memref<320000xi32, #tpu.memory_space<hbm>>
    %dma_start3A_52 = tpu.memref_slice %dma_start3A_51[%multiple_of3A] : memref<320000xi32, #tpu.memory_space<hbm>> -> memref<10240xi32, #tpu.memory_space<hbm>>
    %dma_start3A_53 = arith.constant 0 : i32
    %dma_start3A_54 = tpu.memref_slice %arg2[%dma_start3A, %dma_start3A_53] : memref<2x320000xi32, #tpu.memory_space<hbm>> -> memref<1x320000xi32, #tpu.memory_space<hbm>>
    %dma_start3A_55 = tpu.memref_squeeze %dma_start3A_54 : memref<1x320000xi32, #tpu.memory_space<hbm>> -> memref<320000xi32, #tpu.memory_space<hbm>>
    %dma_start3A_56 = tpu.memref_slice %dma_start3A_55[%multiple_of3A] : memref<320000xi32, #tpu.memory_space<hbm>> -> memref<10240xi32, #tpu.memory_space<hbm>>
    tpu.enqueue_dma source(%dma_start3A_56 : memref<10240xi32, #tpu.memory_space<hbm>>) target(%arg5 : memref<10240xi32, #tpu.memory_space<vmem>>) target_semaphore(%arg11 : memref<!tpu.dma_semaphore, #tpu.memory_space<semaphore_mem>>)
    %dma_start3A_57 = arith.constant 1 : i32
    %dma_start3A_58 = arith.constant 0 : i32
    %dma_start3A_59 = tpu.memref_slice %arg2[%dma_start3A_57, %dma_start3A_58] : memref<2x320000xi32, #tpu.memory_space<hbm>> -> memref<1x320000xi32, #tpu.memory_space<hbm>>
    %dma_start3A_60 = tpu.memref_squeeze %dma_start3A_59 : memref<1x320000xi32, #tpu.memory_space<hbm>> -> memref<320000xi32, #tpu.memory_space<hbm>>
    %dma_start3A_61 = tpu.memref_slice %dma_start3A_60[%multiple_of3A] : memref<320000xi32, #tpu.memory_space<hbm>> -> memref<10240xi32, #tpu.memory_space<hbm>>
    %dma_start3A_62 = arith.constant 0 : i32
    %dma_start3A_63 = tpu.memref_slice %arg2[%dma_start3A_57, %dma_start3A_62] : memref<2x320000xi32, #tpu.memory_space<hbm>> -> memref<1x320000xi32, #tpu.memory_space<hbm>>
    %dma_start3A_64 = tpu.memref_squeeze %dma_start3A_63 : memref<1x320000xi32, #tpu.memory_space<hbm>> -> memref<320000xi32, #tpu.memory_space<hbm>>
    %dma_start3A_65 = tpu.memref_slice %dma_start3A_64[%multiple_of3A] : memref<320000xi32, #tpu.memory_space<hbm>> -> memref<10240xi32, #tpu.memory_space<hbm>>
    tpu.enqueue_dma source(%dma_start3A_65 : memref<10240xi32, #tpu.memory_space<hbm>>) target(%arg6 : memref<10240xi32, #tpu.memory_space<vmem>>) target_semaphore(%arg11 : memref<!tpu.dma_semaphore, #tpu.memory_space<semaphore_mem>>)
    %mul3A_66 = arith.constant 10240 : i32
    %mul3A_67 = arith.muli %arg1, %mul3A_66 : i32
    "tpu.region"() ({
      %run_scoped3A = tpu.sem_alloc : memref<!tpu.dma_semaphore, #tpu.memory_space<semaphore_mem>>
      %dma_start3A_467 = tpu.memref_slice %arg10[%mul3A_67] : memref<163840xf32, #tpu.memory_space<vmem_shared>> -> memref<10240xf32, #tpu.memory_space<vmem_shared>>
      tpu.enqueue_dma source(%arg3 : memref<10240xf32, #tpu.memory_space<hbm>>) target(%dma_start3A_467 : memref<10240xf32, #tpu.memory_space<vmem_shared>>) target_semaphore(%run_scoped3A : memref<!tpu.dma_semaphore, #tpu.memory_space<semaphore_mem>>)
      %dma_wait3A_468 = tpu.memref_slice %arg10[%mul3A_67] : memref<163840xf32, #tpu.memory_space<vmem_shared>> -> memref<10240xf32, #tpu.memory_space<vmem_shared>>
      tpu.wait_dma2 semaphore(%run_scoped3A : memref<!tpu.dma_semaphore, #tpu.memory_space<semaphore_mem>>) src(%arg3 : memref<10240xf32, #tpu.memory_space<hbm>>) dst(%dma_wait3A_468 : memref<10240xf32, #tpu.memory_space<vmem_shared>>)
      tpu.yield
    }) : () -> ()
    %dma_wait3A = arith.constant 0 : i32
    %dma_wait3A_68 = arith.constant 0 : i32
    %dma_wait3A_69 = tpu.memref_slice %arg2[%dma_wait3A, %dma_wait3A_68] : memref<2x320000xi32, #tpu.memory_space<hbm>> -> memref<1x320000xi32, #tpu.memory_space<hbm>>
    %dma_wait3A_70 = tpu.memref_squeeze %dma_wait3A_69 : memref<1x320000xi32, #tpu.memory_space<hbm>> -> memref<320000xi32, #tpu.memory_space<hbm>>
    %dma_wait3A_71 = tpu.memref_slice %dma_wait3A_70[%multiple_of3A] : memref<320000xi32, #tpu.memory_space<hbm>> -> memref<10240xi32, #tpu.memory_space<hbm>>
    %dma_wait3A_72 = arith.constant 0 : i32
    %dma_wait3A_73 = tpu.memref_slice %arg2[%dma_wait3A, %dma_wait3A_72] : memref<2x320000xi32, #tpu.memory_space<hbm>> -> memref<1x320000xi32, #tpu.memory_space<hbm>>
    %dma_wait3A_74 = tpu.memref_squeeze %dma_wait3A_73 : memref<1x320000xi32, #tpu.memory_space<hbm>> -> memref<320000xi32, #tpu.memory_space<hbm>>
    %dma_wait3A_75 = tpu.memref_slice %dma_wait3A_74[%multiple_of3A] : memref<320000xi32, #tpu.memory_space<hbm>> -> memref<10240xi32, #tpu.memory_space<hbm>>
    tpu.wait_dma2 semaphore(%arg11 : memref<!tpu.dma_semaphore, #tpu.memory_space<semaphore_mem>>) src(%dma_wait3A_75 : memref<10240xi32, #tpu.memory_space<hbm>>) dst(%arg5 : memref<10240xi32, #tpu.memory_space<vmem>>)
    %dma_wait3A_76 = arith.constant 1 : i32
    %dma_wait3A_77 = arith.constant 0 : i32
    %dma_wait3A_78 = tpu.memref_slice %arg2[%dma_wait3A_76, %dma_wait3A_77] : memref<2x320000xi32, #tpu.memory_space<hbm>> -> memref<1x320000xi32, #tpu.memory_space<hbm>>
    %dma_wait3A_79 = tpu.memref_squeeze %dma_wait3A_78 : memref<1x320000xi32, #tpu.memory_space<hbm>> -> memref<320000xi32, #tpu.memory_space<hbm>>
    %dma_wait3A_80 = tpu.memref_slice %dma_wait3A_79[%multiple_of3A] : memref<320000xi32, #tpu.memory_space<hbm>> -> memref<10240xi32, #tpu.memory_space<hbm>>
    %dma_wait3A_81 = arith.constant 0 : i32
    %dma_wait3A_82 = tpu.memref_slice %arg2[%dma_wait3A_76, %dma_wait3A_81] : memref<2x320000xi32, #tpu.memory_space<hbm>> -> memref<1x320000xi32, #tpu.memory_space<hbm>>
    %dma_wait3A_83 = tpu.memref_squeeze %dma_wait3A_82 : memref<1x320000xi32, #tpu.memory_space<hbm>> -> memref<320000xi32, #tpu.memory_space<hbm>>
    %dma_wait3A_84 = tpu.memref_slice %dma_wait3A_83[%multiple_of3A] : memref<320000xi32, #tpu.memory_space<hbm>> -> memref<10240xi32, #tpu.memory_space<hbm>>
    tpu.wait_dma2 semaphore(%arg11 : memref<!tpu.dma_semaphore, #tpu.memory_space<semaphore_mem>>) src(%dma_wait3A_84 : memref<10240xi32, #tpu.memory_space<hbm>>) dst(%arg6 : memref<10240xi32, #tpu.memory_space<vmem>>)
    %mul3A_85 = arith.constant 10240 : i32
    %mul3A_86 = arith.muli %arg1, %mul3A_85 : i32
    %broadcast_in_dim3A = arith.constant 0 : i32
    %broadcast_in_dim3A_87 = vector.broadcast %broadcast_in_dim3A : i32 to vector<16xi32>
    %broadcast_in_dim3A_88 = arith.constant 0.000000e+00 : f32
    %broadcast_in_dim3A_89 = vector.broadcast %broadcast_in_dim3A_88 : f32 to vector<16xf32>
    %while3A = arith.constant 0 : i32
    %while3A_90 = arith.constant 0 : i32
    %while3A_91 = arith.subi %select_n3A_46, %while3A_90 : i32
    %while3A_92 = arith.addi %while3A_90, %while3A_91 : i32
    %while3A_93 = arith.constant 1 : i32
    %while3A_94 = arith.divsi %while3A_91, %while3A_93 : i32
    %while3A_95 = arith.muli %while3A_94, %while3A_93 : i32
    %while3A_96 = arith.addi %while3A_90, %while3A_95 : i32
    %while3A_97 = arith.constant 1 : i32
    scf.for %while3A_467 = %while3A_90 to %while3A_96 step %while3A_97  : i32 {
      %mul3A_468 = arith.constant 16 : i32
      %mul3A_469 = arith.muli %while3A_467, %mul3A_468 : i32
      %add3A_470 = vector.broadcast %mul3A_86 : i32 to vector<16xi32>
      %add3A_471 = arith.addi %broadcast_in_dim3A_87, %add3A_470 : vector<16xi32>
      %swap3A_472 = arith.index_cast %mul3A_469 : i32 to index
      %swap3A_473 = tpu.vector_load %arg6[%swap3A_472] {strides = array<i32>} : memref<10240xi32, #tpu.memory_space<vmem>>, vector<16xi32>,
      %swap3A_474 = vector.shape_cast %swap3A_473 : vector<16xi32> to vector<16xi32>
      %swap3A_475 = vector.shape_cast %add3A_471 : vector<16xi32> to vector<16xi32>
      tpu.vector_store %arg6[%swap3A_472], %swap3A_475 {strides = array<i32>} : memref<10240xi32, #tpu.memory_space<vmem>>, vector<16xi32>,
      %swap3A_476 = arith.index_cast %mul3A_469 : i32 to index
      %swap3A_477 = tpu.vector_load %arg7[%swap3A_476] {strides = array<i32>} : memref<10240xf32, #tpu.memory_space<vmem>>, vector<16xf32>,
      %swap3A_478 = vector.shape_cast %swap3A_477 : vector<16xf32> to vector<16xf32>
      %swap3A_479 = vector.shape_cast %broadcast_in_dim3A_89 : vector<16xf32> to vector<16xf32>
      tpu.vector_store %arg7[%swap3A_476], %swap3A_479 {strides = array<i32>} : memref<10240xf32, #tpu.memory_space<vmem>>, vector<16xf32>,
    }
    %while3A_98 = arith.constant 1 : i32
    scf.for %while3A_467 = %while3A_96 to %while3A_92 step %while3A_98  : i32 {
      %mul3A_468 = arith.constant 16 : i32
      %mul3A_469 = arith.muli %while3A_467, %mul3A_468 : i32
      %add3A_470 = vector.broadcast %mul3A_86 : i32 to vector<16xi32>
      %add3A_471 = arith.addi %broadcast_in_dim3A_87, %add3A_470 : vector<16xi32>
      %swap3A_472 = arith.index_cast %mul3A_469 : i32 to index
      %swap3A_473 = tpu.vector_load %arg6[%swap3A_472] {strides = array<i32>} : memref<10240xi32, #tpu.memory_space<vmem>>, vector<16xi32>,
      %swap3A_474 = vector.shape_cast %swap3A_473 : vector<16xi32> to vector<16xi32>
      %swap3A_475 = vector.shape_cast %add3A_471 : vector<16xi32> to vector<16xi32>
      tpu.vector_store %arg6[%swap3A_472], %swap3A_475 {strides = array<i32>} : memref<10240xi32, #tpu.memory_space<vmem>>, vector<16xi32>,
      %swap3A_476 = arith.index_cast %mul3A_469 : i32 to index
      %swap3A_477 = tpu.vector_load %arg7[%swap3A_476] {strides = array<i32>} : memref<10240xf32, #tpu.memory_space<vmem>>, vector<16xf32>,
      %swap3A_478 = vector.shape_cast %swap3A_477 : vector<16xf32> to vector<16xf32>
      %swap3A_479 = vector.shape_cast %broadcast_in_dim3A_89 : vector<16xf32> to vector<16xf32>
      tpu.vector_store %arg7[%swap3A_476], %swap3A_479 {strides = array<i32>} : memref<10240xf32, #tpu.memory_space<vmem>>, vector<16xf32>,
    }
    %sub3A_99 = arith.constant 15 : i32
    %sub3A_100 = arith.subi %sub3A_99, %select_n3A_46 : i32
    %while3A_101 = arith.constant 0 : i32
    %while3A_102 = arith.constant 0 : i32
    %while3A_103 = arith.subi %sub3A_100, %while3A_102 : i32
    %while3A_104 = arith.addi %while3A_102, %while3A_103 : i32
    %while3A_105 = arith.constant 1 : i32
    %while3A_106 = arith.divsi %while3A_103, %while3A_105 : i32
    %while3A_107 = arith.muli %while3A_106, %while3A_105 : i32
    %while3A_108 = arith.addi %while3A_102, %while3A_107 : i32
    %while3A_109 = arith.constant 1 : i32
    scf.for %while3A_467 = %while3A_102 to %while3A_108 step %while3A_109  : i32 {
      %add3A_468 = arith.constant 10000 : i32
      %add3A_469 = arith.addi %sub3A_22, %add3A_468 : i32
      %mul3A_470 = arith.constant 16 : i32
      %mul3A_471 = arith.muli %while3A_467, %mul3A_470 : i32
      %add3A_472 = arith.addi %add3A_469, %mul3A_471 : i32
      %add3A_473 = vector.broadcast %mul3A_86 : i32 to vector<16xi32>
      %add3A_474 = arith.addi %broadcast_in_dim3A_87, %add3A_473 : vector<16xi32>
      %swap3A_475 = arith.index_cast %add3A_472 : i32 to index
      %swap3A_476 = tpu.vector_load %arg6[%swap3A_475] {strides = array<i32>} : memref<10240xi32, #tpu.memory_space<vmem>>, vector<16xi32>,
      %swap3A_477 = vector.shape_cast %swap3A_476 : vector<16xi32> to vector<16xi32>
      %swap3A_478 = vector.shape_cast %add3A_474 : vector<16xi32> to vector<16xi32>
      tpu.vector_store %arg6[%swap3A_475], %swap3A_478 {strides = array<i32>} : memref<10240xi32, #tpu.memory_space<vmem>>, vector<16xi32>,
      %swap3A_479 = arith.index_cast %add3A_472 : i32 to index
      %swap3A_480 = tpu.vector_load %arg7[%swap3A_479] {strides = array<i32>} : memref<10240xf32, #tpu.memory_space<vmem>>, vector<16xf32>,
      %swap3A_481 = vector.shape_cast %swap3A_480 : vector<16xf32> to vector<16xf32>
      %swap3A_482 = vector.shape_cast %broadcast_in_dim3A_89 : vector<16xf32> to vector<16xf32>
      tpu.vector_store %arg7[%swap3A_479], %swap3A_482 {strides = array<i32>} : memref<10240xf32, #tpu.memory_space<vmem>>, vector<16xf32>,
    }
    %while3A_110 = arith.constant 1 : i32
    scf.for %while3A_467 = %while3A_108 to %while3A_104 step %while3A_110  : i32 {
      %add3A_468 = arith.constant 10000 : i32
      %add3A_469 = arith.addi %sub3A_22, %add3A_468 : i32
      %mul3A_470 = arith.constant 16 : i32
      %mul3A_471 = arith.muli %while3A_467, %mul3A_470 : i32
      %add3A_472 = arith.addi %add3A_469, %mul3A_471 : i32
      %add3A_473 = vector.broadcast %mul3A_86 : i32 to vector<16xi32>
      %add3A_474 = arith.addi %broadcast_in_dim3A_87, %add3A_473 : vector<16xi32>
      %swap3A_475 = arith.index_cast %add3A_472 : i32 to index
      %swap3A_476 = tpu.vector_load %arg6[%swap3A_475] {strides = array<i32>} : memref<10240xi32, #tpu.memory_space<vmem>>, vector<16xi32>,
      %swap3A_477 = vector.shape_cast %swap3A_476 : vector<16xi32> to vector<16xi32>
      %swap3A_478 = vector.shape_cast %add3A_474 : vector<16xi32> to vector<16xi32>
      tpu.vector_store %arg6[%swap3A_475], %swap3A_478 {strides = array<i32>} : memref<10240xi32, #tpu.memory_space<vmem>>, vector<16xi32>,
      %swap3A_479 = arith.index_cast %add3A_472 : i32 to index
      %swap3A_480 = tpu.vector_load %arg7[%swap3A_479] {strides = array<i32>} : memref<10240xf32, #tpu.memory_space<vmem>>, vector<16xf32>,
      %swap3A_481 = vector.shape_cast %swap3A_480 : vector<16xf32> to vector<16xf32>
      %swap3A_482 = vector.shape_cast %broadcast_in_dim3A_89 : vector<16xf32> to vector<16xf32>
      tpu.vector_store %arg7[%swap3A_479], %swap3A_482 {strides = array<i32>} : memref<10240xf32, #tpu.memory_space<vmem>>, vector<16xf32>,
    }
    %scan3A = arith.constant 0 : i32
    %scan3A_111 = arith.constant 0 : i32
    %scan3A_112 = arith.constant 624 : i32
    %scan3A_113 = arith.addi %scan3A_111, %scan3A_112 : i32
    %scan3A_114 = arith.constant 8 : i32
    scf.for %scan3A_467 = %scan3A_111 to %scan3A_113 step %scan3A_114  : i32 {
      %mul3A_468 = arith.constant 16 : i32
      %mul3A_469 = arith.muli %scan3A_467, %mul3A_468 : i32
      %add3A_470 = arith.addi %sub3A_22, %mul3A_469 : i32
      %get3A_471 = arith.index_cast %add3A_470 : i32 to index
      %get3A_472 = tpu.vector_load %arg5[%get3A_471] {strides = array<i32>} : memref<10240xi32, #tpu.memory_space<vmem>>, vector<16xi32>,
      %get3A_473 = vector.shape_cast %get3A_472 : vector<16xi32> to vector<16xi32>
      %get3A_474 = arith.index_cast %add3A_470 : i32 to index
      %get3A_475 = tpu.vector_load %arg6[%get3A_474] {strides = array<i32>} : memref<10240xi32, #tpu.memory_space<vmem>>, vector<16xi32>,
      %get3A_476 = vector.shape_cast %get3A_475 : vector<16xi32> to vector<16xi32>
      %ne3A_477 = arith.cmpi ne, %get3A_473, %get3A_476 : vector<16xi32>
      %jit3A_478 = arith.constant 1.000000e+00 : f32
      %jit3A_479 = arith.constant 0.000000e+00 : f32
      %broadcast_in_dim3A_480 = vector.broadcast %jit3A_478 : f32 to vector<16xf32>
      %broadcast_in_dim3A_481 = vector.broadcast %jit3A_479 : f32 to vector<16xf32>
      %select_n3A_482 = arith.select %ne3A_477, %broadcast_in_dim3A_480, %broadcast_in_dim3A_481 : vector<16xi1>, vector<16xf32>
      %swap3A_483 = arith.index_cast %add3A_470 : i32 to index
      %swap3A_484 = tpu.vector_load %arg7[%swap3A_483] {strides = array<i32>} : memref<10240xf32, #tpu.memory_space<vmem>>, vector<16xf32>,
      %swap3A_485 = vector.shape_cast %swap3A_484 : vector<16xf32> to vector<16xf32>
      %swap3A_486 = vector.shape_cast %select_n3A_482 : vector<16xf32> to vector<16xf32>
      tpu.vector_store %arg7[%swap3A_483], %swap3A_486 {strides = array<i32>} : memref<10240xf32, #tpu.memory_space<vmem>>, vector<16xf32>,
      %add3A_487 = vector.broadcast %mul3A_86 : i32 to vector<16xi32>
      %add3A_488 = arith.addi %get3A_476, %add3A_487 : vector<16xi32>
      %swap3A_489 = arith.index_cast %add3A_470 : i32 to index
      %swap3A_490 = tpu.vector_load %arg6[%swap3A_489] {strides = array<i32>} : memref<10240xi32, #tpu.memory_space<vmem>>, vector<16xi32>,
      %swap3A_491 = vector.shape_cast %swap3A_490 : vector<16xi32> to vector<16xi32>
      %swap3A_492 = vector.shape_cast %add3A_488 : vector<16xi32> to vector<16xi32>
      tpu.vector_store %arg6[%swap3A_489], %swap3A_492 {strides = array<i32>} : memref<10240xi32, #tpu.memory_space<vmem>>, vector<16xi32>,
      %scan3A_493 = arith.constant 1 : i32
      %scan3A_494 = arith.addi %scan3A_467, %scan3A_493 : i32
      %mul3A_495 = arith.constant 16 : i32
      %mul3A_496 = arith.muli %scan3A_494, %mul3A_495 : i32
      %add3A_497 = arith.addi %sub3A_22, %mul3A_496 : i32
      %get3A_498 = arith.index_cast %add3A_497 : i32 to index
      %get3A_499 = tpu.vector_load %arg5[%get3A_498] {strides = array<i32>} : memref<10240xi32, #tpu.memory_space<vmem>>, vector<16xi32>,
      %get3A_500 = vector.shape_cast %get3A_499 : vector<16xi32> to vector<16xi32>
      %get3A_501 = arith.index_cast %add3A_497 : i32 to index
      %get3A_502 = tpu.vector_load %arg6[%get3A_501] {strides = array<i32>} : memref<10240xi32, #tpu.memory_space<vmem>>, vector<16xi32>,
      %get3A_503 = vector.shape_cast %get3A_502 : vector<16xi32> to vector<16xi32>
      %ne3A_504 = arith.cmpi ne, %get3A_500, %get3A_503 : vector<16xi32>
      %jit3A_505 = arith.constant 1.000000e+00 : f32
      %jit3A_506 = arith.constant 0.000000e+00 : f32
      %broadcast_in_dim3A_507 = vector.broadcast %jit3A_505 : f32 to vector<16xf32>
      %broadcast_in_dim3A_508 = vector.broadcast %jit3A_506 : f32 to vector<16xf32>
      %select_n3A_509 = arith.select %ne3A_504, %broadcast_in_dim3A_507, %broadcast_in_dim3A_508 : vector<16xi1>, vector<16xf32>
      %swap3A_510 = arith.index_cast %add3A_497 : i32 to index
      %swap3A_511 = tpu.vector_load %arg7[%swap3A_510] {strides = array<i32>} : memref<10240xf32, #tpu.memory_space<vmem>>, vector<16xf32>,
      %swap3A_512 = vector.shape_cast %swap3A_511 : vector<16xf32> to vector<16xf32>
      %swap3A_513 = vector.shape_cast %select_n3A_509 : vector<16xf32> to vector<16xf32>
      tpu.vector_store %arg7[%swap3A_510], %swap3A_513 {strides = array<i32>} : memref<10240xf32, #tpu.memory_space<vmem>>, vector<16xf32>,
      %add3A_514 = vector.broadcast %mul3A_86 : i32 to vector<16xi32>
      %add3A_515 = arith.addi %get3A_503, %add3A_514 : vector<16xi32>
      %swap3A_516 = arith.index_cast %add3A_497 : i32 to index
      %swap3A_517 = tpu.vector_load %arg6[%swap3A_516] {strides = array<i32>} : memref<10240xi32, #tpu.memory_space<vmem>>, vector<16xi32>,
      %swap3A_518 = vector.shape_cast %swap3A_517 : vector<16xi32> to vector<16xi32>
      %swap3A_519 = vector.shape_cast %add3A_515 : vector<16xi32> to vector<16xi32>
      tpu.vector_store %arg6[%swap3A_516], %swap3A_519 {strides = array<i32>} : memref<10240xi32, #tpu.memory_space<vmem>>, vector<16xi32>,
      %scan3A_520 = arith.constant 2 : i32
      %scan3A_521 = arith.addi %scan3A_467, %scan3A_520 : i32
      %mul3A_522 = arith.constant 16 : i32
      %mul3A_523 = arith.muli %scan3A_521, %mul3A_522 : i32
      %add3A_524 = arith.addi %sub3A_22, %mul3A_523 : i32
      %get3A_525 = arith.index_cast %add3A_524 : i32 to index
      %get3A_526 = tpu.vector_load %arg5[%get3A_525] {strides = array<i32>} : memref<10240xi32, #tpu.memory_space<vmem>>, vector<16xi32>,
      %get3A_527 = vector.shape_cast %get3A_526 : vector<16xi32> to vector<16xi32>
      %get3A_528 = arith.index_cast %add3A_524 : i32 to index
      %get3A_529 = tpu.vector_load %arg6[%get3A_528] {strides = array<i32>} : memref<10240xi32, #tpu.memory_space<vmem>>, vector<16xi32>,
      %get3A_530 = vector.shape_cast %get3A_529 : vector<16xi32> to vector<16xi32>
      %ne3A_531 = arith.cmpi ne, %get3A_527, %get3A_530 : vector<16xi32>
      %jit3A_532 = arith.constant 1.000000e+00 : f32
      %jit3A_533 = arith.constant 0.000000e+00 : f32
      %broadcast_in_dim3A_534 = vector.broadcast %jit3A_532 : f32 to vector<16xf32>
      %broadcast_in_dim3A_535 = vector.broadcast %jit3A_533 : f32 to vector<16xf32>
      %select_n3A_536 = arith.select %ne3A_531, %broadcast_in_dim3A_534, %broadcast_in_dim3A_535 : vector<16xi1>, vector<16xf32>
      %swap3A_537 = arith.index_cast %add3A_524 : i32 to index
      %swap3A_538 = tpu.vector_load %arg7[%swap3A_537] {strides = array<i32>} : memref<10240xf32, #tpu.memory_space<vmem>>, vector<16xf32>,
      %swap3A_539 = vector.shape_cast %swap3A_538 : vector<16xf32> to vector<16xf32>
      %swap3A_540 = vector.shape_cast %select_n3A_536 : vector<16xf32> to vector<16xf32>
      tpu.vector_store %arg7[%swap3A_537], %swap3A_540 {strides = array<i32>} : memref<10240xf32, #tpu.memory_space<vmem>>, vector<16xf32>,
      %add3A_541 = vector.broadcast %mul3A_86 : i32 to vector<16xi32>
      %add3A_542 = arith.addi %get3A_530, %add3A_541 : vector<16xi32>
      %swap3A_543 = arith.index_cast %add3A_524 : i32 to index
      %swap3A_544 = tpu.vector_load %arg6[%swap3A_543] {strides = array<i32>} : memref<10240xi32, #tpu.memory_space<vmem>>, vector<16xi32>,
      %swap3A_545 = vector.shape_cast %swap3A_544 : vector<16xi32> to vector<16xi32>
      %swap3A_546 = vector.shape_cast %add3A_542 : vector<16xi32> to vector<16xi32>
      tpu.vector_store %arg6[%swap3A_543], %swap3A_546 {strides = array<i32>} : memref<10240xi32, #tpu.memory_space<vmem>>, vector<16xi32>,
      %scan3A_547 = arith.constant 3 : i32
      %scan3A_548 = arith.addi %scan3A_467, %scan3A_547 : i32
      %mul3A_549 = arith.constant 16 : i32
      %mul3A_550 = arith.muli %scan3A_548, %mul3A_549 : i32
      %add3A_551 = arith.addi %sub3A_22, %mul3A_550 : i32
      %get3A_552 = arith.index_cast %add3A_551 : i32 to index
      %get3A_553 = tpu.vector_load %arg5[%get3A_552] {strides = array<i32>} : memref<10240xi32, #tpu.memory_space<vmem>>, vector<16xi32>,
      %get3A_554 = vector.shape_cast %get3A_553 : vector<16xi32> to vector<16xi32>
      %get3A_555 = arith.index_cast %add3A_551 : i32 to index
      %get3A_556 = tpu.vector_load %arg6[%get3A_555] {strides = array<i32>} : memref<10240xi32, #tpu.memory_space<vmem>>, vector<16xi32>,
      %get3A_557 = vector.shape_cast %get3A_556 : vector<16xi32> to vector<16xi32>
      %ne3A_558 = arith.cmpi ne, %get3A_554, %get3A_557 : vector<16xi32>
      %jit3A_559 = arith.constant 1.000000e+00 : f32
      %jit3A_560 = arith.constant 0.000000e+00 : f32
      %broadcast_in_dim3A_561 = vector.broadcast %jit3A_559 : f32 to vector<16xf32>
      %broadcast_in_dim3A_562 = vector.broadcast %jit3A_560 : f32 to vector<16xf32>
      %select_n3A_563 = arith.select %ne3A_558, %broadcast_in_dim3A_561, %broadcast_in_dim3A_562 : vector<16xi1>, vector<16xf32>
      %swap3A_564 = arith.index_cast %add3A_551 : i32 to index
      %swap3A_565 = tpu.vector_load %arg7[%swap3A_564] {strides = array<i32>} : memref<10240xf32, #tpu.memory_space<vmem>>, vector<16xf32>,
      %swap3A_566 = vector.shape_cast %swap3A_565 : vector<16xf32> to vector<16xf32>
      %swap3A_567 = vector.shape_cast %select_n3A_563 : vector<16xf32> to vector<16xf32>
      tpu.vector_store %arg7[%swap3A_564], %swap3A_567 {strides = array<i32>} : memref<10240xf32, #tpu.memory_space<vmem>>, vector<16xf32>,
      %add3A_568 = vector.broadcast %mul3A_86 : i32 to vector<16xi32>
      %add3A_569 = arith.addi %get3A_557, %add3A_568 : vector<16xi32>
      %swap3A_570 = arith.index_cast %add3A_551 : i32 to index
      %swap3A_571 = tpu.vector_load %arg6[%swap3A_570] {strides = array<i32>} : memref<10240xi32, #tpu.memory_space<vmem>>, vector<16xi32>,
      %swap3A_572 = vector.shape_cast %swap3A_571 : vector<16xi32> to vector<16xi32>
      %swap3A_573 = vector.shape_cast %add3A_569 : vector<16xi32> to vector<16xi32>
      tpu.vector_store %arg6[%swap3A_570], %swap3A_573 {strides = array<i32>} : memref<10240xi32, #tpu.memory_space<vmem>>, vector<16xi32>,
      %scan3A_574 = arith.constant 4 : i32
      %scan3A_575 = arith.addi %scan3A_467, %scan3A_574 : i32
      %mul3A_576 = arith.constant 16 : i32
      %mul3A_577 = arith.muli %scan3A_575, %mul3A_576 : i32
      %add3A_578 = arith.addi %sub3A_22, %mul3A_577 : i32
      %get3A_579 = arith.index_cast %add3A_578 : i32 to index
      %get3A_580 = tpu.vector_load %arg5[%get3A_579] {strides = array<i32>} : memref<10240xi32, #tpu.memory_space<vmem>>, vector<16xi32>,
      %get3A_581 = vector.shape_cast %get3A_580 : vector<16xi32> to vector<16xi32>
      %get3A_582 = arith.index_cast %add3A_578 : i32 to index
      %get3A_583 = tpu.vector_load %arg6[%get3A_582] {strides = array<i32>} : memref<10240xi32, #tpu.memory_space<vmem>>, vector<16xi32>,
      %get3A_584 = vector.shape_cast %get3A_583 : vector<16xi32> to vector<16xi32>
      %ne3A_585 = arith.cmpi ne, %get3A_581, %get3A_584 : vector<16xi32>
      %jit3A_586 = arith.constant 1.000000e+00 : f32
      %jit3A_587 = arith.constant 0.000000e+00 : f32
      %broadcast_in_dim3A_588 = vector.broadcast %jit3A_586 : f32 to vector<16xf32>
      %broadcast_in_dim3A_589 = vector.broadcast %jit3A_587 : f32 to vector<16xf32>
      %select_n3A_590 = arith.select %ne3A_585, %broadcast_in_dim3A_588, %broadcast_in_dim3A_589 : vector<16xi1>, vector<16xf32>
      %swap3A_591 = arith.index_cast %add3A_578 : i32 to index
      %swap3A_592 = tpu.vector_load %arg7[%swap3A_591] {strides = array<i32>} : memref<10240xf32, #tpu.memory_space<vmem>>, vector<16xf32>,
      %swap3A_593 = vector.shape_cast %swap3A_592 : vector<16xf32> to vector<16xf32>
      %swap3A_594 = vector.shape_cast %select_n3A_590 : vector<16xf32> to vector<16xf32>
      tpu.vector_store %arg7[%swap3A_591], %swap3A_594 {strides = array<i32>} : memref<10240xf32, #tpu.memory_space<vmem>>, vector<16xf32>,
      %add3A_595 = vector.broadcast %mul3A_86 : i32 to vector<16xi32>
      %add3A_596 = arith.addi %get3A_584, %add3A_595 : vector<16xi32>
      %swap3A_597 = arith.index_cast %add3A_578 : i32 to index
      %swap3A_598 = tpu.vector_load %arg6[%swap3A_597] {strides = array<i32>} : memref<10240xi32, #tpu.memory_space<vmem>>, vector<16xi32>,
      %swap3A_599 = vector.shape_cast %swap3A_598 : vector<16xi32> to vector<16xi32>
      %swap3A_600 = vector.shape_cast %add3A_596 : vector<16xi32> to vector<16xi32>
      tpu.vector_store %arg6[%swap3A_597], %swap3A_600 {strides = array<i32>} : memref<10240xi32, #tpu.memory_space<vmem>>, vector<16xi32>,
      %scan3A_601 = arith.constant 5 : i32
      %scan3A_602 = arith.addi %scan3A_467, %scan3A_601 : i32
      %mul3A_603 = arith.constant 16 : i32
      %mul3A_604 = arith.muli %scan3A_602, %mul3A_603 : i32
      %add3A_605 = arith.addi %sub3A_22, %mul3A_604 : i32
      %get3A_606 = arith.index_cast %add3A_605 : i32 to index
      %get3A_607 = tpu.vector_load %arg5[%get3A_606] {strides = array<i32>} : memref<10240xi32, #tpu.memory_space<vmem>>, vector<16xi32>,
      %get3A_608 = vector.shape_cast %get3A_607 : vector<16xi32> to vector<16xi32>
      %get3A_609 = arith.index_cast %add3A_605 : i32 to index
      %get3A_610 = tpu.vector_load %arg6[%get3A_609] {strides = array<i32>} : memref<10240xi32, #tpu.memory_space<vmem>>, vector<16xi32>,
      %get3A_611 = vector.shape_cast %get3A_610 : vector<16xi32> to vector<16xi32>
      %ne3A_612 = arith.cmpi ne, %get3A_608, %get3A_611 : vector<16xi32>
      %jit3A_613 = arith.constant 1.000000e+00 : f32
      %jit3A_614 = arith.constant 0.000000e+00 : f32
      %broadcast_in_dim3A_615 = vector.broadcast %jit3A_613 : f32 to vector<16xf32>
      %broadcast_in_dim3A_616 = vector.broadcast %jit3A_614 : f32 to vector<16xf32>
      %select_n3A_617 = arith.select %ne3A_612, %broadcast_in_dim3A_615, %broadcast_in_dim3A_616 : vector<16xi1>, vector<16xf32>
      %swap3A_618 = arith.index_cast %add3A_605 : i32 to index
      %swap3A_619 = tpu.vector_load %arg7[%swap3A_618] {strides = array<i32>} : memref<10240xf32, #tpu.memory_space<vmem>>, vector<16xf32>,
      %swap3A_620 = vector.shape_cast %swap3A_619 : vector<16xf32> to vector<16xf32>
      %swap3A_621 = vector.shape_cast %select_n3A_617 : vector<16xf32> to vector<16xf32>
      tpu.vector_store %arg7[%swap3A_618], %swap3A_621 {strides = array<i32>} : memref<10240xf32, #tpu.memory_space<vmem>>, vector<16xf32>,
      %add3A_622 = vector.broadcast %mul3A_86 : i32 to vector<16xi32>
      %add3A_623 = arith.addi %get3A_611, %add3A_622 : vector<16xi32>
      %swap3A_624 = arith.index_cast %add3A_605 : i32 to index
      %swap3A_625 = tpu.vector_load %arg6[%swap3A_624] {strides = array<i32>} : memref<10240xi32, #tpu.memory_space<vmem>>, vector<16xi32>,
      %swap3A_626 = vector.shape_cast %swap3A_625 : vector<16xi32> to vector<16xi32>
      %swap3A_627 = vector.shape_cast %add3A_623 : vector<16xi32> to vector<16xi32>
      tpu.vector_store %arg6[%swap3A_624], %swap3A_627 {strides = array<i32>} : memref<10240xi32, #tpu.memory_space<vmem>>, vector<16xi32>,
      %scan3A_628 = arith.constant 6 : i32
      %scan3A_629 = arith.addi %scan3A_467, %scan3A_628 : i32
      %mul3A_630 = arith.constant 16 : i32
      %mul3A_631 = arith.muli %scan3A_629, %mul3A_630 : i32
      %add3A_632 = arith.addi %sub3A_22, %mul3A_631 : i32
      %get3A_633 = arith.index_cast %add3A_632 : i32 to index
      %get3A_634 = tpu.vector_load %arg5[%get3A_633] {strides = array<i32>} : memref<10240xi32, #tpu.memory_space<vmem>>, vector<16xi32>,
      %get3A_635 = vector.shape_cast %get3A_634 : vector<16xi32> to vector<16xi32>
      %get3A_636 = arith.index_cast %add3A_632 : i32 to index
      %get3A_637 = tpu.vector_load %arg6[%get3A_636] {strides = array<i32>} : memref<10240xi32, #tpu.memory_space<vmem>>, vector<16xi32>,
      %get3A_638 = vector.shape_cast %get3A_637 : vector<16xi32> to vector<16xi32>
      %ne3A_639 = arith.cmpi ne, %get3A_635, %get3A_638 : vector<16xi32>
      %jit3A_640 = arith.constant 1.000000e+00 : f32
      %jit3A_641 = arith.constant 0.000000e+00 : f32
      %broadcast_in_dim3A_642 = vector.broadcast %jit3A_640 : f32 to vector<16xf32>
      %broadcast_in_dim3A_643 = vector.broadcast %jit3A_641 : f32 to vector<16xf32>
      %select_n3A_644 = arith.select %ne3A_639, %broadcast_in_dim3A_642, %broadcast_in_dim3A_643 : vector<16xi1>, vector<16xf32>
      %swap3A_645 = arith.index_cast %add3A_632 : i32 to index
      %swap3A_646 = tpu.vector_load %arg7[%swap3A_645] {strides = array<i32>} : memref<10240xf32, #tpu.memory_space<vmem>>, vector<16xf32>,
      %swap3A_647 = vector.shape_cast %swap3A_646 : vector<16xf32> to vector<16xf32>
      %swap3A_648 = vector.shape_cast %select_n3A_644 : vector<16xf32> to vector<16xf32>
      tpu.vector_store %arg7[%swap3A_645], %swap3A_648 {strides = array<i32>} : memref<10240xf32, #tpu.memory_space<vmem>>, vector<16xf32>,
      %add3A_649 = vector.broadcast %mul3A_86 : i32 to vector<16xi32>
      %add3A_650 = arith.addi %get3A_638, %add3A_649 : vector<16xi32>
      %swap3A_651 = arith.index_cast %add3A_632 : i32 to index
      %swap3A_652 = tpu.vector_load %arg6[%swap3A_651] {strides = array<i32>} : memref<10240xi32, #tpu.memory_space<vmem>>, vector<16xi32>,
      %swap3A_653 = vector.shape_cast %swap3A_652 : vector<16xi32> to vector<16xi32>
      %swap3A_654 = vector.shape_cast %add3A_650 : vector<16xi32> to vector<16xi32>
      tpu.vector_store %arg6[%swap3A_651], %swap3A_654 {strides = array<i32>} : memref<10240xi32, #tpu.memory_space<vmem>>, vector<16xi32>,
      %scan3A_655 = arith.constant 7 : i32
      %scan3A_656 = arith.addi %scan3A_467, %scan3A_655 : i32
      %mul3A_657 = arith.constant 16 : i32
      %mul3A_658 = arith.muli %scan3A_656, %mul3A_657 : i32
      %add3A_659 = arith.addi %sub3A_22, %mul3A_658 : i32
      %get3A_660 = arith.index_cast %add3A_659 : i32 to index
      %get3A_661 = tpu.vector_load %arg5[%get3A_660] {strides = array<i32>} : memref<10240xi32, #tpu.memory_space<vmem>>, vector<16xi32>,
      %get3A_662 = vector.shape_cast %get3A_661 : vector<16xi32> to vector<16xi32>
      %get3A_663 = arith.index_cast %add3A_659 : i32 to index
      %get3A_664 = tpu.vector_load %arg6[%get3A_663] {strides = array<i32>} : memref<10240xi32, #tpu.memory_space<vmem>>, vector<16xi32>,
      %get3A_665 = vector.shape_cast %get3A_664 : vector<16xi32> to vector<16xi32>
      %ne3A_666 = arith.cmpi ne, %get3A_662, %get3A_665 : vector<16xi32>
      %jit3A_667 = arith.constant 1.000000e+00 : f32
      %jit3A_668 = arith.constant 0.000000e+00 : f32
      %broadcast_in_dim3A_669 = vector.broadcast %jit3A_667 : f32 to vector<16xf32>
      %broadcast_in_dim3A_670 = vector.broadcast %jit3A_668 : f32 to vector<16xf32>
      %select_n3A_671 = arith.select %ne3A_666, %broadcast_in_dim3A_669, %broadcast_in_dim3A_670 : vector<16xi1>, vector<16xf32>
      %swap3A_672 = arith.index_cast %add3A_659 : i32 to index
      %swap3A_673 = tpu.vector_load %arg7[%swap3A_672] {strides = array<i32>} : memref<10240xf32, #tpu.memory_space<vmem>>, vector<16xf32>,
      %swap3A_674 = vector.shape_cast %swap3A_673 : vector<16xf32> to vector<16xf32>
      %swap3A_675 = vector.shape_cast %select_n3A_671 : vector<16xf32> to vector<16xf32>
      tpu.vector_store %arg7[%swap3A_672], %swap3A_675 {strides = array<i32>} : memref<10240xf32, #tpu.memory_space<vmem>>, vector<16xf32>,
      %add3A_676 = vector.broadcast %mul3A_86 : i32 to vector<16xi32>
      %add3A_677 = arith.addi %get3A_665, %add3A_676 : vector<16xi32>
      %swap3A_678 = arith.index_cast %add3A_659 : i32 to index
      %swap3A_679 = tpu.vector_load %arg6[%swap3A_678] {strides = array<i32>} : memref<10240xi32, #tpu.memory_space<vmem>>, vector<16xi32>,
      %swap3A_680 = vector.shape_cast %swap3A_679 : vector<16xi32> to vector<16xi32>
      %swap3A_681 = vector.shape_cast %add3A_677 : vector<16xi32> to vector<16xi32>
      tpu.vector_store %arg6[%swap3A_678], %swap3A_681 {strides = array<i32>} : memref<10240xi32, #tpu.memory_space<vmem>>, vector<16xi32>,
    }
    %scan3A_115 = arith.constant 624 : i32
    %scan3A_116 = arith.addi %scan3A_111, %scan3A_115 : i32
    %mul3A_117 = arith.constant 16 : i32
    %mul3A_118 = arith.muli %scan3A_116, %mul3A_117 : i32
    %add3A_119 = arith.addi %sub3A_22, %mul3A_118 : i32
    %get3A = arith.index_cast %add3A_119 : i32 to index
    %get3A_120 = tpu.vector_load %arg5[%get3A] {strides = array<i32>} : memref<10240xi32, #tpu.memory_space<vmem>>, vector<16xi32>,
    %get3A_121 = vector.shape_cast %get3A_120 : vector<16xi32> to vector<16xi32>
    %get3A_122 = arith.index_cast %add3A_119 : i32 to index
    %get3A_123 = tpu.vector_load %arg6[%get3A_122] {strides = array<i32>} : memref<10240xi32, #tpu.memory_space<vmem>>, vector<16xi32>,
    %get3A_124 = vector.shape_cast %get3A_123 : vector<16xi32> to vector<16xi32>
    %ne3A_125 = arith.cmpi ne, %get3A_121, %get3A_124 : vector<16xi32>
    %jit3A_126 = arith.constant 1.000000e+00 : f32
    %jit3A_127 = arith.constant 0.000000e+00 : f32
    %broadcast_in_dim3A_128 = vector.broadcast %jit3A_126 : f32 to vector<16xf32>
    %broadcast_in_dim3A_129 = vector.broadcast %jit3A_127 : f32 to vector<16xf32>
    %select_n3A_130 = arith.select %ne3A_125, %broadcast_in_dim3A_128, %broadcast_in_dim3A_129 : vector<16xi1>, vector<16xf32>
    %swap3A = arith.index_cast %add3A_119 : i32 to index
    %swap3A_131 = tpu.vector_load %arg7[%swap3A] {strides = array<i32>} : memref<10240xf32, #tpu.memory_space<vmem>>, vector<16xf32>,
    %swap3A_132 = vector.shape_cast %swap3A_131 : vector<16xf32> to vector<16xf32>
    %swap3A_133 = vector.shape_cast %select_n3A_130 : vector<16xf32> to vector<16xf32>
    tpu.vector_store %arg7[%swap3A], %swap3A_133 {strides = array<i32>} : memref<10240xf32, #tpu.memory_space<vmem>>, vector<16xf32>,
    %add3A_134 = vector.broadcast %mul3A_86 : i32 to vector<16xi32>
    %add3A_135 = arith.addi %get3A_124, %add3A_134 : vector<16xi32>
    %swap3A_136 = arith.index_cast %add3A_119 : i32 to index
    %swap3A_137 = tpu.vector_load %arg6[%swap3A_136] {strides = array<i32>} : memref<10240xi32, #tpu.memory_space<vmem>>, vector<16xi32>,
    %swap3A_138 = vector.shape_cast %swap3A_137 : vector<16xi32> to vector<16xi32>
    %swap3A_139 = vector.shape_cast %add3A_135 : vector<16xi32> to vector<16xi32>
    tpu.vector_store %arg6[%swap3A_136], %swap3A_139 {strides = array<i32>} : memref<10240xi32, #tpu.memory_space<vmem>>, vector<16xi32>,
    %scan3A_140 = arith.constant 625 : i32
    "tpu.region"() ({
      %run_scoped3A = tpu.sem_alloc : memref<!tpu.dma_semaphore, #tpu.memory_space<semaphore_mem>>
      %dma_start3A_467 = arith.constant 0 : i32
      %dma_start3A_468 = tpu.memref_slice %arg10[%dma_start3A_467] : memref<163840xf32, #tpu.memory_space<vmem_shared>> -> memref<163840xf32, #tpu.memory_space<vmem_shared>>
      tpu.enqueue_indirect_dma source(%arg7 : memref<10240xf32, #tpu.memory_space<vmem>>) target(%dma_start3A_468 : memref<163840xf32, #tpu.memory_space<vmem_shared>>) offsets(%arg6 : memref<10240xi32, #tpu.memory_space<vmem>>) semaphore(%run_scoped3A : memref<!tpu.dma_semaphore, #tpu.memory_space<semaphore_mem>>) {add = true}
      %dma_wait3A_469 = arith.constant 0 : i32
      %dma_wait3A_470 = tpu.memref_slice %arg10[%dma_wait3A_469] : memref<163840xf32, #tpu.memory_space<vmem_shared>> -> memref<163840xf32, #tpu.memory_space<vmem_shared>>
      tpu.wait_indirect_dma semaphore(%run_scoped3A : memref<!tpu.dma_semaphore, #tpu.memory_space<semaphore_mem>>) src(%arg7 : memref<10240xf32, #tpu.memory_space<vmem>>) dst(%dma_wait3A_470 : memref<163840xf32, #tpu.memory_space<vmem_shared>>)
      tpu.yield
    }) : () -> ()
    %barrier3A = arith.constant 0 : index
    tpu.barrier barrier_id(%barrier3A)
    %mul3A_141 = arith.constant 640 : i32
    %mul3A_142 = arith.muli %arg1, %mul3A_141 : i32
    %add3A_143 = arith.constant 0 : i32
    %add3A_144 = arith.addi %add3A_143, %mul3A_142 : i32
    %dma_start3A_145 = arith.constant 0 : i32
    %dma_start3A_146 = tpu.memref_slice %arg8[%dma_start3A_145] : memref<10240xf32, #tpu.memory_space<vmem>> -> memref<640xf32, #tpu.memory_space<vmem>>
    %dma_start3A_147 = tpu.memref_slice %arg10[%add3A_144] : memref<163840xf32, #tpu.memory_space<vmem_shared>> -> memref<640xf32, #tpu.memory_space<vmem_shared>>
    %dma_start3A_148 = arith.constant 0 : i32
    %dma_start3A_149 = tpu.memref_slice %arg8[%dma_start3A_148] : memref<10240xf32, #tpu.memory_space<vmem>> -> memref<640xf32, #tpu.memory_space<vmem>>
    %dma_start3A_150 = tpu.memref_slice %arg10[%add3A_144] : memref<163840xf32, #tpu.memory_space<vmem_shared>> -> memref<640xf32, #tpu.memory_space<vmem_shared>>
    tpu.enqueue_dma source(%dma_start3A_150 : memref<640xf32, #tpu.memory_space<vmem_shared>>) target(%dma_start3A_149 : memref<640xf32, #tpu.memory_space<vmem>>) target_semaphore(%arg11 : memref<!tpu.dma_semaphore, #tpu.memory_space<semaphore_mem>>)
    %mul3A_151 = arith.constant 640 : i32
    %mul3A_152 = arith.muli %arg1, %mul3A_151 : i32
    %add3A_153 = arith.constant 10240 : i32
    %add3A_154 = arith.addi %add3A_153, %mul3A_152 : i32
    %dma_start3A_155 = arith.constant 640 : i32
    %dma_start3A_156 = tpu.memref_slice %arg8[%dma_start3A_155] : memref<10240xf32, #tpu.memory_space<vmem>> -> memref<640xf32, #tpu.memory_space<vmem>>
    %dma_start3A_157 = tpu.memref_slice %arg10[%add3A_154] : memref<163840xf32, #tpu.memory_space<vmem_shared>> -> memref<640xf32, #tpu.memory_space<vmem_shared>>
    %dma_start3A_158 = arith.constant 640 : i32
    %dma_start3A_159 = tpu.memref_slice %arg8[%dma_start3A_158] : memref<10240xf32, #tpu.memory_space<vmem>> -> memref<640xf32, #tpu.memory_space<vmem>>
    %dma_start3A_160 = tpu.memref_slice %arg10[%add3A_154] : memref<163840xf32, #tpu.memory_space<vmem_shared>> -> memref<640xf32, #tpu.memory_space<vmem_shared>>
    tpu.enqueue_dma source(%dma_start3A_160 : memref<640xf32, #tpu.memory_space<vmem_shared>>) target(%dma_start3A_159 : memref<640xf32, #tpu.memory_space<vmem>>) target_semaphore(%arg11 : memref<!tpu.dma_semaphore, #tpu.memory_space<semaphore_mem>>)
    %mul3A_161 = arith.constant 640 : i32
    %mul3A_162 = arith.muli %arg1, %mul3A_161 : i32
    %add3A_163 = arith.constant 20480 : i32
    %add3A_164 = arith.addi %add3A_163, %mul3A_162 : i32
    %dma_start3A_165 = arith.constant 1280 : i32
    %dma_start3A_166 = tpu.memref_slice %arg8[%dma_start3A_165] : memref<10240xf32, #tpu.memory_space<vmem>> -> memref<640xf32, #tpu.memory_space<vmem>>
    %dma_start3A_167 = tpu.memref_slice %arg10[%add3A_164] : memref<163840xf32, #tpu.memory_space<vmem_shared>> -> memref<640xf32, #tpu.memory_space<vmem_shared>>
    %dma_start3A_168 = arith.constant 1280 : i32
    %dma_start3A_169 = tpu.memref_slice %arg8[%dma_start3A_168] : memref<10240xf32, #tpu.memory_space<vmem>> -> memref<640xf32, #tpu.memory_space<vmem>>
    %dma_start3A_170 = tpu.memref_slice %arg10[%add3A_164] : memref<163840xf32, #tpu.memory_space<vmem_shared>> -> memref<640xf32, #tpu.memory_space<vmem_shared>>
    tpu.enqueue_dma source(%dma_start3A_170 : memref<640xf32, #tpu.memory_space<vmem_shared>>) target(%dma_start3A_169 : memref<640xf32, #tpu.memory_space<vmem>>) target_semaphore(%arg11 : memref<!tpu.dma_semaphore, #tpu.memory_space<semaphore_mem>>)
    %mul3A_171 = arith.constant 640 : i32
    %mul3A_172 = arith.muli %arg1, %mul3A_171 : i32
    %add3A_173 = arith.constant 30720 : i32
    %add3A_174 = arith.addi %add3A_173, %mul3A_172 : i32
    %dma_start3A_175 = arith.constant 1920 : i32
    %dma_start3A_176 = tpu.memref_slice %arg8[%dma_start3A_175] : memref<10240xf32, #tpu.memory_space<vmem>> -> memref<640xf32, #tpu.memory_space<vmem>>
    %dma_start3A_177 = tpu.memref_slice %arg10[%add3A_174] : memref<163840xf32, #tpu.memory_space<vmem_shared>> -> memref<640xf32, #tpu.memory_space<vmem_shared>>
    %dma_start3A_178 = arith.constant 1920 : i32
    %dma_start3A_179 = tpu.memref_slice %arg8[%dma_start3A_178] : memref<10240xf32, #tpu.memory_space<vmem>> -> memref<640xf32, #tpu.memory_space<vmem>>
    %dma_start3A_180 = tpu.memref_slice %arg10[%add3A_174] : memref<163840xf32, #tpu.memory_space<vmem_shared>> -> memref<640xf32, #tpu.memory_space<vmem_shared>>
    tpu.enqueue_dma source(%dma_start3A_180 : memref<640xf32, #tpu.memory_space<vmem_shared>>) target(%dma_start3A_179 : memref<640xf32, #tpu.memory_space<vmem>>) target_semaphore(%arg11 : memref<!tpu.dma_semaphore, #tpu.memory_space<semaphore_mem>>)
    %mul3A_181 = arith.constant 640 : i32
    %mul3A_182 = arith.muli %arg1, %mul3A_181 : i32
    %add3A_183 = arith.constant 40960 : i32
    %add3A_184 = arith.addi %add3A_183, %mul3A_182 : i32
    %dma_start3A_185 = arith.constant 2560 : i32
    %dma_start3A_186 = tpu.memref_slice %arg8[%dma_start3A_185] : memref<10240xf32, #tpu.memory_space<vmem>> -> memref<640xf32, #tpu.memory_space<vmem>>
    %dma_start3A_187 = tpu.memref_slice %arg10[%add3A_184] : memref<163840xf32, #tpu.memory_space<vmem_shared>> -> memref<640xf32, #tpu.memory_space<vmem_shared>>
    %dma_start3A_188 = arith.constant 2560 : i32
    %dma_start3A_189 = tpu.memref_slice %arg8[%dma_start3A_188] : memref<10240xf32, #tpu.memory_space<vmem>> -> memref<640xf32, #tpu.memory_space<vmem>>
    %dma_start3A_190 = tpu.memref_slice %arg10[%add3A_184] : memref<163840xf32, #tpu.memory_space<vmem_shared>> -> memref<640xf32, #tpu.memory_space<vmem_shared>>
    tpu.enqueue_dma source(%dma_start3A_190 : memref<640xf32, #tpu.memory_space<vmem_shared>>) target(%dma_start3A_189 : memref<640xf32, #tpu.memory_space<vmem>>) target_semaphore(%arg11 : memref<!tpu.dma_semaphore, #tpu.memory_space<semaphore_mem>>)
    %mul3A_191 = arith.constant 640 : i32
    %mul3A_192 = arith.muli %arg1, %mul3A_191 : i32
    %add3A_193 = arith.constant 51200 : i32
    %add3A_194 = arith.addi %add3A_193, %mul3A_192 : i32
    %dma_start3A_195 = arith.constant 3200 : i32
    %dma_start3A_196 = tpu.memref_slice %arg8[%dma_start3A_195] : memref<10240xf32, #tpu.memory_space<vmem>> -> memref<640xf32, #tpu.memory_space<vmem>>
    %dma_start3A_197 = tpu.memref_slice %arg10[%add3A_194] : memref<163840xf32, #tpu.memory_space<vmem_shared>> -> memref<640xf32, #tpu.memory_space<vmem_shared>>
    %dma_start3A_198 = arith.constant 3200 : i32
    %dma_start3A_199 = tpu.memref_slice %arg8[%dma_start3A_198] : memref<10240xf32, #tpu.memory_space<vmem>> -> memref<640xf32, #tpu.memory_space<vmem>>
    %dma_start3A_200 = tpu.memref_slice %arg10[%add3A_194] : memref<163840xf32, #tpu.memory_space<vmem_shared>> -> memref<640xf32, #tpu.memory_space<vmem_shared>>
    tpu.enqueue_dma source(%dma_start3A_200 : memref<640xf32, #tpu.memory_space<vmem_shared>>) target(%dma_start3A_199 : memref<640xf32, #tpu.memory_space<vmem>>) target_semaphore(%arg11 : memref<!tpu.dma_semaphore, #tpu.memory_space<semaphore_mem>>)
    %mul3A_201 = arith.constant 640 : i32
    %mul3A_202 = arith.muli %arg1, %mul3A_201 : i32
    %add3A_203 = arith.constant 61440 : i32
    %add3A_204 = arith.addi %add3A_203, %mul3A_202 : i32
    %dma_start3A_205 = arith.constant 3840 : i32
    %dma_start3A_206 = tpu.memref_slice %arg8[%dma_start3A_205] : memref<10240xf32, #tpu.memory_space<vmem>> -> memref<640xf32, #tpu.memory_space<vmem>>
    %dma_start3A_207 = tpu.memref_slice %arg10[%add3A_204] : memref<163840xf32, #tpu.memory_space<vmem_shared>> -> memref<640xf32, #tpu.memory_space<vmem_shared>>
    %dma_start3A_208 = arith.constant 3840 : i32
    %dma_start3A_209 = tpu.memref_slice %arg8[%dma_start3A_208] : memref<10240xf32, #tpu.memory_space<vmem>> -> memref<640xf32, #tpu.memory_space<vmem>>
    %dma_start3A_210 = tpu.memref_slice %arg10[%add3A_204] : memref<163840xf32, #tpu.memory_space<vmem_shared>> -> memref<640xf32, #tpu.memory_space<vmem_shared>>
    tpu.enqueue_dma source(%dma_start3A_210 : memref<640xf32, #tpu.memory_space<vmem_shared>>) target(%dma_start3A_209 : memref<640xf32, #tpu.memory_space<vmem>>) target_semaphore(%arg11 : memref<!tpu.dma_semaphore, #tpu.memory_space<semaphore_mem>>)
    %mul3A_211 = arith.constant 640 : i32
    %mul3A_212 = arith.muli %arg1, %mul3A_211 : i32
    %add3A_213 = arith.constant 71680 : i32
    %add3A_214 = arith.addi %add3A_213, %mul3A_212 : i32
    %dma_start3A_215 = arith.constant 4480 : i32
    %dma_start3A_216 = tpu.memref_slice %arg8[%dma_start3A_215] : memref<10240xf32, #tpu.memory_space<vmem>> -> memref<640xf32, #tpu.memory_space<vmem>>
    %dma_start3A_217 = tpu.memref_slice %arg10[%add3A_214] : memref<163840xf32, #tpu.memory_space<vmem_shared>> -> memref<640xf32, #tpu.memory_space<vmem_shared>>
    %dma_start3A_218 = arith.constant 4480 : i32
    %dma_start3A_219 = tpu.memref_slice %arg8[%dma_start3A_218] : memref<10240xf32, #tpu.memory_space<vmem>> -> memref<640xf32, #tpu.memory_space<vmem>>
    %dma_start3A_220 = tpu.memref_slice %arg10[%add3A_214] : memref<163840xf32, #tpu.memory_space<vmem_shared>> -> memref<640xf32, #tpu.memory_space<vmem_shared>>
    tpu.enqueue_dma source(%dma_start3A_220 : memref<640xf32, #tpu.memory_space<vmem_shared>>) target(%dma_start3A_219 : memref<640xf32, #tpu.memory_space<vmem>>) target_semaphore(%arg11 : memref<!tpu.dma_semaphore, #tpu.memory_space<semaphore_mem>>)
    %mul3A_221 = arith.constant 640 : i32
    %mul3A_222 = arith.muli %arg1, %mul3A_221 : i32
    %add3A_223 = arith.constant 81920 : i32
    %add3A_224 = arith.addi %add3A_223, %mul3A_222 : i32
    %dma_start3A_225 = arith.constant 5120 : i32
    %dma_start3A_226 = tpu.memref_slice %arg8[%dma_start3A_225] : memref<10240xf32, #tpu.memory_space<vmem>> -> memref<640xf32, #tpu.memory_space<vmem>>
    %dma_start3A_227 = tpu.memref_slice %arg10[%add3A_224] : memref<163840xf32, #tpu.memory_space<vmem_shared>> -> memref<640xf32, #tpu.memory_space<vmem_shared>>
    %dma_start3A_228 = arith.constant 5120 : i32
    %dma_start3A_229 = tpu.memref_slice %arg8[%dma_start3A_228] : memref<10240xf32, #tpu.memory_space<vmem>> -> memref<640xf32, #tpu.memory_space<vmem>>
    %dma_start3A_230 = tpu.memref_slice %arg10[%add3A_224] : memref<163840xf32, #tpu.memory_space<vmem_shared>> -> memref<640xf32, #tpu.memory_space<vmem_shared>>
    tpu.enqueue_dma source(%dma_start3A_230 : memref<640xf32, #tpu.memory_space<vmem_shared>>) target(%dma_start3A_229 : memref<640xf32, #tpu.memory_space<vmem>>) target_semaphore(%arg11 : memref<!tpu.dma_semaphore, #tpu.memory_space<semaphore_mem>>)
    %mul3A_231 = arith.constant 640 : i32
    %mul3A_232 = arith.muli %arg1, %mul3A_231 : i32
    %add3A_233 = arith.constant 92160 : i32
    %add3A_234 = arith.addi %add3A_233, %mul3A_232 : i32
    %dma_start3A_235 = arith.constant 5760 : i32
    %dma_start3A_236 = tpu.memref_slice %arg8[%dma_start3A_235] : memref<10240xf32, #tpu.memory_space<vmem>> -> memref<640xf32, #tpu.memory_space<vmem>>
    %dma_start3A_237 = tpu.memref_slice %arg10[%add3A_234] : memref<163840xf32, #tpu.memory_space<vmem_shared>> -> memref<640xf32, #tpu.memory_space<vmem_shared>>
    %dma_start3A_238 = arith.constant 5760 : i32
    %dma_start3A_239 = tpu.memref_slice %arg8[%dma_start3A_238] : memref<10240xf32, #tpu.memory_space<vmem>> -> memref<640xf32, #tpu.memory_space<vmem>>
    %dma_start3A_240 = tpu.memref_slice %arg10[%add3A_234] : memref<163840xf32, #tpu.memory_space<vmem_shared>> -> memref<640xf32, #tpu.memory_space<vmem_shared>>
    tpu.enqueue_dma source(%dma_start3A_240 : memref<640xf32, #tpu.memory_space<vmem_shared>>) target(%dma_start3A_239 : memref<640xf32, #tpu.memory_space<vmem>>) target_semaphore(%arg11 : memref<!tpu.dma_semaphore, #tpu.memory_space<semaphore_mem>>)
    %mul3A_241 = arith.constant 640 : i32
    %mul3A_242 = arith.muli %arg1, %mul3A_241 : i32
    %add3A_243 = arith.constant 102400 : i32
    %add3A_244 = arith.addi %add3A_243, %mul3A_242 : i32
    %dma_start3A_245 = arith.constant 6400 : i32
    %dma_start3A_246 = tpu.memref_slice %arg8[%dma_start3A_245] : memref<10240xf32, #tpu.memory_space<vmem>> -> memref<640xf32, #tpu.memory_space<vmem>>
    %dma_start3A_247 = tpu.memref_slice %arg10[%add3A_244] : memref<163840xf32, #tpu.memory_space<vmem_shared>> -> memref<640xf32, #tpu.memory_space<vmem_shared>>
    %dma_start3A_248 = arith.constant 6400 : i32
    %dma_start3A_249 = tpu.memref_slice %arg8[%dma_start3A_248] : memref<10240xf32, #tpu.memory_space<vmem>> -> memref<640xf32, #tpu.memory_space<vmem>>
    %dma_start3A_250 = tpu.memref_slice %arg10[%add3A_244] : memref<163840xf32, #tpu.memory_space<vmem_shared>> -> memref<640xf32, #tpu.memory_space<vmem_shared>>
    tpu.enqueue_dma source(%dma_start3A_250 : memref<640xf32, #tpu.memory_space<vmem_shared>>) target(%dma_start3A_249 : memref<640xf32, #tpu.memory_space<vmem>>) target_semaphore(%arg11 : memref<!tpu.dma_semaphore, #tpu.memory_space<semaphore_mem>>)
    %mul3A_251 = arith.constant 640 : i32
    %mul3A_252 = arith.muli %arg1, %mul3A_251 : i32
    %add3A_253 = arith.constant 112640 : i32
    %add3A_254 = arith.addi %add3A_253, %mul3A_252 : i32
    %dma_start3A_255 = arith.constant 7040 : i32
    %dma_start3A_256 = tpu.memref_slice %arg8[%dma_start3A_255] : memref<10240xf32, #tpu.memory_space<vmem>> -> memref<640xf32, #tpu.memory_space<vmem>>
    %dma_start3A_257 = tpu.memref_slice %arg10[%add3A_254] : memref<163840xf32, #tpu.memory_space<vmem_shared>> -> memref<640xf32, #tpu.memory_space<vmem_shared>>
    %dma_start3A_258 = arith.constant 7040 : i32
    %dma_start3A_259 = tpu.memref_slice %arg8[%dma_start3A_258] : memref<10240xf32, #tpu.memory_space<vmem>> -> memref<640xf32, #tpu.memory_space<vmem>>
    %dma_start3A_260 = tpu.memref_slice %arg10[%add3A_254] : memref<163840xf32, #tpu.memory_space<vmem_shared>> -> memref<640xf32, #tpu.memory_space<vmem_shared>>
    tpu.enqueue_dma source(%dma_start3A_260 : memref<640xf32, #tpu.memory_space<vmem_shared>>) target(%dma_start3A_259 : memref<640xf32, #tpu.memory_space<vmem>>) target_semaphore(%arg11 : memref<!tpu.dma_semaphore, #tpu.memory_space<semaphore_mem>>)
    %mul3A_261 = arith.constant 640 : i32
    %mul3A_262 = arith.muli %arg1, %mul3A_261 : i32
    %add3A_263 = arith.constant 122880 : i32
    %add3A_264 = arith.addi %add3A_263, %mul3A_262 : i32
    %dma_start3A_265 = arith.constant 7680 : i32
    %dma_start3A_266 = tpu.memref_slice %arg8[%dma_start3A_265] : memref<10240xf32, #tpu.memory_space<vmem>> -> memref<640xf32, #tpu.memory_space<vmem>>
    %dma_start3A_267 = tpu.memref_slice %arg10[%add3A_264] : memref<163840xf32, #tpu.memory_space<vmem_shared>> -> memref<640xf32, #tpu.memory_space<vmem_shared>>
    %dma_start3A_268 = arith.constant 7680 : i32
    %dma_start3A_269 = tpu.memref_slice %arg8[%dma_start3A_268] : memref<10240xf32, #tpu.memory_space<vmem>> -> memref<640xf32, #tpu.memory_space<vmem>>
    %dma_start3A_270 = tpu.memref_slice %arg10[%add3A_264] : memref<163840xf32, #tpu.memory_space<vmem_shared>> -> memref<640xf32, #tpu.memory_space<vmem_shared>>
    tpu.enqueue_dma source(%dma_start3A_270 : memref<640xf32, #tpu.memory_space<vmem_shared>>) target(%dma_start3A_269 : memref<640xf32, #tpu.memory_space<vmem>>) target_semaphore(%arg11 : memref<!tpu.dma_semaphore, #tpu.memory_space<semaphore_mem>>)
    %mul3A_271 = arith.constant 640 : i32
    %mul3A_272 = arith.muli %arg1, %mul3A_271 : i32
    %add3A_273 = arith.constant 133120 : i32
    %add3A_274 = arith.addi %add3A_273, %mul3A_272 : i32
    %dma_start3A_275 = arith.constant 8320 : i32
    %dma_start3A_276 = tpu.memref_slice %arg8[%dma_start3A_275] : memref<10240xf32, #tpu.memory_space<vmem>> -> memref<640xf32, #tpu.memory_space<vmem>>
    %dma_start3A_277 = tpu.memref_slice %arg10[%add3A_274] : memref<163840xf32, #tpu.memory_space<vmem_shared>> -> memref<640xf32, #tpu.memory_space<vmem_shared>>
    %dma_start3A_278 = arith.constant 8320 : i32
    %dma_start3A_279 = tpu.memref_slice %arg8[%dma_start3A_278] : memref<10240xf32, #tpu.memory_space<vmem>> -> memref<640xf32, #tpu.memory_space<vmem>>
    %dma_start3A_280 = tpu.memref_slice %arg10[%add3A_274] : memref<163840xf32, #tpu.memory_space<vmem_shared>> -> memref<640xf32, #tpu.memory_space<vmem_shared>>
    tpu.enqueue_dma source(%dma_start3A_280 : memref<640xf32, #tpu.memory_space<vmem_shared>>) target(%dma_start3A_279 : memref<640xf32, #tpu.memory_space<vmem>>) target_semaphore(%arg11 : memref<!tpu.dma_semaphore, #tpu.memory_space<semaphore_mem>>)
    %mul3A_281 = arith.constant 640 : i32
    %mul3A_282 = arith.muli %arg1, %mul3A_281 : i32
    %add3A_283 = arith.constant 143360 : i32
    %add3A_284 = arith.addi %add3A_283, %mul3A_282 : i32
    %dma_start3A_285 = arith.constant 8960 : i32
    %dma_start3A_286 = tpu.memref_slice %arg8[%dma_start3A_285] : memref<10240xf32, #tpu.memory_space<vmem>> -> memref<640xf32, #tpu.memory_space<vmem>>
    %dma_start3A_287 = tpu.memref_slice %arg10[%add3A_284] : memref<163840xf32, #tpu.memory_space<vmem_shared>> -> memref<640xf32, #tpu.memory_space<vmem_shared>>
    %dma_start3A_288 = arith.constant 8960 : i32
    %dma_start3A_289 = tpu.memref_slice %arg8[%dma_start3A_288] : memref<10240xf32, #tpu.memory_space<vmem>> -> memref<640xf32, #tpu.memory_space<vmem>>
    %dma_start3A_290 = tpu.memref_slice %arg10[%add3A_284] : memref<163840xf32, #tpu.memory_space<vmem_shared>> -> memref<640xf32, #tpu.memory_space<vmem_shared>>
    tpu.enqueue_dma source(%dma_start3A_290 : memref<640xf32, #tpu.memory_space<vmem_shared>>) target(%dma_start3A_289 : memref<640xf32, #tpu.memory_space<vmem>>) target_semaphore(%arg11 : memref<!tpu.dma_semaphore, #tpu.memory_space<semaphore_mem>>)
    %mul3A_291 = arith.constant 640 : i32
    %mul3A_292 = arith.muli %arg1, %mul3A_291 : i32
    %add3A_293 = arith.constant 153600 : i32
    %add3A_294 = arith.addi %add3A_293, %mul3A_292 : i32
    %dma_start3A_295 = arith.constant 9600 : i32
    %dma_start3A_296 = tpu.memref_slice %arg8[%dma_start3A_295] : memref<10240xf32, #tpu.memory_space<vmem>> -> memref<640xf32, #tpu.memory_space<vmem>>
    %dma_start3A_297 = tpu.memref_slice %arg10[%add3A_294] : memref<163840xf32, #tpu.memory_space<vmem_shared>> -> memref<640xf32, #tpu.memory_space<vmem_shared>>
    %dma_start3A_298 = arith.constant 9600 : i32
    %dma_start3A_299 = tpu.memref_slice %arg8[%dma_start3A_298] : memref<10240xf32, #tpu.memory_space<vmem>> -> memref<640xf32, #tpu.memory_space<vmem>>
    %dma_start3A_300 = tpu.memref_slice %arg10[%add3A_294] : memref<163840xf32, #tpu.memory_space<vmem_shared>> -> memref<640xf32, #tpu.memory_space<vmem_shared>>
    tpu.enqueue_dma source(%dma_start3A_300 : memref<640xf32, #tpu.memory_space<vmem_shared>>) target(%dma_start3A_299 : memref<640xf32, #tpu.memory_space<vmem>>) target_semaphore(%arg11 : memref<!tpu.dma_semaphore, #tpu.memory_space<semaphore_mem>>)
    %mul3A_301 = arith.constant 640 : i32
    %mul3A_302 = arith.muli %arg1, %mul3A_301 : i32
    %add3A_303 = arith.constant 0 : i32
    %add3A_304 = arith.addi %add3A_303, %mul3A_302 : i32
    %dma_wait3A_305 = arith.constant 0 : i32
    %dma_wait3A_306 = tpu.memref_slice %arg8[%dma_wait3A_305] : memref<10240xf32, #tpu.memory_space<vmem>> -> memref<640xf32, #tpu.memory_space<vmem>>
    %dma_wait3A_307 = tpu.memref_slice %arg10[%add3A_304] : memref<163840xf32, #tpu.memory_space<vmem_shared>> -> memref<640xf32, #tpu.memory_space<vmem_shared>>
    %dma_wait3A_308 = arith.constant 0 : i32
    %dma_wait3A_309 = tpu.memref_slice %arg8[%dma_wait3A_308] : memref<10240xf32, #tpu.memory_space<vmem>> -> memref<640xf32, #tpu.memory_space<vmem>>
    %dma_wait3A_310 = tpu.memref_slice %arg10[%add3A_304] : memref<163840xf32, #tpu.memory_space<vmem_shared>> -> memref<640xf32, #tpu.memory_space<vmem_shared>>
    tpu.wait_dma2 semaphore(%arg11 : memref<!tpu.dma_semaphore, #tpu.memory_space<semaphore_mem>>) src(%dma_wait3A_310 : memref<640xf32, #tpu.memory_space<vmem_shared>>) dst(%dma_wait3A_309 : memref<640xf32, #tpu.memory_space<vmem>>)
    %mul3A_311 = arith.constant 640 : i32
    %mul3A_312 = arith.muli %arg1, %mul3A_311 : i32
    %add3A_313 = arith.constant 10240 : i32
    %add3A_314 = arith.addi %add3A_313, %mul3A_312 : i32
    %dma_wait3A_315 = arith.constant 640 : i32
    %dma_wait3A_316 = tpu.memref_slice %arg8[%dma_wait3A_315] : memref<10240xf32, #tpu.memory_space<vmem>> -> memref<640xf32, #tpu.memory_space<vmem>>
    %dma_wait3A_317 = tpu.memref_slice %arg10[%add3A_314] : memref<163840xf32, #tpu.memory_space<vmem_shared>> -> memref<640xf32, #tpu.memory_space<vmem_shared>>
    %dma_wait3A_318 = arith.constant 640 : i32
    %dma_wait3A_319 = tpu.memref_slice %arg8[%dma_wait3A_318] : memref<10240xf32, #tpu.memory_space<vmem>> -> memref<640xf32, #tpu.memory_space<vmem>>
    %dma_wait3A_320 = tpu.memref_slice %arg10[%add3A_314] : memref<163840xf32, #tpu.memory_space<vmem_shared>> -> memref<640xf32, #tpu.memory_space<vmem_shared>>
    tpu.wait_dma2 semaphore(%arg11 : memref<!tpu.dma_semaphore, #tpu.memory_space<semaphore_mem>>) src(%dma_wait3A_320 : memref<640xf32, #tpu.memory_space<vmem_shared>>) dst(%dma_wait3A_319 : memref<640xf32, #tpu.memory_space<vmem>>)
    %mul3A_321 = arith.constant 640 : i32
    %mul3A_322 = arith.muli %arg1, %mul3A_321 : i32
    %add3A_323 = arith.constant 20480 : i32
    %add3A_324 = arith.addi %add3A_323, %mul3A_322 : i32
    %dma_wait3A_325 = arith.constant 1280 : i32
    %dma_wait3A_326 = tpu.memref_slice %arg8[%dma_wait3A_325] : memref<10240xf32, #tpu.memory_space<vmem>> -> memref<640xf32, #tpu.memory_space<vmem>>
    %dma_wait3A_327 = tpu.memref_slice %arg10[%add3A_324] : memref<163840xf32, #tpu.memory_space<vmem_shared>> -> memref<640xf32, #tpu.memory_space<vmem_shared>>
    %dma_wait3A_328 = arith.constant 1280 : i32
    %dma_wait3A_329 = tpu.memref_slice %arg8[%dma_wait3A_328] : memref<10240xf32, #tpu.memory_space<vmem>> -> memref<640xf32, #tpu.memory_space<vmem>>
    %dma_wait3A_330 = tpu.memref_slice %arg10[%add3A_324] : memref<163840xf32, #tpu.memory_space<vmem_shared>> -> memref<640xf32, #tpu.memory_space<vmem_shared>>
    tpu.wait_dma2 semaphore(%arg11 : memref<!tpu.dma_semaphore, #tpu.memory_space<semaphore_mem>>) src(%dma_wait3A_330 : memref<640xf32, #tpu.memory_space<vmem_shared>>) dst(%dma_wait3A_329 : memref<640xf32, #tpu.memory_space<vmem>>)
    %mul3A_331 = arith.constant 640 : i32
    %mul3A_332 = arith.muli %arg1, %mul3A_331 : i32
    %add3A_333 = arith.constant 30720 : i32
    %add3A_334 = arith.addi %add3A_333, %mul3A_332 : i32
    %dma_wait3A_335 = arith.constant 1920 : i32
    %dma_wait3A_336 = tpu.memref_slice %arg8[%dma_wait3A_335] : memref<10240xf32, #tpu.memory_space<vmem>> -> memref<640xf32, #tpu.memory_space<vmem>>
    %dma_wait3A_337 = tpu.memref_slice %arg10[%add3A_334] : memref<163840xf32, #tpu.memory_space<vmem_shared>> -> memref<640xf32, #tpu.memory_space<vmem_shared>>
    %dma_wait3A_338 = arith.constant 1920 : i32
    %dma_wait3A_339 = tpu.memref_slice %arg8[%dma_wait3A_338] : memref<10240xf32, #tpu.memory_space<vmem>> -> memref<640xf32, #tpu.memory_space<vmem>>
    %dma_wait3A_340 = tpu.memref_slice %arg10[%add3A_334] : memref<163840xf32, #tpu.memory_space<vmem_shared>> -> memref<640xf32, #tpu.memory_space<vmem_shared>>
    tpu.wait_dma2 semaphore(%arg11 : memref<!tpu.dma_semaphore, #tpu.memory_space<semaphore_mem>>) src(%dma_wait3A_340 : memref<640xf32, #tpu.memory_space<vmem_shared>>) dst(%dma_wait3A_339 : memref<640xf32, #tpu.memory_space<vmem>>)
    %mul3A_341 = arith.constant 640 : i32
    %mul3A_342 = arith.muli %arg1, %mul3A_341 : i32
    %add3A_343 = arith.constant 40960 : i32
    %add3A_344 = arith.addi %add3A_343, %mul3A_342 : i32
    %dma_wait3A_345 = arith.constant 2560 : i32
    %dma_wait3A_346 = tpu.memref_slice %arg8[%dma_wait3A_345] : memref<10240xf32, #tpu.memory_space<vmem>> -> memref<640xf32, #tpu.memory_space<vmem>>
    %dma_wait3A_347 = tpu.memref_slice %arg10[%add3A_344] : memref<163840xf32, #tpu.memory_space<vmem_shared>> -> memref<640xf32, #tpu.memory_space<vmem_shared>>
    %dma_wait3A_348 = arith.constant 2560 : i32
    %dma_wait3A_349 = tpu.memref_slice %arg8[%dma_wait3A_348] : memref<10240xf32, #tpu.memory_space<vmem>> -> memref<640xf32, #tpu.memory_space<vmem>>
    %dma_wait3A_350 = tpu.memref_slice %arg10[%add3A_344] : memref<163840xf32, #tpu.memory_space<vmem_shared>> -> memref<640xf32, #tpu.memory_space<vmem_shared>>
    tpu.wait_dma2 semaphore(%arg11 : memref<!tpu.dma_semaphore, #tpu.memory_space<semaphore_mem>>) src(%dma_wait3A_350 : memref<640xf32, #tpu.memory_space<vmem_shared>>) dst(%dma_wait3A_349 : memref<640xf32, #tpu.memory_space<vmem>>)
    %mul3A_351 = arith.constant 640 : i32
    %mul3A_352 = arith.muli %arg1, %mul3A_351 : i32
    %add3A_353 = arith.constant 51200 : i32
    %add3A_354 = arith.addi %add3A_353, %mul3A_352 : i32
    %dma_wait3A_355 = arith.constant 3200 : i32
    %dma_wait3A_356 = tpu.memref_slice %arg8[%dma_wait3A_355] : memref<10240xf32, #tpu.memory_space<vmem>> -> memref<640xf32, #tpu.memory_space<vmem>>
    %dma_wait3A_357 = tpu.memref_slice %arg10[%add3A_354] : memref<163840xf32, #tpu.memory_space<vmem_shared>> -> memref<640xf32, #tpu.memory_space<vmem_shared>>
    %dma_wait3A_358 = arith.constant 3200 : i32
    %dma_wait3A_359 = tpu.memref_slice %arg8[%dma_wait3A_358] : memref<10240xf32, #tpu.memory_space<vmem>> -> memref<640xf32, #tpu.memory_space<vmem>>
    %dma_wait3A_360 = tpu.memref_slice %arg10[%add3A_354] : memref<163840xf32, #tpu.memory_space<vmem_shared>> -> memref<640xf32, #tpu.memory_space<vmem_shared>>
    tpu.wait_dma2 semaphore(%arg11 : memref<!tpu.dma_semaphore, #tpu.memory_space<semaphore_mem>>) src(%dma_wait3A_360 : memref<640xf32, #tpu.memory_space<vmem_shared>>) dst(%dma_wait3A_359 : memref<640xf32, #tpu.memory_space<vmem>>)
    %mul3A_361 = arith.constant 640 : i32
    %mul3A_362 = arith.muli %arg1, %mul3A_361 : i32
    %add3A_363 = arith.constant 61440 : i32
    %add3A_364 = arith.addi %add3A_363, %mul3A_362 : i32
    %dma_wait3A_365 = arith.constant 3840 : i32
    %dma_wait3A_366 = tpu.memref_slice %arg8[%dma_wait3A_365] : memref<10240xf32, #tpu.memory_space<vmem>> -> memref<640xf32, #tpu.memory_space<vmem>>
    %dma_wait3A_367 = tpu.memref_slice %arg10[%add3A_364] : memref<163840xf32, #tpu.memory_space<vmem_shared>> -> memref<640xf32, #tpu.memory_space<vmem_shared>>
    %dma_wait3A_368 = arith.constant 3840 : i32
    %dma_wait3A_369 = tpu.memref_slice %arg8[%dma_wait3A_368] : memref<10240xf32, #tpu.memory_space<vmem>> -> memref<640xf32, #tpu.memory_space<vmem>>
    %dma_wait3A_370 = tpu.memref_slice %arg10[%add3A_364] : memref<163840xf32, #tpu.memory_space<vmem_shared>> -> memref<640xf32, #tpu.memory_space<vmem_shared>>
    tpu.wait_dma2 semaphore(%arg11 : memref<!tpu.dma_semaphore, #tpu.memory_space<semaphore_mem>>) src(%dma_wait3A_370 : memref<640xf32, #tpu.memory_space<vmem_shared>>) dst(%dma_wait3A_369 : memref<640xf32, #tpu.memory_space<vmem>>)
    %mul3A_371 = arith.constant 640 : i32
    %mul3A_372 = arith.muli %arg1, %mul3A_371 : i32
    %add3A_373 = arith.constant 71680 : i32
    %add3A_374 = arith.addi %add3A_373, %mul3A_372 : i32
    %dma_wait3A_375 = arith.constant 4480 : i32
    %dma_wait3A_376 = tpu.memref_slice %arg8[%dma_wait3A_375] : memref<10240xf32, #tpu.memory_space<vmem>> -> memref<640xf32, #tpu.memory_space<vmem>>
    %dma_wait3A_377 = tpu.memref_slice %arg10[%add3A_374] : memref<163840xf32, #tpu.memory_space<vmem_shared>> -> memref<640xf32, #tpu.memory_space<vmem_shared>>
    %dma_wait3A_378 = arith.constant 4480 : i32
    %dma_wait3A_379 = tpu.memref_slice %arg8[%dma_wait3A_378] : memref<10240xf32, #tpu.memory_space<vmem>> -> memref<640xf32, #tpu.memory_space<vmem>>
    %dma_wait3A_380 = tpu.memref_slice %arg10[%add3A_374] : memref<163840xf32, #tpu.memory_space<vmem_shared>> -> memref<640xf32, #tpu.memory_space<vmem_shared>>
    tpu.wait_dma2 semaphore(%arg11 : memref<!tpu.dma_semaphore, #tpu.memory_space<semaphore_mem>>) src(%dma_wait3A_380 : memref<640xf32, #tpu.memory_space<vmem_shared>>) dst(%dma_wait3A_379 : memref<640xf32, #tpu.memory_space<vmem>>)
    %mul3A_381 = arith.constant 640 : i32
    %mul3A_382 = arith.muli %arg1, %mul3A_381 : i32
    %add3A_383 = arith.constant 81920 : i32
    %add3A_384 = arith.addi %add3A_383, %mul3A_382 : i32
    %dma_wait3A_385 = arith.constant 5120 : i32
    %dma_wait3A_386 = tpu.memref_slice %arg8[%dma_wait3A_385] : memref<10240xf32, #tpu.memory_space<vmem>> -> memref<640xf32, #tpu.memory_space<vmem>>
    %dma_wait3A_387 = tpu.memref_slice %arg10[%add3A_384] : memref<163840xf32, #tpu.memory_space<vmem_shared>> -> memref<640xf32, #tpu.memory_space<vmem_shared>>
    %dma_wait3A_388 = arith.constant 5120 : i32
    %dma_wait3A_389 = tpu.memref_slice %arg8[%dma_wait3A_388] : memref<10240xf32, #tpu.memory_space<vmem>> -> memref<640xf32, #tpu.memory_space<vmem>>
    %dma_wait3A_390 = tpu.memref_slice %arg10[%add3A_384] : memref<163840xf32, #tpu.memory_space<vmem_shared>> -> memref<640xf32, #tpu.memory_space<vmem_shared>>
    tpu.wait_dma2 semaphore(%arg11 : memref<!tpu.dma_semaphore, #tpu.memory_space<semaphore_mem>>) src(%dma_wait3A_390 : memref<640xf32, #tpu.memory_space<vmem_shared>>) dst(%dma_wait3A_389 : memref<640xf32, #tpu.memory_space<vmem>>)
    %mul3A_391 = arith.constant 640 : i32
    %mul3A_392 = arith.muli %arg1, %mul3A_391 : i32
    %add3A_393 = arith.constant 92160 : i32
    %add3A_394 = arith.addi %add3A_393, %mul3A_392 : i32
    %dma_wait3A_395 = arith.constant 5760 : i32
    %dma_wait3A_396 = tpu.memref_slice %arg8[%dma_wait3A_395] : memref<10240xf32, #tpu.memory_space<vmem>> -> memref<640xf32, #tpu.memory_space<vmem>>
    %dma_wait3A_397 = tpu.memref_slice %arg10[%add3A_394] : memref<163840xf32, #tpu.memory_space<vmem_shared>> -> memref<640xf32, #tpu.memory_space<vmem_shared>>
    %dma_wait3A_398 = arith.constant 5760 : i32
    %dma_wait3A_399 = tpu.memref_slice %arg8[%dma_wait3A_398] : memref<10240xf32, #tpu.memory_space<vmem>> -> memref<640xf32, #tpu.memory_space<vmem>>
    %dma_wait3A_400 = tpu.memref_slice %arg10[%add3A_394] : memref<163840xf32, #tpu.memory_space<vmem_shared>> -> memref<640xf32, #tpu.memory_space<vmem_shared>>
    tpu.wait_dma2 semaphore(%arg11 : memref<!tpu.dma_semaphore, #tpu.memory_space<semaphore_mem>>) src(%dma_wait3A_400 : memref<640xf32, #tpu.memory_space<vmem_shared>>) dst(%dma_wait3A_399 : memref<640xf32, #tpu.memory_space<vmem>>)
    %mul3A_401 = arith.constant 640 : i32
    %mul3A_402 = arith.muli %arg1, %mul3A_401 : i32
    %add3A_403 = arith.constant 102400 : i32
    %add3A_404 = arith.addi %add3A_403, %mul3A_402 : i32
    %dma_wait3A_405 = arith.constant 6400 : i32
    %dma_wait3A_406 = tpu.memref_slice %arg8[%dma_wait3A_405] : memref<10240xf32, #tpu.memory_space<vmem>> -> memref<640xf32, #tpu.memory_space<vmem>>
    %dma_wait3A_407 = tpu.memref_slice %arg10[%add3A_404] : memref<163840xf32, #tpu.memory_space<vmem_shared>> -> memref<640xf32, #tpu.memory_space<vmem_shared>>
    %dma_wait3A_408 = arith.constant 6400 : i32
    %dma_wait3A_409 = tpu.memref_slice %arg8[%dma_wait3A_408] : memref<10240xf32, #tpu.memory_space<vmem>> -> memref<640xf32, #tpu.memory_space<vmem>>
    %dma_wait3A_410 = tpu.memref_slice %arg10[%add3A_404] : memref<163840xf32, #tpu.memory_space<vmem_shared>> -> memref<640xf32, #tpu.memory_space<vmem_shared>>
    tpu.wait_dma2 semaphore(%arg11 : memref<!tpu.dma_semaphore, #tpu.memory_space<semaphore_mem>>) src(%dma_wait3A_410 : memref<640xf32, #tpu.memory_space<vmem_shared>>) dst(%dma_wait3A_409 : memref<640xf32, #tpu.memory_space<vmem>>)
    %mul3A_411 = arith.constant 640 : i32
    %mul3A_412 = arith.muli %arg1, %mul3A_411 : i32
    %add3A_413 = arith.constant 112640 : i32
    %add3A_414 = arith.addi %add3A_413, %mul3A_412 : i32
    %dma_wait3A_415 = arith.constant 7040 : i32
    %dma_wait3A_416 = tpu.memref_slice %arg8[%dma_wait3A_415] : memref<10240xf32, #tpu.memory_space<vmem>> -> memref<640xf32, #tpu.memory_space<vmem>>
    %dma_wait3A_417 = tpu.memref_slice %arg10[%add3A_414] : memref<163840xf32, #tpu.memory_space<vmem_shared>> -> memref<640xf32, #tpu.memory_space<vmem_shared>>
    %dma_wait3A_418 = arith.constant 7040 : i32
    %dma_wait3A_419 = tpu.memref_slice %arg8[%dma_wait3A_418] : memref<10240xf32, #tpu.memory_space<vmem>> -> memref<640xf32, #tpu.memory_space<vmem>>
    %dma_wait3A_420 = tpu.memref_slice %arg10[%add3A_414] : memref<163840xf32, #tpu.memory_space<vmem_shared>> -> memref<640xf32, #tpu.memory_space<vmem_shared>>
    tpu.wait_dma2 semaphore(%arg11 : memref<!tpu.dma_semaphore, #tpu.memory_space<semaphore_mem>>) src(%dma_wait3A_420 : memref<640xf32, #tpu.memory_space<vmem_shared>>) dst(%dma_wait3A_419 : memref<640xf32, #tpu.memory_space<vmem>>)
    %mul3A_421 = arith.constant 640 : i32
    %mul3A_422 = arith.muli %arg1, %mul3A_421 : i32
    %add3A_423 = arith.constant 122880 : i32
    %add3A_424 = arith.addi %add3A_423, %mul3A_422 : i32
    %dma_wait3A_425 = arith.constant 7680 : i32
    %dma_wait3A_426 = tpu.memref_slice %arg8[%dma_wait3A_425] : memref<10240xf32, #tpu.memory_space<vmem>> -> memref<640xf32, #tpu.memory_space<vmem>>
    %dma_wait3A_427 = tpu.memref_slice %arg10[%add3A_424] : memref<163840xf32, #tpu.memory_space<vmem_shared>> -> memref<640xf32, #tpu.memory_space<vmem_shared>>
    %dma_wait3A_428 = arith.constant 7680 : i32
    %dma_wait3A_429 = tpu.memref_slice %arg8[%dma_wait3A_428] : memref<10240xf32, #tpu.memory_space<vmem>> -> memref<640xf32, #tpu.memory_space<vmem>>
    %dma_wait3A_430 = tpu.memref_slice %arg10[%add3A_424] : memref<163840xf32, #tpu.memory_space<vmem_shared>> -> memref<640xf32, #tpu.memory_space<vmem_shared>>
    tpu.wait_dma2 semaphore(%arg11 : memref<!tpu.dma_semaphore, #tpu.memory_space<semaphore_mem>>) src(%dma_wait3A_430 : memref<640xf32, #tpu.memory_space<vmem_shared>>) dst(%dma_wait3A_429 : memref<640xf32, #tpu.memory_space<vmem>>)
    %mul3A_431 = arith.constant 640 : i32
    %mul3A_432 = arith.muli %arg1, %mul3A_431 : i32
    %add3A_433 = arith.constant 133120 : i32
    %add3A_434 = arith.addi %add3A_433, %mul3A_432 : i32
    %dma_wait3A_435 = arith.constant 8320 : i32
    %dma_wait3A_436 = tpu.memref_slice %arg8[%dma_wait3A_435] : memref<10240xf32, #tpu.memory_space<vmem>> -> memref<640xf32, #tpu.memory_space<vmem>>
    %dma_wait3A_437 = tpu.memref_slice %arg10[%add3A_434] : memref<163840xf32, #tpu.memory_space<vmem_shared>> -> memref<640xf32, #tpu.memory_space<vmem_shared>>
    %dma_wait3A_438 = arith.constant 8320 : i32
    %dma_wait3A_439 = tpu.memref_slice %arg8[%dma_wait3A_438] : memref<10240xf32, #tpu.memory_space<vmem>> -> memref<640xf32, #tpu.memory_space<vmem>>
    %dma_wait3A_440 = tpu.memref_slice %arg10[%add3A_434] : memref<163840xf32, #tpu.memory_space<vmem_shared>> -> memref<640xf32, #tpu.memory_space<vmem_shared>>
    tpu.wait_dma2 semaphore(%arg11 : memref<!tpu.dma_semaphore, #tpu.memory_space<semaphore_mem>>) src(%dma_wait3A_440 : memref<640xf32, #tpu.memory_space<vmem_shared>>) dst(%dma_wait3A_439 : memref<640xf32, #tpu.memory_space<vmem>>)
    %mul3A_441 = arith.constant 640 : i32
    %mul3A_442 = arith.muli %arg1, %mul3A_441 : i32
    %add3A_443 = arith.constant 143360 : i32
    %add3A_444 = arith.addi %add3A_443, %mul3A_442 : i32
    %dma_wait3A_445 = arith.constant 8960 : i32
    %dma_wait3A_446 = tpu.memref_slice %arg8[%dma_wait3A_445] : memref<10240xf32, #tpu.memory_space<vmem>> -> memref<640xf32, #tpu.memory_space<vmem>>
    %dma_wait3A_447 = tpu.memref_slice %arg10[%add3A_444] : memref<163840xf32, #tpu.memory_space<vmem_shared>> -> memref<640xf32, #tpu.memory_space<vmem_shared>>
    %dma_wait3A_448 = arith.constant 8960 : i32
    %dma_wait3A_449 = tpu.memref_slice %arg8[%dma_wait3A_448] : memref<10240xf32, #tpu.memory_space<vmem>> -> memref<640xf32, #tpu.memory_space<vmem>>
    %dma_wait3A_450 = tpu.memref_slice %arg10[%add3A_444] : memref<163840xf32, #tpu.memory_space<vmem_shared>> -> memref<640xf32, #tpu.memory_space<vmem_shared>>
    tpu.wait_dma2 semaphore(%arg11 : memref<!tpu.dma_semaphore, #tpu.memory_space<semaphore_mem>>) src(%dma_wait3A_450 : memref<640xf32, #tpu.memory_space<vmem_shared>>) dst(%dma_wait3A_449 : memref<640xf32, #tpu.memory_space<vmem>>)
    %mul3A_451 = arith.constant 640 : i32
    %mul3A_452 = arith.muli %arg1, %mul3A_451 : i32
    %add3A_453 = arith.constant 153600 : i32
    %add3A_454 = arith.addi %add3A_453, %mul3A_452 : i32
    %dma_wait3A_455 = arith.constant 9600 : i32
    %dma_wait3A_456 = tpu.memref_slice %arg8[%dma_wait3A_455] : memref<10240xf32, #tpu.memory_space<vmem>> -> memref<640xf32, #tpu.memory_space<vmem>>
    %dma_wait3A_457 = tpu.memref_slice %arg10[%add3A_454] : memref<163840xf32, #tpu.memory_space<vmem_shared>> -> memref<640xf32, #tpu.memory_space<vmem_shared>>
    %dma_wait3A_458 = arith.constant 9600 : i32
    %dma_wait3A_459 = tpu.memref_slice %arg8[%dma_wait3A_458] : memref<10240xf32, #tpu.memory_space<vmem>> -> memref<640xf32, #tpu.memory_space<vmem>>
    %dma_wait3A_460 = tpu.memref_slice %arg10[%add3A_454] : memref<163840xf32, #tpu.memory_space<vmem_shared>> -> memref<640xf32, #tpu.memory_space<vmem_shared>>
    tpu.wait_dma2 semaphore(%arg11 : memref<!tpu.dma_semaphore, #tpu.memory_space<semaphore_mem>>) src(%dma_wait3A_460 : memref<640xf32, #tpu.memory_space<vmem_shared>>) dst(%dma_wait3A_459 : memref<640xf32, #tpu.memory_space<vmem>>)
    %scan3A_461 = arith.constant 0 : i32
    %scan3A_462 = arith.constant 0 : i32
    %scan3A_463 = arith.constant 40 : i32
    %scan3A_464 = arith.addi %scan3A_462, %scan3A_463 : i32
    %scan3A_465 = arith.constant 4 : i32
    scf.for %scan3A_467 = %scan3A_462 to %scan3A_464 step %scan3A_465  : i32 {
      %mul3A_468 = arith.constant 16 : i32
      %mul3A_469 = arith.muli %scan3A_467, %mul3A_468 : i32
      %get3A_470 = arith.index_cast %mul3A_469 : i32 to index
      %get3A_471 = tpu.vector_load %arg8[%get3A_470] {strides = array<i32>} : memref<10240xf32, #tpu.memory_space<vmem>>, vector<16xf32>,
      %get3A_472 = vector.shape_cast %get3A_471 : vector<16xf32> to vector<16xf32>
      %mul3A_473 = arith.constant 16 : i32
      %mul3A_474 = arith.muli %scan3A_467, %mul3A_473 : i32
      %add3A_475 = arith.constant 640 : i32
      %add3A_476 = arith.addi %add3A_475, %mul3A_474 : i32
      %get3A_477 = arith.index_cast %add3A_476 : i32 to index
      %get3A_478 = tpu.vector_load %arg8[%get3A_477] {strides = array<i32>} : memref<10240xf32, #tpu.memory_space<vmem>>, vector<16xf32>,
      %get3A_479 = vector.shape_cast %get3A_478 : vector<16xf32> to vector<16xf32>
      %add3A_480 = arith.addf %get3A_472, %get3A_479 : vector<16xf32>
      %mul3A_481 = arith.constant 16 : i32
      %mul3A_482 = arith.muli %scan3A_467, %mul3A_481 : i32
      %add3A_483 = arith.constant 1280 : i32
      %add3A_484 = arith.addi %add3A_483, %mul3A_482 : i32
      %get3A_485 = arith.index_cast %add3A_484 : i32 to index
      %get3A_486 = tpu.vector_load %arg8[%get3A_485] {strides = array<i32>} : memref<10240xf32, #tpu.memory_space<vmem>>, vector<16xf32>,
      %get3A_487 = vector.shape_cast %get3A_486 : vector<16xf32> to vector<16xf32>
      %add3A_488 = arith.addf %add3A_480, %get3A_487 : vector<16xf32>
      %mul3A_489 = arith.constant 16 : i32
      %mul3A_490 = arith.muli %scan3A_467, %mul3A_489 : i32
      %add3A_491 = arith.constant 1920 : i32
      %add3A_492 = arith.addi %add3A_491, %mul3A_490 : i32
      %get3A_493 = arith.index_cast %add3A_492 : i32 to index
      %get3A_494 = tpu.vector_load %arg8[%get3A_493] {strides = array<i32>} : memref<10240xf32, #tpu.memory_space<vmem>>, vector<16xf32>,
      %get3A_495 = vector.shape_cast %get3A_494 : vector<16xf32> to vector<16xf32>
      %add3A_496 = arith.addf %add3A_488, %get3A_495 : vector<16xf32>
      %mul3A_497 = arith.constant 16 : i32
      %mul3A_498 = arith.muli %scan3A_467, %mul3A_497 : i32
      %add3A_499 = arith.constant 2560 : i32
      %add3A_500 = arith.addi %add3A_499, %mul3A_498 : i32
      %get3A_501 = arith.index_cast %add3A_500 : i32 to index
      %get3A_502 = tpu.vector_load %arg8[%get3A_501] {strides = array<i32>} : memref<10240xf32, #tpu.memory_space<vmem>>, vector<16xf32>,
      %get3A_503 = vector.shape_cast %get3A_502 : vector<16xf32> to vector<16xf32>
      %add3A_504 = arith.addf %add3A_496, %get3A_503 : vector<16xf32>
      %mul3A_505 = arith.constant 16 : i32
      %mul3A_506 = arith.muli %scan3A_467, %mul3A_505 : i32
      %add3A_507 = arith.constant 3200 : i32
      %add3A_508 = arith.addi %add3A_507, %mul3A_506 : i32
      %get3A_509 = arith.index_cast %add3A_508 : i32 to index
      %get3A_510 = tpu.vector_load %arg8[%get3A_509] {strides = array<i32>} : memref<10240xf32, #tpu.memory_space<vmem>>, vector<16xf32>,
      %get3A_511 = vector.shape_cast %get3A_510 : vector<16xf32> to vector<16xf32>
      %add3A_512 = arith.addf %add3A_504, %get3A_511 : vector<16xf32>
      %mul3A_513 = arith.constant 16 : i32
      %mul3A_514 = arith.muli %scan3A_467, %mul3A_513 : i32
      %add3A_515 = arith.constant 3840 : i32
      %add3A_516 = arith.addi %add3A_515, %mul3A_514 : i32
      %get3A_517 = arith.index_cast %add3A_516 : i32 to index
      %get3A_518 = tpu.vector_load %arg8[%get3A_517] {strides = array<i32>} : memref<10240xf32, #tpu.memory_space<vmem>>, vector<16xf32>,
      %get3A_519 = vector.shape_cast %get3A_518 : vector<16xf32> to vector<16xf32>
      %add3A_520 = arith.addf %add3A_512, %get3A_519 : vector<16xf32>
      %mul3A_521 = arith.constant 16 : i32
      %mul3A_522 = arith.muli %scan3A_467, %mul3A_521 : i32
      %add3A_523 = arith.constant 4480 : i32
      %add3A_524 = arith.addi %add3A_523, %mul3A_522 : i32
      %get3A_525 = arith.index_cast %add3A_524 : i32 to index
      %get3A_526 = tpu.vector_load %arg8[%get3A_525] {strides = array<i32>} : memref<10240xf32, #tpu.memory_space<vmem>>, vector<16xf32>,
      %get3A_527 = vector.shape_cast %get3A_526 : vector<16xf32> to vector<16xf32>
      %add3A_528 = arith.addf %add3A_520, %get3A_527 : vector<16xf32>
      %mul3A_529 = arith.constant 16 : i32
      %mul3A_530 = arith.muli %scan3A_467, %mul3A_529 : i32
      %add3A_531 = arith.constant 5120 : i32
      %add3A_532 = arith.addi %add3A_531, %mul3A_530 : i32
      %get3A_533 = arith.index_cast %add3A_532 : i32 to index
      %get3A_534 = tpu.vector_load %arg8[%get3A_533] {strides = array<i32>} : memref<10240xf32, #tpu.memory_space<vmem>>, vector<16xf32>,
      %get3A_535 = vector.shape_cast %get3A_534 : vector<16xf32> to vector<16xf32>
      %add3A_536 = arith.addf %add3A_528, %get3A_535 : vector<16xf32>
      %mul3A_537 = arith.constant 16 : i32
      %mul3A_538 = arith.muli %scan3A_467, %mul3A_537 : i32
      %add3A_539 = arith.constant 5760 : i32
      %add3A_540 = arith.addi %add3A_539, %mul3A_538 : i32
      %get3A_541 = arith.index_cast %add3A_540 : i32 to index
      %get3A_542 = tpu.vector_load %arg8[%get3A_541] {strides = array<i32>} : memref<10240xf32, #tpu.memory_space<vmem>>, vector<16xf32>,
      %get3A_543 = vector.shape_cast %get3A_542 : vector<16xf32> to vector<16xf32>
      %add3A_544 = arith.addf %add3A_536, %get3A_543 : vector<16xf32>
      %mul3A_545 = arith.constant 16 : i32
      %mul3A_546 = arith.muli %scan3A_467, %mul3A_545 : i32
      %add3A_547 = arith.constant 6400 : i32
      %add3A_548 = arith.addi %add3A_547, %mul3A_546 : i32
      %get3A_549 = arith.index_cast %add3A_548 : i32 to index
      %get3A_550 = tpu.vector_load %arg8[%get3A_549] {strides = array<i32>} : memref<10240xf32, #tpu.memory_space<vmem>>, vector<16xf32>,
      %get3A_551 = vector.shape_cast %get3A_550 : vector<16xf32> to vector<16xf32>
      %add3A_552 = arith.addf %add3A_544, %get3A_551 : vector<16xf32>
      %mul3A_553 = arith.constant 16 : i32
      %mul3A_554 = arith.muli %scan3A_467, %mul3A_553 : i32
      %add3A_555 = arith.constant 7040 : i32
      %add3A_556 = arith.addi %add3A_555, %mul3A_554 : i32
      %get3A_557 = arith.index_cast %add3A_556 : i32 to index
      %get3A_558 = tpu.vector_load %arg8[%get3A_557] {strides = array<i32>} : memref<10240xf32, #tpu.memory_space<vmem>>, vector<16xf32>,
      %get3A_559 = vector.shape_cast %get3A_558 : vector<16xf32> to vector<16xf32>
      %add3A_560 = arith.addf %add3A_552, %get3A_559 : vector<16xf32>
      %mul3A_561 = arith.constant 16 : i32
      %mul3A_562 = arith.muli %scan3A_467, %mul3A_561 : i32
      %add3A_563 = arith.constant 7680 : i32
      %add3A_564 = arith.addi %add3A_563, %mul3A_562 : i32
      %get3A_565 = arith.index_cast %add3A_564 : i32 to index
      %get3A_566 = tpu.vector_load %arg8[%get3A_565] {strides = array<i32>} : memref<10240xf32, #tpu.memory_space<vmem>>, vector<16xf32>,
      %get3A_567 = vector.shape_cast %get3A_566 : vector<16xf32> to vector<16xf32>
      %add3A_568 = arith.addf %add3A_560, %get3A_567 : vector<16xf32>
      %mul3A_569 = arith.constant 16 : i32
      %mul3A_570 = arith.muli %scan3A_467, %mul3A_569 : i32
      %add3A_571 = arith.constant 8320 : i32
      %add3A_572 = arith.addi %add3A_571, %mul3A_570 : i32
      %get3A_573 = arith.index_cast %add3A_572 : i32 to index
      %get3A_574 = tpu.vector_load %arg8[%get3A_573] {strides = array<i32>} : memref<10240xf32, #tpu.memory_space<vmem>>, vector<16xf32>,
      %get3A_575 = vector.shape_cast %get3A_574 : vector<16xf32> to vector<16xf32>
      %add3A_576 = arith.addf %add3A_568, %get3A_575 : vector<16xf32>
      %mul3A_577 = arith.constant 16 : i32
      %mul3A_578 = arith.muli %scan3A_467, %mul3A_577 : i32
      %add3A_579 = arith.constant 8960 : i32
      %add3A_580 = arith.addi %add3A_579, %mul3A_578 : i32
      %get3A_581 = arith.index_cast %add3A_580 : i32 to index
      %get3A_582 = tpu.vector_load %arg8[%get3A_581] {strides = array<i32>} : memref<10240xf32, #tpu.memory_space<vmem>>, vector<16xf32>,
      %get3A_583 = vector.shape_cast %get3A_582 : vector<16xf32> to vector<16xf32>
      %add3A_584 = arith.addf %add3A_576, %get3A_583 : vector<16xf32>
      %mul3A_585 = arith.constant 16 : i32
      %mul3A_586 = arith.muli %scan3A_467, %mul3A_585 : i32
      %add3A_587 = arith.constant 9600 : i32
      %add3A_588 = arith.addi %add3A_587, %mul3A_586 : i32
      %get3A_589 = arith.index_cast %add3A_588 : i32 to index
      %get3A_590 = tpu.vector_load %arg8[%get3A_589] {strides = array<i32>} : memref<10240xf32, #tpu.memory_space<vmem>>, vector<16xf32>,
      %get3A_591 = vector.shape_cast %get3A_590 : vector<16xf32> to vector<16xf32>
      %add3A_592 = arith.addf %add3A_584, %get3A_591 : vector<16xf32>
      %mul3A_593 = arith.constant 16 : i32
      %mul3A_594 = arith.muli %scan3A_467, %mul3A_593 : i32
      %swap3A_595 = arith.index_cast %mul3A_594 : i32 to index
      %swap3A_596 = tpu.vector_load %arg9[%swap3A_595] {strides = array<i32>} : memref<640xf32, #tpu.memory_space<vmem>>, vector<16xf32>,
      %swap3A_597 = vector.shape_cast %swap3A_596 : vector<16xf32> to vector<16xf32>
      %swap3A_598 = vector.shape_cast %add3A_592 : vector<16xf32> to vector<16xf32>
      tpu.vector_store %arg9[%swap3A_595], %swap3A_598 {strides = array<i32>} : memref<640xf32, #tpu.memory_space<vmem>>, vector<16xf32>,
      %scan3A_599 = arith.constant 1 : i32
      %scan3A_600 = arith.addi %scan3A_467, %scan3A_599 : i32
      %mul3A_601 = arith.constant 16 : i32
      %mul3A_602 = arith.muli %scan3A_600, %mul3A_601 : i32
      %get3A_603 = arith.index_cast %mul3A_602 : i32 to index
      %get3A_604 = tpu.vector_load %arg8[%get3A_603] {strides = array<i32>} : memref<10240xf32, #tpu.memory_space<vmem>>, vector<16xf32>,
      %get3A_605 = vector.shape_cast %get3A_604 : vector<16xf32> to vector<16xf32>
      %mul3A_606 = arith.constant 16 : i32
      %mul3A_607 = arith.muli %scan3A_600, %mul3A_606 : i32
      %add3A_608 = arith.constant 640 : i32
      %add3A_609 = arith.addi %add3A_608, %mul3A_607 : i32
      %get3A_610 = arith.index_cast %add3A_609 : i32 to index
      %get3A_611 = tpu.vector_load %arg8[%get3A_610] {strides = array<i32>} : memref<10240xf32, #tpu.memory_space<vmem>>, vector<16xf32>,
      %get3A_612 = vector.shape_cast %get3A_611 : vector<16xf32> to vector<16xf32>
      %add3A_613 = arith.addf %get3A_605, %get3A_612 : vector<16xf32>
      %mul3A_614 = arith.constant 16 : i32
      %mul3A_615 = arith.muli %scan3A_600, %mul3A_614 : i32
      %add3A_616 = arith.constant 1280 : i32
      %add3A_617 = arith.addi %add3A_616, %mul3A_615 : i32
      %get3A_618 = arith.index_cast %add3A_617 : i32 to index
      %get3A_619 = tpu.vector_load %arg8[%get3A_618] {strides = array<i32>} : memref<10240xf32, #tpu.memory_space<vmem>>, vector<16xf32>,
      %get3A_620 = vector.shape_cast %get3A_619 : vector<16xf32> to vector<16xf32>
      %add3A_621 = arith.addf %add3A_613, %get3A_620 : vector<16xf32>
      %mul3A_622 = arith.constant 16 : i32
      %mul3A_623 = arith.muli %scan3A_600, %mul3A_622 : i32
      %add3A_624 = arith.constant 1920 : i32
      %add3A_625 = arith.addi %add3A_624, %mul3A_623 : i32
      %get3A_626 = arith.index_cast %add3A_625 : i32 to index
      %get3A_627 = tpu.vector_load %arg8[%get3A_626] {strides = array<i32>} : memref<10240xf32, #tpu.memory_space<vmem>>, vector<16xf32>,
      %get3A_628 = vector.shape_cast %get3A_627 : vector<16xf32> to vector<16xf32>
      %add3A_629 = arith.addf %add3A_621, %get3A_628 : vector<16xf32>
      %mul3A_630 = arith.constant 16 : i32
      %mul3A_631 = arith.muli %scan3A_600, %mul3A_630 : i32
      %add3A_632 = arith.constant 2560 : i32
      %add3A_633 = arith.addi %add3A_632, %mul3A_631 : i32
      %get3A_634 = arith.index_cast %add3A_633 : i32 to index
      %get3A_635 = tpu.vector_load %arg8[%get3A_634] {strides = array<i32>} : memref<10240xf32, #tpu.memory_space<vmem>>, vector<16xf32>,
      %get3A_636 = vector.shape_cast %get3A_635 : vector<16xf32> to vector<16xf32>
      %add3A_637 = arith.addf %add3A_629, %get3A_636 : vector<16xf32>
      %mul3A_638 = arith.constant 16 : i32
      %mul3A_639 = arith.muli %scan3A_600, %mul3A_638 : i32
      %add3A_640 = arith.constant 3200 : i32
      %add3A_641 = arith.addi %add3A_640, %mul3A_639 : i32
      %get3A_642 = arith.index_cast %add3A_641 : i32 to index
      %get3A_643 = tpu.vector_load %arg8[%get3A_642] {strides = array<i32>} : memref<10240xf32, #tpu.memory_space<vmem>>, vector<16xf32>,
      %get3A_644 = vector.shape_cast %get3A_643 : vector<16xf32> to vector<16xf32>
      %add3A_645 = arith.addf %add3A_637, %get3A_644 : vector<16xf32>
      %mul3A_646 = arith.constant 16 : i32
      %mul3A_647 = arith.muli %scan3A_600, %mul3A_646 : i32
      %add3A_648 = arith.constant 3840 : i32
      %add3A_649 = arith.addi %add3A_648, %mul3A_647 : i32
      %get3A_650 = arith.index_cast %add3A_649 : i32 to index
      %get3A_651 = tpu.vector_load %arg8[%get3A_650] {strides = array<i32>} : memref<10240xf32, #tpu.memory_space<vmem>>, vector<16xf32>,
      %get3A_652 = vector.shape_cast %get3A_651 : vector<16xf32> to vector<16xf32>
      %add3A_653 = arith.addf %add3A_645, %get3A_652 : vector<16xf32>
      %mul3A_654 = arith.constant 16 : i32
      %mul3A_655 = arith.muli %scan3A_600, %mul3A_654 : i32
      %add3A_656 = arith.constant 4480 : i32
      %add3A_657 = arith.addi %add3A_656, %mul3A_655 : i32
      %get3A_658 = arith.index_cast %add3A_657 : i32 to index
      %get3A_659 = tpu.vector_load %arg8[%get3A_658] {strides = array<i32>} : memref<10240xf32, #tpu.memory_space<vmem>>, vector<16xf32>,
      %get3A_660 = vector.shape_cast %get3A_659 : vector<16xf32> to vector<16xf32>
      %add3A_661 = arith.addf %add3A_653, %get3A_660 : vector<16xf32>
      %mul3A_662 = arith.constant 16 : i32
      %mul3A_663 = arith.muli %scan3A_600, %mul3A_662 : i32
      %add3A_664 = arith.constant 5120 : i32
      %add3A_665 = arith.addi %add3A_664, %mul3A_663 : i32
      %get3A_666 = arith.index_cast %add3A_665 : i32 to index
      %get3A_667 = tpu.vector_load %arg8[%get3A_666] {strides = array<i32>} : memref<10240xf32, #tpu.memory_space<vmem>>, vector<16xf32>,
      %get3A_668 = vector.shape_cast %get3A_667 : vector<16xf32> to vector<16xf32>
      %add3A_669 = arith.addf %add3A_661, %get3A_668 : vector<16xf32>
      %mul3A_670 = arith.constant 16 : i32
      %mul3A_671 = arith.muli %scan3A_600, %mul3A_670 : i32
      %add3A_672 = arith.constant 5760 : i32
      %add3A_673 = arith.addi %add3A_672, %mul3A_671 : i32
      %get3A_674 = arith.index_cast %add3A_673 : i32 to index
      %get3A_675 = tpu.vector_load %arg8[%get3A_674] {strides = array<i32>} : memref<10240xf32, #tpu.memory_space<vmem>>, vector<16xf32>,
      %get3A_676 = vector.shape_cast %get3A_675 : vector<16xf32> to vector<16xf32>
      %add3A_677 = arith.addf %add3A_669, %get3A_676 : vector<16xf32>
      %mul3A_678 = arith.constant 16 : i32
      %mul3A_679 = arith.muli %scan3A_600, %mul3A_678 : i32
      %add3A_680 = arith.constant 6400 : i32
      %add3A_681 = arith.addi %add3A_680, %mul3A_679 : i32
      %get3A_682 = arith.index_cast %add3A_681 : i32 to index
      %get3A_683 = tpu.vector_load %arg8[%get3A_682] {strides = array<i32>} : memref<10240xf32, #tpu.memory_space<vmem>>, vector<16xf32>,
      %get3A_684 = vector.shape_cast %get3A_683 : vector<16xf32> to vector<16xf32>
      %add3A_685 = arith.addf %add3A_677, %get3A_684 : vector<16xf32>
      %mul3A_686 = arith.constant 16 : i32
      %mul3A_687 = arith.muli %scan3A_600, %mul3A_686 : i32
      %add3A_688 = arith.constant 7040 : i32
      %add3A_689 = arith.addi %add3A_688, %mul3A_687 : i32
      %get3A_690 = arith.index_cast %add3A_689 : i32 to index
      %get3A_691 = tpu.vector_load %arg8[%get3A_690] {strides = array<i32>} : memref<10240xf32, #tpu.memory_space<vmem>>, vector<16xf32>,
      %get3A_692 = vector.shape_cast %get3A_691 : vector<16xf32> to vector<16xf32>
      %add3A_693 = arith.addf %add3A_685, %get3A_692 : vector<16xf32>
      %mul3A_694 = arith.constant 16 : i32
      %mul3A_695 = arith.muli %scan3A_600, %mul3A_694 : i32
      %add3A_696 = arith.constant 7680 : i32
      %add3A_697 = arith.addi %add3A_696, %mul3A_695 : i32
      %get3A_698 = arith.index_cast %add3A_697 : i32 to index
      %get3A_699 = tpu.vector_load %arg8[%get3A_698] {strides = array<i32>} : memref<10240xf32, #tpu.memory_space<vmem>>, vector<16xf32>,
      %get3A_700 = vector.shape_cast %get3A_699 : vector<16xf32> to vector<16xf32>
      %add3A_701 = arith.addf %add3A_693, %get3A_700 : vector<16xf32>
      %mul3A_702 = arith.constant 16 : i32
      %mul3A_703 = arith.muli %scan3A_600, %mul3A_702 : i32
      %add3A_704 = arith.constant 8320 : i32
      %add3A_705 = arith.addi %add3A_704, %mul3A_703 : i32
      %get3A_706 = arith.index_cast %add3A_705 : i32 to index
      %get3A_707 = tpu.vector_load %arg8[%get3A_706] {strides = array<i32>} : memref<10240xf32, #tpu.memory_space<vmem>>, vector<16xf32>,
      %get3A_708 = vector.shape_cast %get3A_707 : vector<16xf32> to vector<16xf32>
      %add3A_709 = arith.addf %add3A_701, %get3A_708 : vector<16xf32>
      %mul3A_710 = arith.constant 16 : i32
      %mul3A_711 = arith.muli %scan3A_600, %mul3A_710 : i32
      %add3A_712 = arith.constant 8960 : i32
      %add3A_713 = arith.addi %add3A_712, %mul3A_711 : i32
      %get3A_714 = arith.index_cast %add3A_713 : i32 to index
      %get3A_715 = tpu.vector_load %arg8[%get3A_714] {strides = array<i32>} : memref<10240xf32, #tpu.memory_space<vmem>>, vector<16xf32>,
      %get3A_716 = vector.shape_cast %get3A_715 : vector<16xf32> to vector<16xf32>
      %add3A_717 = arith.addf %add3A_709, %get3A_716 : vector<16xf32>
      %mul3A_718 = arith.constant 16 : i32
      %mul3A_719 = arith.muli %scan3A_600, %mul3A_718 : i32
      %add3A_720 = arith.constant 9600 : i32
      %add3A_721 = arith.addi %add3A_720, %mul3A_719 : i32
      %get3A_722 = arith.index_cast %add3A_721 : i32 to index
      %get3A_723 = tpu.vector_load %arg8[%get3A_722] {strides = array<i32>} : memref<10240xf32, #tpu.memory_space<vmem>>, vector<16xf32>,
      %get3A_724 = vector.shape_cast %get3A_723 : vector<16xf32> to vector<16xf32>
      %add3A_725 = arith.addf %add3A_717, %get3A_724 : vector<16xf32>
      %mul3A_726 = arith.constant 16 : i32
      %mul3A_727 = arith.muli %scan3A_600, %mul3A_726 : i32
      %swap3A_728 = arith.index_cast %mul3A_727 : i32 to index
      %swap3A_729 = tpu.vector_load %arg9[%swap3A_728] {strides = array<i32>} : memref<640xf32, #tpu.memory_space<vmem>>, vector<16xf32>,
      %swap3A_730 = vector.shape_cast %swap3A_729 : vector<16xf32> to vector<16xf32>
      %swap3A_731 = vector.shape_cast %add3A_725 : vector<16xf32> to vector<16xf32>
      tpu.vector_store %arg9[%swap3A_728], %swap3A_731 {strides = array<i32>} : memref<640xf32, #tpu.memory_space<vmem>>, vector<16xf32>,
      %scan3A_732 = arith.constant 2 : i32
      %scan3A_733 = arith.addi %scan3A_467, %scan3A_732 : i32
      %mul3A_734 = arith.constant 16 : i32
      %mul3A_735 = arith.muli %scan3A_733, %mul3A_734 : i32
      %get3A_736 = arith.index_cast %mul3A_735 : i32 to index
      %get3A_737 = tpu.vector_load %arg8[%get3A_736] {strides = array<i32>} : memref<10240xf32, #tpu.memory_space<vmem>>, vector<16xf32>,
      %get3A_738 = vector.shape_cast %get3A_737 : vector<16xf32> to vector<16xf32>
      %mul3A_739 = arith.constant 16 : i32
      %mul3A_740 = arith.muli %scan3A_733, %mul3A_739 : i32
      %add3A_741 = arith.constant 640 : i32
      %add3A_742 = arith.addi %add3A_741, %mul3A_740 : i32
      %get3A_743 = arith.index_cast %add3A_742 : i32 to index
      %get3A_744 = tpu.vector_load %arg8[%get3A_743] {strides = array<i32>} : memref<10240xf32, #tpu.memory_space<vmem>>, vector<16xf32>,
      %get3A_745 = vector.shape_cast %get3A_744 : vector<16xf32> to vector<16xf32>
      %add3A_746 = arith.addf %get3A_738, %get3A_745 : vector<16xf32>
      %mul3A_747 = arith.constant 16 : i32
      %mul3A_748 = arith.muli %scan3A_733, %mul3A_747 : i32
      %add3A_749 = arith.constant 1280 : i32
      %add3A_750 = arith.addi %add3A_749, %mul3A_748 : i32
      %get3A_751 = arith.index_cast %add3A_750 : i32 to index
      %get3A_752 = tpu.vector_load %arg8[%get3A_751] {strides = array<i32>} : memref<10240xf32, #tpu.memory_space<vmem>>, vector<16xf32>,
      %get3A_753 = vector.shape_cast %get3A_752 : vector<16xf32> to vector<16xf32>
      %add3A_754 = arith.addf %add3A_746, %get3A_753 : vector<16xf32>
      %mul3A_755 = arith.constant 16 : i32
      %mul3A_756 = arith.muli %scan3A_733, %mul3A_755 : i32
      %add3A_757 = arith.constant 1920 : i32
      %add3A_758 = arith.addi %add3A_757, %mul3A_756 : i32
      %get3A_759 = arith.index_cast %add3A_758 : i32 to index
      %get3A_760 = tpu.vector_load %arg8[%get3A_759] {strides = array<i32>} : memref<10240xf32, #tpu.memory_space<vmem>>, vector<16xf32>,
      %get3A_761 = vector.shape_cast %get3A_760 : vector<16xf32> to vector<16xf32>
      %add3A_762 = arith.addf %add3A_754, %get3A_761 : vector<16xf32>
      %mul3A_763 = arith.constant 16 : i32
      %mul3A_764 = arith.muli %scan3A_733, %mul3A_763 : i32
      %add3A_765 = arith.constant 2560 : i32
      %add3A_766 = arith.addi %add3A_765, %mul3A_764 : i32
      %get3A_767 = arith.index_cast %add3A_766 : i32 to index
      %get3A_768 = tpu.vector_load %arg8[%get3A_767] {strides = array<i32>} : memref<10240xf32, #tpu.memory_space<vmem>>, vector<16xf32>,
      %get3A_769 = vector.shape_cast %get3A_768 : vector<16xf32> to vector<16xf32>
      %add3A_770 = arith.addf %add3A_762, %get3A_769 : vector<16xf32>
      %mul3A_771 = arith.constant 16 : i32
      %mul3A_772 = arith.muli %scan3A_733, %mul3A_771 : i32
      %add3A_773 = arith.constant 3200 : i32
      %add3A_774 = arith.addi %add3A_773, %mul3A_772 : i32
      %get3A_775 = arith.index_cast %add3A_774 : i32 to index
      %get3A_776 = tpu.vector_load %arg8[%get3A_775] {strides = array<i32>} : memref<10240xf32, #tpu.memory_space<vmem>>, vector<16xf32>,
      %get3A_777 = vector.shape_cast %get3A_776 : vector<16xf32> to vector<16xf32>
      %add3A_778 = arith.addf %add3A_770, %get3A_777 : vector<16xf32>
      %mul3A_779 = arith.constant 16 : i32
      %mul3A_780 = arith.muli %scan3A_733, %mul3A_779 : i32
      %add3A_781 = arith.constant 3840 : i32
      %add3A_782 = arith.addi %add3A_781, %mul3A_780 : i32
      %get3A_783 = arith.index_cast %add3A_782 : i32 to index
      %get3A_784 = tpu.vector_load %arg8[%get3A_783] {strides = array<i32>} : memref<10240xf32, #tpu.memory_space<vmem>>, vector<16xf32>,
      %get3A_785 = vector.shape_cast %get3A_784 : vector<16xf32> to vector<16xf32>
      %add3A_786 = arith.addf %add3A_778, %get3A_785 : vector<16xf32>
      %mul3A_787 = arith.constant 16 : i32
      %mul3A_788 = arith.muli %scan3A_733, %mul3A_787 : i32
      %add3A_789 = arith.constant 4480 : i32
      %add3A_790 = arith.addi %add3A_789, %mul3A_788 : i32
      %get3A_791 = arith.index_cast %add3A_790 : i32 to index
      %get3A_792 = tpu.vector_load %arg8[%get3A_791] {strides = array<i32>} : memref<10240xf32, #tpu.memory_space<vmem>>, vector<16xf32>,
      %get3A_793 = vector.shape_cast %get3A_792 : vector<16xf32> to vector<16xf32>
      %add3A_794 = arith.addf %add3A_786, %get3A_793 : vector<16xf32>
      %mul3A_795 = arith.constant 16 : i32
      %mul3A_796 = arith.muli %scan3A_733, %mul3A_795 : i32
      %add3A_797 = arith.constant 5120 : i32
      %add3A_798 = arith.addi %add3A_797, %mul3A_796 : i32
      %get3A_799 = arith.index_cast %add3A_798 : i32 to index
      %get3A_800 = tpu.vector_load %arg8[%get3A_799] {strides = array<i32>} : memref<10240xf32, #tpu.memory_space<vmem>>, vector<16xf32>,
      %get3A_801 = vector.shape_cast %get3A_800 : vector<16xf32> to vector<16xf32>
      %add3A_802 = arith.addf %add3A_794, %get3A_801 : vector<16xf32>
      %mul3A_803 = arith.constant 16 : i32
      %mul3A_804 = arith.muli %scan3A_733, %mul3A_803 : i32
      %add3A_805 = arith.constant 5760 : i32
      %add3A_806 = arith.addi %add3A_805, %mul3A_804 : i32
      %get3A_807 = arith.index_cast %add3A_806 : i32 to index
      %get3A_808 = tpu.vector_load %arg8[%get3A_807] {strides = array<i32>} : memref<10240xf32, #tpu.memory_space<vmem>>, vector<16xf32>,
      %get3A_809 = vector.shape_cast %get3A_808 : vector<16xf32> to vector<16xf32>
      %add3A_810 = arith.addf %add3A_802, %get3A_809 : vector<16xf32>
      %mul3A_811 = arith.constant 16 : i32
      %mul3A_812 = arith.muli %scan3A_733, %mul3A_811 : i32
      %add3A_813 = arith.constant 6400 : i32
      %add3A_814 = arith.addi %add3A_813, %mul3A_812 : i32
      %get3A_815 = arith.index_cast %add3A_814 : i32 to index
      %get3A_816 = tpu.vector_load %arg8[%get3A_815] {strides = array<i32>} : memref<10240xf32, #tpu.memory_space<vmem>>, vector<16xf32>,
      %get3A_817 = vector.shape_cast %get3A_816 : vector<16xf32> to vector<16xf32>
      %add3A_818 = arith.addf %add3A_810, %get3A_817 : vector<16xf32>
      %mul3A_819 = arith.constant 16 : i32
      %mul3A_820 = arith.muli %scan3A_733, %mul3A_819 : i32
      %add3A_821 = arith.constant 7040 : i32
      %add3A_822 = arith.addi %add3A_821, %mul3A_820 : i32
      %get3A_823 = arith.index_cast %add3A_822 : i32 to index
      %get3A_824 = tpu.vector_load %arg8[%get3A_823] {strides = array<i32>} : memref<10240xf32, #tpu.memory_space<vmem>>, vector<16xf32>,
      %get3A_825 = vector.shape_cast %get3A_824 : vector<16xf32> to vector<16xf32>
      %add3A_826 = arith.addf %add3A_818, %get3A_825 : vector<16xf32>
      %mul3A_827 = arith.constant 16 : i32
      %mul3A_828 = arith.muli %scan3A_733, %mul3A_827 : i32
      %add3A_829 = arith.constant 7680 : i32
      %add3A_830 = arith.addi %add3A_829, %mul3A_828 : i32
      %get3A_831 = arith.index_cast %add3A_830 : i32 to index
      %get3A_832 = tpu.vector_load %arg8[%get3A_831] {strides = array<i32>} : memref<10240xf32, #tpu.memory_space<vmem>>, vector<16xf32>,
      %get3A_833 = vector.shape_cast %get3A_832 : vector<16xf32> to vector<16xf32>
      %add3A_834 = arith.addf %add3A_826, %get3A_833 : vector<16xf32>
      %mul3A_835 = arith.constant 16 : i32
      %mul3A_836 = arith.muli %scan3A_733, %mul3A_835 : i32
      %add3A_837 = arith.constant 8320 : i32
      %add3A_838 = arith.addi %add3A_837, %mul3A_836 : i32
      %get3A_839 = arith.index_cast %add3A_838 : i32 to index
      %get3A_840 = tpu.vector_load %arg8[%get3A_839] {strides = array<i32>} : memref<10240xf32, #tpu.memory_space<vmem>>, vector<16xf32>,
      %get3A_841 = vector.shape_cast %get3A_840 : vector<16xf32> to vector<16xf32>
      %add3A_842 = arith.addf %add3A_834, %get3A_841 : vector<16xf32>
      %mul3A_843 = arith.constant 16 : i32
      %mul3A_844 = arith.muli %scan3A_733, %mul3A_843 : i32
      %add3A_845 = arith.constant 8960 : i32
      %add3A_846 = arith.addi %add3A_845, %mul3A_844 : i32
      %get3A_847 = arith.index_cast %add3A_846 : i32 to index
      %get3A_848 = tpu.vector_load %arg8[%get3A_847] {strides = array<i32>} : memref<10240xf32, #tpu.memory_space<vmem>>, vector<16xf32>,
      %get3A_849 = vector.shape_cast %get3A_848 : vector<16xf32> to vector<16xf32>
      %add3A_850 = arith.addf %add3A_842, %get3A_849 : vector<16xf32>
      %mul3A_851 = arith.constant 16 : i32
      %mul3A_852 = arith.muli %scan3A_733, %mul3A_851 : i32
      %add3A_853 = arith.constant 9600 : i32
      %add3A_854 = arith.addi %add3A_853, %mul3A_852 : i32
      %get3A_855 = arith.index_cast %add3A_854 : i32 to index
      %get3A_856 = tpu.vector_load %arg8[%get3A_855] {strides = array<i32>} : memref<10240xf32, #tpu.memory_space<vmem>>, vector<16xf32>,
      %get3A_857 = vector.shape_cast %get3A_856 : vector<16xf32> to vector<16xf32>
      %add3A_858 = arith.addf %add3A_850, %get3A_857 : vector<16xf32>
      %mul3A_859 = arith.constant 16 : i32
      %mul3A_860 = arith.muli %scan3A_733, %mul3A_859 : i32
      %swap3A_861 = arith.index_cast %mul3A_860 : i32 to index
      %swap3A_862 = tpu.vector_load %arg9[%swap3A_861] {strides = array<i32>} : memref<640xf32, #tpu.memory_space<vmem>>, vector<16xf32>,
      %swap3A_863 = vector.shape_cast %swap3A_862 : vector<16xf32> to vector<16xf32>
      %swap3A_864 = vector.shape_cast %add3A_858 : vector<16xf32> to vector<16xf32>
      tpu.vector_store %arg9[%swap3A_861], %swap3A_864 {strides = array<i32>} : memref<640xf32, #tpu.memory_space<vmem>>, vector<16xf32>,
      %scan3A_865 = arith.constant 3 : i32
      %scan3A_866 = arith.addi %scan3A_467, %scan3A_865 : i32
      %mul3A_867 = arith.constant 16 : i32
      %mul3A_868 = arith.muli %scan3A_866, %mul3A_867 : i32
      %get3A_869 = arith.index_cast %mul3A_868 : i32 to index
      %get3A_870 = tpu.vector_load %arg8[%get3A_869] {strides = array<i32>} : memref<10240xf32, #tpu.memory_space<vmem>>, vector<16xf32>,
      %get3A_871 = vector.shape_cast %get3A_870 : vector<16xf32> to vector<16xf32>
      %mul3A_872 = arith.constant 16 : i32
      %mul3A_873 = arith.muli %scan3A_866, %mul3A_872 : i32
      %add3A_874 = arith.constant 640 : i32
      %add3A_875 = arith.addi %add3A_874, %mul3A_873 : i32
      %get3A_876 = arith.index_cast %add3A_875 : i32 to index
      %get3A_877 = tpu.vector_load %arg8[%get3A_876] {strides = array<i32>} : memref<10240xf32, #tpu.memory_space<vmem>>, vector<16xf32>,
      %get3A_878 = vector.shape_cast %get3A_877 : vector<16xf32> to vector<16xf32>
      %add3A_879 = arith.addf %get3A_871, %get3A_878 : vector<16xf32>
      %mul3A_880 = arith.constant 16 : i32
      %mul3A_881 = arith.muli %scan3A_866, %mul3A_880 : i32
      %add3A_882 = arith.constant 1280 : i32
      %add3A_883 = arith.addi %add3A_882, %mul3A_881 : i32
      %get3A_884 = arith.index_cast %add3A_883 : i32 to index
      %get3A_885 = tpu.vector_load %arg8[%get3A_884] {strides = array<i32>} : memref<10240xf32, #tpu.memory_space<vmem>>, vector<16xf32>,
      %get3A_886 = vector.shape_cast %get3A_885 : vector<16xf32> to vector<16xf32>
      %add3A_887 = arith.addf %add3A_879, %get3A_886 : vector<16xf32>
      %mul3A_888 = arith.constant 16 : i32
      %mul3A_889 = arith.muli %scan3A_866, %mul3A_888 : i32
      %add3A_890 = arith.constant 1920 : i32
      %add3A_891 = arith.addi %add3A_890, %mul3A_889 : i32
      %get3A_892 = arith.index_cast %add3A_891 : i32 to index
      %get3A_893 = tpu.vector_load %arg8[%get3A_892] {strides = array<i32>} : memref<10240xf32, #tpu.memory_space<vmem>>, vector<16xf32>,
      %get3A_894 = vector.shape_cast %get3A_893 : vector<16xf32> to vector<16xf32>
      %add3A_895 = arith.addf %add3A_887, %get3A_894 : vector<16xf32>
      %mul3A_896 = arith.constant 16 : i32
      %mul3A_897 = arith.muli %scan3A_866, %mul3A_896 : i32
      %add3A_898 = arith.constant 2560 : i32
      %add3A_899 = arith.addi %add3A_898, %mul3A_897 : i32
      %get3A_900 = arith.index_cast %add3A_899 : i32 to index
      %get3A_901 = tpu.vector_load %arg8[%get3A_900] {strides = array<i32>} : memref<10240xf32, #tpu.memory_space<vmem>>, vector<16xf32>,
      %get3A_902 = vector.shape_cast %get3A_901 : vector<16xf32> to vector<16xf32>
      %add3A_903 = arith.addf %add3A_895, %get3A_902 : vector<16xf32>
      %mul3A_904 = arith.constant 16 : i32
      %mul3A_905 = arith.muli %scan3A_866, %mul3A_904 : i32
      %add3A_906 = arith.constant 3200 : i32
      %add3A_907 = arith.addi %add3A_906, %mul3A_905 : i32
      %get3A_908 = arith.index_cast %add3A_907 : i32 to index
      %get3A_909 = tpu.vector_load %arg8[%get3A_908] {strides = array<i32>} : memref<10240xf32, #tpu.memory_space<vmem>>, vector<16xf32>,
      %get3A_910 = vector.shape_cast %get3A_909 : vector<16xf32> to vector<16xf32>
      %add3A_911 = arith.addf %add3A_903, %get3A_910 : vector<16xf32>
      %mul3A_912 = arith.constant 16 : i32
      %mul3A_913 = arith.muli %scan3A_866, %mul3A_912 : i32
      %add3A_914 = arith.constant 3840 : i32
      %add3A_915 = arith.addi %add3A_914, %mul3A_913 : i32
      %get3A_916 = arith.index_cast %add3A_915 : i32 to index
      %get3A_917 = tpu.vector_load %arg8[%get3A_916] {strides = array<i32>} : memref<10240xf32, #tpu.memory_space<vmem>>, vector<16xf32>,
      %get3A_918 = vector.shape_cast %get3A_917 : vector<16xf32> to vector<16xf32>
      %add3A_919 = arith.addf %add3A_911, %get3A_918 : vector<16xf32>
      %mul3A_920 = arith.constant 16 : i32
      %mul3A_921 = arith.muli %scan3A_866, %mul3A_920 : i32
      %add3A_922 = arith.constant 4480 : i32
      %add3A_923 = arith.addi %add3A_922, %mul3A_921 : i32
      %get3A_924 = arith.index_cast %add3A_923 : i32 to index
      %get3A_925 = tpu.vector_load %arg8[%get3A_924] {strides = array<i32>} : memref<10240xf32, #tpu.memory_space<vmem>>, vector<16xf32>,
      %get3A_926 = vector.shape_cast %get3A_925 : vector<16xf32> to vector<16xf32>
      %add3A_927 = arith.addf %add3A_919, %get3A_926 : vector<16xf32>
      %mul3A_928 = arith.constant 16 : i32
      %mul3A_929 = arith.muli %scan3A_866, %mul3A_928 : i32
      %add3A_930 = arith.constant 5120 : i32
      %add3A_931 = arith.addi %add3A_930, %mul3A_929 : i32
      %get3A_932 = arith.index_cast %add3A_931 : i32 to index
      %get3A_933 = tpu.vector_load %arg8[%get3A_932] {strides = array<i32>} : memref<10240xf32, #tpu.memory_space<vmem>>, vector<16xf32>,
      %get3A_934 = vector.shape_cast %get3A_933 : vector<16xf32> to vector<16xf32>
      %add3A_935 = arith.addf %add3A_927, %get3A_934 : vector<16xf32>
      %mul3A_936 = arith.constant 16 : i32
      %mul3A_937 = arith.muli %scan3A_866, %mul3A_936 : i32
      %add3A_938 = arith.constant 5760 : i32
      %add3A_939 = arith.addi %add3A_938, %mul3A_937 : i32
      %get3A_940 = arith.index_cast %add3A_939 : i32 to index
      %get3A_941 = tpu.vector_load %arg8[%get3A_940] {strides = array<i32>} : memref<10240xf32, #tpu.memory_space<vmem>>, vector<16xf32>,
      %get3A_942 = vector.shape_cast %get3A_941 : vector<16xf32> to vector<16xf32>
      %add3A_943 = arith.addf %add3A_935, %get3A_942 : vector<16xf32>
      %mul3A_944 = arith.constant 16 : i32
      %mul3A_945 = arith.muli %scan3A_866, %mul3A_944 : i32
      %add3A_946 = arith.constant 6400 : i32
      %add3A_947 = arith.addi %add3A_946, %mul3A_945 : i32
      %get3A_948 = arith.index_cast %add3A_947 : i32 to index
      %get3A_949 = tpu.vector_load %arg8[%get3A_948] {strides = array<i32>} : memref<10240xf32, #tpu.memory_space<vmem>>, vector<16xf32>,
      %get3A_950 = vector.shape_cast %get3A_949 : vector<16xf32> to vector<16xf32>
      %add3A_951 = arith.addf %add3A_943, %get3A_950 : vector<16xf32>
      %mul3A_952 = arith.constant 16 : i32
      %mul3A_953 = arith.muli %scan3A_866, %mul3A_952 : i32
      %add3A_954 = arith.constant 7040 : i32
      %add3A_955 = arith.addi %add3A_954, %mul3A_953 : i32
      %get3A_956 = arith.index_cast %add3A_955 : i32 to index
      %get3A_957 = tpu.vector_load %arg8[%get3A_956] {strides = array<i32>} : memref<10240xf32, #tpu.memory_space<vmem>>, vector<16xf32>,
      %get3A_958 = vector.shape_cast %get3A_957 : vector<16xf32> to vector<16xf32>
      %add3A_959 = arith.addf %add3A_951, %get3A_958 : vector<16xf32>
      %mul3A_960 = arith.constant 16 : i32
      %mul3A_961 = arith.muli %scan3A_866, %mul3A_960 : i32
      %add3A_962 = arith.constant 7680 : i32
      %add3A_963 = arith.addi %add3A_962, %mul3A_961 : i32
      %get3A_964 = arith.index_cast %add3A_963 : i32 to index
      %get3A_965 = tpu.vector_load %arg8[%get3A_964] {strides = array<i32>} : memref<10240xf32, #tpu.memory_space<vmem>>, vector<16xf32>,
      %get3A_966 = vector.shape_cast %get3A_965 : vector<16xf32> to vector<16xf32>
      %add3A_967 = arith.addf %add3A_959, %get3A_966 : vector<16xf32>
      %mul3A_968 = arith.constant 16 : i32
      %mul3A_969 = arith.muli %scan3A_866, %mul3A_968 : i32
      %add3A_970 = arith.constant 8320 : i32
      %add3A_971 = arith.addi %add3A_970, %mul3A_969 : i32
      %get3A_972 = arith.index_cast %add3A_971 : i32 to index
      %get3A_973 = tpu.vector_load %arg8[%get3A_972] {strides = array<i32>} : memref<10240xf32, #tpu.memory_space<vmem>>, vector<16xf32>,
      %get3A_974 = vector.shape_cast %get3A_973 : vector<16xf32> to vector<16xf32>
      %add3A_975 = arith.addf %add3A_967, %get3A_974 : vector<16xf32>
      %mul3A_976 = arith.constant 16 : i32
      %mul3A_977 = arith.muli %scan3A_866, %mul3A_976 : i32
      %add3A_978 = arith.constant 8960 : i32
      %add3A_979 = arith.addi %add3A_978, %mul3A_977 : i32
      %get3A_980 = arith.index_cast %add3A_979 : i32 to index
      %get3A_981 = tpu.vector_load %arg8[%get3A_980] {strides = array<i32>} : memref<10240xf32, #tpu.memory_space<vmem>>, vector<16xf32>,
      %get3A_982 = vector.shape_cast %get3A_981 : vector<16xf32> to vector<16xf32>
      %add3A_983 = arith.addf %add3A_975, %get3A_982 : vector<16xf32>
      %mul3A_984 = arith.constant 16 : i32
      %mul3A_985 = arith.muli %scan3A_866, %mul3A_984 : i32
      %add3A_986 = arith.constant 9600 : i32
      %add3A_987 = arith.addi %add3A_986, %mul3A_985 : i32
      %get3A_988 = arith.index_cast %add3A_987 : i32 to index
      %get3A_989 = tpu.vector_load %arg8[%get3A_988] {strides = array<i32>} : memref<10240xf32, #tpu.memory_space<vmem>>, vector<16xf32>,
      %get3A_990 = vector.shape_cast %get3A_989 : vector<16xf32> to vector<16xf32>
      %add3A_991 = arith.addf %add3A_983, %get3A_990 : vector<16xf32>
      %mul3A_992 = arith.constant 16 : i32
      %mul3A_993 = arith.muli %scan3A_866, %mul3A_992 : i32
      %swap3A_994 = arith.index_cast %mul3A_993 : i32 to index
      %swap3A_995 = tpu.vector_load %arg9[%swap3A_994] {strides = array<i32>} : memref<640xf32, #tpu.memory_space<vmem>>, vector<16xf32>,
      %swap3A_996 = vector.shape_cast %swap3A_995 : vector<16xf32> to vector<16xf32>
      %swap3A_997 = vector.shape_cast %add3A_991 : vector<16xf32> to vector<16xf32>
      tpu.vector_store %arg9[%swap3A_994], %swap3A_997 {strides = array<i32>} : memref<640xf32, #tpu.memory_space<vmem>>, vector<16xf32>,
    }
    %scan3A_466 = arith.constant 40 : i32
    "tpu.region"() ({
      %run_scoped3A = tpu.sem_alloc : memref<!tpu.dma_semaphore, #tpu.memory_space<semaphore_mem>>
      %dma_start3A_467 = arith.constant 0 : i32
      %dma_start3A_468 = tpu.memref_slice %arg4[%arg0, %dma_start3A_467] : memref<2x10240xf32, #tpu.memory_space<hbm>> -> memref<1x10240xf32, #tpu.memory_space<hbm>>
      %dma_start3A_469 = tpu.memref_squeeze %dma_start3A_468 : memref<1x10240xf32, #tpu.memory_space<hbm>> -> memref<10240xf32, #tpu.memory_space<hbm>>
      %dma_start3A_470 = tpu.memref_slice %dma_start3A_469[%mul3A_48] : memref<10240xf32, #tpu.memory_space<hbm>> -> memref<640xf32, #tpu.memory_space<hbm>>
      %dma_start3A_471 = arith.constant 0 : i32
      %dma_start3A_472 = tpu.memref_slice %arg4[%arg0, %dma_start3A_471] : memref<2x10240xf32, #tpu.memory_space<hbm>> -> memref<1x10240xf32, #tpu.memory_space<hbm>>
      %dma_start3A_473 = tpu.memref_squeeze %dma_start3A_472 : memref<1x10240xf32, #tpu.memory_space<hbm>> -> memref<10240xf32, #tpu.memory_space<hbm>>
      %dma_start3A_474 = tpu.memref_slice %dma_start3A_473[%mul3A_48] : memref<10240xf32, #tpu.memory_space<hbm>> -> memref<640xf32, #tpu.memory_space<hbm>>
      tpu.enqueue_dma source(%arg9 : memref<640xf32, #tpu.memory_space<vmem>>) target(%dma_start3A_474 : memref<640xf32, #tpu.memory_space<hbm>>) target_semaphore(%run_scoped3A : memref<!tpu.dma_semaphore, #tpu.memory_space<semaphore_mem>>)
      %dma_wait3A_475 = arith.constant 0 : i32
      %dma_wait3A_476 = tpu.memref_slice %arg4[%arg0, %dma_wait3A_475] : memref<2x10240xf32, #tpu.memory_space<hbm>> -> memref<1x10240xf32, #tpu.memory_space<hbm>>
      %dma_wait3A_477 = tpu.memref_squeeze %dma_wait3A_476 : memref<1x10240xf32, #tpu.memory_space<hbm>> -> memref<10240xf32, #tpu.memory_space<hbm>>
      %dma_wait3A_478 = tpu.memref_slice %dma_wait3A_477[%mul3A_48] : memref<10240xf32, #tpu.memory_space<hbm>> -> memref<640xf32, #tpu.memory_space<hbm>>
      %dma_wait3A_479 = arith.constant 0 : i32
      %dma_wait3A_480 = tpu.memref_slice %arg4[%arg0, %dma_wait3A_479] : memref<2x10240xf32, #tpu.memory_space<hbm>> -> memref<1x10240xf32, #tpu.memory_space<hbm>>
      %dma_wait3A_481 = tpu.memref_squeeze %dma_wait3A_480 : memref<1x10240xf32, #tpu.memory_space<hbm>> -> memref<10240xf32, #tpu.memory_space<hbm>>
      %dma_wait3A_482 = tpu.memref_slice %dma_wait3A_481[%mul3A_48] : memref<10240xf32, #tpu.memory_space<hbm>> -> memref<640xf32, #tpu.memory_space<hbm>>
      tpu.wait_dma2 semaphore(%run_scoped3A : memref<!tpu.dma_semaphore, #tpu.memory_space<semaphore_mem>>) src(%arg9 : memref<640xf32, #tpu.memory_space<vmem>>) dst(%dma_wait3A_482 : memref<640xf32, #tpu.memory_space<hbm>>)
      tpu.yield
    }) : () -> ()
    return
  }
}

#map = affine_map<(d0, d1) -> (0, 0)>
#map1 = affine_map<(d0, d1) -> (0)>
module attributes {stable_mosaic.version = 14 : i64} {
  func.func @_sc_agg(%arg0: i32, %arg1: i32, %arg2: memref<2x320000xi32, #tpu.memory_space<hbm>>, %arg3: memref<10240xf32, #tpu.memory_space<hbm>>, %arg4: memref<10240xf32, #tpu.memory_space<hbm>>, %arg5: memref<2x10240xf32, #tpu.memory_space<hbm>>, %arg6: memref<10240xi32, #tpu.memory_space<vmem>>, %arg7: memref<10240xi32, #tpu.memory_space<vmem>>, %arg8: memref<10240xf32, #tpu.memory_space<vmem>>, %arg9: memref<10240xf32, #tpu.memory_space<vmem>>, %arg10: memref<10240xf32, #tpu.memory_space<vmem>>, %arg11: memref<640xf32, #tpu.memory_space<vmem>>, %arg12: memref<163840xf32, #tpu.memory_space<vmem_shared>>, %arg13: memref<!tpu.dma_semaphore, #tpu.memory_space<semaphore_mem>>, %arg14: memref<!tpu.dma_semaphore, #tpu.memory_space<semaphore_mem>>) attributes {dimension_semantics = [#tpu.dimension_semantics<core_parallel>, #tpu.dimension_semantics<subcore_parallel>], iteration_bounds = array<i64: 2, 16>, scalar_prefetch = 0 : i64, scratch_operands = 9 : i64, tpu.core_type = #tpu.core_type<sc_vector_subcore>, window_params = [{transform_indices = #map}, {transform_indices = #map1}, {transform_indices = #map1}, {transform_indices = #map}]} {
    %mul3A = arith.constant 16 : i32
    %mul3A_0 = arith.muli %arg0, %mul3A : i32
    %add3A = arith.addi %mul3A_0, %arg1 : i32
    %mul3A_1 = arith.constant 10000 : i32
    %mul3A_2 = arith.muli %add3A, %mul3A_1 : i32
    %jit3A = arith.constant 128 : i32
    %div3A = arith.divsi %mul3A_2, %jit3A : i32
    %sign3A = arith.constant 0 : i32
    %sign3A_3 = arith.cmpi sgt, %mul3A_2, %sign3A : i32
    %sign3A_4 = arith.extui %sign3A_3 : i1 to i32
    %sign3A_5 = arith.constant 0 : i32
    %sign3A_6 = arith.cmpi slt, %mul3A_2, %sign3A_5 : i32
    %sign3A_7 = arith.extui %sign3A_6 : i1 to i32
    %sign3A_8 = arith.subi %sign3A_4, %sign3A_7 : i32
    %sign3A_9 = arith.constant 0 : i32
    %sign3A_10 = arith.cmpi sgt, %jit3A, %sign3A_9 : i32
    %sign3A_11 = arith.extui %sign3A_10 : i1 to i32
    %sign3A_12 = arith.constant 0 : i32
    %sign3A_13 = arith.cmpi slt, %jit3A, %sign3A_12 : i32
    %sign3A_14 = arith.extui %sign3A_13 : i1 to i32
    %sign3A_15 = arith.subi %sign3A_11, %sign3A_14 : i32
    %ne3A = arith.cmpi ne, %sign3A_8, %sign3A_15 : i32
    %rem3A = arith.remsi %mul3A_2, %jit3A : i32
    %ne3A_16 = arith.constant 0 : i32
    %ne3A_17 = arith.cmpi ne, %rem3A, %ne3A_16 : i32
    %and3A = arith.andi %ne3A, %ne3A_17 : i1
    %sub3A = arith.constant 1 : i32
    %sub3A_18 = arith.subi %div3A, %sub3A : i32
    %select_n3A = arith.select %and3A, %sub3A_18, %div3A : i32
    %mul3A_19 = arith.constant 128 : i32
    %mul3A_20 = arith.muli %select_n3A, %mul3A_19 : i32
    %min3A = arith.constant 309760 : i32
    %min3A_21 = arith.minsi %mul3A_20, %min3A : i32
    %multiple_of3A = tpu.assume_multiple %min3A_21, 128 : i32
    %sub3A_22 = arith.subi %mul3A_2, %multiple_of3A : i32
    %jit3A_23 = arith.constant 16 : i32
    %div3A_24 = arith.divsi %sub3A_22, %jit3A_23 : i32
    %sign3A_25 = arith.constant 0 : i32
    %sign3A_26 = arith.cmpi sgt, %sub3A_22, %sign3A_25 : i32
    %sign3A_27 = arith.extui %sign3A_26 : i1 to i32
    %sign3A_28 = arith.constant 0 : i32
    %sign3A_29 = arith.cmpi slt, %sub3A_22, %sign3A_28 : i32
    %sign3A_30 = arith.extui %sign3A_29 : i1 to i32
    %sign3A_31 = arith.subi %sign3A_27, %sign3A_30 : i32
    %sign3A_32 = arith.constant 0 : i32
    %sign3A_33 = arith.cmpi sgt, %jit3A_23, %sign3A_32 : i32
    %sign3A_34 = arith.extui %sign3A_33 : i1 to i32
    %sign3A_35 = arith.constant 0 : i32
    %sign3A_36 = arith.cmpi slt, %jit3A_23, %sign3A_35 : i32
    %sign3A_37 = arith.extui %sign3A_36 : i1 to i32
    %sign3A_38 = arith.subi %sign3A_34, %sign3A_37 : i32
    %ne3A_39 = arith.cmpi ne, %sign3A_31, %sign3A_38 : i32
    %rem3A_40 = arith.remsi %sub3A_22, %jit3A_23 : i32
    %ne3A_41 = arith.constant 0 : i32
    %ne3A_42 = arith.cmpi ne, %rem3A_40, %ne3A_41 : i32
    %and3A_43 = arith.andi %ne3A_39, %ne3A_42 : i1
    %sub3A_44 = arith.constant 1 : i32
    %sub3A_45 = arith.subi %div3A_24, %sub3A_44 : i32
    %select_n3A_46 = arith.select %and3A_43, %sub3A_45, %div3A_24 : i32
    %mul3A_47 = arith.constant 640 : i32
    %mul3A_48 = arith.muli %arg1, %mul3A_47 : i32
    %dma_start3A = arith.constant 0 : i32
    %dma_start3A_49 = arith.constant 0 : i32
    %dma_start3A_50 = tpu.memref_slice %arg2[%dma_start3A, %dma_start3A_49] : memref<2x320000xi32, #tpu.memory_space<hbm>> -> memref<1x320000xi32, #tpu.memory_space<hbm>>
    %dma_start3A_51 = tpu.memref_squeeze %dma_start3A_50 : memref<1x320000xi32, #tpu.memory_space<hbm>> -> memref<320000xi32, #tpu.memory_space<hbm>>
    %dma_start3A_52 = tpu.memref_slice %dma_start3A_51[%multiple_of3A] : memref<320000xi32, #tpu.memory_space<hbm>> -> memref<10240xi32, #tpu.memory_space<hbm>>
    %dma_start3A_53 = arith.constant 0 : i32
    %dma_start3A_54 = tpu.memref_slice %arg2[%dma_start3A, %dma_start3A_53] : memref<2x320000xi32, #tpu.memory_space<hbm>> -> memref<1x320000xi32, #tpu.memory_space<hbm>>
    %dma_start3A_55 = tpu.memref_squeeze %dma_start3A_54 : memref<1x320000xi32, #tpu.memory_space<hbm>> -> memref<320000xi32, #tpu.memory_space<hbm>>
    %dma_start3A_56 = tpu.memref_slice %dma_start3A_55[%multiple_of3A] : memref<320000xi32, #tpu.memory_space<hbm>> -> memref<10240xi32, #tpu.memory_space<hbm>>
    tpu.enqueue_dma source(%dma_start3A_56 : memref<10240xi32, #tpu.memory_space<hbm>>) target(%arg6 : memref<10240xi32, #tpu.memory_space<vmem>>) target_semaphore(%arg13 : memref<!tpu.dma_semaphore, #tpu.memory_space<semaphore_mem>>)
    %dma_start3A_57 = arith.constant 1 : i32
    %dma_start3A_58 = arith.constant 0 : i32
    %dma_start3A_59 = tpu.memref_slice %arg2[%dma_start3A_57, %dma_start3A_58] : memref<2x320000xi32, #tpu.memory_space<hbm>> -> memref<1x320000xi32, #tpu.memory_space<hbm>>
    %dma_start3A_60 = tpu.memref_squeeze %dma_start3A_59 : memref<1x320000xi32, #tpu.memory_space<hbm>> -> memref<320000xi32, #tpu.memory_space<hbm>>
    %dma_start3A_61 = tpu.memref_slice %dma_start3A_60[%multiple_of3A] : memref<320000xi32, #tpu.memory_space<hbm>> -> memref<10240xi32, #tpu.memory_space<hbm>>
    %dma_start3A_62 = arith.constant 0 : i32
    %dma_start3A_63 = tpu.memref_slice %arg2[%dma_start3A_57, %dma_start3A_62] : memref<2x320000xi32, #tpu.memory_space<hbm>> -> memref<1x320000xi32, #tpu.memory_space<hbm>>
    %dma_start3A_64 = tpu.memref_squeeze %dma_start3A_63 : memref<1x320000xi32, #tpu.memory_space<hbm>> -> memref<320000xi32, #tpu.memory_space<hbm>>
    %dma_start3A_65 = tpu.memref_slice %dma_start3A_64[%multiple_of3A] : memref<320000xi32, #tpu.memory_space<hbm>> -> memref<10240xi32, #tpu.memory_space<hbm>>
    tpu.enqueue_dma source(%dma_start3A_65 : memref<10240xi32, #tpu.memory_space<hbm>>) target(%arg7 : memref<10240xi32, #tpu.memory_space<vmem>>) target_semaphore(%arg13 : memref<!tpu.dma_semaphore, #tpu.memory_space<semaphore_mem>>)
    tpu.enqueue_dma source(%arg3 : memref<10240xf32, #tpu.memory_space<hbm>>) target(%arg9 : memref<10240xf32, #tpu.memory_space<vmem>>) target_semaphore(%arg13 : memref<!tpu.dma_semaphore, #tpu.memory_space<semaphore_mem>>)
    %mul3A_66 = arith.constant 10240 : i32
    %mul3A_67 = arith.muli %arg1, %mul3A_66 : i32
    "tpu.region"() ({
      %run_scoped3A = tpu.sem_alloc : memref<!tpu.dma_semaphore, #tpu.memory_space<semaphore_mem>>
      %dma_start3A_465 = tpu.memref_slice %arg12[%mul3A_67] : memref<163840xf32, #tpu.memory_space<vmem_shared>> -> memref<10240xf32, #tpu.memory_space<vmem_shared>>
      tpu.enqueue_dma source(%arg4 : memref<10240xf32, #tpu.memory_space<hbm>>) target(%dma_start3A_465 : memref<10240xf32, #tpu.memory_space<vmem_shared>>) target_semaphore(%run_scoped3A : memref<!tpu.dma_semaphore, #tpu.memory_space<semaphore_mem>>)
      %dma_wait3A_466 = tpu.memref_slice %arg12[%mul3A_67] : memref<163840xf32, #tpu.memory_space<vmem_shared>> -> memref<10240xf32, #tpu.memory_space<vmem_shared>>
      tpu.wait_dma2 semaphore(%run_scoped3A : memref<!tpu.dma_semaphore, #tpu.memory_space<semaphore_mem>>) src(%arg4 : memref<10240xf32, #tpu.memory_space<hbm>>) dst(%dma_wait3A_466 : memref<10240xf32, #tpu.memory_space<vmem_shared>>)
      tpu.yield
    }) : () -> ()
    %dma_wait3A = arith.constant 0 : i32
    %dma_wait3A_68 = arith.constant 0 : i32
    %dma_wait3A_69 = tpu.memref_slice %arg2[%dma_wait3A, %dma_wait3A_68] : memref<2x320000xi32, #tpu.memory_space<hbm>> -> memref<1x320000xi32, #tpu.memory_space<hbm>>
    %dma_wait3A_70 = tpu.memref_squeeze %dma_wait3A_69 : memref<1x320000xi32, #tpu.memory_space<hbm>> -> memref<320000xi32, #tpu.memory_space<hbm>>
    %dma_wait3A_71 = tpu.memref_slice %dma_wait3A_70[%multiple_of3A] : memref<320000xi32, #tpu.memory_space<hbm>> -> memref<10240xi32, #tpu.memory_space<hbm>>
    %dma_wait3A_72 = arith.constant 0 : i32
    %dma_wait3A_73 = tpu.memref_slice %arg2[%dma_wait3A, %dma_wait3A_72] : memref<2x320000xi32, #tpu.memory_space<hbm>> -> memref<1x320000xi32, #tpu.memory_space<hbm>>
    %dma_wait3A_74 = tpu.memref_squeeze %dma_wait3A_73 : memref<1x320000xi32, #tpu.memory_space<hbm>> -> memref<320000xi32, #tpu.memory_space<hbm>>
    %dma_wait3A_75 = tpu.memref_slice %dma_wait3A_74[%multiple_of3A] : memref<320000xi32, #tpu.memory_space<hbm>> -> memref<10240xi32, #tpu.memory_space<hbm>>
    tpu.wait_dma2 semaphore(%arg13 : memref<!tpu.dma_semaphore, #tpu.memory_space<semaphore_mem>>) src(%dma_wait3A_75 : memref<10240xi32, #tpu.memory_space<hbm>>) dst(%arg6 : memref<10240xi32, #tpu.memory_space<vmem>>)
    %dma_wait3A_76 = arith.constant 1 : i32
    %dma_wait3A_77 = arith.constant 0 : i32
    %dma_wait3A_78 = tpu.memref_slice %arg2[%dma_wait3A_76, %dma_wait3A_77] : memref<2x320000xi32, #tpu.memory_space<hbm>> -> memref<1x320000xi32, #tpu.memory_space<hbm>>
    %dma_wait3A_79 = tpu.memref_squeeze %dma_wait3A_78 : memref<1x320000xi32, #tpu.memory_space<hbm>> -> memref<320000xi32, #tpu.memory_space<hbm>>
    %dma_wait3A_80 = tpu.memref_slice %dma_wait3A_79[%multiple_of3A] : memref<320000xi32, #tpu.memory_space<hbm>> -> memref<10240xi32, #tpu.memory_space<hbm>>
    %dma_wait3A_81 = arith.constant 0 : i32
    %dma_wait3A_82 = tpu.memref_slice %arg2[%dma_wait3A_76, %dma_wait3A_81] : memref<2x320000xi32, #tpu.memory_space<hbm>> -> memref<1x320000xi32, #tpu.memory_space<hbm>>
    %dma_wait3A_83 = tpu.memref_squeeze %dma_wait3A_82 : memref<1x320000xi32, #tpu.memory_space<hbm>> -> memref<320000xi32, #tpu.memory_space<hbm>>
    %dma_wait3A_84 = tpu.memref_slice %dma_wait3A_83[%multiple_of3A] : memref<320000xi32, #tpu.memory_space<hbm>> -> memref<10240xi32, #tpu.memory_space<hbm>>
    tpu.wait_dma2 semaphore(%arg13 : memref<!tpu.dma_semaphore, #tpu.memory_space<semaphore_mem>>) src(%dma_wait3A_84 : memref<10240xi32, #tpu.memory_space<hbm>>) dst(%arg7 : memref<10240xi32, #tpu.memory_space<vmem>>)
    tpu.wait_dma2 semaphore(%arg13 : memref<!tpu.dma_semaphore, #tpu.memory_space<semaphore_mem>>) src(%arg3 : memref<10240xf32, #tpu.memory_space<hbm>>) dst(%arg9 : memref<10240xf32, #tpu.memory_space<vmem>>)
    %mul3A_85 = arith.constant 10240 : i32
    %mul3A_86 = arith.muli %arg1, %mul3A_85 : i32
    %broadcast_in_dim3A = arith.constant 0 : i32
    %broadcast_in_dim3A_87 = vector.broadcast %broadcast_in_dim3A : i32 to vector<16xi32>
    %broadcast_in_dim3A_88 = arith.constant 0.000000e+00 : f32
    %broadcast_in_dim3A_89 = vector.broadcast %broadcast_in_dim3A_88 : f32 to vector<16xf32>
    %while3A = arith.constant 0 : i32
    %while3A_90 = arith.constant 0 : i32
    %while3A_91 = arith.subi %select_n3A_46, %while3A_90 : i32
    %while3A_92 = arith.addi %while3A_90, %while3A_91 : i32
    %while3A_93 = arith.constant 1 : i32
    %while3A_94 = arith.divsi %while3A_91, %while3A_93 : i32
    %while3A_95 = arith.muli %while3A_94, %while3A_93 : i32
    %while3A_96 = arith.addi %while3A_90, %while3A_95 : i32
    %while3A_97 = arith.constant 1 : i32
    scf.for %while3A_465 = %while3A_90 to %while3A_96 step %while3A_97  : i32 {
      %mul3A_466 = arith.constant 16 : i32
      %mul3A_467 = arith.muli %while3A_465, %mul3A_466 : i32
      %add3A_468 = vector.broadcast %mul3A_86 : i32 to vector<16xi32>
      %add3A_469 = arith.addi %broadcast_in_dim3A_87, %add3A_468 : vector<16xi32>
      %swap3A_470 = arith.index_cast %mul3A_467 : i32 to index
      %swap3A_471 = tpu.vector_load %arg7[%swap3A_470] {strides = array<i32>} : memref<10240xi32, #tpu.memory_space<vmem>>, vector<16xi32>,
      %swap3A_472 = vector.shape_cast %swap3A_471 : vector<16xi32> to vector<16xi32>
      %swap3A_473 = vector.shape_cast %add3A_469 : vector<16xi32> to vector<16xi32>
      tpu.vector_store %arg7[%swap3A_470], %swap3A_473 {strides = array<i32>} : memref<10240xi32, #tpu.memory_space<vmem>>, vector<16xi32>,
      %swap3A_474 = arith.index_cast %mul3A_467 : i32 to index
      %swap3A_475 = tpu.vector_load %arg8[%swap3A_474] {strides = array<i32>} : memref<10240xf32, #tpu.memory_space<vmem>>, vector<16xf32>,
      %swap3A_476 = vector.shape_cast %swap3A_475 : vector<16xf32> to vector<16xf32>
      %swap3A_477 = vector.shape_cast %broadcast_in_dim3A_89 : vector<16xf32> to vector<16xf32>
      tpu.vector_store %arg8[%swap3A_474], %swap3A_477 {strides = array<i32>} : memref<10240xf32, #tpu.memory_space<vmem>>, vector<16xf32>,
    }
    %while3A_98 = arith.constant 1 : i32
    scf.for %while3A_465 = %while3A_96 to %while3A_92 step %while3A_98  : i32 {
      %mul3A_466 = arith.constant 16 : i32
      %mul3A_467 = arith.muli %while3A_465, %mul3A_466 : i32
      %add3A_468 = vector.broadcast %mul3A_86 : i32 to vector<16xi32>
      %add3A_469 = arith.addi %broadcast_in_dim3A_87, %add3A_468 : vector<16xi32>
      %swap3A_470 = arith.index_cast %mul3A_467 : i32 to index
      %swap3A_471 = tpu.vector_load %arg7[%swap3A_470] {strides = array<i32>} : memref<10240xi32, #tpu.memory_space<vmem>>, vector<16xi32>,
      %swap3A_472 = vector.shape_cast %swap3A_471 : vector<16xi32> to vector<16xi32>
      %swap3A_473 = vector.shape_cast %add3A_469 : vector<16xi32> to vector<16xi32>
      tpu.vector_store %arg7[%swap3A_470], %swap3A_473 {strides = array<i32>} : memref<10240xi32, #tpu.memory_space<vmem>>, vector<16xi32>,
      %swap3A_474 = arith.index_cast %mul3A_467 : i32 to index
      %swap3A_475 = tpu.vector_load %arg8[%swap3A_474] {strides = array<i32>} : memref<10240xf32, #tpu.memory_space<vmem>>, vector<16xf32>,
      %swap3A_476 = vector.shape_cast %swap3A_475 : vector<16xf32> to vector<16xf32>
      %swap3A_477 = vector.shape_cast %broadcast_in_dim3A_89 : vector<16xf32> to vector<16xf32>
      tpu.vector_store %arg8[%swap3A_474], %swap3A_477 {strides = array<i32>} : memref<10240xf32, #tpu.memory_space<vmem>>, vector<16xf32>,
    }
    %sub3A_99 = arith.constant 15 : i32
    %sub3A_100 = arith.subi %sub3A_99, %select_n3A_46 : i32
    %while3A_101 = arith.constant 0 : i32
    %while3A_102 = arith.constant 0 : i32
    %while3A_103 = arith.subi %sub3A_100, %while3A_102 : i32
    %while3A_104 = arith.addi %while3A_102, %while3A_103 : i32
    %while3A_105 = arith.constant 1 : i32
    %while3A_106 = arith.divsi %while3A_103, %while3A_105 : i32
    %while3A_107 = arith.muli %while3A_106, %while3A_105 : i32
    %while3A_108 = arith.addi %while3A_102, %while3A_107 : i32
    %while3A_109 = arith.constant 1 : i32
    scf.for %while3A_465 = %while3A_102 to %while3A_108 step %while3A_109  : i32 {
      %add3A_466 = arith.constant 10000 : i32
      %add3A_467 = arith.addi %sub3A_22, %add3A_466 : i32
      %mul3A_468 = arith.constant 16 : i32
      %mul3A_469 = arith.muli %while3A_465, %mul3A_468 : i32
      %add3A_470 = arith.addi %add3A_467, %mul3A_469 : i32
      %add3A_471 = vector.broadcast %mul3A_86 : i32 to vector<16xi32>
      %add3A_472 = arith.addi %broadcast_in_dim3A_87, %add3A_471 : vector<16xi32>
      %swap3A_473 = arith.index_cast %add3A_470 : i32 to index
      %swap3A_474 = tpu.vector_load %arg7[%swap3A_473] {strides = array<i32>} : memref<10240xi32, #tpu.memory_space<vmem>>, vector<16xi32>,
      %swap3A_475 = vector.shape_cast %swap3A_474 : vector<16xi32> to vector<16xi32>
      %swap3A_476 = vector.shape_cast %add3A_472 : vector<16xi32> to vector<16xi32>
      tpu.vector_store %arg7[%swap3A_473], %swap3A_476 {strides = array<i32>} : memref<10240xi32, #tpu.memory_space<vmem>>, vector<16xi32>,
      %swap3A_477 = arith.index_cast %add3A_470 : i32 to index
      %swap3A_478 = tpu.vector_load %arg8[%swap3A_477] {strides = array<i32>} : memref<10240xf32, #tpu.memory_space<vmem>>, vector<16xf32>,
      %swap3A_479 = vector.shape_cast %swap3A_478 : vector<16xf32> to vector<16xf32>
      %swap3A_480 = vector.shape_cast %broadcast_in_dim3A_89 : vector<16xf32> to vector<16xf32>
      tpu.vector_store %arg8[%swap3A_477], %swap3A_480 {strides = array<i32>} : memref<10240xf32, #tpu.memory_space<vmem>>, vector<16xf32>,
    }
    %while3A_110 = arith.constant 1 : i32
    scf.for %while3A_465 = %while3A_108 to %while3A_104 step %while3A_110  : i32 {
      %add3A_466 = arith.constant 10000 : i32
      %add3A_467 = arith.addi %sub3A_22, %add3A_466 : i32
      %mul3A_468 = arith.constant 16 : i32
      %mul3A_469 = arith.muli %while3A_465, %mul3A_468 : i32
      %add3A_470 = arith.addi %add3A_467, %mul3A_469 : i32
      %add3A_471 = vector.broadcast %mul3A_86 : i32 to vector<16xi32>
      %add3A_472 = arith.addi %broadcast_in_dim3A_87, %add3A_471 : vector<16xi32>
      %swap3A_473 = arith.index_cast %add3A_470 : i32 to index
      %swap3A_474 = tpu.vector_load %arg7[%swap3A_473] {strides = array<i32>} : memref<10240xi32, #tpu.memory_space<vmem>>, vector<16xi32>,
      %swap3A_475 = vector.shape_cast %swap3A_474 : vector<16xi32> to vector<16xi32>
      %swap3A_476 = vector.shape_cast %add3A_472 : vector<16xi32> to vector<16xi32>
      tpu.vector_store %arg7[%swap3A_473], %swap3A_476 {strides = array<i32>} : memref<10240xi32, #tpu.memory_space<vmem>>, vector<16xi32>,
      %swap3A_477 = arith.index_cast %add3A_470 : i32 to index
      %swap3A_478 = tpu.vector_load %arg8[%swap3A_477] {strides = array<i32>} : memref<10240xf32, #tpu.memory_space<vmem>>, vector<16xf32>,
      %swap3A_479 = vector.shape_cast %swap3A_478 : vector<16xf32> to vector<16xf32>
      %swap3A_480 = vector.shape_cast %broadcast_in_dim3A_89 : vector<16xf32> to vector<16xf32>
      tpu.vector_store %arg8[%swap3A_477], %swap3A_480 {strides = array<i32>} : memref<10240xf32, #tpu.memory_space<vmem>>, vector<16xf32>,
    }
    %scan3A = arith.constant 0 : i32
    %scan3A_111 = arith.constant 0 : i32
    %scan3A_112 = arith.constant 624 : i32
    %scan3A_113 = arith.addi %scan3A_111, %scan3A_112 : i32
    %scan3A_114 = arith.constant 8 : i32
    scf.for %scan3A_465 = %scan3A_111 to %scan3A_113 step %scan3A_114  : i32 {
      %mul3A_466 = arith.constant 16 : i32
      %mul3A_467 = arith.muli %scan3A_465, %mul3A_466 : i32
      %add3A_468 = arith.addi %sub3A_22, %mul3A_467 : i32
      %get3A_469 = arith.index_cast %add3A_468 : i32 to index
      %get3A_470 = tpu.vector_load %arg6[%get3A_469] {strides = array<i32>} : memref<10240xi32, #tpu.memory_space<vmem>>, vector<16xi32>,
      %get3A_471 = vector.shape_cast %get3A_470 : vector<16xi32> to vector<16xi32>
      %get3A_472 = arith.index_cast %add3A_468 : i32 to index
      %get3A_473 = tpu.vector_load %arg7[%get3A_472] {strides = array<i32>} : memref<10240xi32, #tpu.memory_space<vmem>>, vector<16xi32>,
      %get3A_474 = vector.shape_cast %get3A_473 : vector<16xi32> to vector<16xi32>
      %gather3A_475 = tpu.vector_load_idx %arg9[%get3A_471] : memref<10240xf32, #tpu.memory_space<vmem>>[vector<16xi32>], vector<16xf32>,
      %ne3A_476 = arith.cmpi ne, %get3A_471, %get3A_474 : vector<16xi32>
      %jit3A_477 = arith.constant 0.000000e+00 : f32
      %broadcast_in_dim3A_478 = vector.broadcast %jit3A_477 : f32 to vector<16xf32>
      %select_n3A_479 = arith.select %ne3A_476, %gather3A_475, %broadcast_in_dim3A_478 : vector<16xi1>, vector<16xf32>
      %swap3A_480 = arith.index_cast %add3A_468 : i32 to index
      %swap3A_481 = tpu.vector_load %arg8[%swap3A_480] {strides = array<i32>} : memref<10240xf32, #tpu.memory_space<vmem>>, vector<16xf32>,
      %swap3A_482 = vector.shape_cast %swap3A_481 : vector<16xf32> to vector<16xf32>
      %swap3A_483 = vector.shape_cast %select_n3A_479 : vector<16xf32> to vector<16xf32>
      tpu.vector_store %arg8[%swap3A_480], %swap3A_483 {strides = array<i32>} : memref<10240xf32, #tpu.memory_space<vmem>>, vector<16xf32>,
      %add3A_484 = vector.broadcast %mul3A_86 : i32 to vector<16xi32>
      %add3A_485 = arith.addi %get3A_474, %add3A_484 : vector<16xi32>
      %swap3A_486 = arith.index_cast %add3A_468 : i32 to index
      %swap3A_487 = tpu.vector_load %arg7[%swap3A_486] {strides = array<i32>} : memref<10240xi32, #tpu.memory_space<vmem>>, vector<16xi32>,
      %swap3A_488 = vector.shape_cast %swap3A_487 : vector<16xi32> to vector<16xi32>
      %swap3A_489 = vector.shape_cast %add3A_485 : vector<16xi32> to vector<16xi32>
      tpu.vector_store %arg7[%swap3A_486], %swap3A_489 {strides = array<i32>} : memref<10240xi32, #tpu.memory_space<vmem>>, vector<16xi32>,
      %scan3A_490 = arith.constant 1 : i32
      %scan3A_491 = arith.addi %scan3A_465, %scan3A_490 : i32
      %mul3A_492 = arith.constant 16 : i32
      %mul3A_493 = arith.muli %scan3A_491, %mul3A_492 : i32
      %add3A_494 = arith.addi %sub3A_22, %mul3A_493 : i32
      %get3A_495 = arith.index_cast %add3A_494 : i32 to index
      %get3A_496 = tpu.vector_load %arg6[%get3A_495] {strides = array<i32>} : memref<10240xi32, #tpu.memory_space<vmem>>, vector<16xi32>,
      %get3A_497 = vector.shape_cast %get3A_496 : vector<16xi32> to vector<16xi32>
      %get3A_498 = arith.index_cast %add3A_494 : i32 to index
      %get3A_499 = tpu.vector_load %arg7[%get3A_498] {strides = array<i32>} : memref<10240xi32, #tpu.memory_space<vmem>>, vector<16xi32>,
      %get3A_500 = vector.shape_cast %get3A_499 : vector<16xi32> to vector<16xi32>
      %gather3A_501 = tpu.vector_load_idx %arg9[%get3A_497] : memref<10240xf32, #tpu.memory_space<vmem>>[vector<16xi32>], vector<16xf32>,
      %ne3A_502 = arith.cmpi ne, %get3A_497, %get3A_500 : vector<16xi32>
      %jit3A_503 = arith.constant 0.000000e+00 : f32
      %broadcast_in_dim3A_504 = vector.broadcast %jit3A_503 : f32 to vector<16xf32>
      %select_n3A_505 = arith.select %ne3A_502, %gather3A_501, %broadcast_in_dim3A_504 : vector<16xi1>, vector<16xf32>
      %swap3A_506 = arith.index_cast %add3A_494 : i32 to index
      %swap3A_507 = tpu.vector_load %arg8[%swap3A_506] {strides = array<i32>} : memref<10240xf32, #tpu.memory_space<vmem>>, vector<16xf32>,
      %swap3A_508 = vector.shape_cast %swap3A_507 : vector<16xf32> to vector<16xf32>
      %swap3A_509 = vector.shape_cast %select_n3A_505 : vector<16xf32> to vector<16xf32>
      tpu.vector_store %arg8[%swap3A_506], %swap3A_509 {strides = array<i32>} : memref<10240xf32, #tpu.memory_space<vmem>>, vector<16xf32>,
      %add3A_510 = vector.broadcast %mul3A_86 : i32 to vector<16xi32>
      %add3A_511 = arith.addi %get3A_500, %add3A_510 : vector<16xi32>
      %swap3A_512 = arith.index_cast %add3A_494 : i32 to index
      %swap3A_513 = tpu.vector_load %arg7[%swap3A_512] {strides = array<i32>} : memref<10240xi32, #tpu.memory_space<vmem>>, vector<16xi32>,
      %swap3A_514 = vector.shape_cast %swap3A_513 : vector<16xi32> to vector<16xi32>
      %swap3A_515 = vector.shape_cast %add3A_511 : vector<16xi32> to vector<16xi32>
      tpu.vector_store %arg7[%swap3A_512], %swap3A_515 {strides = array<i32>} : memref<10240xi32, #tpu.memory_space<vmem>>, vector<16xi32>,
      %scan3A_516 = arith.constant 2 : i32
      %scan3A_517 = arith.addi %scan3A_465, %scan3A_516 : i32
      %mul3A_518 = arith.constant 16 : i32
      %mul3A_519 = arith.muli %scan3A_517, %mul3A_518 : i32
      %add3A_520 = arith.addi %sub3A_22, %mul3A_519 : i32
      %get3A_521 = arith.index_cast %add3A_520 : i32 to index
      %get3A_522 = tpu.vector_load %arg6[%get3A_521] {strides = array<i32>} : memref<10240xi32, #tpu.memory_space<vmem>>, vector<16xi32>,
      %get3A_523 = vector.shape_cast %get3A_522 : vector<16xi32> to vector<16xi32>
      %get3A_524 = arith.index_cast %add3A_520 : i32 to index
      %get3A_525 = tpu.vector_load %arg7[%get3A_524] {strides = array<i32>} : memref<10240xi32, #tpu.memory_space<vmem>>, vector<16xi32>,
      %get3A_526 = vector.shape_cast %get3A_525 : vector<16xi32> to vector<16xi32>
      %gather3A_527 = tpu.vector_load_idx %arg9[%get3A_523] : memref<10240xf32, #tpu.memory_space<vmem>>[vector<16xi32>], vector<16xf32>,
      %ne3A_528 = arith.cmpi ne, %get3A_523, %get3A_526 : vector<16xi32>
      %jit3A_529 = arith.constant 0.000000e+00 : f32
      %broadcast_in_dim3A_530 = vector.broadcast %jit3A_529 : f32 to vector<16xf32>
      %select_n3A_531 = arith.select %ne3A_528, %gather3A_527, %broadcast_in_dim3A_530 : vector<16xi1>, vector<16xf32>
      %swap3A_532 = arith.index_cast %add3A_520 : i32 to index
      %swap3A_533 = tpu.vector_load %arg8[%swap3A_532] {strides = array<i32>} : memref<10240xf32, #tpu.memory_space<vmem>>, vector<16xf32>,
      %swap3A_534 = vector.shape_cast %swap3A_533 : vector<16xf32> to vector<16xf32>
      %swap3A_535 = vector.shape_cast %select_n3A_531 : vector<16xf32> to vector<16xf32>
      tpu.vector_store %arg8[%swap3A_532], %swap3A_535 {strides = array<i32>} : memref<10240xf32, #tpu.memory_space<vmem>>, vector<16xf32>,
      %add3A_536 = vector.broadcast %mul3A_86 : i32 to vector<16xi32>
      %add3A_537 = arith.addi %get3A_526, %add3A_536 : vector<16xi32>
      %swap3A_538 = arith.index_cast %add3A_520 : i32 to index
      %swap3A_539 = tpu.vector_load %arg7[%swap3A_538] {strides = array<i32>} : memref<10240xi32, #tpu.memory_space<vmem>>, vector<16xi32>,
      %swap3A_540 = vector.shape_cast %swap3A_539 : vector<16xi32> to vector<16xi32>
      %swap3A_541 = vector.shape_cast %add3A_537 : vector<16xi32> to vector<16xi32>
      tpu.vector_store %arg7[%swap3A_538], %swap3A_541 {strides = array<i32>} : memref<10240xi32, #tpu.memory_space<vmem>>, vector<16xi32>,
      %scan3A_542 = arith.constant 3 : i32
      %scan3A_543 = arith.addi %scan3A_465, %scan3A_542 : i32
      %mul3A_544 = arith.constant 16 : i32
      %mul3A_545 = arith.muli %scan3A_543, %mul3A_544 : i32
      %add3A_546 = arith.addi %sub3A_22, %mul3A_545 : i32
      %get3A_547 = arith.index_cast %add3A_546 : i32 to index
      %get3A_548 = tpu.vector_load %arg6[%get3A_547] {strides = array<i32>} : memref<10240xi32, #tpu.memory_space<vmem>>, vector<16xi32>,
      %get3A_549 = vector.shape_cast %get3A_548 : vector<16xi32> to vector<16xi32>
      %get3A_550 = arith.index_cast %add3A_546 : i32 to index
      %get3A_551 = tpu.vector_load %arg7[%get3A_550] {strides = array<i32>} : memref<10240xi32, #tpu.memory_space<vmem>>, vector<16xi32>,
      %get3A_552 = vector.shape_cast %get3A_551 : vector<16xi32> to vector<16xi32>
      %gather3A_553 = tpu.vector_load_idx %arg9[%get3A_549] : memref<10240xf32, #tpu.memory_space<vmem>>[vector<16xi32>], vector<16xf32>,
      %ne3A_554 = arith.cmpi ne, %get3A_549, %get3A_552 : vector<16xi32>
      %jit3A_555 = arith.constant 0.000000e+00 : f32
      %broadcast_in_dim3A_556 = vector.broadcast %jit3A_555 : f32 to vector<16xf32>
      %select_n3A_557 = arith.select %ne3A_554, %gather3A_553, %broadcast_in_dim3A_556 : vector<16xi1>, vector<16xf32>
      %swap3A_558 = arith.index_cast %add3A_546 : i32 to index
      %swap3A_559 = tpu.vector_load %arg8[%swap3A_558] {strides = array<i32>} : memref<10240xf32, #tpu.memory_space<vmem>>, vector<16xf32>,
      %swap3A_560 = vector.shape_cast %swap3A_559 : vector<16xf32> to vector<16xf32>
      %swap3A_561 = vector.shape_cast %select_n3A_557 : vector<16xf32> to vector<16xf32>
      tpu.vector_store %arg8[%swap3A_558], %swap3A_561 {strides = array<i32>} : memref<10240xf32, #tpu.memory_space<vmem>>, vector<16xf32>,
      %add3A_562 = vector.broadcast %mul3A_86 : i32 to vector<16xi32>
      %add3A_563 = arith.addi %get3A_552, %add3A_562 : vector<16xi32>
      %swap3A_564 = arith.index_cast %add3A_546 : i32 to index
      %swap3A_565 = tpu.vector_load %arg7[%swap3A_564] {strides = array<i32>} : memref<10240xi32, #tpu.memory_space<vmem>>, vector<16xi32>,
      %swap3A_566 = vector.shape_cast %swap3A_565 : vector<16xi32> to vector<16xi32>
      %swap3A_567 = vector.shape_cast %add3A_563 : vector<16xi32> to vector<16xi32>
      tpu.vector_store %arg7[%swap3A_564], %swap3A_567 {strides = array<i32>} : memref<10240xi32, #tpu.memory_space<vmem>>, vector<16xi32>,
      %scan3A_568 = arith.constant 4 : i32
      %scan3A_569 = arith.addi %scan3A_465, %scan3A_568 : i32
      %mul3A_570 = arith.constant 16 : i32
      %mul3A_571 = arith.muli %scan3A_569, %mul3A_570 : i32
      %add3A_572 = arith.addi %sub3A_22, %mul3A_571 : i32
      %get3A_573 = arith.index_cast %add3A_572 : i32 to index
      %get3A_574 = tpu.vector_load %arg6[%get3A_573] {strides = array<i32>} : memref<10240xi32, #tpu.memory_space<vmem>>, vector<16xi32>,
      %get3A_575 = vector.shape_cast %get3A_574 : vector<16xi32> to vector<16xi32>
      %get3A_576 = arith.index_cast %add3A_572 : i32 to index
      %get3A_577 = tpu.vector_load %arg7[%get3A_576] {strides = array<i32>} : memref<10240xi32, #tpu.memory_space<vmem>>, vector<16xi32>,
      %get3A_578 = vector.shape_cast %get3A_577 : vector<16xi32> to vector<16xi32>
      %gather3A_579 = tpu.vector_load_idx %arg9[%get3A_575] : memref<10240xf32, #tpu.memory_space<vmem>>[vector<16xi32>], vector<16xf32>,
      %ne3A_580 = arith.cmpi ne, %get3A_575, %get3A_578 : vector<16xi32>
      %jit3A_581 = arith.constant 0.000000e+00 : f32
      %broadcast_in_dim3A_582 = vector.broadcast %jit3A_581 : f32 to vector<16xf32>
      %select_n3A_583 = arith.select %ne3A_580, %gather3A_579, %broadcast_in_dim3A_582 : vector<16xi1>, vector<16xf32>
      %swap3A_584 = arith.index_cast %add3A_572 : i32 to index
      %swap3A_585 = tpu.vector_load %arg8[%swap3A_584] {strides = array<i32>} : memref<10240xf32, #tpu.memory_space<vmem>>, vector<16xf32>,
      %swap3A_586 = vector.shape_cast %swap3A_585 : vector<16xf32> to vector<16xf32>
      %swap3A_587 = vector.shape_cast %select_n3A_583 : vector<16xf32> to vector<16xf32>
      tpu.vector_store %arg8[%swap3A_584], %swap3A_587 {strides = array<i32>} : memref<10240xf32, #tpu.memory_space<vmem>>, vector<16xf32>,
      %add3A_588 = vector.broadcast %mul3A_86 : i32 to vector<16xi32>
      %add3A_589 = arith.addi %get3A_578, %add3A_588 : vector<16xi32>
      %swap3A_590 = arith.index_cast %add3A_572 : i32 to index
      %swap3A_591 = tpu.vector_load %arg7[%swap3A_590] {strides = array<i32>} : memref<10240xi32, #tpu.memory_space<vmem>>, vector<16xi32>,
      %swap3A_592 = vector.shape_cast %swap3A_591 : vector<16xi32> to vector<16xi32>
      %swap3A_593 = vector.shape_cast %add3A_589 : vector<16xi32> to vector<16xi32>
      tpu.vector_store %arg7[%swap3A_590], %swap3A_593 {strides = array<i32>} : memref<10240xi32, #tpu.memory_space<vmem>>, vector<16xi32>,
      %scan3A_594 = arith.constant 5 : i32
      %scan3A_595 = arith.addi %scan3A_465, %scan3A_594 : i32
      %mul3A_596 = arith.constant 16 : i32
      %mul3A_597 = arith.muli %scan3A_595, %mul3A_596 : i32
      %add3A_598 = arith.addi %sub3A_22, %mul3A_597 : i32
      %get3A_599 = arith.index_cast %add3A_598 : i32 to index
      %get3A_600 = tpu.vector_load %arg6[%get3A_599] {strides = array<i32>} : memref<10240xi32, #tpu.memory_space<vmem>>, vector<16xi32>,
      %get3A_601 = vector.shape_cast %get3A_600 : vector<16xi32> to vector<16xi32>
      %get3A_602 = arith.index_cast %add3A_598 : i32 to index
      %get3A_603 = tpu.vector_load %arg7[%get3A_602] {strides = array<i32>} : memref<10240xi32, #tpu.memory_space<vmem>>, vector<16xi32>,
      %get3A_604 = vector.shape_cast %get3A_603 : vector<16xi32> to vector<16xi32>
      %gather3A_605 = tpu.vector_load_idx %arg9[%get3A_601] : memref<10240xf32, #tpu.memory_space<vmem>>[vector<16xi32>], vector<16xf32>,
      %ne3A_606 = arith.cmpi ne, %get3A_601, %get3A_604 : vector<16xi32>
      %jit3A_607 = arith.constant 0.000000e+00 : f32
      %broadcast_in_dim3A_608 = vector.broadcast %jit3A_607 : f32 to vector<16xf32>
      %select_n3A_609 = arith.select %ne3A_606, %gather3A_605, %broadcast_in_dim3A_608 : vector<16xi1>, vector<16xf32>
      %swap3A_610 = arith.index_cast %add3A_598 : i32 to index
      %swap3A_611 = tpu.vector_load %arg8[%swap3A_610] {strides = array<i32>} : memref<10240xf32, #tpu.memory_space<vmem>>, vector<16xf32>,
      %swap3A_612 = vector.shape_cast %swap3A_611 : vector<16xf32> to vector<16xf32>
      %swap3A_613 = vector.shape_cast %select_n3A_609 : vector<16xf32> to vector<16xf32>
      tpu.vector_store %arg8[%swap3A_610], %swap3A_613 {strides = array<i32>} : memref<10240xf32, #tpu.memory_space<vmem>>, vector<16xf32>,
      %add3A_614 = vector.broadcast %mul3A_86 : i32 to vector<16xi32>
      %add3A_615 = arith.addi %get3A_604, %add3A_614 : vector<16xi32>
      %swap3A_616 = arith.index_cast %add3A_598 : i32 to index
      %swap3A_617 = tpu.vector_load %arg7[%swap3A_616] {strides = array<i32>} : memref<10240xi32, #tpu.memory_space<vmem>>, vector<16xi32>,
      %swap3A_618 = vector.shape_cast %swap3A_617 : vector<16xi32> to vector<16xi32>
      %swap3A_619 = vector.shape_cast %add3A_615 : vector<16xi32> to vector<16xi32>
      tpu.vector_store %arg7[%swap3A_616], %swap3A_619 {strides = array<i32>} : memref<10240xi32, #tpu.memory_space<vmem>>, vector<16xi32>,
      %scan3A_620 = arith.constant 6 : i32
      %scan3A_621 = arith.addi %scan3A_465, %scan3A_620 : i32
      %mul3A_622 = arith.constant 16 : i32
      %mul3A_623 = arith.muli %scan3A_621, %mul3A_622 : i32
      %add3A_624 = arith.addi %sub3A_22, %mul3A_623 : i32
      %get3A_625 = arith.index_cast %add3A_624 : i32 to index
      %get3A_626 = tpu.vector_load %arg6[%get3A_625] {strides = array<i32>} : memref<10240xi32, #tpu.memory_space<vmem>>, vector<16xi32>,
      %get3A_627 = vector.shape_cast %get3A_626 : vector<16xi32> to vector<16xi32>
      %get3A_628 = arith.index_cast %add3A_624 : i32 to index
      %get3A_629 = tpu.vector_load %arg7[%get3A_628] {strides = array<i32>} : memref<10240xi32, #tpu.memory_space<vmem>>, vector<16xi32>,
      %get3A_630 = vector.shape_cast %get3A_629 : vector<16xi32> to vector<16xi32>
      %gather3A_631 = tpu.vector_load_idx %arg9[%get3A_627] : memref<10240xf32, #tpu.memory_space<vmem>>[vector<16xi32>], vector<16xf32>,
      %ne3A_632 = arith.cmpi ne, %get3A_627, %get3A_630 : vector<16xi32>
      %jit3A_633 = arith.constant 0.000000e+00 : f32
      %broadcast_in_dim3A_634 = vector.broadcast %jit3A_633 : f32 to vector<16xf32>
      %select_n3A_635 = arith.select %ne3A_632, %gather3A_631, %broadcast_in_dim3A_634 : vector<16xi1>, vector<16xf32>
      %swap3A_636 = arith.index_cast %add3A_624 : i32 to index
      %swap3A_637 = tpu.vector_load %arg8[%swap3A_636] {strides = array<i32>} : memref<10240xf32, #tpu.memory_space<vmem>>, vector<16xf32>,
      %swap3A_638 = vector.shape_cast %swap3A_637 : vector<16xf32> to vector<16xf32>
      %swap3A_639 = vector.shape_cast %select_n3A_635 : vector<16xf32> to vector<16xf32>
      tpu.vector_store %arg8[%swap3A_636], %swap3A_639 {strides = array<i32>} : memref<10240xf32, #tpu.memory_space<vmem>>, vector<16xf32>,
      %add3A_640 = vector.broadcast %mul3A_86 : i32 to vector<16xi32>
      %add3A_641 = arith.addi %get3A_630, %add3A_640 : vector<16xi32>
      %swap3A_642 = arith.index_cast %add3A_624 : i32 to index
      %swap3A_643 = tpu.vector_load %arg7[%swap3A_642] {strides = array<i32>} : memref<10240xi32, #tpu.memory_space<vmem>>, vector<16xi32>,
      %swap3A_644 = vector.shape_cast %swap3A_643 : vector<16xi32> to vector<16xi32>
      %swap3A_645 = vector.shape_cast %add3A_641 : vector<16xi32> to vector<16xi32>
      tpu.vector_store %arg7[%swap3A_642], %swap3A_645 {strides = array<i32>} : memref<10240xi32, #tpu.memory_space<vmem>>, vector<16xi32>,
      %scan3A_646 = arith.constant 7 : i32
      %scan3A_647 = arith.addi %scan3A_465, %scan3A_646 : i32
      %mul3A_648 = arith.constant 16 : i32
      %mul3A_649 = arith.muli %scan3A_647, %mul3A_648 : i32
      %add3A_650 = arith.addi %sub3A_22, %mul3A_649 : i32
      %get3A_651 = arith.index_cast %add3A_650 : i32 to index
      %get3A_652 = tpu.vector_load %arg6[%get3A_651] {strides = array<i32>} : memref<10240xi32, #tpu.memory_space<vmem>>, vector<16xi32>,
      %get3A_653 = vector.shape_cast %get3A_652 : vector<16xi32> to vector<16xi32>
      %get3A_654 = arith.index_cast %add3A_650 : i32 to index
      %get3A_655 = tpu.vector_load %arg7[%get3A_654] {strides = array<i32>} : memref<10240xi32, #tpu.memory_space<vmem>>, vector<16xi32>,
      %get3A_656 = vector.shape_cast %get3A_655 : vector<16xi32> to vector<16xi32>
      %gather3A_657 = tpu.vector_load_idx %arg9[%get3A_653] : memref<10240xf32, #tpu.memory_space<vmem>>[vector<16xi32>], vector<16xf32>,
      %ne3A_658 = arith.cmpi ne, %get3A_653, %get3A_656 : vector<16xi32>
      %jit3A_659 = arith.constant 0.000000e+00 : f32
      %broadcast_in_dim3A_660 = vector.broadcast %jit3A_659 : f32 to vector<16xf32>
      %select_n3A_661 = arith.select %ne3A_658, %gather3A_657, %broadcast_in_dim3A_660 : vector<16xi1>, vector<16xf32>
      %swap3A_662 = arith.index_cast %add3A_650 : i32 to index
      %swap3A_663 = tpu.vector_load %arg8[%swap3A_662] {strides = array<i32>} : memref<10240xf32, #tpu.memory_space<vmem>>, vector<16xf32>,
      %swap3A_664 = vector.shape_cast %swap3A_663 : vector<16xf32> to vector<16xf32>
      %swap3A_665 = vector.shape_cast %select_n3A_661 : vector<16xf32> to vector<16xf32>
      tpu.vector_store %arg8[%swap3A_662], %swap3A_665 {strides = array<i32>} : memref<10240xf32, #tpu.memory_space<vmem>>, vector<16xf32>,
      %add3A_666 = vector.broadcast %mul3A_86 : i32 to vector<16xi32>
      %add3A_667 = arith.addi %get3A_656, %add3A_666 : vector<16xi32>
      %swap3A_668 = arith.index_cast %add3A_650 : i32 to index
      %swap3A_669 = tpu.vector_load %arg7[%swap3A_668] {strides = array<i32>} : memref<10240xi32, #tpu.memory_space<vmem>>, vector<16xi32>,
      %swap3A_670 = vector.shape_cast %swap3A_669 : vector<16xi32> to vector<16xi32>
      %swap3A_671 = vector.shape_cast %add3A_667 : vector<16xi32> to vector<16xi32>
      tpu.vector_store %arg7[%swap3A_668], %swap3A_671 {strides = array<i32>} : memref<10240xi32, #tpu.memory_space<vmem>>, vector<16xi32>,
    }
    %scan3A_115 = arith.constant 624 : i32
    %scan3A_116 = arith.addi %scan3A_111, %scan3A_115 : i32
    %mul3A_117 = arith.constant 16 : i32
    %mul3A_118 = arith.muli %scan3A_116, %mul3A_117 : i32
    %add3A_119 = arith.addi %sub3A_22, %mul3A_118 : i32
    %get3A = arith.index_cast %add3A_119 : i32 to index
    %get3A_120 = tpu.vector_load %arg6[%get3A] {strides = array<i32>} : memref<10240xi32, #tpu.memory_space<vmem>>, vector<16xi32>,
    %get3A_121 = vector.shape_cast %get3A_120 : vector<16xi32> to vector<16xi32>
    %get3A_122 = arith.index_cast %add3A_119 : i32 to index
    %get3A_123 = tpu.vector_load %arg7[%get3A_122] {strides = array<i32>} : memref<10240xi32, #tpu.memory_space<vmem>>, vector<16xi32>,
    %get3A_124 = vector.shape_cast %get3A_123 : vector<16xi32> to vector<16xi32>
    %gather3A = tpu.vector_load_idx %arg9[%get3A_121] : memref<10240xf32, #tpu.memory_space<vmem>>[vector<16xi32>], vector<16xf32>,
    %ne3A_125 = arith.cmpi ne, %get3A_121, %get3A_124 : vector<16xi32>
    %jit3A_126 = arith.constant 0.000000e+00 : f32
    %broadcast_in_dim3A_127 = vector.broadcast %jit3A_126 : f32 to vector<16xf32>
    %select_n3A_128 = arith.select %ne3A_125, %gather3A, %broadcast_in_dim3A_127 : vector<16xi1>, vector<16xf32>
    %swap3A = arith.index_cast %add3A_119 : i32 to index
    %swap3A_129 = tpu.vector_load %arg8[%swap3A] {strides = array<i32>} : memref<10240xf32, #tpu.memory_space<vmem>>, vector<16xf32>,
    %swap3A_130 = vector.shape_cast %swap3A_129 : vector<16xf32> to vector<16xf32>
    %swap3A_131 = vector.shape_cast %select_n3A_128 : vector<16xf32> to vector<16xf32>
    tpu.vector_store %arg8[%swap3A], %swap3A_131 {strides = array<i32>} : memref<10240xf32, #tpu.memory_space<vmem>>, vector<16xf32>,
    %add3A_132 = vector.broadcast %mul3A_86 : i32 to vector<16xi32>
    %add3A_133 = arith.addi %get3A_124, %add3A_132 : vector<16xi32>
    %swap3A_134 = arith.index_cast %add3A_119 : i32 to index
    %swap3A_135 = tpu.vector_load %arg7[%swap3A_134] {strides = array<i32>} : memref<10240xi32, #tpu.memory_space<vmem>>, vector<16xi32>,
    %swap3A_136 = vector.shape_cast %swap3A_135 : vector<16xi32> to vector<16xi32>
    %swap3A_137 = vector.shape_cast %add3A_133 : vector<16xi32> to vector<16xi32>
    tpu.vector_store %arg7[%swap3A_134], %swap3A_137 {strides = array<i32>} : memref<10240xi32, #tpu.memory_space<vmem>>, vector<16xi32>,
    %scan3A_138 = arith.constant 625 : i32
    "tpu.region"() ({
      %run_scoped3A = tpu.sem_alloc : memref<!tpu.dma_semaphore, #tpu.memory_space<semaphore_mem>>
      %dma_start3A_465 = arith.constant 0 : i32
      %dma_start3A_466 = tpu.memref_slice %arg12[%dma_start3A_465] : memref<163840xf32, #tpu.memory_space<vmem_shared>> -> memref<163840xf32, #tpu.memory_space<vmem_shared>>
      tpu.enqueue_indirect_dma source(%arg8 : memref<10240xf32, #tpu.memory_space<vmem>>) target(%dma_start3A_466 : memref<163840xf32, #tpu.memory_space<vmem_shared>>) offsets(%arg7 : memref<10240xi32, #tpu.memory_space<vmem>>) semaphore(%run_scoped3A : memref<!tpu.dma_semaphore, #tpu.memory_space<semaphore_mem>>) {add = true}
      %dma_wait3A_467 = arith.constant 0 : i32
      %dma_wait3A_468 = tpu.memref_slice %arg12[%dma_wait3A_467] : memref<163840xf32, #tpu.memory_space<vmem_shared>> -> memref<163840xf32, #tpu.memory_space<vmem_shared>>
      tpu.wait_indirect_dma semaphore(%run_scoped3A : memref<!tpu.dma_semaphore, #tpu.memory_space<semaphore_mem>>) src(%arg8 : memref<10240xf32, #tpu.memory_space<vmem>>) dst(%dma_wait3A_468 : memref<163840xf32, #tpu.memory_space<vmem_shared>>)
      tpu.yield
    }) : () -> ()
    %barrier3A = arith.constant 0 : index
    tpu.barrier barrier_id(%barrier3A)
    %mul3A_139 = arith.constant 640 : i32
    %mul3A_140 = arith.muli %arg1, %mul3A_139 : i32
    %add3A_141 = arith.constant 0 : i32
    %add3A_142 = arith.addi %add3A_141, %mul3A_140 : i32
    %dma_start3A_143 = arith.constant 0 : i32
    %dma_start3A_144 = tpu.memref_slice %arg10[%dma_start3A_143] : memref<10240xf32, #tpu.memory_space<vmem>> -> memref<640xf32, #tpu.memory_space<vmem>>
    %dma_start3A_145 = tpu.memref_slice %arg12[%add3A_142] : memref<163840xf32, #tpu.memory_space<vmem_shared>> -> memref<640xf32, #tpu.memory_space<vmem_shared>>
    %dma_start3A_146 = arith.constant 0 : i32
    %dma_start3A_147 = tpu.memref_slice %arg10[%dma_start3A_146] : memref<10240xf32, #tpu.memory_space<vmem>> -> memref<640xf32, #tpu.memory_space<vmem>>
    %dma_start3A_148 = tpu.memref_slice %arg12[%add3A_142] : memref<163840xf32, #tpu.memory_space<vmem_shared>> -> memref<640xf32, #tpu.memory_space<vmem_shared>>
    tpu.enqueue_dma source(%dma_start3A_148 : memref<640xf32, #tpu.memory_space<vmem_shared>>) target(%dma_start3A_147 : memref<640xf32, #tpu.memory_space<vmem>>) target_semaphore(%arg13 : memref<!tpu.dma_semaphore, #tpu.memory_space<semaphore_mem>>)
    %mul3A_149 = arith.constant 640 : i32
    %mul3A_150 = arith.muli %arg1, %mul3A_149 : i32
    %add3A_151 = arith.constant 10240 : i32
    %add3A_152 = arith.addi %add3A_151, %mul3A_150 : i32
    %dma_start3A_153 = arith.constant 640 : i32
    %dma_start3A_154 = tpu.memref_slice %arg10[%dma_start3A_153] : memref<10240xf32, #tpu.memory_space<vmem>> -> memref<640xf32, #tpu.memory_space<vmem>>
    %dma_start3A_155 = tpu.memref_slice %arg12[%add3A_152] : memref<163840xf32, #tpu.memory_space<vmem_shared>> -> memref<640xf32, #tpu.memory_space<vmem_shared>>
    %dma_start3A_156 = arith.constant 640 : i32
    %dma_start3A_157 = tpu.memref_slice %arg10[%dma_start3A_156] : memref<10240xf32, #tpu.memory_space<vmem>> -> memref<640xf32, #tpu.memory_space<vmem>>
    %dma_start3A_158 = tpu.memref_slice %arg12[%add3A_152] : memref<163840xf32, #tpu.memory_space<vmem_shared>> -> memref<640xf32, #tpu.memory_space<vmem_shared>>
    tpu.enqueue_dma source(%dma_start3A_158 : memref<640xf32, #tpu.memory_space<vmem_shared>>) target(%dma_start3A_157 : memref<640xf32, #tpu.memory_space<vmem>>) target_semaphore(%arg13 : memref<!tpu.dma_semaphore, #tpu.memory_space<semaphore_mem>>)
    %mul3A_159 = arith.constant 640 : i32
    %mul3A_160 = arith.muli %arg1, %mul3A_159 : i32
    %add3A_161 = arith.constant 20480 : i32
    %add3A_162 = arith.addi %add3A_161, %mul3A_160 : i32
    %dma_start3A_163 = arith.constant 1280 : i32
    %dma_start3A_164 = tpu.memref_slice %arg10[%dma_start3A_163] : memref<10240xf32, #tpu.memory_space<vmem>> -> memref<640xf32, #tpu.memory_space<vmem>>
    %dma_start3A_165 = tpu.memref_slice %arg12[%add3A_162] : memref<163840xf32, #tpu.memory_space<vmem_shared>> -> memref<640xf32, #tpu.memory_space<vmem_shared>>
    %dma_start3A_166 = arith.constant 1280 : i32
    %dma_start3A_167 = tpu.memref_slice %arg10[%dma_start3A_166] : memref<10240xf32, #tpu.memory_space<vmem>> -> memref<640xf32, #tpu.memory_space<vmem>>
    %dma_start3A_168 = tpu.memref_slice %arg12[%add3A_162] : memref<163840xf32, #tpu.memory_space<vmem_shared>> -> memref<640xf32, #tpu.memory_space<vmem_shared>>
    tpu.enqueue_dma source(%dma_start3A_168 : memref<640xf32, #tpu.memory_space<vmem_shared>>) target(%dma_start3A_167 : memref<640xf32, #tpu.memory_space<vmem>>) target_semaphore(%arg13 : memref<!tpu.dma_semaphore, #tpu.memory_space<semaphore_mem>>)
    %mul3A_169 = arith.constant 640 : i32
    %mul3A_170 = arith.muli %arg1, %mul3A_169 : i32
    %add3A_171 = arith.constant 30720 : i32
    %add3A_172 = arith.addi %add3A_171, %mul3A_170 : i32
    %dma_start3A_173 = arith.constant 1920 : i32
    %dma_start3A_174 = tpu.memref_slice %arg10[%dma_start3A_173] : memref<10240xf32, #tpu.memory_space<vmem>> -> memref<640xf32, #tpu.memory_space<vmem>>
    %dma_start3A_175 = tpu.memref_slice %arg12[%add3A_172] : memref<163840xf32, #tpu.memory_space<vmem_shared>> -> memref<640xf32, #tpu.memory_space<vmem_shared>>
    %dma_start3A_176 = arith.constant 1920 : i32
    %dma_start3A_177 = tpu.memref_slice %arg10[%dma_start3A_176] : memref<10240xf32, #tpu.memory_space<vmem>> -> memref<640xf32, #tpu.memory_space<vmem>>
    %dma_start3A_178 = tpu.memref_slice %arg12[%add3A_172] : memref<163840xf32, #tpu.memory_space<vmem_shared>> -> memref<640xf32, #tpu.memory_space<vmem_shared>>
    tpu.enqueue_dma source(%dma_start3A_178 : memref<640xf32, #tpu.memory_space<vmem_shared>>) target(%dma_start3A_177 : memref<640xf32, #tpu.memory_space<vmem>>) target_semaphore(%arg13 : memref<!tpu.dma_semaphore, #tpu.memory_space<semaphore_mem>>)
    %mul3A_179 = arith.constant 640 : i32
    %mul3A_180 = arith.muli %arg1, %mul3A_179 : i32
    %add3A_181 = arith.constant 40960 : i32
    %add3A_182 = arith.addi %add3A_181, %mul3A_180 : i32
    %dma_start3A_183 = arith.constant 2560 : i32
    %dma_start3A_184 = tpu.memref_slice %arg10[%dma_start3A_183] : memref<10240xf32, #tpu.memory_space<vmem>> -> memref<640xf32, #tpu.memory_space<vmem>>
    %dma_start3A_185 = tpu.memref_slice %arg12[%add3A_182] : memref<163840xf32, #tpu.memory_space<vmem_shared>> -> memref<640xf32, #tpu.memory_space<vmem_shared>>
    %dma_start3A_186 = arith.constant 2560 : i32
    %dma_start3A_187 = tpu.memref_slice %arg10[%dma_start3A_186] : memref<10240xf32, #tpu.memory_space<vmem>> -> memref<640xf32, #tpu.memory_space<vmem>>
    %dma_start3A_188 = tpu.memref_slice %arg12[%add3A_182] : memref<163840xf32, #tpu.memory_space<vmem_shared>> -> memref<640xf32, #tpu.memory_space<vmem_shared>>
    tpu.enqueue_dma source(%dma_start3A_188 : memref<640xf32, #tpu.memory_space<vmem_shared>>) target(%dma_start3A_187 : memref<640xf32, #tpu.memory_space<vmem>>) target_semaphore(%arg13 : memref<!tpu.dma_semaphore, #tpu.memory_space<semaphore_mem>>)
    %mul3A_189 = arith.constant 640 : i32
    %mul3A_190 = arith.muli %arg1, %mul3A_189 : i32
    %add3A_191 = arith.constant 51200 : i32
    %add3A_192 = arith.addi %add3A_191, %mul3A_190 : i32
    %dma_start3A_193 = arith.constant 3200 : i32
    %dma_start3A_194 = tpu.memref_slice %arg10[%dma_start3A_193] : memref<10240xf32, #tpu.memory_space<vmem>> -> memref<640xf32, #tpu.memory_space<vmem>>
    %dma_start3A_195 = tpu.memref_slice %arg12[%add3A_192] : memref<163840xf32, #tpu.memory_space<vmem_shared>> -> memref<640xf32, #tpu.memory_space<vmem_shared>>
    %dma_start3A_196 = arith.constant 3200 : i32
    %dma_start3A_197 = tpu.memref_slice %arg10[%dma_start3A_196] : memref<10240xf32, #tpu.memory_space<vmem>> -> memref<640xf32, #tpu.memory_space<vmem>>
    %dma_start3A_198 = tpu.memref_slice %arg12[%add3A_192] : memref<163840xf32, #tpu.memory_space<vmem_shared>> -> memref<640xf32, #tpu.memory_space<vmem_shared>>
    tpu.enqueue_dma source(%dma_start3A_198 : memref<640xf32, #tpu.memory_space<vmem_shared>>) target(%dma_start3A_197 : memref<640xf32, #tpu.memory_space<vmem>>) target_semaphore(%arg13 : memref<!tpu.dma_semaphore, #tpu.memory_space<semaphore_mem>>)
    %mul3A_199 = arith.constant 640 : i32
    %mul3A_200 = arith.muli %arg1, %mul3A_199 : i32
    %add3A_201 = arith.constant 61440 : i32
    %add3A_202 = arith.addi %add3A_201, %mul3A_200 : i32
    %dma_start3A_203 = arith.constant 3840 : i32
    %dma_start3A_204 = tpu.memref_slice %arg10[%dma_start3A_203] : memref<10240xf32, #tpu.memory_space<vmem>> -> memref<640xf32, #tpu.memory_space<vmem>>
    %dma_start3A_205 = tpu.memref_slice %arg12[%add3A_202] : memref<163840xf32, #tpu.memory_space<vmem_shared>> -> memref<640xf32, #tpu.memory_space<vmem_shared>>
    %dma_start3A_206 = arith.constant 3840 : i32
    %dma_start3A_207 = tpu.memref_slice %arg10[%dma_start3A_206] : memref<10240xf32, #tpu.memory_space<vmem>> -> memref<640xf32, #tpu.memory_space<vmem>>
    %dma_start3A_208 = tpu.memref_slice %arg12[%add3A_202] : memref<163840xf32, #tpu.memory_space<vmem_shared>> -> memref<640xf32, #tpu.memory_space<vmem_shared>>
    tpu.enqueue_dma source(%dma_start3A_208 : memref<640xf32, #tpu.memory_space<vmem_shared>>) target(%dma_start3A_207 : memref<640xf32, #tpu.memory_space<vmem>>) target_semaphore(%arg13 : memref<!tpu.dma_semaphore, #tpu.memory_space<semaphore_mem>>)
    %mul3A_209 = arith.constant 640 : i32
    %mul3A_210 = arith.muli %arg1, %mul3A_209 : i32
    %add3A_211 = arith.constant 71680 : i32
    %add3A_212 = arith.addi %add3A_211, %mul3A_210 : i32
    %dma_start3A_213 = arith.constant 4480 : i32
    %dma_start3A_214 = tpu.memref_slice %arg10[%dma_start3A_213] : memref<10240xf32, #tpu.memory_space<vmem>> -> memref<640xf32, #tpu.memory_space<vmem>>
    %dma_start3A_215 = tpu.memref_slice %arg12[%add3A_212] : memref<163840xf32, #tpu.memory_space<vmem_shared>> -> memref<640xf32, #tpu.memory_space<vmem_shared>>
    %dma_start3A_216 = arith.constant 4480 : i32
    %dma_start3A_217 = tpu.memref_slice %arg10[%dma_start3A_216] : memref<10240xf32, #tpu.memory_space<vmem>> -> memref<640xf32, #tpu.memory_space<vmem>>
    %dma_start3A_218 = tpu.memref_slice %arg12[%add3A_212] : memref<163840xf32, #tpu.memory_space<vmem_shared>> -> memref<640xf32, #tpu.memory_space<vmem_shared>>
    tpu.enqueue_dma source(%dma_start3A_218 : memref<640xf32, #tpu.memory_space<vmem_shared>>) target(%dma_start3A_217 : memref<640xf32, #tpu.memory_space<vmem>>) target_semaphore(%arg13 : memref<!tpu.dma_semaphore, #tpu.memory_space<semaphore_mem>>)
    %mul3A_219 = arith.constant 640 : i32
    %mul3A_220 = arith.muli %arg1, %mul3A_219 : i32
    %add3A_221 = arith.constant 81920 : i32
    %add3A_222 = arith.addi %add3A_221, %mul3A_220 : i32
    %dma_start3A_223 = arith.constant 5120 : i32
    %dma_start3A_224 = tpu.memref_slice %arg10[%dma_start3A_223] : memref<10240xf32, #tpu.memory_space<vmem>> -> memref<640xf32, #tpu.memory_space<vmem>>
    %dma_start3A_225 = tpu.memref_slice %arg12[%add3A_222] : memref<163840xf32, #tpu.memory_space<vmem_shared>> -> memref<640xf32, #tpu.memory_space<vmem_shared>>
    %dma_start3A_226 = arith.constant 5120 : i32
    %dma_start3A_227 = tpu.memref_slice %arg10[%dma_start3A_226] : memref<10240xf32, #tpu.memory_space<vmem>> -> memref<640xf32, #tpu.memory_space<vmem>>
    %dma_start3A_228 = tpu.memref_slice %arg12[%add3A_222] : memref<163840xf32, #tpu.memory_space<vmem_shared>> -> memref<640xf32, #tpu.memory_space<vmem_shared>>
    tpu.enqueue_dma source(%dma_start3A_228 : memref<640xf32, #tpu.memory_space<vmem_shared>>) target(%dma_start3A_227 : memref<640xf32, #tpu.memory_space<vmem>>) target_semaphore(%arg13 : memref<!tpu.dma_semaphore, #tpu.memory_space<semaphore_mem>>)
    %mul3A_229 = arith.constant 640 : i32
    %mul3A_230 = arith.muli %arg1, %mul3A_229 : i32
    %add3A_231 = arith.constant 92160 : i32
    %add3A_232 = arith.addi %add3A_231, %mul3A_230 : i32
    %dma_start3A_233 = arith.constant 5760 : i32
    %dma_start3A_234 = tpu.memref_slice %arg10[%dma_start3A_233] : memref<10240xf32, #tpu.memory_space<vmem>> -> memref<640xf32, #tpu.memory_space<vmem>>
    %dma_start3A_235 = tpu.memref_slice %arg12[%add3A_232] : memref<163840xf32, #tpu.memory_space<vmem_shared>> -> memref<640xf32, #tpu.memory_space<vmem_shared>>
    %dma_start3A_236 = arith.constant 5760 : i32
    %dma_start3A_237 = tpu.memref_slice %arg10[%dma_start3A_236] : memref<10240xf32, #tpu.memory_space<vmem>> -> memref<640xf32, #tpu.memory_space<vmem>>
    %dma_start3A_238 = tpu.memref_slice %arg12[%add3A_232] : memref<163840xf32, #tpu.memory_space<vmem_shared>> -> memref<640xf32, #tpu.memory_space<vmem_shared>>
    tpu.enqueue_dma source(%dma_start3A_238 : memref<640xf32, #tpu.memory_space<vmem_shared>>) target(%dma_start3A_237 : memref<640xf32, #tpu.memory_space<vmem>>) target_semaphore(%arg13 : memref<!tpu.dma_semaphore, #tpu.memory_space<semaphore_mem>>)
    %mul3A_239 = arith.constant 640 : i32
    %mul3A_240 = arith.muli %arg1, %mul3A_239 : i32
    %add3A_241 = arith.constant 102400 : i32
    %add3A_242 = arith.addi %add3A_241, %mul3A_240 : i32
    %dma_start3A_243 = arith.constant 6400 : i32
    %dma_start3A_244 = tpu.memref_slice %arg10[%dma_start3A_243] : memref<10240xf32, #tpu.memory_space<vmem>> -> memref<640xf32, #tpu.memory_space<vmem>>
    %dma_start3A_245 = tpu.memref_slice %arg12[%add3A_242] : memref<163840xf32, #tpu.memory_space<vmem_shared>> -> memref<640xf32, #tpu.memory_space<vmem_shared>>
    %dma_start3A_246 = arith.constant 6400 : i32
    %dma_start3A_247 = tpu.memref_slice %arg10[%dma_start3A_246] : memref<10240xf32, #tpu.memory_space<vmem>> -> memref<640xf32, #tpu.memory_space<vmem>>
    %dma_start3A_248 = tpu.memref_slice %arg12[%add3A_242] : memref<163840xf32, #tpu.memory_space<vmem_shared>> -> memref<640xf32, #tpu.memory_space<vmem_shared>>
    tpu.enqueue_dma source(%dma_start3A_248 : memref<640xf32, #tpu.memory_space<vmem_shared>>) target(%dma_start3A_247 : memref<640xf32, #tpu.memory_space<vmem>>) target_semaphore(%arg13 : memref<!tpu.dma_semaphore, #tpu.memory_space<semaphore_mem>>)
    %mul3A_249 = arith.constant 640 : i32
    %mul3A_250 = arith.muli %arg1, %mul3A_249 : i32
    %add3A_251 = arith.constant 112640 : i32
    %add3A_252 = arith.addi %add3A_251, %mul3A_250 : i32
    %dma_start3A_253 = arith.constant 7040 : i32
    %dma_start3A_254 = tpu.memref_slice %arg10[%dma_start3A_253] : memref<10240xf32, #tpu.memory_space<vmem>> -> memref<640xf32, #tpu.memory_space<vmem>>
    %dma_start3A_255 = tpu.memref_slice %arg12[%add3A_252] : memref<163840xf32, #tpu.memory_space<vmem_shared>> -> memref<640xf32, #tpu.memory_space<vmem_shared>>
    %dma_start3A_256 = arith.constant 7040 : i32
    %dma_start3A_257 = tpu.memref_slice %arg10[%dma_start3A_256] : memref<10240xf32, #tpu.memory_space<vmem>> -> memref<640xf32, #tpu.memory_space<vmem>>
    %dma_start3A_258 = tpu.memref_slice %arg12[%add3A_252] : memref<163840xf32, #tpu.memory_space<vmem_shared>> -> memref<640xf32, #tpu.memory_space<vmem_shared>>
    tpu.enqueue_dma source(%dma_start3A_258 : memref<640xf32, #tpu.memory_space<vmem_shared>>) target(%dma_start3A_257 : memref<640xf32, #tpu.memory_space<vmem>>) target_semaphore(%arg13 : memref<!tpu.dma_semaphore, #tpu.memory_space<semaphore_mem>>)
    %mul3A_259 = arith.constant 640 : i32
    %mul3A_260 = arith.muli %arg1, %mul3A_259 : i32
    %add3A_261 = arith.constant 122880 : i32
    %add3A_262 = arith.addi %add3A_261, %mul3A_260 : i32
    %dma_start3A_263 = arith.constant 7680 : i32
    %dma_start3A_264 = tpu.memref_slice %arg10[%dma_start3A_263] : memref<10240xf32, #tpu.memory_space<vmem>> -> memref<640xf32, #tpu.memory_space<vmem>>
    %dma_start3A_265 = tpu.memref_slice %arg12[%add3A_262] : memref<163840xf32, #tpu.memory_space<vmem_shared>> -> memref<640xf32, #tpu.memory_space<vmem_shared>>
    %dma_start3A_266 = arith.constant 7680 : i32
    %dma_start3A_267 = tpu.memref_slice %arg10[%dma_start3A_266] : memref<10240xf32, #tpu.memory_space<vmem>> -> memref<640xf32, #tpu.memory_space<vmem>>
    %dma_start3A_268 = tpu.memref_slice %arg12[%add3A_262] : memref<163840xf32, #tpu.memory_space<vmem_shared>> -> memref<640xf32, #tpu.memory_space<vmem_shared>>
    tpu.enqueue_dma source(%dma_start3A_268 : memref<640xf32, #tpu.memory_space<vmem_shared>>) target(%dma_start3A_267 : memref<640xf32, #tpu.memory_space<vmem>>) target_semaphore(%arg13 : memref<!tpu.dma_semaphore, #tpu.memory_space<semaphore_mem>>)
    %mul3A_269 = arith.constant 640 : i32
    %mul3A_270 = arith.muli %arg1, %mul3A_269 : i32
    %add3A_271 = arith.constant 133120 : i32
    %add3A_272 = arith.addi %add3A_271, %mul3A_270 : i32
    %dma_start3A_273 = arith.constant 8320 : i32
    %dma_start3A_274 = tpu.memref_slice %arg10[%dma_start3A_273] : memref<10240xf32, #tpu.memory_space<vmem>> -> memref<640xf32, #tpu.memory_space<vmem>>
    %dma_start3A_275 = tpu.memref_slice %arg12[%add3A_272] : memref<163840xf32, #tpu.memory_space<vmem_shared>> -> memref<640xf32, #tpu.memory_space<vmem_shared>>
    %dma_start3A_276 = arith.constant 8320 : i32
    %dma_start3A_277 = tpu.memref_slice %arg10[%dma_start3A_276] : memref<10240xf32, #tpu.memory_space<vmem>> -> memref<640xf32, #tpu.memory_space<vmem>>
    %dma_start3A_278 = tpu.memref_slice %arg12[%add3A_272] : memref<163840xf32, #tpu.memory_space<vmem_shared>> -> memref<640xf32, #tpu.memory_space<vmem_shared>>
    tpu.enqueue_dma source(%dma_start3A_278 : memref<640xf32, #tpu.memory_space<vmem_shared>>) target(%dma_start3A_277 : memref<640xf32, #tpu.memory_space<vmem>>) target_semaphore(%arg13 : memref<!tpu.dma_semaphore, #tpu.memory_space<semaphore_mem>>)
    %mul3A_279 = arith.constant 640 : i32
    %mul3A_280 = arith.muli %arg1, %mul3A_279 : i32
    %add3A_281 = arith.constant 143360 : i32
    %add3A_282 = arith.addi %add3A_281, %mul3A_280 : i32
    %dma_start3A_283 = arith.constant 8960 : i32
    %dma_start3A_284 = tpu.memref_slice %arg10[%dma_start3A_283] : memref<10240xf32, #tpu.memory_space<vmem>> -> memref<640xf32, #tpu.memory_space<vmem>>
    %dma_start3A_285 = tpu.memref_slice %arg12[%add3A_282] : memref<163840xf32, #tpu.memory_space<vmem_shared>> -> memref<640xf32, #tpu.memory_space<vmem_shared>>
    %dma_start3A_286 = arith.constant 8960 : i32
    %dma_start3A_287 = tpu.memref_slice %arg10[%dma_start3A_286] : memref<10240xf32, #tpu.memory_space<vmem>> -> memref<640xf32, #tpu.memory_space<vmem>>
    %dma_start3A_288 = tpu.memref_slice %arg12[%add3A_282] : memref<163840xf32, #tpu.memory_space<vmem_shared>> -> memref<640xf32, #tpu.memory_space<vmem_shared>>
    tpu.enqueue_dma source(%dma_start3A_288 : memref<640xf32, #tpu.memory_space<vmem_shared>>) target(%dma_start3A_287 : memref<640xf32, #tpu.memory_space<vmem>>) target_semaphore(%arg13 : memref<!tpu.dma_semaphore, #tpu.memory_space<semaphore_mem>>)
    %mul3A_289 = arith.constant 640 : i32
    %mul3A_290 = arith.muli %arg1, %mul3A_289 : i32
    %add3A_291 = arith.constant 153600 : i32
    %add3A_292 = arith.addi %add3A_291, %mul3A_290 : i32
    %dma_start3A_293 = arith.constant 9600 : i32
    %dma_start3A_294 = tpu.memref_slice %arg10[%dma_start3A_293] : memref<10240xf32, #tpu.memory_space<vmem>> -> memref<640xf32, #tpu.memory_space<vmem>>
    %dma_start3A_295 = tpu.memref_slice %arg12[%add3A_292] : memref<163840xf32, #tpu.memory_space<vmem_shared>> -> memref<640xf32, #tpu.memory_space<vmem_shared>>
    %dma_start3A_296 = arith.constant 9600 : i32
    %dma_start3A_297 = tpu.memref_slice %arg10[%dma_start3A_296] : memref<10240xf32, #tpu.memory_space<vmem>> -> memref<640xf32, #tpu.memory_space<vmem>>
    %dma_start3A_298 = tpu.memref_slice %arg12[%add3A_292] : memref<163840xf32, #tpu.memory_space<vmem_shared>> -> memref<640xf32, #tpu.memory_space<vmem_shared>>
    tpu.enqueue_dma source(%dma_start3A_298 : memref<640xf32, #tpu.memory_space<vmem_shared>>) target(%dma_start3A_297 : memref<640xf32, #tpu.memory_space<vmem>>) target_semaphore(%arg13 : memref<!tpu.dma_semaphore, #tpu.memory_space<semaphore_mem>>)
    %mul3A_299 = arith.constant 640 : i32
    %mul3A_300 = arith.muli %arg1, %mul3A_299 : i32
    %add3A_301 = arith.constant 0 : i32
    %add3A_302 = arith.addi %add3A_301, %mul3A_300 : i32
    %dma_wait3A_303 = arith.constant 0 : i32
    %dma_wait3A_304 = tpu.memref_slice %arg10[%dma_wait3A_303] : memref<10240xf32, #tpu.memory_space<vmem>> -> memref<640xf32, #tpu.memory_space<vmem>>
    %dma_wait3A_305 = tpu.memref_slice %arg12[%add3A_302] : memref<163840xf32, #tpu.memory_space<vmem_shared>> -> memref<640xf32, #tpu.memory_space<vmem_shared>>
    %dma_wait3A_306 = arith.constant 0 : i32
    %dma_wait3A_307 = tpu.memref_slice %arg10[%dma_wait3A_306] : memref<10240xf32, #tpu.memory_space<vmem>> -> memref<640xf32, #tpu.memory_space<vmem>>
    %dma_wait3A_308 = tpu.memref_slice %arg12[%add3A_302] : memref<163840xf32, #tpu.memory_space<vmem_shared>> -> memref<640xf32, #tpu.memory_space<vmem_shared>>
    tpu.wait_dma2 semaphore(%arg13 : memref<!tpu.dma_semaphore, #tpu.memory_space<semaphore_mem>>) src(%dma_wait3A_308 : memref<640xf32, #tpu.memory_space<vmem_shared>>) dst(%dma_wait3A_307 : memref<640xf32, #tpu.memory_space<vmem>>)
    %mul3A_309 = arith.constant 640 : i32
    %mul3A_310 = arith.muli %arg1, %mul3A_309 : i32
    %add3A_311 = arith.constant 10240 : i32
    %add3A_312 = arith.addi %add3A_311, %mul3A_310 : i32
    %dma_wait3A_313 = arith.constant 640 : i32
    %dma_wait3A_314 = tpu.memref_slice %arg10[%dma_wait3A_313] : memref<10240xf32, #tpu.memory_space<vmem>> -> memref<640xf32, #tpu.memory_space<vmem>>
    %dma_wait3A_315 = tpu.memref_slice %arg12[%add3A_312] : memref<163840xf32, #tpu.memory_space<vmem_shared>> -> memref<640xf32, #tpu.memory_space<vmem_shared>>
    %dma_wait3A_316 = arith.constant 640 : i32
    %dma_wait3A_317 = tpu.memref_slice %arg10[%dma_wait3A_316] : memref<10240xf32, #tpu.memory_space<vmem>> -> memref<640xf32, #tpu.memory_space<vmem>>
    %dma_wait3A_318 = tpu.memref_slice %arg12[%add3A_312] : memref<163840xf32, #tpu.memory_space<vmem_shared>> -> memref<640xf32, #tpu.memory_space<vmem_shared>>
    tpu.wait_dma2 semaphore(%arg13 : memref<!tpu.dma_semaphore, #tpu.memory_space<semaphore_mem>>) src(%dma_wait3A_318 : memref<640xf32, #tpu.memory_space<vmem_shared>>) dst(%dma_wait3A_317 : memref<640xf32, #tpu.memory_space<vmem>>)
    %mul3A_319 = arith.constant 640 : i32
    %mul3A_320 = arith.muli %arg1, %mul3A_319 : i32
    %add3A_321 = arith.constant 20480 : i32
    %add3A_322 = arith.addi %add3A_321, %mul3A_320 : i32
    %dma_wait3A_323 = arith.constant 1280 : i32
    %dma_wait3A_324 = tpu.memref_slice %arg10[%dma_wait3A_323] : memref<10240xf32, #tpu.memory_space<vmem>> -> memref<640xf32, #tpu.memory_space<vmem>>
    %dma_wait3A_325 = tpu.memref_slice %arg12[%add3A_322] : memref<163840xf32, #tpu.memory_space<vmem_shared>> -> memref<640xf32, #tpu.memory_space<vmem_shared>>
    %dma_wait3A_326 = arith.constant 1280 : i32
    %dma_wait3A_327 = tpu.memref_slice %arg10[%dma_wait3A_326] : memref<10240xf32, #tpu.memory_space<vmem>> -> memref<640xf32, #tpu.memory_space<vmem>>
    %dma_wait3A_328 = tpu.memref_slice %arg12[%add3A_322] : memref<163840xf32, #tpu.memory_space<vmem_shared>> -> memref<640xf32, #tpu.memory_space<vmem_shared>>
    tpu.wait_dma2 semaphore(%arg13 : memref<!tpu.dma_semaphore, #tpu.memory_space<semaphore_mem>>) src(%dma_wait3A_328 : memref<640xf32, #tpu.memory_space<vmem_shared>>) dst(%dma_wait3A_327 : memref<640xf32, #tpu.memory_space<vmem>>)
    %mul3A_329 = arith.constant 640 : i32
    %mul3A_330 = arith.muli %arg1, %mul3A_329 : i32
    %add3A_331 = arith.constant 30720 : i32
    %add3A_332 = arith.addi %add3A_331, %mul3A_330 : i32
    %dma_wait3A_333 = arith.constant 1920 : i32
    %dma_wait3A_334 = tpu.memref_slice %arg10[%dma_wait3A_333] : memref<10240xf32, #tpu.memory_space<vmem>> -> memref<640xf32, #tpu.memory_space<vmem>>
    %dma_wait3A_335 = tpu.memref_slice %arg12[%add3A_332] : memref<163840xf32, #tpu.memory_space<vmem_shared>> -> memref<640xf32, #tpu.memory_space<vmem_shared>>
    %dma_wait3A_336 = arith.constant 1920 : i32
    %dma_wait3A_337 = tpu.memref_slice %arg10[%dma_wait3A_336] : memref<10240xf32, #tpu.memory_space<vmem>> -> memref<640xf32, #tpu.memory_space<vmem>>
    %dma_wait3A_338 = tpu.memref_slice %arg12[%add3A_332] : memref<163840xf32, #tpu.memory_space<vmem_shared>> -> memref<640xf32, #tpu.memory_space<vmem_shared>>
    tpu.wait_dma2 semaphore(%arg13 : memref<!tpu.dma_semaphore, #tpu.memory_space<semaphore_mem>>) src(%dma_wait3A_338 : memref<640xf32, #tpu.memory_space<vmem_shared>>) dst(%dma_wait3A_337 : memref<640xf32, #tpu.memory_space<vmem>>)
    %mul3A_339 = arith.constant 640 : i32
    %mul3A_340 = arith.muli %arg1, %mul3A_339 : i32
    %add3A_341 = arith.constant 40960 : i32
    %add3A_342 = arith.addi %add3A_341, %mul3A_340 : i32
    %dma_wait3A_343 = arith.constant 2560 : i32
    %dma_wait3A_344 = tpu.memref_slice %arg10[%dma_wait3A_343] : memref<10240xf32, #tpu.memory_space<vmem>> -> memref<640xf32, #tpu.memory_space<vmem>>
    %dma_wait3A_345 = tpu.memref_slice %arg12[%add3A_342] : memref<163840xf32, #tpu.memory_space<vmem_shared>> -> memref<640xf32, #tpu.memory_space<vmem_shared>>
    %dma_wait3A_346 = arith.constant 2560 : i32
    %dma_wait3A_347 = tpu.memref_slice %arg10[%dma_wait3A_346] : memref<10240xf32, #tpu.memory_space<vmem>> -> memref<640xf32, #tpu.memory_space<vmem>>
    %dma_wait3A_348 = tpu.memref_slice %arg12[%add3A_342] : memref<163840xf32, #tpu.memory_space<vmem_shared>> -> memref<640xf32, #tpu.memory_space<vmem_shared>>
    tpu.wait_dma2 semaphore(%arg13 : memref<!tpu.dma_semaphore, #tpu.memory_space<semaphore_mem>>) src(%dma_wait3A_348 : memref<640xf32, #tpu.memory_space<vmem_shared>>) dst(%dma_wait3A_347 : memref<640xf32, #tpu.memory_space<vmem>>)
    %mul3A_349 = arith.constant 640 : i32
    %mul3A_350 = arith.muli %arg1, %mul3A_349 : i32
    %add3A_351 = arith.constant 51200 : i32
    %add3A_352 = arith.addi %add3A_351, %mul3A_350 : i32
    %dma_wait3A_353 = arith.constant 3200 : i32
    %dma_wait3A_354 = tpu.memref_slice %arg10[%dma_wait3A_353] : memref<10240xf32, #tpu.memory_space<vmem>> -> memref<640xf32, #tpu.memory_space<vmem>>
    %dma_wait3A_355 = tpu.memref_slice %arg12[%add3A_352] : memref<163840xf32, #tpu.memory_space<vmem_shared>> -> memref<640xf32, #tpu.memory_space<vmem_shared>>
    %dma_wait3A_356 = arith.constant 3200 : i32
    %dma_wait3A_357 = tpu.memref_slice %arg10[%dma_wait3A_356] : memref<10240xf32, #tpu.memory_space<vmem>> -> memref<640xf32, #tpu.memory_space<vmem>>
    %dma_wait3A_358 = tpu.memref_slice %arg12[%add3A_352] : memref<163840xf32, #tpu.memory_space<vmem_shared>> -> memref<640xf32, #tpu.memory_space<vmem_shared>>
    tpu.wait_dma2 semaphore(%arg13 : memref<!tpu.dma_semaphore, #tpu.memory_space<semaphore_mem>>) src(%dma_wait3A_358 : memref<640xf32, #tpu.memory_space<vmem_shared>>) dst(%dma_wait3A_357 : memref<640xf32, #tpu.memory_space<vmem>>)
    %mul3A_359 = arith.constant 640 : i32
    %mul3A_360 = arith.muli %arg1, %mul3A_359 : i32
    %add3A_361 = arith.constant 61440 : i32
    %add3A_362 = arith.addi %add3A_361, %mul3A_360 : i32
    %dma_wait3A_363 = arith.constant 3840 : i32
    %dma_wait3A_364 = tpu.memref_slice %arg10[%dma_wait3A_363] : memref<10240xf32, #tpu.memory_space<vmem>> -> memref<640xf32, #tpu.memory_space<vmem>>
    %dma_wait3A_365 = tpu.memref_slice %arg12[%add3A_362] : memref<163840xf32, #tpu.memory_space<vmem_shared>> -> memref<640xf32, #tpu.memory_space<vmem_shared>>
    %dma_wait3A_366 = arith.constant 3840 : i32
    %dma_wait3A_367 = tpu.memref_slice %arg10[%dma_wait3A_366] : memref<10240xf32, #tpu.memory_space<vmem>> -> memref<640xf32, #tpu.memory_space<vmem>>
    %dma_wait3A_368 = tpu.memref_slice %arg12[%add3A_362] : memref<163840xf32, #tpu.memory_space<vmem_shared>> -> memref<640xf32, #tpu.memory_space<vmem_shared>>
    tpu.wait_dma2 semaphore(%arg13 : memref<!tpu.dma_semaphore, #tpu.memory_space<semaphore_mem>>) src(%dma_wait3A_368 : memref<640xf32, #tpu.memory_space<vmem_shared>>) dst(%dma_wait3A_367 : memref<640xf32, #tpu.memory_space<vmem>>)
    %mul3A_369 = arith.constant 640 : i32
    %mul3A_370 = arith.muli %arg1, %mul3A_369 : i32
    %add3A_371 = arith.constant 71680 : i32
    %add3A_372 = arith.addi %add3A_371, %mul3A_370 : i32
    %dma_wait3A_373 = arith.constant 4480 : i32
    %dma_wait3A_374 = tpu.memref_slice %arg10[%dma_wait3A_373] : memref<10240xf32, #tpu.memory_space<vmem>> -> memref<640xf32, #tpu.memory_space<vmem>>
    %dma_wait3A_375 = tpu.memref_slice %arg12[%add3A_372] : memref<163840xf32, #tpu.memory_space<vmem_shared>> -> memref<640xf32, #tpu.memory_space<vmem_shared>>
    %dma_wait3A_376 = arith.constant 4480 : i32
    %dma_wait3A_377 = tpu.memref_slice %arg10[%dma_wait3A_376] : memref<10240xf32, #tpu.memory_space<vmem>> -> memref<640xf32, #tpu.memory_space<vmem>>
    %dma_wait3A_378 = tpu.memref_slice %arg12[%add3A_372] : memref<163840xf32, #tpu.memory_space<vmem_shared>> -> memref<640xf32, #tpu.memory_space<vmem_shared>>
    tpu.wait_dma2 semaphore(%arg13 : memref<!tpu.dma_semaphore, #tpu.memory_space<semaphore_mem>>) src(%dma_wait3A_378 : memref<640xf32, #tpu.memory_space<vmem_shared>>) dst(%dma_wait3A_377 : memref<640xf32, #tpu.memory_space<vmem>>)
    %mul3A_379 = arith.constant 640 : i32
    %mul3A_380 = arith.muli %arg1, %mul3A_379 : i32
    %add3A_381 = arith.constant 81920 : i32
    %add3A_382 = arith.addi %add3A_381, %mul3A_380 : i32
    %dma_wait3A_383 = arith.constant 5120 : i32
    %dma_wait3A_384 = tpu.memref_slice %arg10[%dma_wait3A_383] : memref<10240xf32, #tpu.memory_space<vmem>> -> memref<640xf32, #tpu.memory_space<vmem>>
    %dma_wait3A_385 = tpu.memref_slice %arg12[%add3A_382] : memref<163840xf32, #tpu.memory_space<vmem_shared>> -> memref<640xf32, #tpu.memory_space<vmem_shared>>
    %dma_wait3A_386 = arith.constant 5120 : i32
    %dma_wait3A_387 = tpu.memref_slice %arg10[%dma_wait3A_386] : memref<10240xf32, #tpu.memory_space<vmem>> -> memref<640xf32, #tpu.memory_space<vmem>>
    %dma_wait3A_388 = tpu.memref_slice %arg12[%add3A_382] : memref<163840xf32, #tpu.memory_space<vmem_shared>> -> memref<640xf32, #tpu.memory_space<vmem_shared>>
    tpu.wait_dma2 semaphore(%arg13 : memref<!tpu.dma_semaphore, #tpu.memory_space<semaphore_mem>>) src(%dma_wait3A_388 : memref<640xf32, #tpu.memory_space<vmem_shared>>) dst(%dma_wait3A_387 : memref<640xf32, #tpu.memory_space<vmem>>)
    %mul3A_389 = arith.constant 640 : i32
    %mul3A_390 = arith.muli %arg1, %mul3A_389 : i32
    %add3A_391 = arith.constant 92160 : i32
    %add3A_392 = arith.addi %add3A_391, %mul3A_390 : i32
    %dma_wait3A_393 = arith.constant 5760 : i32
    %dma_wait3A_394 = tpu.memref_slice %arg10[%dma_wait3A_393] : memref<10240xf32, #tpu.memory_space<vmem>> -> memref<640xf32, #tpu.memory_space<vmem>>
    %dma_wait3A_395 = tpu.memref_slice %arg12[%add3A_392] : memref<163840xf32, #tpu.memory_space<vmem_shared>> -> memref<640xf32, #tpu.memory_space<vmem_shared>>
    %dma_wait3A_396 = arith.constant 5760 : i32
    %dma_wait3A_397 = tpu.memref_slice %arg10[%dma_wait3A_396] : memref<10240xf32, #tpu.memory_space<vmem>> -> memref<640xf32, #tpu.memory_space<vmem>>
    %dma_wait3A_398 = tpu.memref_slice %arg12[%add3A_392] : memref<163840xf32, #tpu.memory_space<vmem_shared>> -> memref<640xf32, #tpu.memory_space<vmem_shared>>
    tpu.wait_dma2 semaphore(%arg13 : memref<!tpu.dma_semaphore, #tpu.memory_space<semaphore_mem>>) src(%dma_wait3A_398 : memref<640xf32, #tpu.memory_space<vmem_shared>>) dst(%dma_wait3A_397 : memref<640xf32, #tpu.memory_space<vmem>>)
    %mul3A_399 = arith.constant 640 : i32
    %mul3A_400 = arith.muli %arg1, %mul3A_399 : i32
    %add3A_401 = arith.constant 102400 : i32
    %add3A_402 = arith.addi %add3A_401, %mul3A_400 : i32
    %dma_wait3A_403 = arith.constant 6400 : i32
    %dma_wait3A_404 = tpu.memref_slice %arg10[%dma_wait3A_403] : memref<10240xf32, #tpu.memory_space<vmem>> -> memref<640xf32, #tpu.memory_space<vmem>>
    %dma_wait3A_405 = tpu.memref_slice %arg12[%add3A_402] : memref<163840xf32, #tpu.memory_space<vmem_shared>> -> memref<640xf32, #tpu.memory_space<vmem_shared>>
    %dma_wait3A_406 = arith.constant 6400 : i32
    %dma_wait3A_407 = tpu.memref_slice %arg10[%dma_wait3A_406] : memref<10240xf32, #tpu.memory_space<vmem>> -> memref<640xf32, #tpu.memory_space<vmem>>
    %dma_wait3A_408 = tpu.memref_slice %arg12[%add3A_402] : memref<163840xf32, #tpu.memory_space<vmem_shared>> -> memref<640xf32, #tpu.memory_space<vmem_shared>>
    tpu.wait_dma2 semaphore(%arg13 : memref<!tpu.dma_semaphore, #tpu.memory_space<semaphore_mem>>) src(%dma_wait3A_408 : memref<640xf32, #tpu.memory_space<vmem_shared>>) dst(%dma_wait3A_407 : memref<640xf32, #tpu.memory_space<vmem>>)
    %mul3A_409 = arith.constant 640 : i32
    %mul3A_410 = arith.muli %arg1, %mul3A_409 : i32
    %add3A_411 = arith.constant 112640 : i32
    %add3A_412 = arith.addi %add3A_411, %mul3A_410 : i32
    %dma_wait3A_413 = arith.constant 7040 : i32
    %dma_wait3A_414 = tpu.memref_slice %arg10[%dma_wait3A_413] : memref<10240xf32, #tpu.memory_space<vmem>> -> memref<640xf32, #tpu.memory_space<vmem>>
    %dma_wait3A_415 = tpu.memref_slice %arg12[%add3A_412] : memref<163840xf32, #tpu.memory_space<vmem_shared>> -> memref<640xf32, #tpu.memory_space<vmem_shared>>
    %dma_wait3A_416 = arith.constant 7040 : i32
    %dma_wait3A_417 = tpu.memref_slice %arg10[%dma_wait3A_416] : memref<10240xf32, #tpu.memory_space<vmem>> -> memref<640xf32, #tpu.memory_space<vmem>>
    %dma_wait3A_418 = tpu.memref_slice %arg12[%add3A_412] : memref<163840xf32, #tpu.memory_space<vmem_shared>> -> memref<640xf32, #tpu.memory_space<vmem_shared>>
    tpu.wait_dma2 semaphore(%arg13 : memref<!tpu.dma_semaphore, #tpu.memory_space<semaphore_mem>>) src(%dma_wait3A_418 : memref<640xf32, #tpu.memory_space<vmem_shared>>) dst(%dma_wait3A_417 : memref<640xf32, #tpu.memory_space<vmem>>)
    %mul3A_419 = arith.constant 640 : i32
    %mul3A_420 = arith.muli %arg1, %mul3A_419 : i32
    %add3A_421 = arith.constant 122880 : i32
    %add3A_422 = arith.addi %add3A_421, %mul3A_420 : i32
    %dma_wait3A_423 = arith.constant 7680 : i32
    %dma_wait3A_424 = tpu.memref_slice %arg10[%dma_wait3A_423] : memref<10240xf32, #tpu.memory_space<vmem>> -> memref<640xf32, #tpu.memory_space<vmem>>
    %dma_wait3A_425 = tpu.memref_slice %arg12[%add3A_422] : memref<163840xf32, #tpu.memory_space<vmem_shared>> -> memref<640xf32, #tpu.memory_space<vmem_shared>>
    %dma_wait3A_426 = arith.constant 7680 : i32
    %dma_wait3A_427 = tpu.memref_slice %arg10[%dma_wait3A_426] : memref<10240xf32, #tpu.memory_space<vmem>> -> memref<640xf32, #tpu.memory_space<vmem>>
    %dma_wait3A_428 = tpu.memref_slice %arg12[%add3A_422] : memref<163840xf32, #tpu.memory_space<vmem_shared>> -> memref<640xf32, #tpu.memory_space<vmem_shared>>
    tpu.wait_dma2 semaphore(%arg13 : memref<!tpu.dma_semaphore, #tpu.memory_space<semaphore_mem>>) src(%dma_wait3A_428 : memref<640xf32, #tpu.memory_space<vmem_shared>>) dst(%dma_wait3A_427 : memref<640xf32, #tpu.memory_space<vmem>>)
    %mul3A_429 = arith.constant 640 : i32
    %mul3A_430 = arith.muli %arg1, %mul3A_429 : i32
    %add3A_431 = arith.constant 133120 : i32
    %add3A_432 = arith.addi %add3A_431, %mul3A_430 : i32
    %dma_wait3A_433 = arith.constant 8320 : i32
    %dma_wait3A_434 = tpu.memref_slice %arg10[%dma_wait3A_433] : memref<10240xf32, #tpu.memory_space<vmem>> -> memref<640xf32, #tpu.memory_space<vmem>>
    %dma_wait3A_435 = tpu.memref_slice %arg12[%add3A_432] : memref<163840xf32, #tpu.memory_space<vmem_shared>> -> memref<640xf32, #tpu.memory_space<vmem_shared>>
    %dma_wait3A_436 = arith.constant 8320 : i32
    %dma_wait3A_437 = tpu.memref_slice %arg10[%dma_wait3A_436] : memref<10240xf32, #tpu.memory_space<vmem>> -> memref<640xf32, #tpu.memory_space<vmem>>
    %dma_wait3A_438 = tpu.memref_slice %arg12[%add3A_432] : memref<163840xf32, #tpu.memory_space<vmem_shared>> -> memref<640xf32, #tpu.memory_space<vmem_shared>>
    tpu.wait_dma2 semaphore(%arg13 : memref<!tpu.dma_semaphore, #tpu.memory_space<semaphore_mem>>) src(%dma_wait3A_438 : memref<640xf32, #tpu.memory_space<vmem_shared>>) dst(%dma_wait3A_437 : memref<640xf32, #tpu.memory_space<vmem>>)
    %mul3A_439 = arith.constant 640 : i32
    %mul3A_440 = arith.muli %arg1, %mul3A_439 : i32
    %add3A_441 = arith.constant 143360 : i32
    %add3A_442 = arith.addi %add3A_441, %mul3A_440 : i32
    %dma_wait3A_443 = arith.constant 8960 : i32
    %dma_wait3A_444 = tpu.memref_slice %arg10[%dma_wait3A_443] : memref<10240xf32, #tpu.memory_space<vmem>> -> memref<640xf32, #tpu.memory_space<vmem>>
    %dma_wait3A_445 = tpu.memref_slice %arg12[%add3A_442] : memref<163840xf32, #tpu.memory_space<vmem_shared>> -> memref<640xf32, #tpu.memory_space<vmem_shared>>
    %dma_wait3A_446 = arith.constant 8960 : i32
    %dma_wait3A_447 = tpu.memref_slice %arg10[%dma_wait3A_446] : memref<10240xf32, #tpu.memory_space<vmem>> -> memref<640xf32, #tpu.memory_space<vmem>>
    %dma_wait3A_448 = tpu.memref_slice %arg12[%add3A_442] : memref<163840xf32, #tpu.memory_space<vmem_shared>> -> memref<640xf32, #tpu.memory_space<vmem_shared>>
    tpu.wait_dma2 semaphore(%arg13 : memref<!tpu.dma_semaphore, #tpu.memory_space<semaphore_mem>>) src(%dma_wait3A_448 : memref<640xf32, #tpu.memory_space<vmem_shared>>) dst(%dma_wait3A_447 : memref<640xf32, #tpu.memory_space<vmem>>)
    %mul3A_449 = arith.constant 640 : i32
    %mul3A_450 = arith.muli %arg1, %mul3A_449 : i32
    %add3A_451 = arith.constant 153600 : i32
    %add3A_452 = arith.addi %add3A_451, %mul3A_450 : i32
    %dma_wait3A_453 = arith.constant 9600 : i32
    %dma_wait3A_454 = tpu.memref_slice %arg10[%dma_wait3A_453] : memref<10240xf32, #tpu.memory_space<vmem>> -> memref<640xf32, #tpu.memory_space<vmem>>
    %dma_wait3A_455 = tpu.memref_slice %arg12[%add3A_452] : memref<163840xf32, #tpu.memory_space<vmem_shared>> -> memref<640xf32, #tpu.memory_space<vmem_shared>>
    %dma_wait3A_456 = arith.constant 9600 : i32
    %dma_wait3A_457 = tpu.memref_slice %arg10[%dma_wait3A_456] : memref<10240xf32, #tpu.memory_space<vmem>> -> memref<640xf32, #tpu.memory_space<vmem>>
    %dma_wait3A_458 = tpu.memref_slice %arg12[%add3A_452] : memref<163840xf32, #tpu.memory_space<vmem_shared>> -> memref<640xf32, #tpu.memory_space<vmem_shared>>
    tpu.wait_dma2 semaphore(%arg13 : memref<!tpu.dma_semaphore, #tpu.memory_space<semaphore_mem>>) src(%dma_wait3A_458 : memref<640xf32, #tpu.memory_space<vmem_shared>>) dst(%dma_wait3A_457 : memref<640xf32, #tpu.memory_space<vmem>>)
    %scan3A_459 = arith.constant 0 : i32
    %scan3A_460 = arith.constant 0 : i32
    %scan3A_461 = arith.constant 40 : i32
    %scan3A_462 = arith.addi %scan3A_460, %scan3A_461 : i32
    %scan3A_463 = arith.constant 4 : i32
    scf.for %scan3A_465 = %scan3A_460 to %scan3A_462 step %scan3A_463  : i32 {
      %mul3A_466 = arith.constant 16 : i32
      %mul3A_467 = arith.muli %scan3A_465, %mul3A_466 : i32
      %get3A_468 = arith.index_cast %mul3A_467 : i32 to index
      %get3A_469 = tpu.vector_load %arg10[%get3A_468] {strides = array<i32>} : memref<10240xf32, #tpu.memory_space<vmem>>, vector<16xf32>,
      %get3A_470 = vector.shape_cast %get3A_469 : vector<16xf32> to vector<16xf32>
      %mul3A_471 = arith.constant 16 : i32
      %mul3A_472 = arith.muli %scan3A_465, %mul3A_471 : i32
      %add3A_473 = arith.constant 640 : i32
      %add3A_474 = arith.addi %add3A_473, %mul3A_472 : i32
      %get3A_475 = arith.index_cast %add3A_474 : i32 to index
      %get3A_476 = tpu.vector_load %arg10[%get3A_475] {strides = array<i32>} : memref<10240xf32, #tpu.memory_space<vmem>>, vector<16xf32>,
      %get3A_477 = vector.shape_cast %get3A_476 : vector<16xf32> to vector<16xf32>
      %add3A_478 = arith.addf %get3A_470, %get3A_477 : vector<16xf32>
      %mul3A_479 = arith.constant 16 : i32
      %mul3A_480 = arith.muli %scan3A_465, %mul3A_479 : i32
      %add3A_481 = arith.constant 1280 : i32
      %add3A_482 = arith.addi %add3A_481, %mul3A_480 : i32
      %get3A_483 = arith.index_cast %add3A_482 : i32 to index
      %get3A_484 = tpu.vector_load %arg10[%get3A_483] {strides = array<i32>} : memref<10240xf32, #tpu.memory_space<vmem>>, vector<16xf32>,
      %get3A_485 = vector.shape_cast %get3A_484 : vector<16xf32> to vector<16xf32>
      %add3A_486 = arith.addf %add3A_478, %get3A_485 : vector<16xf32>
      %mul3A_487 = arith.constant 16 : i32
      %mul3A_488 = arith.muli %scan3A_465, %mul3A_487 : i32
      %add3A_489 = arith.constant 1920 : i32
      %add3A_490 = arith.addi %add3A_489, %mul3A_488 : i32
      %get3A_491 = arith.index_cast %add3A_490 : i32 to index
      %get3A_492 = tpu.vector_load %arg10[%get3A_491] {strides = array<i32>} : memref<10240xf32, #tpu.memory_space<vmem>>, vector<16xf32>,
      %get3A_493 = vector.shape_cast %get3A_492 : vector<16xf32> to vector<16xf32>
      %add3A_494 = arith.addf %add3A_486, %get3A_493 : vector<16xf32>
      %mul3A_495 = arith.constant 16 : i32
      %mul3A_496 = arith.muli %scan3A_465, %mul3A_495 : i32
      %add3A_497 = arith.constant 2560 : i32
      %add3A_498 = arith.addi %add3A_497, %mul3A_496 : i32
      %get3A_499 = arith.index_cast %add3A_498 : i32 to index
      %get3A_500 = tpu.vector_load %arg10[%get3A_499] {strides = array<i32>} : memref<10240xf32, #tpu.memory_space<vmem>>, vector<16xf32>,
      %get3A_501 = vector.shape_cast %get3A_500 : vector<16xf32> to vector<16xf32>
      %add3A_502 = arith.addf %add3A_494, %get3A_501 : vector<16xf32>
      %mul3A_503 = arith.constant 16 : i32
      %mul3A_504 = arith.muli %scan3A_465, %mul3A_503 : i32
      %add3A_505 = arith.constant 3200 : i32
      %add3A_506 = arith.addi %add3A_505, %mul3A_504 : i32
      %get3A_507 = arith.index_cast %add3A_506 : i32 to index
      %get3A_508 = tpu.vector_load %arg10[%get3A_507] {strides = array<i32>} : memref<10240xf32, #tpu.memory_space<vmem>>, vector<16xf32>,
      %get3A_509 = vector.shape_cast %get3A_508 : vector<16xf32> to vector<16xf32>
      %add3A_510 = arith.addf %add3A_502, %get3A_509 : vector<16xf32>
      %mul3A_511 = arith.constant 16 : i32
      %mul3A_512 = arith.muli %scan3A_465, %mul3A_511 : i32
      %add3A_513 = arith.constant 3840 : i32
      %add3A_514 = arith.addi %add3A_513, %mul3A_512 : i32
      %get3A_515 = arith.index_cast %add3A_514 : i32 to index
      %get3A_516 = tpu.vector_load %arg10[%get3A_515] {strides = array<i32>} : memref<10240xf32, #tpu.memory_space<vmem>>, vector<16xf32>,
      %get3A_517 = vector.shape_cast %get3A_516 : vector<16xf32> to vector<16xf32>
      %add3A_518 = arith.addf %add3A_510, %get3A_517 : vector<16xf32>
      %mul3A_519 = arith.constant 16 : i32
      %mul3A_520 = arith.muli %scan3A_465, %mul3A_519 : i32
      %add3A_521 = arith.constant 4480 : i32
      %add3A_522 = arith.addi %add3A_521, %mul3A_520 : i32
      %get3A_523 = arith.index_cast %add3A_522 : i32 to index
      %get3A_524 = tpu.vector_load %arg10[%get3A_523] {strides = array<i32>} : memref<10240xf32, #tpu.memory_space<vmem>>, vector<16xf32>,
      %get3A_525 = vector.shape_cast %get3A_524 : vector<16xf32> to vector<16xf32>
      %add3A_526 = arith.addf %add3A_518, %get3A_525 : vector<16xf32>
      %mul3A_527 = arith.constant 16 : i32
      %mul3A_528 = arith.muli %scan3A_465, %mul3A_527 : i32
      %add3A_529 = arith.constant 5120 : i32
      %add3A_530 = arith.addi %add3A_529, %mul3A_528 : i32
      %get3A_531 = arith.index_cast %add3A_530 : i32 to index
      %get3A_532 = tpu.vector_load %arg10[%get3A_531] {strides = array<i32>} : memref<10240xf32, #tpu.memory_space<vmem>>, vector<16xf32>,
      %get3A_533 = vector.shape_cast %get3A_532 : vector<16xf32> to vector<16xf32>
      %add3A_534 = arith.addf %add3A_526, %get3A_533 : vector<16xf32>
      %mul3A_535 = arith.constant 16 : i32
      %mul3A_536 = arith.muli %scan3A_465, %mul3A_535 : i32
      %add3A_537 = arith.constant 5760 : i32
      %add3A_538 = arith.addi %add3A_537, %mul3A_536 : i32
      %get3A_539 = arith.index_cast %add3A_538 : i32 to index
      %get3A_540 = tpu.vector_load %arg10[%get3A_539] {strides = array<i32>} : memref<10240xf32, #tpu.memory_space<vmem>>, vector<16xf32>,
      %get3A_541 = vector.shape_cast %get3A_540 : vector<16xf32> to vector<16xf32>
      %add3A_542 = arith.addf %add3A_534, %get3A_541 : vector<16xf32>
      %mul3A_543 = arith.constant 16 : i32
      %mul3A_544 = arith.muli %scan3A_465, %mul3A_543 : i32
      %add3A_545 = arith.constant 6400 : i32
      %add3A_546 = arith.addi %add3A_545, %mul3A_544 : i32
      %get3A_547 = arith.index_cast %add3A_546 : i32 to index
      %get3A_548 = tpu.vector_load %arg10[%get3A_547] {strides = array<i32>} : memref<10240xf32, #tpu.memory_space<vmem>>, vector<16xf32>,
      %get3A_549 = vector.shape_cast %get3A_548 : vector<16xf32> to vector<16xf32>
      %add3A_550 = arith.addf %add3A_542, %get3A_549 : vector<16xf32>
      %mul3A_551 = arith.constant 16 : i32
      %mul3A_552 = arith.muli %scan3A_465, %mul3A_551 : i32
      %add3A_553 = arith.constant 7040 : i32
      %add3A_554 = arith.addi %add3A_553, %mul3A_552 : i32
      %get3A_555 = arith.index_cast %add3A_554 : i32 to index
      %get3A_556 = tpu.vector_load %arg10[%get3A_555] {strides = array<i32>} : memref<10240xf32, #tpu.memory_space<vmem>>, vector<16xf32>,
      %get3A_557 = vector.shape_cast %get3A_556 : vector<16xf32> to vector<16xf32>
      %add3A_558 = arith.addf %add3A_550, %get3A_557 : vector<16xf32>
      %mul3A_559 = arith.constant 16 : i32
      %mul3A_560 = arith.muli %scan3A_465, %mul3A_559 : i32
      %add3A_561 = arith.constant 7680 : i32
      %add3A_562 = arith.addi %add3A_561, %mul3A_560 : i32
      %get3A_563 = arith.index_cast %add3A_562 : i32 to index
      %get3A_564 = tpu.vector_load %arg10[%get3A_563] {strides = array<i32>} : memref<10240xf32, #tpu.memory_space<vmem>>, vector<16xf32>,
      %get3A_565 = vector.shape_cast %get3A_564 : vector<16xf32> to vector<16xf32>
      %add3A_566 = arith.addf %add3A_558, %get3A_565 : vector<16xf32>
      %mul3A_567 = arith.constant 16 : i32
      %mul3A_568 = arith.muli %scan3A_465, %mul3A_567 : i32
      %add3A_569 = arith.constant 8320 : i32
      %add3A_570 = arith.addi %add3A_569, %mul3A_568 : i32
      %get3A_571 = arith.index_cast %add3A_570 : i32 to index
      %get3A_572 = tpu.vector_load %arg10[%get3A_571] {strides = array<i32>} : memref<10240xf32, #tpu.memory_space<vmem>>, vector<16xf32>,
      %get3A_573 = vector.shape_cast %get3A_572 : vector<16xf32> to vector<16xf32>
      %add3A_574 = arith.addf %add3A_566, %get3A_573 : vector<16xf32>
      %mul3A_575 = arith.constant 16 : i32
      %mul3A_576 = arith.muli %scan3A_465, %mul3A_575 : i32
      %add3A_577 = arith.constant 8960 : i32
      %add3A_578 = arith.addi %add3A_577, %mul3A_576 : i32
      %get3A_579 = arith.index_cast %add3A_578 : i32 to index
      %get3A_580 = tpu.vector_load %arg10[%get3A_579] {strides = array<i32>} : memref<10240xf32, #tpu.memory_space<vmem>>, vector<16xf32>,
      %get3A_581 = vector.shape_cast %get3A_580 : vector<16xf32> to vector<16xf32>
      %add3A_582 = arith.addf %add3A_574, %get3A_581 : vector<16xf32>
      %mul3A_583 = arith.constant 16 : i32
      %mul3A_584 = arith.muli %scan3A_465, %mul3A_583 : i32
      %add3A_585 = arith.constant 9600 : i32
      %add3A_586 = arith.addi %add3A_585, %mul3A_584 : i32
      %get3A_587 = arith.index_cast %add3A_586 : i32 to index
      %get3A_588 = tpu.vector_load %arg10[%get3A_587] {strides = array<i32>} : memref<10240xf32, #tpu.memory_space<vmem>>, vector<16xf32>,
      %get3A_589 = vector.shape_cast %get3A_588 : vector<16xf32> to vector<16xf32>
      %add3A_590 = arith.addf %add3A_582, %get3A_589 : vector<16xf32>
      %mul3A_591 = arith.constant 16 : i32
      %mul3A_592 = arith.muli %scan3A_465, %mul3A_591 : i32
      %swap3A_593 = arith.index_cast %mul3A_592 : i32 to index
      %swap3A_594 = tpu.vector_load %arg11[%swap3A_593] {strides = array<i32>} : memref<640xf32, #tpu.memory_space<vmem>>, vector<16xf32>,
      %swap3A_595 = vector.shape_cast %swap3A_594 : vector<16xf32> to vector<16xf32>
      %swap3A_596 = vector.shape_cast %add3A_590 : vector<16xf32> to vector<16xf32>
      tpu.vector_store %arg11[%swap3A_593], %swap3A_596 {strides = array<i32>} : memref<640xf32, #tpu.memory_space<vmem>>, vector<16xf32>,
      %scan3A_597 = arith.constant 1 : i32
      %scan3A_598 = arith.addi %scan3A_465, %scan3A_597 : i32
      %mul3A_599 = arith.constant 16 : i32
      %mul3A_600 = arith.muli %scan3A_598, %mul3A_599 : i32
      %get3A_601 = arith.index_cast %mul3A_600 : i32 to index
      %get3A_602 = tpu.vector_load %arg10[%get3A_601] {strides = array<i32>} : memref<10240xf32, #tpu.memory_space<vmem>>, vector<16xf32>,
      %get3A_603 = vector.shape_cast %get3A_602 : vector<16xf32> to vector<16xf32>
      %mul3A_604 = arith.constant 16 : i32
      %mul3A_605 = arith.muli %scan3A_598, %mul3A_604 : i32
      %add3A_606 = arith.constant 640 : i32
      %add3A_607 = arith.addi %add3A_606, %mul3A_605 : i32
      %get3A_608 = arith.index_cast %add3A_607 : i32 to index
      %get3A_609 = tpu.vector_load %arg10[%get3A_608] {strides = array<i32>} : memref<10240xf32, #tpu.memory_space<vmem>>, vector<16xf32>,
      %get3A_610 = vector.shape_cast %get3A_609 : vector<16xf32> to vector<16xf32>
      %add3A_611 = arith.addf %get3A_603, %get3A_610 : vector<16xf32>
      %mul3A_612 = arith.constant 16 : i32
      %mul3A_613 = arith.muli %scan3A_598, %mul3A_612 : i32
      %add3A_614 = arith.constant 1280 : i32
      %add3A_615 = arith.addi %add3A_614, %mul3A_613 : i32
      %get3A_616 = arith.index_cast %add3A_615 : i32 to index
      %get3A_617 = tpu.vector_load %arg10[%get3A_616] {strides = array<i32>} : memref<10240xf32, #tpu.memory_space<vmem>>, vector<16xf32>,
      %get3A_618 = vector.shape_cast %get3A_617 : vector<16xf32> to vector<16xf32>
      %add3A_619 = arith.addf %add3A_611, %get3A_618 : vector<16xf32>
      %mul3A_620 = arith.constant 16 : i32
      %mul3A_621 = arith.muli %scan3A_598, %mul3A_620 : i32
      %add3A_622 = arith.constant 1920 : i32
      %add3A_623 = arith.addi %add3A_622, %mul3A_621 : i32
      %get3A_624 = arith.index_cast %add3A_623 : i32 to index
      %get3A_625 = tpu.vector_load %arg10[%get3A_624] {strides = array<i32>} : memref<10240xf32, #tpu.memory_space<vmem>>, vector<16xf32>,
      %get3A_626 = vector.shape_cast %get3A_625 : vector<16xf32> to vector<16xf32>
      %add3A_627 = arith.addf %add3A_619, %get3A_626 : vector<16xf32>
      %mul3A_628 = arith.constant 16 : i32
      %mul3A_629 = arith.muli %scan3A_598, %mul3A_628 : i32
      %add3A_630 = arith.constant 2560 : i32
      %add3A_631 = arith.addi %add3A_630, %mul3A_629 : i32
      %get3A_632 = arith.index_cast %add3A_631 : i32 to index
      %get3A_633 = tpu.vector_load %arg10[%get3A_632] {strides = array<i32>} : memref<10240xf32, #tpu.memory_space<vmem>>, vector<16xf32>,
      %get3A_634 = vector.shape_cast %get3A_633 : vector<16xf32> to vector<16xf32>
      %add3A_635 = arith.addf %add3A_627, %get3A_634 : vector<16xf32>
      %mul3A_636 = arith.constant 16 : i32
      %mul3A_637 = arith.muli %scan3A_598, %mul3A_636 : i32
      %add3A_638 = arith.constant 3200 : i32
      %add3A_639 = arith.addi %add3A_638, %mul3A_637 : i32
      %get3A_640 = arith.index_cast %add3A_639 : i32 to index
      %get3A_641 = tpu.vector_load %arg10[%get3A_640] {strides = array<i32>} : memref<10240xf32, #tpu.memory_space<vmem>>, vector<16xf32>,
      %get3A_642 = vector.shape_cast %get3A_641 : vector<16xf32> to vector<16xf32>
      %add3A_643 = arith.addf %add3A_635, %get3A_642 : vector<16xf32>
      %mul3A_644 = arith.constant 16 : i32
      %mul3A_645 = arith.muli %scan3A_598, %mul3A_644 : i32
      %add3A_646 = arith.constant 3840 : i32
      %add3A_647 = arith.addi %add3A_646, %mul3A_645 : i32
      %get3A_648 = arith.index_cast %add3A_647 : i32 to index
      %get3A_649 = tpu.vector_load %arg10[%get3A_648] {strides = array<i32>} : memref<10240xf32, #tpu.memory_space<vmem>>, vector<16xf32>,
      %get3A_650 = vector.shape_cast %get3A_649 : vector<16xf32> to vector<16xf32>
      %add3A_651 = arith.addf %add3A_643, %get3A_650 : vector<16xf32>
      %mul3A_652 = arith.constant 16 : i32
      %mul3A_653 = arith.muli %scan3A_598, %mul3A_652 : i32
      %add3A_654 = arith.constant 4480 : i32
      %add3A_655 = arith.addi %add3A_654, %mul3A_653 : i32
      %get3A_656 = arith.index_cast %add3A_655 : i32 to index
      %get3A_657 = tpu.vector_load %arg10[%get3A_656] {strides = array<i32>} : memref<10240xf32, #tpu.memory_space<vmem>>, vector<16xf32>,
      %get3A_658 = vector.shape_cast %get3A_657 : vector<16xf32> to vector<16xf32>
      %add3A_659 = arith.addf %add3A_651, %get3A_658 : vector<16xf32>
      %mul3A_660 = arith.constant 16 : i32
      %mul3A_661 = arith.muli %scan3A_598, %mul3A_660 : i32
      %add3A_662 = arith.constant 5120 : i32
      %add3A_663 = arith.addi %add3A_662, %mul3A_661 : i32
      %get3A_664 = arith.index_cast %add3A_663 : i32 to index
      %get3A_665 = tpu.vector_load %arg10[%get3A_664] {strides = array<i32>} : memref<10240xf32, #tpu.memory_space<vmem>>, vector<16xf32>,
      %get3A_666 = vector.shape_cast %get3A_665 : vector<16xf32> to vector<16xf32>
      %add3A_667 = arith.addf %add3A_659, %get3A_666 : vector<16xf32>
      %mul3A_668 = arith.constant 16 : i32
      %mul3A_669 = arith.muli %scan3A_598, %mul3A_668 : i32
      %add3A_670 = arith.constant 5760 : i32
      %add3A_671 = arith.addi %add3A_670, %mul3A_669 : i32
      %get3A_672 = arith.index_cast %add3A_671 : i32 to index
      %get3A_673 = tpu.vector_load %arg10[%get3A_672] {strides = array<i32>} : memref<10240xf32, #tpu.memory_space<vmem>>, vector<16xf32>,
      %get3A_674 = vector.shape_cast %get3A_673 : vector<16xf32> to vector<16xf32>
      %add3A_675 = arith.addf %add3A_667, %get3A_674 : vector<16xf32>
      %mul3A_676 = arith.constant 16 : i32
      %mul3A_677 = arith.muli %scan3A_598, %mul3A_676 : i32
      %add3A_678 = arith.constant 6400 : i32
      %add3A_679 = arith.addi %add3A_678, %mul3A_677 : i32
      %get3A_680 = arith.index_cast %add3A_679 : i32 to index
      %get3A_681 = tpu.vector_load %arg10[%get3A_680] {strides = array<i32>} : memref<10240xf32, #tpu.memory_space<vmem>>, vector<16xf32>,
      %get3A_682 = vector.shape_cast %get3A_681 : vector<16xf32> to vector<16xf32>
      %add3A_683 = arith.addf %add3A_675, %get3A_682 : vector<16xf32>
      %mul3A_684 = arith.constant 16 : i32
      %mul3A_685 = arith.muli %scan3A_598, %mul3A_684 : i32
      %add3A_686 = arith.constant 7040 : i32
      %add3A_687 = arith.addi %add3A_686, %mul3A_685 : i32
      %get3A_688 = arith.index_cast %add3A_687 : i32 to index
      %get3A_689 = tpu.vector_load %arg10[%get3A_688] {strides = array<i32>} : memref<10240xf32, #tpu.memory_space<vmem>>, vector<16xf32>,
      %get3A_690 = vector.shape_cast %get3A_689 : vector<16xf32> to vector<16xf32>
      %add3A_691 = arith.addf %add3A_683, %get3A_690 : vector<16xf32>
      %mul3A_692 = arith.constant 16 : i32
      %mul3A_693 = arith.muli %scan3A_598, %mul3A_692 : i32
      %add3A_694 = arith.constant 7680 : i32
      %add3A_695 = arith.addi %add3A_694, %mul3A_693 : i32
      %get3A_696 = arith.index_cast %add3A_695 : i32 to index
      %get3A_697 = tpu.vector_load %arg10[%get3A_696] {strides = array<i32>} : memref<10240xf32, #tpu.memory_space<vmem>>, vector<16xf32>,
      %get3A_698 = vector.shape_cast %get3A_697 : vector<16xf32> to vector<16xf32>
      %add3A_699 = arith.addf %add3A_691, %get3A_698 : vector<16xf32>
      %mul3A_700 = arith.constant 16 : i32
      %mul3A_701 = arith.muli %scan3A_598, %mul3A_700 : i32
      %add3A_702 = arith.constant 8320 : i32
      %add3A_703 = arith.addi %add3A_702, %mul3A_701 : i32
      %get3A_704 = arith.index_cast %add3A_703 : i32 to index
      %get3A_705 = tpu.vector_load %arg10[%get3A_704] {strides = array<i32>} : memref<10240xf32, #tpu.memory_space<vmem>>, vector<16xf32>,
      %get3A_706 = vector.shape_cast %get3A_705 : vector<16xf32> to vector<16xf32>
      %add3A_707 = arith.addf %add3A_699, %get3A_706 : vector<16xf32>
      %mul3A_708 = arith.constant 16 : i32
      %mul3A_709 = arith.muli %scan3A_598, %mul3A_708 : i32
      %add3A_710 = arith.constant 8960 : i32
      %add3A_711 = arith.addi %add3A_710, %mul3A_709 : i32
      %get3A_712 = arith.index_cast %add3A_711 : i32 to index
      %get3A_713 = tpu.vector_load %arg10[%get3A_712] {strides = array<i32>} : memref<10240xf32, #tpu.memory_space<vmem>>, vector<16xf32>,
      %get3A_714 = vector.shape_cast %get3A_713 : vector<16xf32> to vector<16xf32>
      %add3A_715 = arith.addf %add3A_707, %get3A_714 : vector<16xf32>
      %mul3A_716 = arith.constant 16 : i32
      %mul3A_717 = arith.muli %scan3A_598, %mul3A_716 : i32
      %add3A_718 = arith.constant 9600 : i32
      %add3A_719 = arith.addi %add3A_718, %mul3A_717 : i32
      %get3A_720 = arith.index_cast %add3A_719 : i32 to index
      %get3A_721 = tpu.vector_load %arg10[%get3A_720] {strides = array<i32>} : memref<10240xf32, #tpu.memory_space<vmem>>, vector<16xf32>,
      %get3A_722 = vector.shape_cast %get3A_721 : vector<16xf32> to vector<16xf32>
      %add3A_723 = arith.addf %add3A_715, %get3A_722 : vector<16xf32>
      %mul3A_724 = arith.constant 16 : i32
      %mul3A_725 = arith.muli %scan3A_598, %mul3A_724 : i32
      %swap3A_726 = arith.index_cast %mul3A_725 : i32 to index
      %swap3A_727 = tpu.vector_load %arg11[%swap3A_726] {strides = array<i32>} : memref<640xf32, #tpu.memory_space<vmem>>, vector<16xf32>,
      %swap3A_728 = vector.shape_cast %swap3A_727 : vector<16xf32> to vector<16xf32>
      %swap3A_729 = vector.shape_cast %add3A_723 : vector<16xf32> to vector<16xf32>
      tpu.vector_store %arg11[%swap3A_726], %swap3A_729 {strides = array<i32>} : memref<640xf32, #tpu.memory_space<vmem>>, vector<16xf32>,
      %scan3A_730 = arith.constant 2 : i32
      %scan3A_731 = arith.addi %scan3A_465, %scan3A_730 : i32
      %mul3A_732 = arith.constant 16 : i32
      %mul3A_733 = arith.muli %scan3A_731, %mul3A_732 : i32
      %get3A_734 = arith.index_cast %mul3A_733 : i32 to index
      %get3A_735 = tpu.vector_load %arg10[%get3A_734] {strides = array<i32>} : memref<10240xf32, #tpu.memory_space<vmem>>, vector<16xf32>,
      %get3A_736 = vector.shape_cast %get3A_735 : vector<16xf32> to vector<16xf32>
      %mul3A_737 = arith.constant 16 : i32
      %mul3A_738 = arith.muli %scan3A_731, %mul3A_737 : i32
      %add3A_739 = arith.constant 640 : i32
      %add3A_740 = arith.addi %add3A_739, %mul3A_738 : i32
      %get3A_741 = arith.index_cast %add3A_740 : i32 to index
      %get3A_742 = tpu.vector_load %arg10[%get3A_741] {strides = array<i32>} : memref<10240xf32, #tpu.memory_space<vmem>>, vector<16xf32>,
      %get3A_743 = vector.shape_cast %get3A_742 : vector<16xf32> to vector<16xf32>
      %add3A_744 = arith.addf %get3A_736, %get3A_743 : vector<16xf32>
      %mul3A_745 = arith.constant 16 : i32
      %mul3A_746 = arith.muli %scan3A_731, %mul3A_745 : i32
      %add3A_747 = arith.constant 1280 : i32
      %add3A_748 = arith.addi %add3A_747, %mul3A_746 : i32
      %get3A_749 = arith.index_cast %add3A_748 : i32 to index
      %get3A_750 = tpu.vector_load %arg10[%get3A_749] {strides = array<i32>} : memref<10240xf32, #tpu.memory_space<vmem>>, vector<16xf32>,
      %get3A_751 = vector.shape_cast %get3A_750 : vector<16xf32> to vector<16xf32>
      %add3A_752 = arith.addf %add3A_744, %get3A_751 : vector<16xf32>
      %mul3A_753 = arith.constant 16 : i32
      %mul3A_754 = arith.muli %scan3A_731, %mul3A_753 : i32
      %add3A_755 = arith.constant 1920 : i32
      %add3A_756 = arith.addi %add3A_755, %mul3A_754 : i32
      %get3A_757 = arith.index_cast %add3A_756 : i32 to index
      %get3A_758 = tpu.vector_load %arg10[%get3A_757] {strides = array<i32>} : memref<10240xf32, #tpu.memory_space<vmem>>, vector<16xf32>,
      %get3A_759 = vector.shape_cast %get3A_758 : vector<16xf32> to vector<16xf32>
      %add3A_760 = arith.addf %add3A_752, %get3A_759 : vector<16xf32>
      %mul3A_761 = arith.constant 16 : i32
      %mul3A_762 = arith.muli %scan3A_731, %mul3A_761 : i32
      %add3A_763 = arith.constant 2560 : i32
      %add3A_764 = arith.addi %add3A_763, %mul3A_762 : i32
      %get3A_765 = arith.index_cast %add3A_764 : i32 to index
      %get3A_766 = tpu.vector_load %arg10[%get3A_765] {strides = array<i32>} : memref<10240xf32, #tpu.memory_space<vmem>>, vector<16xf32>,
      %get3A_767 = vector.shape_cast %get3A_766 : vector<16xf32> to vector<16xf32>
      %add3A_768 = arith.addf %add3A_760, %get3A_767 : vector<16xf32>
      %mul3A_769 = arith.constant 16 : i32
      %mul3A_770 = arith.muli %scan3A_731, %mul3A_769 : i32
      %add3A_771 = arith.constant 3200 : i32
      %add3A_772 = arith.addi %add3A_771, %mul3A_770 : i32
      %get3A_773 = arith.index_cast %add3A_772 : i32 to index
      %get3A_774 = tpu.vector_load %arg10[%get3A_773] {strides = array<i32>} : memref<10240xf32, #tpu.memory_space<vmem>>, vector<16xf32>,
      %get3A_775 = vector.shape_cast %get3A_774 : vector<16xf32> to vector<16xf32>
      %add3A_776 = arith.addf %add3A_768, %get3A_775 : vector<16xf32>
      %mul3A_777 = arith.constant 16 : i32
      %mul3A_778 = arith.muli %scan3A_731, %mul3A_777 : i32
      %add3A_779 = arith.constant 3840 : i32
      %add3A_780 = arith.addi %add3A_779, %mul3A_778 : i32
      %get3A_781 = arith.index_cast %add3A_780 : i32 to index
      %get3A_782 = tpu.vector_load %arg10[%get3A_781] {strides = array<i32>} : memref<10240xf32, #tpu.memory_space<vmem>>, vector<16xf32>,
      %get3A_783 = vector.shape_cast %get3A_782 : vector<16xf32> to vector<16xf32>
      %add3A_784 = arith.addf %add3A_776, %get3A_783 : vector<16xf32>
      %mul3A_785 = arith.constant 16 : i32
      %mul3A_786 = arith.muli %scan3A_731, %mul3A_785 : i32
      %add3A_787 = arith.constant 4480 : i32
      %add3A_788 = arith.addi %add3A_787, %mul3A_786 : i32
      %get3A_789 = arith.index_cast %add3A_788 : i32 to index
      %get3A_790 = tpu.vector_load %arg10[%get3A_789] {strides = array<i32>} : memref<10240xf32, #tpu.memory_space<vmem>>, vector<16xf32>,
      %get3A_791 = vector.shape_cast %get3A_790 : vector<16xf32> to vector<16xf32>
      %add3A_792 = arith.addf %add3A_784, %get3A_791 : vector<16xf32>
      %mul3A_793 = arith.constant 16 : i32
      %mul3A_794 = arith.muli %scan3A_731, %mul3A_793 : i32
      %add3A_795 = arith.constant 5120 : i32
      %add3A_796 = arith.addi %add3A_795, %mul3A_794 : i32
      %get3A_797 = arith.index_cast %add3A_796 : i32 to index
      %get3A_798 = tpu.vector_load %arg10[%get3A_797] {strides = array<i32>} : memref<10240xf32, #tpu.memory_space<vmem>>, vector<16xf32>,
      %get3A_799 = vector.shape_cast %get3A_798 : vector<16xf32> to vector<16xf32>
      %add3A_800 = arith.addf %add3A_792, %get3A_799 : vector<16xf32>
      %mul3A_801 = arith.constant 16 : i32
      %mul3A_802 = arith.muli %scan3A_731, %mul3A_801 : i32
      %add3A_803 = arith.constant 5760 : i32
      %add3A_804 = arith.addi %add3A_803, %mul3A_802 : i32
      %get3A_805 = arith.index_cast %add3A_804 : i32 to index
      %get3A_806 = tpu.vector_load %arg10[%get3A_805] {strides = array<i32>} : memref<10240xf32, #tpu.memory_space<vmem>>, vector<16xf32>,
      %get3A_807 = vector.shape_cast %get3A_806 : vector<16xf32> to vector<16xf32>
      %add3A_808 = arith.addf %add3A_800, %get3A_807 : vector<16xf32>
      %mul3A_809 = arith.constant 16 : i32
      %mul3A_810 = arith.muli %scan3A_731, %mul3A_809 : i32
      %add3A_811 = arith.constant 6400 : i32
      %add3A_812 = arith.addi %add3A_811, %mul3A_810 : i32
      %get3A_813 = arith.index_cast %add3A_812 : i32 to index
      %get3A_814 = tpu.vector_load %arg10[%get3A_813] {strides = array<i32>} : memref<10240xf32, #tpu.memory_space<vmem>>, vector<16xf32>,
      %get3A_815 = vector.shape_cast %get3A_814 : vector<16xf32> to vector<16xf32>
      %add3A_816 = arith.addf %add3A_808, %get3A_815 : vector<16xf32>
      %mul3A_817 = arith.constant 16 : i32
      %mul3A_818 = arith.muli %scan3A_731, %mul3A_817 : i32
      %add3A_819 = arith.constant 7040 : i32
      %add3A_820 = arith.addi %add3A_819, %mul3A_818 : i32
      %get3A_821 = arith.index_cast %add3A_820 : i32 to index
      %get3A_822 = tpu.vector_load %arg10[%get3A_821] {strides = array<i32>} : memref<10240xf32, #tpu.memory_space<vmem>>, vector<16xf32>,
      %get3A_823 = vector.shape_cast %get3A_822 : vector<16xf32> to vector<16xf32>
      %add3A_824 = arith.addf %add3A_816, %get3A_823 : vector<16xf32>
      %mul3A_825 = arith.constant 16 : i32
      %mul3A_826 = arith.muli %scan3A_731, %mul3A_825 : i32
      %add3A_827 = arith.constant 7680 : i32
      %add3A_828 = arith.addi %add3A_827, %mul3A_826 : i32
      %get3A_829 = arith.index_cast %add3A_828 : i32 to index
      %get3A_830 = tpu.vector_load %arg10[%get3A_829] {strides = array<i32>} : memref<10240xf32, #tpu.memory_space<vmem>>, vector<16xf32>,
      %get3A_831 = vector.shape_cast %get3A_830 : vector<16xf32> to vector<16xf32>
      %add3A_832 = arith.addf %add3A_824, %get3A_831 : vector<16xf32>
      %mul3A_833 = arith.constant 16 : i32
      %mul3A_834 = arith.muli %scan3A_731, %mul3A_833 : i32
      %add3A_835 = arith.constant 8320 : i32
      %add3A_836 = arith.addi %add3A_835, %mul3A_834 : i32
      %get3A_837 = arith.index_cast %add3A_836 : i32 to index
      %get3A_838 = tpu.vector_load %arg10[%get3A_837] {strides = array<i32>} : memref<10240xf32, #tpu.memory_space<vmem>>, vector<16xf32>,
      %get3A_839 = vector.shape_cast %get3A_838 : vector<16xf32> to vector<16xf32>
      %add3A_840 = arith.addf %add3A_832, %get3A_839 : vector<16xf32>
      %mul3A_841 = arith.constant 16 : i32
      %mul3A_842 = arith.muli %scan3A_731, %mul3A_841 : i32
      %add3A_843 = arith.constant 8960 : i32
      %add3A_844 = arith.addi %add3A_843, %mul3A_842 : i32
      %get3A_845 = arith.index_cast %add3A_844 : i32 to index
      %get3A_846 = tpu.vector_load %arg10[%get3A_845] {strides = array<i32>} : memref<10240xf32, #tpu.memory_space<vmem>>, vector<16xf32>,
      %get3A_847 = vector.shape_cast %get3A_846 : vector<16xf32> to vector<16xf32>
      %add3A_848 = arith.addf %add3A_840, %get3A_847 : vector<16xf32>
      %mul3A_849 = arith.constant 16 : i32
      %mul3A_850 = arith.muli %scan3A_731, %mul3A_849 : i32
      %add3A_851 = arith.constant 9600 : i32
      %add3A_852 = arith.addi %add3A_851, %mul3A_850 : i32
      %get3A_853 = arith.index_cast %add3A_852 : i32 to index
      %get3A_854 = tpu.vector_load %arg10[%get3A_853] {strides = array<i32>} : memref<10240xf32, #tpu.memory_space<vmem>>, vector<16xf32>,
      %get3A_855 = vector.shape_cast %get3A_854 : vector<16xf32> to vector<16xf32>
      %add3A_856 = arith.addf %add3A_848, %get3A_855 : vector<16xf32>
      %mul3A_857 = arith.constant 16 : i32
      %mul3A_858 = arith.muli %scan3A_731, %mul3A_857 : i32
      %swap3A_859 = arith.index_cast %mul3A_858 : i32 to index
      %swap3A_860 = tpu.vector_load %arg11[%swap3A_859] {strides = array<i32>} : memref<640xf32, #tpu.memory_space<vmem>>, vector<16xf32>,
      %swap3A_861 = vector.shape_cast %swap3A_860 : vector<16xf32> to vector<16xf32>
      %swap3A_862 = vector.shape_cast %add3A_856 : vector<16xf32> to vector<16xf32>
      tpu.vector_store %arg11[%swap3A_859], %swap3A_862 {strides = array<i32>} : memref<640xf32, #tpu.memory_space<vmem>>, vector<16xf32>,
      %scan3A_863 = arith.constant 3 : i32
      %scan3A_864 = arith.addi %scan3A_465, %scan3A_863 : i32
      %mul3A_865 = arith.constant 16 : i32
      %mul3A_866 = arith.muli %scan3A_864, %mul3A_865 : i32
      %get3A_867 = arith.index_cast %mul3A_866 : i32 to index
      %get3A_868 = tpu.vector_load %arg10[%get3A_867] {strides = array<i32>} : memref<10240xf32, #tpu.memory_space<vmem>>, vector<16xf32>,
      %get3A_869 = vector.shape_cast %get3A_868 : vector<16xf32> to vector<16xf32>
      %mul3A_870 = arith.constant 16 : i32
      %mul3A_871 = arith.muli %scan3A_864, %mul3A_870 : i32
      %add3A_872 = arith.constant 640 : i32
      %add3A_873 = arith.addi %add3A_872, %mul3A_871 : i32
      %get3A_874 = arith.index_cast %add3A_873 : i32 to index
      %get3A_875 = tpu.vector_load %arg10[%get3A_874] {strides = array<i32>} : memref<10240xf32, #tpu.memory_space<vmem>>, vector<16xf32>,
      %get3A_876 = vector.shape_cast %get3A_875 : vector<16xf32> to vector<16xf32>
      %add3A_877 = arith.addf %get3A_869, %get3A_876 : vector<16xf32>
      %mul3A_878 = arith.constant 16 : i32
      %mul3A_879 = arith.muli %scan3A_864, %mul3A_878 : i32
      %add3A_880 = arith.constant 1280 : i32
      %add3A_881 = arith.addi %add3A_880, %mul3A_879 : i32
      %get3A_882 = arith.index_cast %add3A_881 : i32 to index
      %get3A_883 = tpu.vector_load %arg10[%get3A_882] {strides = array<i32>} : memref<10240xf32, #tpu.memory_space<vmem>>, vector<16xf32>,
      %get3A_884 = vector.shape_cast %get3A_883 : vector<16xf32> to vector<16xf32>
      %add3A_885 = arith.addf %add3A_877, %get3A_884 : vector<16xf32>
      %mul3A_886 = arith.constant 16 : i32
      %mul3A_887 = arith.muli %scan3A_864, %mul3A_886 : i32
      %add3A_888 = arith.constant 1920 : i32
      %add3A_889 = arith.addi %add3A_888, %mul3A_887 : i32
      %get3A_890 = arith.index_cast %add3A_889 : i32 to index
      %get3A_891 = tpu.vector_load %arg10[%get3A_890] {strides = array<i32>} : memref<10240xf32, #tpu.memory_space<vmem>>, vector<16xf32>,
      %get3A_892 = vector.shape_cast %get3A_891 : vector<16xf32> to vector<16xf32>
      %add3A_893 = arith.addf %add3A_885, %get3A_892 : vector<16xf32>
      %mul3A_894 = arith.constant 16 : i32
      %mul3A_895 = arith.muli %scan3A_864, %mul3A_894 : i32
      %add3A_896 = arith.constant 2560 : i32
      %add3A_897 = arith.addi %add3A_896, %mul3A_895 : i32
      %get3A_898 = arith.index_cast %add3A_897 : i32 to index
      %get3A_899 = tpu.vector_load %arg10[%get3A_898] {strides = array<i32>} : memref<10240xf32, #tpu.memory_space<vmem>>, vector<16xf32>,
      %get3A_900 = vector.shape_cast %get3A_899 : vector<16xf32> to vector<16xf32>
      %add3A_901 = arith.addf %add3A_893, %get3A_900 : vector<16xf32>
      %mul3A_902 = arith.constant 16 : i32
      %mul3A_903 = arith.muli %scan3A_864, %mul3A_902 : i32
      %add3A_904 = arith.constant 3200 : i32
      %add3A_905 = arith.addi %add3A_904, %mul3A_903 : i32
      %get3A_906 = arith.index_cast %add3A_905 : i32 to index
      %get3A_907 = tpu.vector_load %arg10[%get3A_906] {strides = array<i32>} : memref<10240xf32, #tpu.memory_space<vmem>>, vector<16xf32>,
      %get3A_908 = vector.shape_cast %get3A_907 : vector<16xf32> to vector<16xf32>
      %add3A_909 = arith.addf %add3A_901, %get3A_908 : vector<16xf32>
      %mul3A_910 = arith.constant 16 : i32
      %mul3A_911 = arith.muli %scan3A_864, %mul3A_910 : i32
      %add3A_912 = arith.constant 3840 : i32
      %add3A_913 = arith.addi %add3A_912, %mul3A_911 : i32
      %get3A_914 = arith.index_cast %add3A_913 : i32 to index
      %get3A_915 = tpu.vector_load %arg10[%get3A_914] {strides = array<i32>} : memref<10240xf32, #tpu.memory_space<vmem>>, vector<16xf32>,
      %get3A_916 = vector.shape_cast %get3A_915 : vector<16xf32> to vector<16xf32>
      %add3A_917 = arith.addf %add3A_909, %get3A_916 : vector<16xf32>
      %mul3A_918 = arith.constant 16 : i32
      %mul3A_919 = arith.muli %scan3A_864, %mul3A_918 : i32
      %add3A_920 = arith.constant 4480 : i32
      %add3A_921 = arith.addi %add3A_920, %mul3A_919 : i32
      %get3A_922 = arith.index_cast %add3A_921 : i32 to index
      %get3A_923 = tpu.vector_load %arg10[%get3A_922] {strides = array<i32>} : memref<10240xf32, #tpu.memory_space<vmem>>, vector<16xf32>,
      %get3A_924 = vector.shape_cast %get3A_923 : vector<16xf32> to vector<16xf32>
      %add3A_925 = arith.addf %add3A_917, %get3A_924 : vector<16xf32>
      %mul3A_926 = arith.constant 16 : i32
      %mul3A_927 = arith.muli %scan3A_864, %mul3A_926 : i32
      %add3A_928 = arith.constant 5120 : i32
      %add3A_929 = arith.addi %add3A_928, %mul3A_927 : i32
      %get3A_930 = arith.index_cast %add3A_929 : i32 to index
      %get3A_931 = tpu.vector_load %arg10[%get3A_930] {strides = array<i32>} : memref<10240xf32, #tpu.memory_space<vmem>>, vector<16xf32>,
      %get3A_932 = vector.shape_cast %get3A_931 : vector<16xf32> to vector<16xf32>
      %add3A_933 = arith.addf %add3A_925, %get3A_932 : vector<16xf32>
      %mul3A_934 = arith.constant 16 : i32
      %mul3A_935 = arith.muli %scan3A_864, %mul3A_934 : i32
      %add3A_936 = arith.constant 5760 : i32
      %add3A_937 = arith.addi %add3A_936, %mul3A_935 : i32
      %get3A_938 = arith.index_cast %add3A_937 : i32 to index
      %get3A_939 = tpu.vector_load %arg10[%get3A_938] {strides = array<i32>} : memref<10240xf32, #tpu.memory_space<vmem>>, vector<16xf32>,
      %get3A_940 = vector.shape_cast %get3A_939 : vector<16xf32> to vector<16xf32>
      %add3A_941 = arith.addf %add3A_933, %get3A_940 : vector<16xf32>
      %mul3A_942 = arith.constant 16 : i32
      %mul3A_943 = arith.muli %scan3A_864, %mul3A_942 : i32
      %add3A_944 = arith.constant 6400 : i32
      %add3A_945 = arith.addi %add3A_944, %mul3A_943 : i32
      %get3A_946 = arith.index_cast %add3A_945 : i32 to index
      %get3A_947 = tpu.vector_load %arg10[%get3A_946] {strides = array<i32>} : memref<10240xf32, #tpu.memory_space<vmem>>, vector<16xf32>,
      %get3A_948 = vector.shape_cast %get3A_947 : vector<16xf32> to vector<16xf32>
      %add3A_949 = arith.addf %add3A_941, %get3A_948 : vector<16xf32>
      %mul3A_950 = arith.constant 16 : i32
      %mul3A_951 = arith.muli %scan3A_864, %mul3A_950 : i32
      %add3A_952 = arith.constant 7040 : i32
      %add3A_953 = arith.addi %add3A_952, %mul3A_951 : i32
      %get3A_954 = arith.index_cast %add3A_953 : i32 to index
      %get3A_955 = tpu.vector_load %arg10[%get3A_954] {strides = array<i32>} : memref<10240xf32, #tpu.memory_space<vmem>>, vector<16xf32>,
      %get3A_956 = vector.shape_cast %get3A_955 : vector<16xf32> to vector<16xf32>
      %add3A_957 = arith.addf %add3A_949, %get3A_956 : vector<16xf32>
      %mul3A_958 = arith.constant 16 : i32
      %mul3A_959 = arith.muli %scan3A_864, %mul3A_958 : i32
      %add3A_960 = arith.constant 7680 : i32
      %add3A_961 = arith.addi %add3A_960, %mul3A_959 : i32
      %get3A_962 = arith.index_cast %add3A_961 : i32 to index
      %get3A_963 = tpu.vector_load %arg10[%get3A_962] {strides = array<i32>} : memref<10240xf32, #tpu.memory_space<vmem>>, vector<16xf32>,
      %get3A_964 = vector.shape_cast %get3A_963 : vector<16xf32> to vector<16xf32>
      %add3A_965 = arith.addf %add3A_957, %get3A_964 : vector<16xf32>
      %mul3A_966 = arith.constant 16 : i32
      %mul3A_967 = arith.muli %scan3A_864, %mul3A_966 : i32
      %add3A_968 = arith.constant 8320 : i32
      %add3A_969 = arith.addi %add3A_968, %mul3A_967 : i32
      %get3A_970 = arith.index_cast %add3A_969 : i32 to index
      %get3A_971 = tpu.vector_load %arg10[%get3A_970] {strides = array<i32>} : memref<10240xf32, #tpu.memory_space<vmem>>, vector<16xf32>,
      %get3A_972 = vector.shape_cast %get3A_971 : vector<16xf32> to vector<16xf32>
      %add3A_973 = arith.addf %add3A_965, %get3A_972 : vector<16xf32>
      %mul3A_974 = arith.constant 16 : i32
      %mul3A_975 = arith.muli %scan3A_864, %mul3A_974 : i32
      %add3A_976 = arith.constant 8960 : i32
      %add3A_977 = arith.addi %add3A_976, %mul3A_975 : i32
      %get3A_978 = arith.index_cast %add3A_977 : i32 to index
      %get3A_979 = tpu.vector_load %arg10[%get3A_978] {strides = array<i32>} : memref<10240xf32, #tpu.memory_space<vmem>>, vector<16xf32>,
      %get3A_980 = vector.shape_cast %get3A_979 : vector<16xf32> to vector<16xf32>
      %add3A_981 = arith.addf %add3A_973, %get3A_980 : vector<16xf32>
      %mul3A_982 = arith.constant 16 : i32
      %mul3A_983 = arith.muli %scan3A_864, %mul3A_982 : i32
      %add3A_984 = arith.constant 9600 : i32
      %add3A_985 = arith.addi %add3A_984, %mul3A_983 : i32
      %get3A_986 = arith.index_cast %add3A_985 : i32 to index
      %get3A_987 = tpu.vector_load %arg10[%get3A_986] {strides = array<i32>} : memref<10240xf32, #tpu.memory_space<vmem>>, vector<16xf32>,
      %get3A_988 = vector.shape_cast %get3A_987 : vector<16xf32> to vector<16xf32>
      %add3A_989 = arith.addf %add3A_981, %get3A_988 : vector<16xf32>
      %mul3A_990 = arith.constant 16 : i32
      %mul3A_991 = arith.muli %scan3A_864, %mul3A_990 : i32
      %swap3A_992 = arith.index_cast %mul3A_991 : i32 to index
      %swap3A_993 = tpu.vector_load %arg11[%swap3A_992] {strides = array<i32>} : memref<640xf32, #tpu.memory_space<vmem>>, vector<16xf32>,
      %swap3A_994 = vector.shape_cast %swap3A_993 : vector<16xf32> to vector<16xf32>
      %swap3A_995 = vector.shape_cast %add3A_989 : vector<16xf32> to vector<16xf32>
      tpu.vector_store %arg11[%swap3A_992], %swap3A_995 {strides = array<i32>} : memref<640xf32, #tpu.memory_space<vmem>>, vector<16xf32>,
    }
    %scan3A_464 = arith.constant 40 : i32
    "tpu.region"() ({
      %run_scoped3A = tpu.sem_alloc : memref<!tpu.dma_semaphore, #tpu.memory_space<semaphore_mem>>
      %dma_start3A_465 = arith.constant 0 : i32
      %dma_start3A_466 = tpu.memref_slice %arg5[%arg0, %dma_start3A_465] : memref<2x10240xf32, #tpu.memory_space<hbm>> -> memref<1x10240xf32, #tpu.memory_space<hbm>>
      %dma_start3A_467 = tpu.memref_squeeze %dma_start3A_466 : memref<1x10240xf32, #tpu.memory_space<hbm>> -> memref<10240xf32, #tpu.memory_space<hbm>>
      %dma_start3A_468 = tpu.memref_slice %dma_start3A_467[%mul3A_48] : memref<10240xf32, #tpu.memory_space<hbm>> -> memref<640xf32, #tpu.memory_space<hbm>>
      %dma_start3A_469 = arith.constant 0 : i32
      %dma_start3A_470 = tpu.memref_slice %arg5[%arg0, %dma_start3A_469] : memref<2x10240xf32, #tpu.memory_space<hbm>> -> memref<1x10240xf32, #tpu.memory_space<hbm>>
      %dma_start3A_471 = tpu.memref_squeeze %dma_start3A_470 : memref<1x10240xf32, #tpu.memory_space<hbm>> -> memref<10240xf32, #tpu.memory_space<hbm>>
      %dma_start3A_472 = tpu.memref_slice %dma_start3A_471[%mul3A_48] : memref<10240xf32, #tpu.memory_space<hbm>> -> memref<640xf32, #tpu.memory_space<hbm>>
      tpu.enqueue_dma source(%arg11 : memref<640xf32, #tpu.memory_space<vmem>>) target(%dma_start3A_472 : memref<640xf32, #tpu.memory_space<hbm>>) target_semaphore(%run_scoped3A : memref<!tpu.dma_semaphore, #tpu.memory_space<semaphore_mem>>)
      %dma_wait3A_473 = arith.constant 0 : i32
      %dma_wait3A_474 = tpu.memref_slice %arg5[%arg0, %dma_wait3A_473] : memref<2x10240xf32, #tpu.memory_space<hbm>> -> memref<1x10240xf32, #tpu.memory_space<hbm>>
      %dma_wait3A_475 = tpu.memref_squeeze %dma_wait3A_474 : memref<1x10240xf32, #tpu.memory_space<hbm>> -> memref<10240xf32, #tpu.memory_space<hbm>>
      %dma_wait3A_476 = tpu.memref_slice %dma_wait3A_475[%mul3A_48] : memref<10240xf32, #tpu.memory_space<hbm>> -> memref<640xf32, #tpu.memory_space<hbm>>
      %dma_wait3A_477 = arith.constant 0 : i32
      %dma_wait3A_478 = tpu.memref_slice %arg5[%arg0, %dma_wait3A_477] : memref<2x10240xf32, #tpu.memory_space<hbm>> -> memref<1x10240xf32, #tpu.memory_space<hbm>>
      %dma_wait3A_479 = tpu.memref_squeeze %dma_wait3A_478 : memref<1x10240xf32, #tpu.memory_space<hbm>> -> memref<10240xf32, #tpu.memory_space<hbm>>
      %dma_wait3A_480 = tpu.memref_slice %dma_wait3A_479[%mul3A_48] : memref<10240xf32, #tpu.memory_space<hbm>> -> memref<640xf32, #tpu.memory_space<hbm>>
      tpu.wait_dma2 semaphore(%run_scoped3A : memref<!tpu.dma_semaphore, #tpu.memory_space<semaphore_mem>>) src(%arg11 : memref<640xf32, #tpu.memory_space<vmem>>) dst(%dma_wait3A_480 : memref<640xf32, #tpu.memory_space<hbm>>)
      tpu.yield
    }) : () -> ()
    return
  }
}

module attributes {stable_mosaic.version = 14 : i64} {
  func.func @_tc_prep_body(%arg0: memref<2x10240xf32, #tpu.memory_space<vmem>>, %arg1: memref<1x10240xf32, #tpu.memory_space<vmem>>, %arg2: memref<1x10240xf32, #tpu.memory_space<vmem>>, %arg3: memref<1x10240xf32, #tpu.memory_space<vmem>>) attributes {dimension_semantics = [], scalar_prefetch = 0 : i64, scratch_operands = 0 : i64, tpu.core_type = #tpu.core_type<tc>} {
    %get3A = arith.constant 0 : index
    %get3A_0 = arith.constant 0 : index
    %get3A_1 = vector.load %arg0[%get3A, %get3A_0] : memref<2x10240xf32, #tpu.memory_space<vmem>>, vector<1x10240xf32>
    %get3A_2 = arith.constant 1 : index
    %get3A_3 = arith.constant 0 : index
    %get3A_4 = vector.load %arg0[%get3A_2, %get3A_3] : memref<2x10240xf32, #tpu.memory_space<vmem>>, vector<1x10240xf32>
    %add3A = arith.addf %get3A_1, %get3A_4 : vector<1x10240xf32>
    %gt3A = arith.constant 0.000000e+00 : f32
    %gt3A_5 = vector.broadcast %gt3A : f32 to vector<1x10240xf32>
    %gt3A_6 = arith.cmpf ogt, %add3A, %gt3A_5 : vector<1x10240xf32>
    %rsqrt3A = math.rsqrt %add3A : vector<1x10240xf32>
    %jit3A = arith.constant 0.000000e+00 : f32
    %broadcast_in_dim3A = vector.broadcast %jit3A : f32 to vector<1x10240xf32>
    %select_n3A = arith.select %gt3A_6, %rsqrt3A, %broadcast_in_dim3A : vector<1x10240xi1>, vector<1x10240xf32>
    %swap3A = arith.constant 0 : index
    %swap3A_7 = arith.constant 0 : index
    %swap3A_8 = vector.load %arg2[%swap3A, %swap3A_7] : memref<1x10240xf32, #tpu.memory_space<vmem>>, vector<1x10240xf32>
    tpu.vector_store %arg2[%swap3A, %swap3A_7], %select_n3A {strides = array<i32>} : memref<1x10240xf32, #tpu.memory_space<vmem>>, vector<1x10240xf32>,
    %get3A_9 = arith.constant 0 : index
    %get3A_10 = arith.constant 0 : index
    %get3A_11 = vector.load %arg1[%get3A_9, %get3A_10] : memref<1x10240xf32, #tpu.memory_space<vmem>>, vector<1x10240xf32>
    %mul3A = arith.mulf %select_n3A, %get3A_11 : vector<1x10240xf32>
    %swap3A_12 = arith.constant 0 : index
    %swap3A_13 = arith.constant 0 : index
    %swap3A_14 = vector.load %arg3[%swap3A_12, %swap3A_13] : memref<1x10240xf32, #tpu.memory_space<vmem>>, vector<1x10240xf32>
    tpu.vector_store %arg3[%swap3A_12, %swap3A_13], %mul3A {strides = array<i32>} : memref<1x10240xf32, #tpu.memory_space<vmem>>, vector<1x10240xf32>,
    return
  }
}

module attributes {stable_mosaic.version = 14 : i64} {
  func.func @_tc_matvec_body(%arg0: memref<128x10240xf32, #tpu.memory_space<vmem>>, %arg1: memref<128x1xf32, #tpu.memory_space<vmem>>, %arg2: memref<1x10240xf32, #tpu.memory_space<vmem>>) attributes {dimension_semantics = [], scalar_prefetch = 0 : i64, scratch_operands = 0 : i64, tpu.core_type = #tpu.core_type<tc>} {
    %get3A = arith.constant 0 : index
    %get3A_0 = arith.constant 0 : index
    %get3A_1 = vector.load %arg0[%get3A, %get3A_0] : memref<128x10240xf32, #tpu.memory_space<vmem>>, vector<128x10240xf32>
    %get3A_2 = arith.constant 0 : index
    %get3A_3 = arith.constant 0 : index
    %get3A_4 = vector.load %arg1[%get3A_2, %get3A_3] : memref<128x1xf32, #tpu.memory_space<vmem>>, vector<128x1xf32>
    %mul3A = vector.broadcast %get3A_4 : vector<128x1xf32> to vector<128x10240xf32>
    %mul3A_5 = arith.mulf %get3A_1, %mul3A : vector<128x10240xf32>
    %reduce_sum3A = arith.constant dense<0.000000e+00> : vector<10240xf32>
    %reduce_sum3A_6 = vector.multi_reduction <add>, %mul3A_5, %reduce_sum3A [0] : vector<128x10240xf32> to vector<10240xf32>
    %broadcast_in_dim3A = vector.shape_cast %reduce_sum3A_6 : vector<10240xf32> to vector<1x10240xf32>
    %swap3A = arith.constant 0 : index
    %swap3A_7 = arith.constant 0 : index
    %swap3A_8 = vector.load %arg2[%swap3A, %swap3A_7] : memref<1x10240xf32, #tpu.memory_space<vmem>>, vector<1x10240xf32>
    tpu.vector_store %arg2[%swap3A, %swap3A_7], %broadcast_in_dim3A {strides = array<i32>} : memref<1x10240xf32, #tpu.memory_space<vmem>>, vector<1x10240xf32>,
    return
  }
}

module attributes {stable_mosaic.version = 14 : i64} {
  func.func @_tc_head_body(%arg0: memref<2x10240xf32, #tpu.memory_space<vmem>>, %arg1: memref<1x10240xf32, #tpu.memory_space<vmem>>, %arg2: memref<1x10240xf32, #tpu.memory_space<vmem>>) attributes {dimension_semantics = [], scalar_prefetch = 0 : i64, scratch_operands = 0 : i64, tpu.core_type = #tpu.core_type<tc>} {
    %get3A = arith.constant 0 : index
    %get3A_0 = arith.constant 0 : index
    %get3A_1 = vector.load %arg0[%get3A, %get3A_0] : memref<2x10240xf32, #tpu.memory_space<vmem>>, vector<1x10240xf32>
    %get3A_2 = arith.constant 1 : index
    %get3A_3 = arith.constant 0 : index
    %get3A_4 = vector.load %arg0[%get3A_2, %get3A_3] : memref<2x10240xf32, #tpu.memory_space<vmem>>, vector<1x10240xf32>
    %add3A = arith.addf %get3A_1, %get3A_4 : vector<1x10240xf32>
    %get3A_5 = arith.constant 0 : index
    %get3A_6 = arith.constant 0 : index
    %get3A_7 = vector.load %arg1[%get3A_5, %get3A_6] : memref<1x10240xf32, #tpu.memory_space<vmem>>, vector<1x10240xf32>
    %mul3A = arith.mulf %add3A, %get3A_7 : vector<1x10240xf32>
    %max3A = arith.constant 0.000000e+00 : f32
    %max3A_8 = vector.broadcast %max3A : f32 to vector<1x10240xf32>
    %max3A_9 = arith.maximumf %mul3A, %max3A_8 : vector<1x10240xf32>
    %abs3A = math.absf %mul3A : vector<1x10240xf32>
    %neg3A = arith.constant 0.000000e+00 : f32
    %neg3A_10 = vector.broadcast %neg3A : f32 to vector<1x10240xf32>
    %neg3A_11 = arith.subf %neg3A_10, %abs3A : vector<1x10240xf32>
    %exp3A = math.exp %neg3A_11 : vector<1x10240xf32>
    %log1p3A = math.log1p %exp3A : vector<1x10240xf32>
    %add3A_12 = arith.addf %max3A_9, %log1p3A : vector<1x10240xf32>
    %add3A_13 = arith.constant 1.000000e-01 : f32
    %add3A_14 = vector.broadcast %add3A_13 : f32 to vector<1x10240xf32>
    %add3A_15 = arith.addf %add3A_12, %add3A_14 : vector<1x10240xf32>
    %div3A = arith.constant 1.000000e+00 : f32
    %div3A_16 = vector.broadcast %div3A : f32 to vector<1x10240xf32>
    %div3A_17 = arith.divf %div3A_16, %add3A_15 : vector<1x10240xf32>
    %swap3A = arith.constant 0 : index
    %swap3A_18 = arith.constant 0 : index
    %swap3A_19 = vector.load %arg2[%swap3A, %swap3A_18] : memref<1x10240xf32, #tpu.memory_space<vmem>>, vector<1x10240xf32>
    tpu.vector_store %arg2[%swap3A, %swap3A_18], %div3A_17 {strides = array<i32>} : memref<1x10240xf32, #tpu.memory_space<vmem>>, vector<1x10240xf32>,
    return
  }
}

</mosaic_0001>

<sc_bundles>
// kernel: kernel.10.cloned.1.call-start
scs
__scs_entry_jumppad:
0x0: {  	(pc) =	sbr.rel $0x88, $3  }
0x1: {  	(tag) =	ssettag $0x0;
	lr =	simm.s32 $0x1  }
0x2: {  	[smem:$0x3F9E] =	sst lr;
	_ =	strace $0xD0000000  }
0x3: {  	_ = 	snop  }
0x4: {  	_ = 	snop  }
0x5: {  	_ = 	snop  }
0x6: {  	_ = 	snop  }
0x7: {  	_ = 	snop  }
__scs_overlays_trampoline_lowered:
0x8: {  	[smem:$0x3FAD] =	sst s0  }
0x9: {  	[smem:$0x3FAE] =	sst s1  }
0xa: {  	[smem:$0x3FAF] =	sst s2  }
0xb: {  	[smem:$0x3FB0] =	sst s3  }
0xc: {  	[smem:$0x3FB1] =	sst s4  }
0xd: {  	[smem:$0x3FB2] =	sst s5  }
0xe: {  	[smem:$0x3FB3] =	sst s6  }
0xf: {  	[smem:$0x3FB4] =	sst s7  }
0x10: {  	[smem:$0x3FB5] =	sst s8  }
0x11: {  	[smem:$0x3FB6] =	sst s9;
	s0 =	simm.s32 @!p0 $0x0  }
0x12: {  	s1 =	sld [smem:$0x3F9C];
	s0 =	simm.s32 @p0 $0x1  }
0x13: {  	[smem:$0x3FB7] =	sst s0;
	s0 =	simm.s32 @!p1 $0x0  }
0x14: {  	s2 =	sld [smem:$0x3F9B];
	s0 =	simm.s32 @p1 $0x1  }
0x15: {  	[smem:$0x3FB8] =	sst s0;
	s0 =	simm.s32 @!p2 $0x0  }
0x16: {  	s3 =	sld [smem:$0x3FDB];
	s0 =	simm.s32 @p2 $0x1  }
0x17: {  	s4 =	simm.s32 $0x1BF5;
	[smem:$0x3FBA] =	sst s0  }
0x18: {  	s0 =	sld [smem:$0x3F9D];
	_ =	swait.ge [sflag:s4], $0x0  }
0x19: {  	s7 =	sld [smem:$0x3F9E]  }
0x1a: {  	s8 =	sadd.s32 $0xFFFFE003, lr  }
0x1b: {  	s9 =	sadd.s32 $0xFFFFFEF7, lr;
	s5 =	simm.s32 $0xFFFFFFFF;
	p2 =	slt.u32 s8, $0xFFFFF086  }
0x1c: {  	p1 =	slt.u32 s9, $0xF7A;
	s5 =	simm.s32 @!p2 $0x0  }
0x1d: {  	s5 =	simm.s32 @p1 $0x1;
	p0 =	seq.s32 s7, s2  }
0x1e: {  	s7 =	smul.u32 @!p0 $0xF7A, s2;
	p2 =	seq.s32 @!p0 s5, $0x0  }
0x1f: {  	s9 =	smul.u32 $0xF7A, s1;
	s8 =	simm.s32 @!p0 $0x1BF5;
	p2 =	por !p2, p0  }
0x20: {  	[sflag:s8] =	ssyncset.s32 @!p0 $0xFFFFF086;
	s6 =	sadd.s32 @!p0 s3, s7;
	s7 =	simm.s32 @!p0 $0x108  }
0x21: {  	s3 =	sadd.s32 s3, s9;
	s6 =	sadd.s32 @!p0 $0x88, s6;
	s7 =	simm.s32 @p2 $0x1082  }
0x22: {  	[simem:s7], [sflag:s8] =	dma.local @!p0 [hbm:s6], $0xF7A  }
0x23: {  	s9 =	sor.u32 $0xD0000000, s2;
	s6 =	simm.s32 $0x108;
	_ =	swait.ge @!p0 [sflag:s8], $0x0  }
0x24: {  	s3 =	sadd.s32 $0x88, s3;
	s6 =	simm.s32 @!p1 $0x1082;
	[sflag:s4] =	ssyncset.s32 $0xFFFFF086  }
0x25: {  	[simem:s6], [sflag:s4] =	dma.local [hbm:s3], $0xF7A  }
0x26: {  	[smem:$0x3F9E] =	sst s1;
	(tag) =	ssettag s2;
	_ =	strace s9  }
0x27: {  	s1 =	sld [smem:$0x3FAE]  }
0x28: {  	s2 =	sld [smem:$0x3FAF]  }
0x29: {  	s4 =	sld [smem:$0x3FB1]  }
0x2a: {  	p0 =	seq.s32 s5, $0x0;
	s5 =	sld [smem:$0x3FB2]  }
0x2b: {  	s6 =	sld [smem:$0x3FB3]  }
0x2c: {  	s7 =	sld [smem:$0x3FB4]  }
0x2d: {  	s3 =	simm.s32 $0x108;
	s8 =	sld [smem:$0x3FB5]  }
0x2e: {  	s3 =	simm.s32 @!p0 $0x1082;
	s9 =	sld [smem:$0x3FB6]  }
0x2f: {  	lr =	sadd.s32 s0, s3;
	s0 =	sld [smem:$0x3FAD]  }
0x30: {  	s3 =	sld [smem:$0x3FB0]  }
0x31: {  	[smem:$0x3FB9] =	sst s10  }
0x32: {  	s10 =	sld [smem:$0x3FB7];
	_ =	sdelay $0x3  }
0x33: {  	p0 =	seq.s32 s10, $0x1;
	s10 =	sld [smem:$0x3FB9];
	_ =	sdelay $0x3  }
0x34: {  	[smem:$0x3FB9] =	sst s10  }
0x35: {  	s10 =	sld [smem:$0x3FB8];
	_ =	sdelay $0x3  }
0x36: {  	p1 =	seq.s32 s10, $0x1;
	s10 =	sld [smem:$0x3FB9];
	_ =	sdelay $0x3  }
0x37: {  	[smem:$0x3FB9] =	sst s10  }
0x38: {  	s10 =	sld [smem:$0x3FBA]  }
0x39: {  	_ = 	snop;
	(pc) =	sbr.ind lr, $3  }
0x3a: {  	_ = 	snop  }
0x3b: {  	_ = 	snop  }
0x3c: {  	p2 =	seq.s32 s10, $0x1;
	s10 =	sld [smem:$0x3FB9]  }
0x3d: {  	_ =	shalt  }
0x3e: {  	_ =	shalt  }
0x3f: {  	_ =	shalt  }
0x40: {  	_ =	shalt  }
0x41: {  	_ =	shalt  }
0x42: {  	_ =	shalt  }
0x43: {  	_ =	shalt  }
0x44: {  	_ =	shalt  }
0x45: {  	_ =	shalt  }
0x46: {  	_ =	shalt  }
0x47: {  	_ =	shalt  }
0x48: {  	_ =	shalt  }
0x49: {  	_ =	shalt  }
0x4a: {  	_ =	shalt  }
0x4b: {  	_ =	shalt  }
0x4c: {  	_ =	shalt  }
0x4d: {  	_ =	shalt  }
0x4e: {  	_ =	shalt  }
0x4f: {  	_ =	shalt  }
0x50: {  	_ =	shalt  }
0x51: {  	_ =	shalt  }
0x52: {  	_ =	shalt  }
0x53: {  	_ =	shalt  }
0x54: {  	_ =	shalt  }
0x55: {  	_ =	shalt  }
0x56: {  	_ =	shalt  }
0x57: {  	_ =	shalt  }
0x58: {  	_ =	shalt  }
0x59: {  	_ =	shalt  }
0x5a: {  	_ =	shalt  }
0x5b: {  	_ =	shalt  }
0x5c: {  	_ =	shalt  }
0x5d: {  	_ =	shalt  }
0x5e: {  	_ =	shalt  }
0x5f: {  	_ =	shalt  }
0x60: {  	_ =	shalt  }
0x61: {  	_ =	shalt  }
0x62: {  	_ =	shalt  }
0x63: {  	_ =	shalt  }
0x64: {  	_ =	shalt  }
0x65: {  	_ =	shalt  }
0x66: {  	_ =	shalt  }
0x67: {  	_ =	shalt  }
0x68: {  	_ =	shalt  }
0x69: {  	_ =	shalt  }
0x6a: {  	_ =	shalt  }
0x6b: {  	_ =	shalt  }
0x6c: {  	_ =	shalt  }
0x6d: {  	_ =	shalt  }
0x6e: {  	_ =	shalt  }
0x6f: {  	_ =	shalt  }
0x70: {  	_ =	shalt  }
0x71: {  	_ =	shalt  }
0x72: {  	_ =	shalt  }
0x73: {  	_ =	shalt  }
0x74: {  	_ =	shalt  }
0x75: {  	_ =	shalt  }
0x76: {  	_ =	shalt  }
0x77: {  	_ =	shalt  }
0x78: {  	_ =	shalt  }
0x79: {  	_ =	shalt  }
0x7a: {  	_ =	shalt  }
0x7b: {  	_ =	shalt  }
0x7c: {  	_ =	shalt  }
0x7d: {  	_ =	shalt  }
0x7e: {  	_ =	shalt  }
0x7f: {  	_ =	shalt  }
0x80: {  	_ =	shalt  }
0x81: {  	_ =	shalt  }
0x82: {  	_ =	shalt  }
0x83: {  	_ =	shalt  }
0x84: {  	_ =	shalt  }
0x85: {  	_ =	shalt  }
0x86: {  	_ =	shalt  }
0x87: {  	_ =	shalt  }
.Lfunc_end0:
.L_simem_size_0:
called_computation.1_lowered:
.L_overlay_start_0:
0x88: {  	s2 =	sld [smem:$0x3FD9]  }
0x89: {  	s3 =	sld [smem:$0x3FFE];
	_ =	sdelay $0x1  }
0x8a: {  	s1 =	srdreg.scid  }
0x8b: {  	s0 =	sand.u32 $0x1, s1  }
0x8c: {  	s17 =	sshll.u32 s0, $0xA;
	s2 =	sadd.s32 s3, s2  }
0x8d: {  	s2 =	sadd.s32 s2, s17  }
0x8e: {  	[smem:$0x3FC5] =	sst s2  }
0x8f: {  	_ = 	snop  }
0x90: {  	s2 =	sld [smem:$0x3FC8];
	(tm) =	ssettm $0x1  }
0x91: {  	s18 =	sld [smem:$0x3FFB];
	_ =	sdelay $0x3  }
0x92: {  	_ =	strace s18  }
0x93: {  	s3 =	sld [smem:$0x3FFC];
	_ =	sdelay $0x3  }
0x94: {  	_ =	strace s3  }
0x95: {  	s3 =	sld [smem:$0x3FFD];
	_ =	sdelay $0x3  }
0x96: {  	_ =	strace s3  }
0x97: {  	_ =	strace $0x8FFFFFFF  }
0x98: {  	s19 =	sld [smem:$0x3FDB];
	_ =	sdelay $0x1  }
0x99: {  	s4 =	simm.s32 $_scs_section_size  }
0x9a: {  	s5 =	simm.s32 $_size__tile_overlayer_lowered;
	s6 =	simm.s32 $_tile_overlayer_lowered  }
0x9b: {  	s22 =	simm.s32 $0x1BFF;
	s21 =	sshll.u32 s6, $0x1;
	s3 =	sadd.s32 s4, s19  }
0x9c: {  	s7 =	simm.s32 $0x0;
	s20 =	sshll.u32 s5, $0x1;
	s5 =	sadd.s32 s21, s3  }
0x9d: {  	[timem:s7], [sflag:s22] =	dma.local [hbm:s5], s20  }
0x9e: {  	_ =	swait.ge [sflag:s22], s20  }
0x9f: {  	s4 =	ssub.s32 $0x0, s20;
	[sflag:s22] =	ssyncset.done $0x0  }
0xa0: {  	[sflag:s22] =	ssyncadd.s32 s4;
	_ =	sdelay $0x1  }
0xa1: {  	s23 =	simm.s32 $0x1B8B  }
0xa2: {  	_ =	swait.ge [sflag:s23], $0x1  }
0xa3: {  	[sflag:s23] =	ssyncset.done $0x0  }
0xa4: {  	s25 =	simm.s32 $0x1B8E;
	s24 =	sld [smem:$0x3FFE];
	[sflag:s23] =	ssyncadd.s32 $0xFFFFFFFF  }
0xa5: {  	s26 =	simm.s32 $execute0_lowered;
	[smem:$0x3FD2] =	sst s25  }
0xa6: {  	s5 =	sshll.u32 s26, $0x1;
	_ =	strace $0x80000049;
	[dreg:$0x1] =	wrdreg $0xFFFFFFFF  }
0xa7: {  	s28 =	simm.s32 $_size_execute0_lowered;
	s3 =	sadd.s32 s3, s5;
	[dreg:$0x0] =	wrdreg $0x0  }
0xa8: {  	s5 =	sshll.u32 s28, $0x1;
	[dreg:$0x2] =	wrdreg s3  }
0xa9: {  	[dreg:$0x3] =	wrdreg s5  }
0xaa: {  	[dreg:$0x4] =	wrdreg $0xC0  }
0xab: {  	_ =	task [dreg:s7], $0x5FFFF  }
0xac: {  	[dreg:$0x1] =	wrdreg $0xFFFFFFFF  }
0xad: {  	[dreg:$0x0] =	wrdreg $0x60  }
0xae: {  	[dreg:$0x2] =	wrdreg s2  }
0xaf: {  	[dreg:$0x3] =	wrdreg s24  }
0xb0: {  	[dreg:$0x4] =	wrdreg $0xCA800  }
0xb1: {  	[dreg:$0x5] =	wrdreg $0x9  }
0xb2: {  	_ =	task.clear_ibuf [dreg:s7], $0x6FFFF;
	_ =	strace $0x90000049  }
0xb3: {  	s29 =	simm.s32 $0x9;
	_ =	strace $0x8000004B  }
0xb4: {  	_ =	swait.ge [sflag:s29], $0x1  }
0xb5: {  	[sflag:s29] =	ssyncadd.s32 $0xFFFFFFFF  }
0xb6: {  	_ =	strace $0x9000004B  }
0xb7: {  	_ =	sfence  }
0xb8: {  	s30 =	sld [smem:$0x0];
	_ =	sdelay $0x2  }
0xb9: {  	s31 =	sshll.u32 s1, $0xD;
	s1 =	sshrl.u32 s1, $0x2  }
0xba: {  	s3 =	sand.u32 $0x4000, s31;
	s1 =	sadd.s32 s1, s30  }
0xbb: {  	s0 =	sor.u32 s3, s0;
	s1 =	sshll.u32 s1, $0x11  }
0xbc: {  	s0 =	sor.u32 s1, s0  }
0xbd: {  	s0 =	sadd.s32 $0x8F2B, s0  }
0xbe: {  	[sflag:s0] =	ssyncadd.remote.s32 $0x1  }
0xbf: {  	_ =	sfence.sel $0xFFFF  }
0xc0: {  	[dreg:$0x0] =	wrdreg $0xFFFFFFFF;
	(pc) =	sbr.abs _section_cstart, $3  }
0xc1: {  	[dreg:$0x1] =	wrdreg $0xFFFFFFFF  }
0xc2: {  	_ =	task.clear_ibuf [dreg:s7], $0x2FFFF;
	_ =	strace $0x9FFFFFFF  }
0xc3: {  	(tm) =	ssettm $0x7FFFFFFF  }
tec
execute0_lowered:
.L_overlay_start_1:
0x0: {  	(tag) =	ssettag $0x1  }
0x1: {  	s0 =	rddreg [dreg:$0x0];
	s1 =	srdreg.scid  }
0x2: {  	s2 =	rddreg [dreg:$0x1];
	s10 =	stileid.u32  }
0x3: {  	s11 =	rddreg [dreg:$0x2];
	s19 =	smul.u32 $0x2800, s10  }
0x4: {  	s5 =	simm.s32 $0x0;
	s1 =	sand.u32 $0x1, s1;
	s26 =	smul.u32 $0xA00, s10  }
0x5: {  	[smem:$0x7FF] =	sst s5;
	s21 =	sadd.s32 $0x1A00, s2;
	s15 =	smul.u32 $0x2710, s10  }
0x6: {  	s22 =	sadd.s32 $0x1400, s2;
	s14 =	sshll.u32 s10, $0x6;
	s16 =	smul.u32 $0x9C40, s10  }
0x7: {  	s3 =	sshll.u32 s1, $0x4;
	_ =	strace $0x8000004A;
	s29 =	smul.u32 $0x27100, s1  }
0x8: {  	[dreg:$0x4] =	wrdreg s21;
	s23 =	ssub.s32 $0x2, s1;
	s1 =	smul.u32 $0x9C400, s1  }
0x9: {  	[dreg:$0x5] =	wrdreg s22;
	s22 =	smul.u32 $0xA0, s10;
	s4 =	sor.u32 s10, s3  }
0xa: {  	s2 =	sadd.s32 s3, s2;
	s24 =	sshrl.u32 s23, $0x1;
	s25 =	sadd.s32 s19, s11  }
0xb: {  	s5 =	sshrl.u32 s26, $0x2;
	s10 =	simm.s32 $0x2800;
	s4 =	smul.u32 $0x2710, s4  }
0xc: {  	s3 =	ssub.s32 s23, s24;
	s1 =	sadd.s32 s16, s1;
	s2 =	sadd.s32 $0x2000, s2  }
0xd: {  	s16 =	simm.s32 $0x100;
	s3 =	smax.u32 s3, $0x1;
	s6 =	sand.u32 $0x7FF80, s4  }
0xe: {  	s2 =	sadd.s32 s22, s2;
	[dreg:$0xd] =	wrdreg s3;
	s6 =	smin.u32 s6, $0x4BA00  }
0xf: {  	s9 =	sand.u32 $0x70, s4;
	[dreg:$0xf] =	wrdreg s2;
	s7 =	ssub.s32 s4, s6  }
0x10: {  	s8 =	sshrl.u32 s6, $0x2;
	s4 =	sadd.s32 s15, s29;
	s15 =	simm.s32 $0x80  }
0x11: {  	s6 =	sshra.s32 s7, $0x4;
	s0 =	sadd.s32 s0, s8;
	s28 =	sand.u32 $0xFFFFFF80, s7  }
0x12: {  	s8 =	sor.u32 $0x1C02, s14;
	s14 =	sadd.s32 s5, s11;
	s7 =	sand.u32 $0x7FF80, s4  }
0x13: {  	[dreg:$0x6] =	wrdreg s0;
	s0 =	sadd.s32 $0x10, s0;
	s13 =	sor.u32 s9, s28  }
0x14: {  	[dreg:$0x9] =	wrdreg s8;
	s12 =	ssub.s32 $0xF, s6;
	s17 =	sadd.s32 $0x2800, s14  }
0x15: {  	s18 =	sadd.s32 $0x5000, s14;
	s7 =	smin.u32 s7, $0x4BA00;
	s20 =	sadd.s32 $0x7800, s14  }
0x16: {  	p0 =	slt.s32 s6, $0x1;
	p1 =	sgt.s32 s6, $0xE;
	[dreg:$0x7] =	wrdreg s0  }
0x17: {  	s26 =	sadd.s32 $0xC800, s14;
	s28 =	sadd.s32 $0xF000, s14;
	[dreg:$0x8] =	wrdreg s13  }
0x18: {  	s29 =	sadd.s32 $0x11800, s14;
	s30 =	sadd.s32 $0x14000, s14;
	[dreg:$0xa] =	wrdreg s17  }
0x19: {  	s31 =	sadd.s32 $0x16800, s14;
	s2 =	sadd.s32 $0x1E000, s14;
	[dreg:$0xb] =	wrdreg s18  }
0x1a: {  	s5 =	sadd.s32 $0x25800, s14;
	s13 =	sadd.s32 $0x2700, s13;
	[dreg:$0xc] =	wrdreg s20  }
0x1b: {  	s21 =	sshll.u32 s7, $0x2;
	s23 =	ssub.s32 s4, s7;
	[dreg:$0x12] =	wrdreg s26  }
0x1c: {  	s0 =	sshrl.u32 s25, $0x3;
	s25 =	sadd.s32 $0xA000, s14;
	[dreg:$0x13] =	wrdreg s28  }
0x1d: {  	[dreg:$0x14] =	wrdreg s29;
	s4 =	sadd.s32 $0x23000, s14;
	s17 =	simm.s32 $0x7800  }
0x1e: {  	s7 =	simm.s32 $0x2;
	s18 =	simm.s32 $0x1;
	[dreg:$0xe] =	wrdreg s23  }
0x1f: {  	s20 =	simm.s32 $0x0;
	s1 =	ssub.s32 s1, s21;
	[dreg:$0x10] =	wrdreg s0  }
0x20: {  	[dreg:$0x11] =	wrdreg s25;
	s24 =	sadd.s32 $0x9C40, s1;
	s1 =	sadd.s32 $0x100, s1  }
0x21: {  	s0 =	sadd.s32 $0x19000, s14;
	s3 =	sshra.s32 s24, $0x2;
	s23 =	sshra.s32 s1, $0x2  }
0x22: {  	s1 =	sadd.s32 $0x1B800, s14;
	s21 =	sadd.s32 $0x2800, s3;
	s22 =	sadd.s32 $0x5000, s3  }
0x23: {  	v1 =	vimm.f32 $0.0e+00;
	v0 =	vmov s19;
	s3 =	sadd.s32 $0x20800, s14;
	s8 =	sadd.s32 $0x2800, s23;
	s11 =	sadd.s32 $0x5000, s23  }
.LBB2_1:
0x24: {  	s24 =	rddreg [dreg:$0x6]  }
0x25: {  	s25 =	rddreg [dreg:$0x7]  }
0x26: {  	s26 =	rddreg [dreg:$0x4]  }
0x27: {  	s19 =	simm.s32 $0x0;
	s28 =	rddreg [dreg:$0x5]  }
0x28: {  	[tilespmem:s19], [sflag:$0x1] =	stream.strided.gather [hbm4b:s24+s15], $0x2800, s16, s15, $0x38;
	[tilespmem:$0xF280] =	vst v63  }
0x29: {  	s29 =	rddreg [dreg:$0x9]  }
0x2a: {  	[tilespmem:s10], [sflag:$0x1] =	stream.strided.gather [hbm4b:s25+s15], $0x2800, s16, s15, $0x38;
	[tilespmem:$0xF280] =	vst v63  }
0x2b: {  	s25 =	rddreg [dreg:$0x10]  }
0x2c: {  	[tilespmem:s17], [sflag:$0x1] =	stream.linear.gather [hbm4b:s26+s19], $0x2800, $0x38;
	[tilespmem:$0xF280] =	vst v63  }
0x2d: {  	[spmem:s25], [sflag:s29] =	dma.local [hbm:s28], $0x500  }
0x2e: {  	_ =	swait.ge [sflag:s7], $0x500  }
0x2f: {  	[sflag:s7] =	ssyncset.done $0x0  }
0x30: {  	[sflag:s7] =	ssyncadd.s32 $0xFFFFFB00  }
0x31: {  	_ =	swait.ge [sflag:s18], $0x2800  }
0x32: {  	[sflag:s18] =	ssyncset.done $0x0  }
0x33: {  	[sflag:s18] =	ssyncadd.s32 $0xFFFFD800  }
0x34: {  	_ =	swait.ge [sflag:s18], $0x2800  }
.Ltmp0:
0x35: {  	[sflag:s18] =	ssyncset.done $0x0;
	(pc) =	sbr.rel @p0 .LBB2_5-.Ltmp0, $4  }
0x36: {  	[sflag:s18] =	ssyncadd.s32 $0xFFFFD800  }
0x37: {  	_ =	swait.ge [sflag:s18], $0x2800  }
0x38: {  	[sflag:s18] =	ssyncset.done $0x0  }
0x39: {  	[sflag:s18] =	ssyncadd.s32 $0xFFFFD800  }
0x3a: {  	p2 =	sne.s32 s6, $0x1  }
.Ltmp1:
0x3b: {  	_ = 	snop;
	(pc) =	sbr.rel @!p2 .LBB2_4-.Ltmp1, $3  }
0x3c: {  	_ =	sdelay $0x1  }
0x3d: {  	[tilespmem:s10+$0x0] =	vst v0;
	s19 =	simm.s32 $0x5000  }
0x3e: {  	s24 =	sadd.s32 $0x10, s10;
	s25 =	simm.s32 $0x5000;
	[tilespmem:s19+$0x0] =	vst v1;
	s19 =	sadd.s32 $0xFFFFFFFF, s6  }
.LBB2_3:
0x3f: {  	[tilespmem:s24+$0x0] =	vst v0;
	s25 =	sadd.s32 $0x10, s25;
	p2 =	sne.s32 s19, $0x1  }
.Ltmp2:
0x40: {  	s19 =	sadd.s32 $0xFFFFFFFF, s19;
	[tilespmem:s25+$0x0] =	vst v1;
	(pc) =	sbr.rel @p2 .LBB2_3-.Ltmp2, $2  }
0x41: {  	_ =	sdelay $0x2  }
0x42: {  	s24 =	sadd.s32 $0x10, s24  }
.LBB2_4:
.Ltmp3:
0x43: {  	(pc) =	sbr.rel @p1 .LBB2_7-.Ltmp3, $1  }
0x44: {  	_ =	sdelay $0x3  }
.LBB2_5:
0x45: {  	p2 =	sne.s32 s12, $0x1  }
.Ltmp4:
0x46: {  	_ = 	snop;
	(pc) =	sbr.rel @!p2 .LBB2_7-.Ltmp4, $3  }
0x47: {  	_ =	sdelay $0x1  }
0x48: {  	[tilespmem:s21+$0x0] =	vst v0  }
0x49: {  	s19 =	sadd.s32 $0xFFFFFFFF, s12;
	s24 =	sadd.s32 $0x10, s21;
	s25 =	smov.u32 s22;
	[tilespmem:s22+$0x0] =	vst v1  }
.LBB2_6:
0x4a: {  	[tilespmem:s24+$0x0] =	vst v0;
	s25 =	sadd.s32 $0x10, s25;
	p2 =	sne.s32 s19, $0x1  }
.Ltmp5:
0x4b: {  	s19 =	sadd.s32 $0xFFFFFFFF, s19;
	[tilespmem:s25+$0x0] =	vst v1;
	(pc) =	sbr.rel @p2 .LBB2_6-.Ltmp5, $2  }
0x4c: {  	_ =	sdelay $0x2  }
0x4d: {  	s24 =	sadd.s32 $0x10, s24  }
.LBB2_7:
0x4e: {  	s19 =	simm.s32 $0xFFFFFFF8;
	s24 =	smov.u32 s23  }
0x4f: {  	s25 =	smov.u32 s11;
	s26 =	smov.u32 s8;
	s28 =	rddreg [dreg:$0xe]  }
.LBB2_8:
0x50: {  	s29 =	sand.u32 $0xFFFFFF80, s28  }
0x51: {  	s29 =	sor.u32 s9, s29  }
0x52: {  	v2 =	vld [tilespmem:s29+$0x0];
	_ =	sdelay $0x6  }
0x53: {  	v3 =	vld [tilespmem:s29+$0x2800]  }
0x54: {  	v4 =	vld.idx.msk [tilespmem:v2+s17+$0x0], $0xffff;
	_ =	sdelay $0x3  }
0x55: {  	vm0 =	veq.s32 v2, v3  }
0x56: {  	v2 =	vsel vm0, $0x0, v4  }
0x57: {  	[tilespmem:s29+$0x5000] =	vst v2;
	v2 =	vadd.s32 v0, v3  }
0x58: {  	[tilespmem:s29+$0x2800] =	vst v2  }
0x59: {  	v2 =	vld [tilespmem:s24+$0xFFFFFFD0];
	_ =	sdelay $0x6  }
0x5a: {  	v3 =	vld [tilespmem:s26+$0xFFFFFFD0]  }
0x5b: {  	v57 =	vld.idx.msk [tilespmem:v2+s17+$0x0], $0xffff;
	_ =	sdelay $0x3  }
0x5c: {  	vm9 =	veq.s32 v2, v3  }
0x5d: {  	v2 =	vsel vm9, $0x0, v57  }
0x5e: {  	[tilespmem:s25+$0xFFFFFFD0] =	vst v2;
	v2 =	vadd.s32 v0, v3  }
0x5f: {  	[tilespmem:s26+$0xFFFFFFD0] =	vst v2  }
0x60: {  	v2 =	vld [tilespmem:s24+$0xFFFFFFE0];
	_ =	sdelay $0x6  }
0x61: {  	v3 =	vld [tilespmem:s26+$0xFFFFFFE0]  }
0x62: {  	v58 =	vld.idx.msk [tilespmem:v2+s17+$0x0], $0xffff;
	_ =	sdelay $0x3  }
0x63: {  	vm10 =	veq.s32 v2, v3  }
0x64: {  	v2 =	vsel vm10, $0x0, v58  }
0x65: {  	[tilespmem:s25+$0xFFFFFFE0] =	vst v2;
	v2 =	vadd.s32 v0, v3  }
0x66: {  	[tilespmem:s26+$0xFFFFFFE0] =	vst v2  }
0x67: {  	v2 =	vld [tilespmem:s24+$0xFFFFFFF0];
	_ =	sdelay $0x6  }
0x68: {  	v3 =	vld [tilespmem:s26+$0xFFFFFFF0]  }
0x69: {  	v59 =	vld.idx.msk [tilespmem:v2+s17+$0x0], $0xffff;
	_ =	sdelay $0x3  }
0x6a: {  	vm11 =	veq.s32 v2, v3  }
0x6b: {  	v2 =	vsel vm11, $0x0, v59  }
0x6c: {  	[tilespmem:s25+$0xFFFFFFF0] =	vst v2;
	v2 =	vadd.s32 v0, v3  }
0x6d: {  	[tilespmem:s26+$0xFFFFFFF0] =	vst v2  }
0x6e: {  	v2 =	vld [tilespmem:s24+$0x0];
	_ =	sdelay $0x6  }
0x6f: {  	v3 =	vld [tilespmem:s26+$0x0]  }
0x70: {  	v60 =	vld.idx.msk [tilespmem:v2+s17+$0x0], $0xffff;
	_ =	sdelay $0x3  }
0x71: {  	vm12 =	veq.s32 v2, v3  }
0x72: {  	v2 =	vsel vm12, $0x0, v60  }
0x73: {  	[tilespmem:s25+$0x0] =	vst v2;
	v2 =	vadd.s32 v0, v3  }
0x74: {  	[tilespmem:s26+$0x0] =	vst v2  }
0x75: {  	v2 =	vld [tilespmem:s24+$0x10];
	_ =	sdelay $0x6  }
0x76: {  	v3 =	vld [tilespmem:s26+$0x10]  }
0x77: {  	v61 =	vld.idx.msk [tilespmem:v2+s17+$0x0], $0xffff;
	_ =	sdelay $0x3  }
0x78: {  	vm13 =	veq.s32 v2, v3  }
0x79: {  	v2 =	vsel vm13, $0x0, v61  }
0x7a: {  	[tilespmem:s25+$0x10] =	vst v2;
	v2 =	vadd.s32 v0, v3  }
0x7b: {  	[tilespmem:s26+$0x10] =	vst v2  }
0x7c: {  	v2 =	vld [tilespmem:s24+$0x20];
	_ =	sdelay $0x6  }
0x7d: {  	v3 =	vld [tilespmem:s26+$0x20]  }
0x7e: {  	v62 =	vld.idx.msk [tilespmem:v2+s17+$0x0], $0xffff;
	_ =	sdelay $0x3  }
0x7f: {  	vm14 =	veq.s32 v2, v3  }
0x80: {  	v2 =	vsel vm14, $0x0, v62  }
0x81: {  	[tilespmem:s25+$0x20] =	vst v2;
	v2 =	vadd.s32 v0, v3  }
0x82: {  	[tilespmem:s26+$0x20] =	vst v2  }
0x83: {  	v2 =	vld [tilespmem:s24+$0x30];
	_ =	sdelay $0x6  }
0x84: {  	v3 =	vld [tilespmem:s26+$0x30]  }
0x85: {  	v63 =	vld.idx.msk [tilespmem:v2+s17+$0x0], $0xffff  }
0x86: {  	s19 =	sadd.s32 $0x8, s19  }
0x87: {  	p2 =	slt.u32 s19, $0x268  }
.Ltmp6:
0x88: {  	_ = 	snop;
	(pc) =	sbr.rel @p2 .LBB2_8-.Ltmp6, $4  }
0x89: {  	vm15 =	veq.s32 v2, v3  }
0x8a: {  	v2 =	vsel vm15, $0x0, v63  }
0x8b: {  	s28 =	sadd.s32 $0x80, s28;
	[tilespmem:s25+$0x30] =	vst v2;
	v2 =	vadd.s32 v0, v3  }
0x8c: {  	s24 =	sadd.s32 $0x80, s24;
	s25 =	sadd.s32 $0x80, s25;
	[tilespmem:s26+$0x30] =	vst v2;
	s26 =	sadd.s32 $0x80, s26  }
0x8d: {  	s19 =	rddreg [dreg:$0x8]  }
0x8e: {  	v2 =	vld [tilespmem:s19+$0x2700];
	_ =	sdelay $0x6  }
0x8f: {  	v3 =	vld [tilespmem:s13+$0x2800]  }
0x90: {  	v4 =	vld.idx.msk [tilespmem:v2+s17+$0x0], $0xffff;
	_ =	sdelay $0x3  }
0x91: {  	vm0 =	veq.s32 v2, v3  }
0x92: {  	v2 =	vsel vm0, $0x0, v4  }
0x93: {  	[tilespmem:s13+$0x5000] =	vst v2;
	v2 =	vadd.s32 v0, v3  }
0x94: {  	s29 =	rddreg [dreg:$0x2];
	s24 =	simm.s32 $0x5000;
	[tilespmem:s13+$0x2800] =	vst v2  }
0x95: {  	[spmem:s29] =	stream.indirect.scatter.add.f32 [tilespmem:s24], [sflag:$0x2], $0x1, s10, s10, $0xb8;
	[tilespmem:$0xF280] =	vst v63  }
0x96: {  	_ =	swait.ge [sflag:s7], $0x2800  }
0x97: {  	[sflag:s7] =	ssyncset.done $0x0  }
0x98: {  	[sflag:s7] =	ssyncadd.s32 $0xFFFFD800  }
0x99: {  	s25 =	simm.s32 $0xA000;
	[bflag:$0x0] =	sbarrier.arrive $0xFFFF  }
0x9a: {  	[tilespmem:s25], [sflag:$0x1] =	stream.linear.gather [spmem:s14], $0x280, $0x38;
	[tilespmem:$0xF280] =	vst v63  }
0x9b: {  	s29 =	simm.s32 $0xA280;
	s26 =	rddreg [dreg:$0xa]  }
0x9c: {  	[tilespmem:s29], [sflag:$0x1] =	stream.linear.gather [spmem:s26], $0x280, $0x38;
	[tilespmem:$0xF280] =	vst v63  }
0x9d: {  	s24 =	rddreg [dreg:$0xb];
	s25 =	simm.s32 $0xA500  }
0x9e: {  	[tilespmem:s25], [sflag:$0x1] =	stream.linear.gather [spmem:s24], $0x280, $0x38;
	[tilespmem:$0xF280] =	vst v63  }
0x9f: {  	s26 =	rddreg [dreg:$0xc];
	s29 =	simm.s32 $0xA780  }
0xa0: {  	[tilespmem:s29], [sflag:$0x1] =	stream.linear.gather [spmem:s26], $0x280, $0x38;
	[tilespmem:$0xF280] =	vst v63  }
0xa1: {  	s24 =	rddreg [dreg:$0x11];
	s25 =	simm.s32 $0xAA00  }
0xa2: {  	[tilespmem:s25], [sflag:$0x1] =	stream.linear.gather [spmem:s24], $0x280, $0x38;
	[tilespmem:$0xF280] =	vst v63  }
0xa3: {  	s26 =	rddreg [dreg:$0x12];
	s29 =	simm.s32 $0xAC80  }
0xa4: {  	[tilespmem:s29], [sflag:$0x1] =	stream.linear.gather [spmem:s26], $0x280, $0x38;
	[tilespmem:$0xF280] =	vst v63  }
0xa5: {  	s24 =	rddreg [dreg:$0x13];
	s25 =	simm.s32 $0xAF00  }
0xa6: {  	[tilespmem:s25], [sflag:$0x1] =	stream.linear.gather [spmem:s24], $0x280, $0x38;
	[tilespmem:$0xF280] =	vst v63  }
0xa7: {  	s26 =	rddreg [dreg:$0x14];
	s29 =	simm.s32 $0xB180  }
0xa8: {  	[tilespmem:s29], [sflag:$0x1] =	stream.linear.gather [spmem:s26], $0x280, $0x38;
	[tilespmem:$0xF280] =	vst v63  }
0xa9: {  	s24 =	simm.s32 $0xB400  }
0xaa: {  	[tilespmem:s24], [sflag:$0x1] =	stream.linear.gather [spmem:s30], $0x280, $0x38;
	[tilespmem:$0xF280] =	vst v63  }
0xab: {  	s25 =	simm.s32 $0xB680  }
0xac: {  	[tilespmem:s25], [sflag:$0x1] =	stream.linear.gather [spmem:s31], $0x280, $0x38;
	[tilespmem:$0xF280] =	vst v63  }
0xad: {  	s26 =	simm.s32 $0xB900  }
0xae: {  	[tilespmem:s26], [sflag:$0x1] =	stream.linear.gather [spmem:s0], $0x280, $0x38;
	[tilespmem:$0xF280] =	vst v63  }
0xaf: {  	s29 =	simm.s32 $0xBB80  }
0xb0: {  	[tilespmem:s29], [sflag:$0x1] =	stream.linear.gather [spmem:s1], $0x280, $0x38;
	[tilespmem:$0xF280] =	vst v63  }
0xb1: {  	s24 =	simm.s32 $0xBE00  }
0xb2: {  	[tilespmem:s24], [sflag:$0x1] =	stream.linear.gather [spmem:s2], $0x280, $0x38;
	[tilespmem:$0xF280] =	vst v63  }
0xb3: {  	s25 =	simm.s32 $0xC080  }
0xb4: {  	[tilespmem:s25], [sflag:$0x1] =	stream.linear.gather [spmem:s3], $0x280, $0x38;
	[tilespmem:$0xF280] =	vst v63  }
0xb5: {  	s26 =	simm.s32 $0xC300  }
0xb6: {  	[tilespmem:s26], [sflag:$0x1] =	stream.linear.gather [spmem:s4], $0x280, $0x38;
	[tilespmem:$0xF280] =	vst v63  }
0xb7: {  	s29 =	simm.s32 $0xC580  }
0xb8: {  	[tilespmem:s29], [sflag:$0x1] =	stream.linear.gather [spmem:s5], $0x280, $0x38;
	[tilespmem:$0xF280] =	vst v63  }
0xb9: {  	_ =	swait.ge [sflag:s18], $0x280  }
0xba: {  	[sflag:s18] =	ssyncset.done $0x0  }
0xbb: {  	[sflag:s18] =	ssyncadd.s32 $0xFFFFFD80  }
0xbc: {  	_ =	swait.ge [sflag:s18], $0x280  }
0xbd: {  	[sflag:s18] =	ssyncset.done $0x0  }
0xbe: {  	[sflag:s18] =	ssyncadd.s32 $0xFFFFFD80  }
0xbf: {  	_ =	swait.ge [sflag:s18], $0x280  }
0xc0: {  	[sflag:s18] =	ssyncset.done $0x0  }
0xc1: {  	[sflag:s18] =	ssyncadd.s32 $0xFFFFFD80  }
0xc2: {  	_ =	swait.ge [sflag:s18], $0x280  }
0xc3: {  	[sflag:s18] =	ssyncset.done $0x0  }
0xc4: {  	[sflag:s18] =	ssyncadd.s32 $0xFFFFFD80  }
0xc5: {  	_ =	swait.ge [sflag:s18], $0x280  }
0xc6: {  	[sflag:s18] =	ssyncset.done $0x0  }
0xc7: {  	[sflag:s18] =	ssyncadd.s32 $0xFFFFFD80  }
0xc8: {  	_ =	swait.ge [sflag:s18], $0x280  }
0xc9: {  	[sflag:s18] =	ssyncset.done $0x0  }
0xca: {  	[sflag:s18] =	ssyncadd.s32 $0xFFFFFD80  }
0xcb: {  	_ =	swait.ge [sflag:s18], $0x280  }
0xcc: {  	[sflag:s18] =	ssyncset.done $0x0  }
0xcd: {  	[sflag:s18] =	ssyncadd.s32 $0xFFFFFD80  }
0xce: {  	_ =	swait.ge [sflag:s18], $0x280  }
0xcf: {  	[sflag:s18] =	ssyncset.done $0x0  }
0xd0: {  	[sflag:s18] =	ssyncadd.s32 $0xFFFFFD80  }
0xd1: {  	_ =	swait.ge [sflag:s18], $0x280  }
0xd2: {  	[sflag:s18] =	ssyncset.done $0x0  }
0xd3: {  	[sflag:s18] =	ssyncadd.s32 $0xFFFFFD80  }
0xd4: {  	_ =	swait.ge [sflag:s18], $0x280  }
0xd5: {  	[sflag:s18] =	ssyncset.done $0x0  }
0xd6: {  	[sflag:s18] =	ssyncadd.s32 $0xFFFFFD80  }
0xd7: {  	_ =	swait.ge [sflag:s18], $0x280  }
0xd8: {  	[sflag:s18] =	ssyncset.done $0x0  }
0xd9: {  	[sflag:s18] =	ssyncadd.s32 $0xFFFFFD80  }
0xda: {  	_ =	swait.ge [sflag:s18], $0x280  }
0xdb: {  	[sflag:s18] =	ssyncset.done $0x0  }
0xdc: {  	[sflag:s18] =	ssyncadd.s32 $0xFFFFFD80  }
0xdd: {  	_ =	swait.ge [sflag:s18], $0x280  }
0xde: {  	[sflag:s18] =	ssyncset.done $0x0  }
0xdf: {  	[sflag:s18] =	ssyncadd.s32 $0xFFFFFD80  }
0xe0: {  	_ =	swait.ge [sflag:s18], $0x280  }
0xe1: {  	[sflag:s18] =	ssyncset.done $0x0  }
0xe2: {  	[sflag:s18] =	ssyncadd.s32 $0xFFFFFD80  }
0xe3: {  	_ =	swait.ge [sflag:s18], $0x280  }
0xe4: {  	[sflag:s18] =	ssyncset.done $0x0  }
0xe5: {  	[sflag:s18] =	ssyncadd.s32 $0xFFFFFD80  }
0xe6: {  	_ =	swait.ge [sflag:s18], $0x280  }
0xe7: {  	s19 =	simm.s32 $0x0;
	[sflag:s18] =	ssyncset.done $0x0  }
0xe8: {  	s25 =	sand.u32 $0x3C0, s19;
	[sflag:s18] =	ssyncadd.s32 $0xFFFFFD80  }
0xe9: {  	s24 =	simm.s32 $0xB410;
	v2 =	vld [tilespmem:s25+$0xA280]  }
0xea: {  	v3 =	vld [tilespmem:s24+$0xFFFFEBF0];
	_ =	sdelay $0x1  }
0xeb: {  	v4 =	vld [tilespmem:s25+$0xA500];
	_ =	sdelay $0x1  }
0xec: {  	v5 =	vld [tilespmem:s25+$0xA780]  }
0xed: {  	v2 =	vadd.f32 v2, v3  }
0xee: {  	v3 =	vld [tilespmem:s25+$0xAA00]  }
0xef: {  	v2 =	vadd.f32 v4, v2  }
0xf0: {  	v4 =	vld [tilespmem:s25+$0xAC80]  }
0xf1: {  	v2 =	vadd.f32 v5, v2  }
0xf2: {  	v5 =	vld [tilespmem:s25+$0xAF00]  }
0xf3: {  	v2 =	vadd.f32 v3, v2  }
0xf4: {  	v3 =	vld [tilespmem:s25+$0xB180]  }
0xf5: {  	v2 =	vadd.f32 v4, v2  }
0xf6: {  	v4 =	vld [tilespmem:s25+$0xB400]  }
0xf7: {  	v2 =	vadd.f32 v5, v2  }
0xf8: {  	v5 =	vld [tilespmem:s25+$0xB680]  }
0xf9: {  	v2 =	vadd.f32 v3, v2  }
0xfa: {  	v3 =	vld [tilespmem:s25+$0xB900]  }
0xfb: {  	v2 =	vadd.f32 v4, v2  }
0xfc: {  	v4 =	vld [tilespmem:s25+$0xBB80]  }
0xfd: {  	v2 =	vadd.f32 v5, v2  }
0xfe: {  	v5 =	vld [tilespmem:s25+$0xBE00]  }
0xff: {  	v2 =	vadd.f32 v3, v2  }
0x100: {  	v3 =	vld [tilespmem:s25+$0xC080]  }
0x101: {  	v2 =	vadd.f32 v4, v2  }
0x102: {  	v4 =	vld [tilespmem:s25+$0xC300]  }
0x103: {  	v2 =	vadd.f32 v5, v2  }
0x104: {  	v5 =	vld [tilespmem:s25+$0xC580]  }
0x105: {  	v2 =	vadd.f32 v3, v2;
	_ =	sdelay $0x1  }
0x106: {  	v2 =	vadd.f32 v4, v2;
	_ =	sdelay $0x1  }
0x107: {  	v2 =	vadd.f32 v5, v2  }
0x108: {  	s25 =	simm.s32 $0xC820  }
0x109: {  	[tilespmem:s25+$0xFFFFFFE0] =	vst v2  }
0x10a: {  	v2 =	vld [tilespmem:s24+$0xFFFFEC00]  }
0x10b: {  	v3 =	vld [tilespmem:s24+$0xFFFFEE80];
	_ =	sdelay $0x1  }
0x10c: {  	v4 =	vld [tilespmem:s24+$0xFFFFF100];
	_ =	sdelay $0x1  }
0x10d: {  	v5 =	vld [tilespmem:s24+$0xFFFFF380]  }
0x10e: {  	v2 =	vadd.f32 v3, v2  }
0x10f: {  	v3 =	vld [tilespmem:s24+$0xFFFFF600]  }
0x110: {  	v2 =	vadd.f32 v4, v2  }
0x111: {  	v4 =	vld [tilespmem:s24+$0xFFFFF880]  }
0x112: {  	v2 =	vadd.f32 v5, v2  }
0x113: {  	v5 =	vld [tilespmem:s24+$0xFFFFFB00]  }
0x114: {  	v2 =	vadd.f32 v3, v2  }
0x115: {  	v3 =	vld [tilespmem:s24+$0xFFFFFD80]  }
0x116: {  	v2 =	vadd.f32 v4, v2  }
0x117: {  	v4 =	vld [tilespmem:s24+$0x0]  }
0x118: {  	v2 =	vadd.f32 v5, v2  }
0x119: {  	v5 =	vld [tilespmem:s24+$0x280]  }
0x11a: {  	v2 =	vadd.f32 v3, v2  }
0x11b: {  	v3 =	vld [tilespmem:s24+$0x500]  }
0x11c: {  	v2 =	vadd.f32 v4, v2  }
0x11d: {  	v4 =	vld [tilespmem:s24+$0x780]  }
0x11e: {  	v2 =	vadd.f32 v5, v2  }
0x11f: {  	v5 =	vld [tilespmem:s24+$0xA00]  }
0x120: {  	v2 =	vadd.f32 v3, v2  }
0x121: {  	v3 =	vld [tilespmem:s24+$0xC80]  }
0x122: {  	v2 =	vadd.f32 v4, v2  }
0x123: {  	v4 =	vld [tilespmem:s24+$0xF00]  }
0x124: {  	v2 =	vadd.f32 v5, v2  }
0x125: {  	v5 =	vld [tilespmem:s24+$0x1180]  }
0x126: {  	v2 =	vadd.f32 v3, v2;
	_ =	sdelay $0x1  }
0x127: {  	v2 =	vadd.f32 v4, v2;
	_ =	sdelay $0x1  }
0x128: {  	v2 =	vadd.f32 v5, v2;
	_ =	sdelay $0x1  }
0x129: {  	[tilespmem:s25+$0xFFFFFFF0] =	vst v2  }
0x12a: {  	v2 =	vld [tilespmem:s24+$0xFFFFEC10]  }
0x12b: {  	v3 =	vld [tilespmem:s24+$0xFFFFEE90];
	_ =	sdelay $0x1  }
0x12c: {  	v4 =	vld [tilespmem:s24+$0xFFFFF110];
	_ =	sdelay $0x1  }
0x12d: {  	v5 =	vld [tilespmem:s24+$0xFFFFF390]  }
0x12e: {  	v2 =	vadd.f32 v3, v2  }
0x12f: {  	v3 =	vld [tilespmem:s24+$0xFFFFF610]  }
0x130: {  	v2 =	vadd.f32 v4, v2  }
0x131: {  	v4 =	vld [tilespmem:s24+$0xFFFFF890]  }
0x132: {  	v2 =	vadd.f32 v5, v2  }
0x133: {  	v5 =	vld [tilespmem:s24+$0xFFFFFB10]  }
0x134: {  	v2 =	vadd.f32 v3, v2  }
0x135: {  	v3 =	vld [tilespmem:s24+$0xFFFFFD90]  }
0x136: {  	v2 =	vadd.f32 v4, v2  }
0x137: {  	v4 =	vld [tilespmem:s24+$0x10]  }
0x138: {  	v2 =	vadd.f32 v5, v2  }
0x139: {  	v5 =	vld [tilespmem:s24+$0x290]  }
0x13a: {  	v2 =	vadd.f32 v3, v2  }
0x13b: {  	v3 =	vld [tilespmem:s24+$0x510]  }
0x13c: {  	v2 =	vadd.f32 v4, v2  }
0x13d: {  	v4 =	vld [tilespmem:s24+$0x790]  }
0x13e: {  	v2 =	vadd.f32 v5, v2  }
0x13f: {  	v5 =	vld [tilespmem:s24+$0xA10]  }
0x140: {  	v2 =	vadd.f32 v3, v2  }
0x141: {  	v3 =	vld [tilespmem:s24+$0xC90]  }
0x142: {  	v2 =	vadd.f32 v4, v2  }
0x143: {  	v4 =	vld [tilespmem:s24+$0xF10]  }
0x144: {  	v2 =	vadd.f32 v5, v2  }
0x145: {  	v5 =	vld [tilespmem:s24+$0x1190]  }
0x146: {  	v2 =	vadd.f32 v3, v2;
	_ =	sdelay $0x1  }
0x147: {  	v2 =	vadd.f32 v4, v2;
	_ =	sdelay $0x1  }
0x148: {  	v2 =	vadd.f32 v5, v2;
	_ =	sdelay $0x1  }
0x149: {  	[tilespmem:s25+$0x0] =	vst v2  }
0x14a: {  	v2 =	vld [tilespmem:s24+$0xFFFFEC20]  }
0x14b: {  	v3 =	vld [tilespmem:s24+$0xFFFFEEA0];
	_ =	sdelay $0x1  }
0x14c: {  	v4 =	vld [tilespmem:s24+$0xFFFFF120];
	_ =	sdelay $0x1  }
0x14d: {  	v5 =	vld [tilespmem:s24+$0xFFFFF3A0]  }
0x14e: {  	v2 =	vadd.f32 v3, v2  }
0x14f: {  	v3 =	vld [tilespmem:s24+$0xFFFFF620]  }
0x150: {  	v2 =	vadd.f32 v4, v2  }
0x151: {  	v4 =	vld [tilespmem:s24+$0xFFFFF8A0]  }
0x152: {  	v2 =	vadd.f32 v5, v2  }
0x153: {  	v5 =	vld [tilespmem:s24+$0xFFFFFB20]  }
0x154: {  	v2 =	vadd.f32 v3, v2  }
0x155: {  	v3 =	vld [tilespmem:s24+$0xFFFFFDA0]  }
0x156: {  	v2 =	vadd.f32 v4, v2  }
0x157: {  	v4 =	vld [tilespmem:s24+$0x20]  }
0x158: {  	v2 =	vadd.f32 v5, v2  }
0x159: {  	v5 =	vld [tilespmem:s24+$0x2A0]  }
0x15a: {  	v2 =	vadd.f32 v3, v2  }
0x15b: {  	v3 =	vld [tilespmem:s24+$0x520]  }
0x15c: {  	v2 =	vadd.f32 v4, v2  }
0x15d: {  	v4 =	vld [tilespmem:s24+$0x7A0]  }
0x15e: {  	v2 =	vadd.f32 v5, v2  }
0x15f: {  	v5 =	vld [tilespmem:s24+$0xA20]  }
0x160: {  	v2 =	vadd.f32 v3, v2  }
0x161: {  	v6 =	vld [tilespmem:s24+$0xCA0]  }
0x162: {  	v2 =	vadd.f32 v4, v2  }
0x163: {  	v3 =	vld [tilespmem:s24+$0xF20]  }
0x164: {  	v4 =	vadd.f32 v5, v2  }
0x165: {  	v2 =	vld [tilespmem:s24+$0x11A0]  }
0x166: {  	v4 =	vadd.f32 v6, v4  }
0x167: {  	s28 =	simm.s32 $0xC860;
	s26 =	simm.s32 $0x0  }
.LBB2_10:
0x168: {  	s26 =	sadd.s32 $0x4, s26;
	v3 =	vadd.f32 v3, v4;
	s24 =	sadd.s32 $0x40, s24;
	s19 =	sadd.s32 $0x40, s19  }
0x169: {  	p2 =	slt.u32 s26, $0x24  }
0x16a: {  	v2 =	vadd.f32 v2, v3;
	_ =	sdelay $0x1  }
0x16b: {  	s29 =	sand.u32 $0x3C0, s19;
	[tilespmem:s25+$0x10] =	vst v2;
	s25 =	smov.u32 s28  }
0x16c: {  	v2 =	vld [tilespmem:s29+$0xA280]  }
0x16d: {  	v3 =	vld [tilespmem:s24+$0xFFFFEBF0];
	_ =	sdelay $0x1  }
0x16e: {  	v4 =	vld [tilespmem:s29+$0xA500];
	_ =	sdelay $0x1  }
0x16f: {  	v5 =	vld [tilespmem:s29+$0xA780]  }
0x170: {  	v2 =	vadd.f32 v2, v3  }
0x171: {  	v3 =	vld [tilespmem:s29+$0xAA00]  }
0x172: {  	v2 =	vadd.f32 v4, v2  }
0x173: {  	v4 =	vld [tilespmem:s29+$0xAC80]  }
0x174: {  	v2 =	vadd.f32 v5, v2  }
0x175: {  	v5 =	vld [tilespmem:s29+$0xAF00]  }
0x176: {  	v2 =	vadd.f32 v3, v2  }
0x177: {  	v3 =	vld [tilespmem:s29+$0xB180]  }
0x178: {  	v2 =	vadd.f32 v4, v2  }
0x179: {  	v4 =	vld [tilespmem:s29+$0xB400]  }
0x17a: {  	v2 =	vadd.f32 v5, v2  }
0x17b: {  	v5 =	vld [tilespmem:s29+$0xB680]  }
0x17c: {  	v2 =	vadd.f32 v3, v2  }
0x17d: {  	v3 =	vld [tilespmem:s29+$0xB900]  }
0x17e: {  	v2 =	vadd.f32 v4, v2  }
0x17f: {  	v4 =	vld [tilespmem:s29+$0xBB80]  }
0x180: {  	v2 =	vadd.f32 v5, v2  }
0x181: {  	v5 =	vld [tilespmem:s29+$0xBE00]  }
0x182: {  	v2 =	vadd.f32 v3, v2  }
0x183: {  	v3 =	vld [tilespmem:s29+$0xC080]  }
0x184: {  	v2 =	vadd.f32 v4, v2  }
0x185: {  	v4 =	vld [tilespmem:s29+$0xC300]  }
0x186: {  	v2 =	vadd.f32 v5, v2  }
0x187: {  	v5 =	vld [tilespmem:s29+$0xC580]  }
0x188: {  	v2 =	vadd.f32 v3, v2;
	_ =	sdelay $0x1  }
0x189: {  	v2 =	vadd.f32 v4, v2;
	_ =	sdelay $0x1  }
0x18a: {  	v2 =	vadd.f32 v5, v2;
	_ =	sdelay $0x1  }
0x18b: {  	[tilespmem:s28+$0xFFFFFFE0] =	vst v2  }
0x18c: {  	v2 =	vld [tilespmem:s24+$0xFFFFEC00]  }
0x18d: {  	v3 =	vld [tilespmem:s24+$0xFFFFEE80];
	_ =	sdelay $0x1  }
0x18e: {  	v4 =	vld [tilespmem:s24+$0xFFFFF100];
	_ =	sdelay $0x1  }
0x18f: {  	v5 =	vld [tilespmem:s24+$0xFFFFF380]  }
0x190: {  	v2 =	vadd.f32 v3, v2  }
0x191: {  	v3 =	vld [tilespmem:s24+$0xFFFFF600]  }
0x192: {  	v2 =	vadd.f32 v4, v2  }
0x193: {  	v4 =	vld [tilespmem:s24+$0xFFFFF880]  }
0x194: {  	v2 =	vadd.f32 v5, v2  }
0x195: {  	v5 =	vld [tilespmem:s24+$0xFFFFFB00]  }
0x196: {  	v2 =	vadd.f32 v3, v2  }
0x197: {  	v3 =	vld [tilespmem:s24+$0xFFFFFD80]  }
0x198: {  	v2 =	vadd.f32 v4, v2  }
0x199: {  	v4 =	vld [tilespmem:s24+$0x0]  }
0x19a: {  	v2 =	vadd.f32 v5, v2  }
0x19b: {  	v5 =	vld [tilespmem:s24+$0x280]  }
0x19c: {  	v2 =	vadd.f32 v3, v2  }
0x19d: {  	v3 =	vld [tilespmem:s24+$0x500]  }
0x19e: {  	v2 =	vadd.f32 v4, v2  }
0x19f: {  	v4 =	vld [tilespmem:s24+$0x780]  }
0x1a0: {  	v2 =	vadd.f32 v5, v2  }
0x1a1: {  	v5 =	vld [tilespmem:s24+$0xA00]  }
0x1a2: {  	v2 =	vadd.f32 v3, v2  }
0x1a3: {  	v3 =	vld [tilespmem:s24+$0xC80]  }
0x1a4: {  	v2 =	vadd.f32 v4, v2  }
0x1a5: {  	v4 =	vld [tilespmem:s24+$0xF00]  }
0x1a6: {  	v2 =	vadd.f32 v5, v2  }
0x1a7: {  	v5 =	vld [tilespmem:s24+$0x1180]  }
0x1a8: {  	v2 =	vadd.f32 v3, v2;
	_ =	sdelay $0x1  }
0x1a9: {  	v2 =	vadd.f32 v4, v2;
	_ =	sdelay $0x1  }
0x1aa: {  	v2 =	vadd.f32 v5, v2;
	_ =	sdelay $0x1  }
0x1ab: {  	[tilespmem:s28+$0xFFFFFFF0] =	vst v2  }
0x1ac: {  	v2 =	vld [tilespmem:s24+$0xFFFFEC10]  }
0x1ad: {  	v3 =	vld [tilespmem:s24+$0xFFFFEE90];
	_ =	sdelay $0x1  }
0x1ae: {  	v4 =	vld [tilespmem:s24+$0xFFFFF110];
	_ =	sdelay $0x1  }
0x1af: {  	v5 =	vld [tilespmem:s24+$0xFFFFF390]  }
0x1b0: {  	v2 =	vadd.f32 v3, v2  }
0x1b1: {  	v3 =	vld [tilespmem:s24+$0xFFFFF610]  }
0x1b2: {  	v2 =	vadd.f32 v4, v2  }
0x1b3: {  	v4 =	vld [tilespmem:s24+$0xFFFFF890]  }
0x1b4: {  	v2 =	vadd.f32 v5, v2  }
0x1b5: {  	v5 =	vld [tilespmem:s24+$0xFFFFFB10]  }
0x1b6: {  	v2 =	vadd.f32 v3, v2  }
0x1b7: {  	v3 =	vld [tilespmem:s24+$0xFFFFFD90]  }
0x1b8: {  	v2 =	vadd.f32 v4, v2  }
0x1b9: {  	v4 =	vld [tilespmem:s24+$0x10]  }
0x1ba: {  	v2 =	vadd.f32 v5, v2  }
0x1bb: {  	v5 =	vld [tilespmem:s24+$0x290]  }
0x1bc: {  	v2 =	vadd.f32 v3, v2  }
0x1bd: {  	v3 =	vld [tilespmem:s24+$0x510]  }
0x1be: {  	v2 =	vadd.f32 v4, v2  }
0x1bf: {  	v4 =	vld [tilespmem:s24+$0x790]  }
0x1c0: {  	v2 =	vadd.f32 v5, v2  }
0x1c1: {  	v5 =	vld [tilespmem:s24+$0xA10]  }
0x1c2: {  	v2 =	vadd.f32 v3, v2  }
0x1c3: {  	v3 =	vld [tilespmem:s24+$0xC90]  }
0x1c4: {  	v2 =	vadd.f32 v4, v2  }
0x1c5: {  	v4 =	vld [tilespmem:s24+$0xF10]  }
0x1c6: {  	v2 =	vadd.f32 v5, v2  }
0x1c7: {  	v5 =	vld [tilespmem:s24+$0x1190]  }
0x1c8: {  	v2 =	vadd.f32 v3, v2;
	_ =	sdelay $0x1  }
0x1c9: {  	v2 =	vadd.f32 v4, v2;
	_ =	sdelay $0x1  }
0x1ca: {  	v2 =	vadd.f32 v5, v2;
	_ =	sdelay $0x1  }
0x1cb: {  	[tilespmem:s28+$0x0] =	vst v2  }
0x1cc: {  	v2 =	vld [tilespmem:s24+$0xFFFFEC20]  }
0x1cd: {  	v3 =	vld [tilespmem:s24+$0xFFFFEEA0]  }
0x1ce: {  	v4 =	vld [tilespmem:s24+$0xFFFFF120]  }
0x1cf: {  	v5 =	vld [tilespmem:s24+$0xFFFFF3A0]  }
0x1d0: {  	v6 =	vld [tilespmem:s24+$0xFFFFF620]  }
0x1d1: {  	v7 =	vld [tilespmem:s24+$0xFFFFF8A0]  }
0x1d2: {  	v2 =	vadd.f32 v3, v2;
	v8 =	vld [tilespmem:s24+$0xFFFFFB20]  }
0x1d3: {  	v9 =	vld [tilespmem:s24+$0xFFFFFDA0]  }
0x1d4: {  	v2 =	vadd.f32 v4, v2;
	v4 =	vld [tilespmem:s24+$0x20]  }
0x1d5: {  	v10 =	vld [tilespmem:s24+$0x2A0]  }
0x1d6: {  	v2 =	vadd.f32 v5, v2;
	v5 =	vld [tilespmem:s24+$0x520]  }
0x1d7: {  	v11 =	vld [tilespmem:s24+$0x7A0]  }
0x1d8: {  	v2 =	vadd.f32 v6, v2;
	v6 =	vld [tilespmem:s24+$0xA20]  }
0x1d9: {  	v12 =	vld [tilespmem:s24+$0xCA0]  }
0x1da: {  	v7 =	vadd.f32 v7, v2;
	v3 =	vld [tilespmem:s24+$0xF20]  }
0x1db: {  	v2 =	vld [tilespmem:s24+$0x11A0]  }
0x1dc: {  	v7 =	vadd.f32 v8, v7;
	_ =	sdelay $0x1  }
0x1dd: {  	v7 =	vadd.f32 v9, v7;
	_ =	sdelay $0x1  }
0x1de: {  	v4 =	vadd.f32 v4, v7;
	_ =	sdelay $0x1  }
0x1df: {  	v4 =	vadd.f32 v10, v4;
	_ =	sdelay $0x1  }
0x1e0: {  	v4 =	vadd.f32 v5, v4;
	_ =	sdelay $0x1  }
0x1e1: {  	v4 =	vadd.f32 v11, v4  }
.Ltmp7:
0x1e2: {  	(pc) =	sbr.rel @p2 .LBB2_10-.Ltmp7, $3  }
0x1e3: {  	v4 =	vadd.f32 v6, v4;
	_ =	sdelay $0x1  }
0x1e4: {  	v4 =	vadd.f32 v12, v4  }
0x1e5: {  	s28 =	sadd.s32 $0x40, s28  }
0x1e6: {  	v3 =	vadd.f32 v3, v4;
	_ =	sdelay $0x1  }
0x1e7: {  	v2 =	vadd.f32 v2, v3;
	_ =	sdelay $0x1  }
0x1e8: {  	s19 =	rddreg [dreg:$0xf];
	s24 =	simm.s32 $0xC800;
	[tilespmem:s25+$0x10] =	vst v2  }
0x1e9: {  	[hbm4b:s19+s15] =	stream.strided.scatter [tilespmem:s24], [sflag:$0x2], $0x280, s16, s15, $0x38;
	[tilespmem:$0xF280] =	vst v63  }
0x1ea: {  	_ =	swait.ge [sflag:s7], $0x280  }
0x1eb: {  	s20 =	sadd.s32 $0x1, s20;
	s29 =	rddreg [dreg:$0xd]  }
0x1ec: {  	p2 =	sne.s32 s20, s29  }
.Ltmp8:
0x1ed: {  	_ = 	snop;
	(pc) =	sbr.rel @p2 .LBB2_1-.Ltmp8, $3  }
0x1ee: {  	_ =	sdelay $0x1  }
0x1ef: {  	[sflag:s7] =	ssyncset.done $0x0  }
0x1f0: {  	[sflag:s7] =	ssyncadd.s32 $0xFFFFFD80  }
0x1f1: {  	_ =	sfence.sel $0x180000  }
0x1f2: {  	[bflag:$0x0] =	sbarrier.arrive $0xFFFF  }
0x1f3: {  	_ =	strace $0x9000004A  }
0x1f4: {  	s0 =	stileid.u32;
	[bflag:$0x2] =	sbarrier.arrive $0xFFFF  }
0x1f5: {  	p0 =	sne.s32 s0, $0x0;
	s0 =	rddreg [dreg:$0x3]  }
0x1f6: {  	s0 =	sadd.s32 @!p0 $0x100000, s0  }
0x1f7: {  	[sflag:s0] =	ssyncadd.tile.s32 @!p0 $0x1;
	_ =	shalt  }
.Lfunc_end2:
_tile_overlayer_lowered:
.L_overlay_start_2:
0x1f8: {  	(tag) =	ssettag $0x2  }
0x1f9: {  	s0 =	rddreg [dreg:$0x0];
	s2 =	stileid.u32  }
0x1fa: {  	s1 =	rddreg [dreg:$0x1];
	p0 =	sne.s32 s2, $0x0  }
0x1fb: {  	s3 =	rddreg [dreg:$0x2];
	[bflag:$0x3] =	sbarrier.arrive $0xFFFF;
	s2 =	simm.s32 @!p0 $0x1C02  }
0x1fc: {  	[timem:s3], [sflag:s2] =	dma.local @!p0 [hbm:s0], s1  }
0x1fd: {  	s0 =	simm.s32 @!p0 $0x2  }
0x1fe: {  	_ =	swait.ge @!p0 [sflag:s0], s1  }
0x1ff: {  	s1 =	ssub.s32 @!p0 $0x0, s1;
	[sflag:s0] =	ssyncset.done @!p0 $0x0  }
0x200: {  	[sflag:s0] =	ssyncadd.s32 @!p0 s1  }
0x201: {  	[bflag:$0x3] =	sbarrier.arrive $0xFFFF  }
0x202: {  	_ =	shalt  }

// kernel: kernel.7.cloned.1.call-start
scs
__scs_entry_jumppad:
0x0: {  	(pc) =	sbr.rel $0x88, $3  }
0x1: {  	(tag) =	ssettag $0x0;
	lr =	simm.s32 $0x1  }
0x2: {  	[smem:$0x3F9E] =	sst lr;
	_ =	strace $0xD0000000  }
0x3: {  	_ = 	snop  }
0x4: {  	_ = 	snop  }
0x5: {  	_ = 	snop  }
0x6: {  	_ = 	snop  }
0x7: {  	_ = 	snop  }
__scs_overlays_trampoline_lowered:
0x8: {  	[smem:$0x3FAD] =	sst s0  }
0x9: {  	[smem:$0x3FAE] =	sst s1  }
0xa: {  	[smem:$0x3FAF] =	sst s2  }
0xb: {  	[smem:$0x3FB0] =	sst s3  }
0xc: {  	[smem:$0x3FB1] =	sst s4  }
0xd: {  	[smem:$0x3FB2] =	sst s5  }
0xe: {  	[smem:$0x3FB3] =	sst s6  }
0xf: {  	[smem:$0x3FB4] =	sst s7  }
0x10: {  	[smem:$0x3FB5] =	sst s8  }
0x11: {  	[smem:$0x3FB6] =	sst s9;
	s0 =	simm.s32 @!p0 $0x0  }
0x12: {  	s1 =	sld [smem:$0x3F9C];
	s0 =	simm.s32 @p0 $0x1  }
0x13: {  	[smem:$0x3FB7] =	sst s0;
	s0 =	simm.s32 @!p1 $0x0  }
0x14: {  	s2 =	sld [smem:$0x3F9B];
	s0 =	simm.s32 @p1 $0x1  }
0x15: {  	[smem:$0x3FB8] =	sst s0;
	s0 =	simm.s32 @!p2 $0x0  }
0x16: {  	s3 =	sld [smem:$0x3FDB];
	s0 =	simm.s32 @p2 $0x1  }
0x17: {  	s4 =	simm.s32 $0x1BF5;
	[smem:$0x3FBA] =	sst s0  }
0x18: {  	s0 =	sld [smem:$0x3F9D];
	_ =	swait.ge [sflag:s4], $0x0  }
0x19: {  	s7 =	sld [smem:$0x3F9E]  }
0x1a: {  	s8 =	sadd.s32 $0xFFFFE003, lr  }
0x1b: {  	s9 =	sadd.s32 $0xFFFFFEF7, lr;
	s5 =	simm.s32 $0xFFFFFFFF;
	p2 =	slt.u32 s8, $0xFFFFF086  }
0x1c: {  	p1 =	slt.u32 s9, $0xF7A;
	s5 =	simm.s32 @!p2 $0x0  }
0x1d: {  	s5 =	simm.s32 @p1 $0x1;
	p0 =	seq.s32 s7, s2  }
0x1e: {  	s7 =	smul.u32 @!p0 $0xF7A, s2;
	p2 =	seq.s32 @!p0 s5, $0x0  }
0x1f: {  	s9 =	smul.u32 $0xF7A, s1;
	s8 =	simm.s32 @!p0 $0x1BF5;
	p2 =	por !p2, p0  }
0x20: {  	[sflag:s8] =	ssyncset.s32 @!p0 $0xFFFFF086;
	s6 =	sadd.s32 @!p0 s3, s7;
	s7 =	simm.s32 @!p0 $0x108  }
0x21: {  	s3 =	sadd.s32 s3, s9;
	s6 =	sadd.s32 @!p0 $0x88, s6;
	s7 =	simm.s32 @p2 $0x1082  }
0x22: {  	[simem:s7], [sflag:s8] =	dma.local @!p0 [hbm:s6], $0xF7A  }
0x23: {  	s9 =	sor.u32 $0xD0000000, s2;
	s6 =	simm.s32 $0x108;
	_ =	swait.ge @!p0 [sflag:s8], $0x0  }
0x24: {  	s3 =	sadd.s32 $0x88, s3;
	s6 =	simm.s32 @!p1 $0x1082;
	[sflag:s4] =	ssyncset.s32 $0xFFFFF086  }
0x25: {  	[simem:s6], [sflag:s4] =	dma.local [hbm:s3], $0xF7A  }
0x26: {  	[smem:$0x3F9E] =	sst s1;
	(tag) =	ssettag s2;
	_ =	strace s9  }
0x27: {  	s1 =	sld [smem:$0x3FAE]  }
0x28: {  	s2 =	sld [smem:$0x3FAF]  }
0x29: {  	s4 =	sld [smem:$0x3FB1]  }
0x2a: {  	p0 =	seq.s32 s5, $0x0;
	s5 =	sld [smem:$0x3FB2]  }
0x2b: {  	s6 =	sld [smem:$0x3FB3]  }
0x2c: {  	s7 =	sld [smem:$0x3FB4]  }
0x2d: {  	s3 =	simm.s32 $0x108;
	s8 =	sld [smem:$0x3FB5]  }
0x2e: {  	s3 =	simm.s32 @!p0 $0x1082;
	s9 =	sld [smem:$0x3FB6]  }
0x2f: {  	lr =	sadd.s32 s0, s3;
	s0 =	sld [smem:$0x3FAD]  }
0x30: {  	s3 =	sld [smem:$0x3FB0]  }
0x31: {  	[smem:$0x3FB9] =	sst s10  }
0x32: {  	s10 =	sld [smem:$0x3FB7];
	_ =	sdelay $0x3  }
0x33: {  	p0 =	seq.s32 s10, $0x1;
	s10 =	sld [smem:$0x3FB9];
	_ =	sdelay $0x3  }
0x34: {  	[smem:$0x3FB9] =	sst s10  }
0x35: {  	s10 =	sld [smem:$0x3FB8];
	_ =	sdelay $0x3  }
0x36: {  	p1 =	seq.s32 s10, $0x1;
	s10 =	sld [smem:$0x3FB9];
	_ =	sdelay $0x3  }
0x37: {  	[smem:$0x3FB9] =	sst s10  }
0x38: {  	s10 =	sld [smem:$0x3FBA]  }
0x39: {  	_ = 	snop;
	(pc) =	sbr.ind lr, $3  }
0x3a: {  	_ = 	snop  }
0x3b: {  	_ = 	snop  }
0x3c: {  	p2 =	seq.s32 s10, $0x1;
	s10 =	sld [smem:$0x3FB9]  }
0x3d: {  	_ =	shalt  }
0x3e: {  	_ =	shalt  }
0x3f: {  	_ =	shalt  }
0x40: {  	_ =	shalt  }
0x41: {  	_ =	shalt  }
0x42: {  	_ =	shalt  }
0x43: {  	_ =	shalt  }
0x44: {  	_ =	shalt  }
0x45: {  	_ =	shalt  }
0x46: {  	_ =	shalt  }
0x47: {  	_ =	shalt  }
0x48: {  	_ =	shalt  }
0x49: {  	_ =	shalt  }
0x4a: {  	_ =	shalt  }
0x4b: {  	_ =	shalt  }
0x4c: {  	_ =	shalt  }
0x4d: {  	_ =	shalt  }
0x4e: {  	_ =	shalt  }
0x4f: {  	_ =	shalt  }
0x50: {  	_ =	shalt  }
0x51: {  	_ =	shalt  }
0x52: {  	_ =	shalt  }
0x53: {  	_ =	shalt  }
0x54: {  	_ =	shalt  }
0x55: {  	_ =	shalt  }
0x56: {  	_ =	shalt  }
0x57: {  	_ =	shalt  }
0x58: {  	_ =	shalt  }
0x59: {  	_ =	shalt  }
0x5a: {  	_ =	shalt  }
0x5b: {  	_ =	shalt  }
0x5c: {  	_ =	shalt  }
0x5d: {  	_ =	shalt  }
0x5e: {  	_ =	shalt  }
0x5f: {  	_ =	shalt  }
0x60: {  	_ =	shalt  }
0x61: {  	_ =	shalt  }
0x62: {  	_ =	shalt  }
0x63: {  	_ =	shalt  }
0x64: {  	_ =	shalt  }
0x65: {  	_ =	shalt  }
0x66: {  	_ =	shalt  }
0x67: {  	_ =	shalt  }
0x68: {  	_ =	shalt  }
0x69: {  	_ =	shalt  }
0x6a: {  	_ =	shalt  }
0x6b: {  	_ =	shalt  }
0x6c: {  	_ =	shalt  }
0x6d: {  	_ =	shalt  }
0x6e: {  	_ =	shalt  }
0x6f: {  	_ =	shalt  }
0x70: {  	_ =	shalt  }
0x71: {  	_ =	shalt  }
0x72: {  	_ =	shalt  }
0x73: {  	_ =	shalt  }
0x74: {  	_ =	shalt  }
0x75: {  	_ =	shalt  }
0x76: {  	_ =	shalt  }
0x77: {  	_ =	shalt  }
0x78: {  	_ =	shalt  }
0x79: {  	_ =	shalt  }
0x7a: {  	_ =	shalt  }
0x7b: {  	_ =	shalt  }
0x7c: {  	_ =	shalt  }
0x7d: {  	_ =	shalt  }
0x7e: {  	_ =	shalt  }
0x7f: {  	_ =	shalt  }
0x80: {  	_ =	shalt  }
0x81: {  	_ =	shalt  }
0x82: {  	_ =	shalt  }
0x83: {  	_ =	shalt  }
0x84: {  	_ =	shalt  }
0x85: {  	_ =	shalt  }
0x86: {  	_ =	shalt  }
0x87: {  	_ =	shalt  }
.Lfunc_end0:
.L_simem_size_0:
called_computation_lowered:
.L_overlay_start_0:
0x88: {  	s2 =	sld [smem:$0x3FD9]  }
0x89: {  	s3 =	sld [smem:$0x3FFE];
	_ =	sdelay $0x1  }
0x8a: {  	s1 =	srdreg.scid  }
0x8b: {  	s0 =	sand.u32 $0x1, s1  }
0x8c: {  	s17 =	sshll.u32 s0, $0xA;
	s2 =	sadd.s32 s3, s2  }
0x8d: {  	s2 =	sadd.s32 s2, s17  }
0x8e: {  	[smem:$0x3FC5] =	sst s2  }
0x8f: {  	_ = 	snop  }
0x90: {  	s2 =	sld [smem:$0x3FC8];
	(tm) =	ssettm $0x1  }
0x91: {  	s18 =	sld [smem:$0x3FFB];
	_ =	sdelay $0x3  }
0x92: {  	_ =	strace s18  }
0x93: {  	s3 =	sld [smem:$0x3FFC];
	_ =	sdelay $0x3  }
0x94: {  	_ =	strace s3  }
0x95: {  	s3 =	sld [smem:$0x3FFD];
	_ =	sdelay $0x3  }
0x96: {  	_ =	strace s3  }
0x97: {  	_ =	strace $0x8FFFFFFF  }
0x98: {  	s19 =	sld [smem:$0x3FDB];
	_ =	sdelay $0x1  }
0x99: {  	s4 =	simm.s32 $_scs_section_size  }
0x9a: {  	s5 =	simm.s32 $_size__tile_overlayer_lowered;
	s6 =	simm.s32 $_tile_overlayer_lowered  }
0x9b: {  	s22 =	simm.s32 $0x1BFF;
	s21 =	sshll.u32 s6, $0x1;
	s3 =	sadd.s32 s4, s19  }
0x9c: {  	s7 =	simm.s32 $0x0;
	s20 =	sshll.u32 s5, $0x1;
	s5 =	sadd.s32 s21, s3  }
0x9d: {  	[timem:s7], [sflag:s22] =	dma.local [hbm:s5], s20  }
0x9e: {  	_ =	swait.ge [sflag:s22], s20  }
0x9f: {  	s4 =	ssub.s32 $0x0, s20;
	[sflag:s22] =	ssyncset.done $0x0  }
0xa0: {  	[sflag:s22] =	ssyncadd.s32 s4;
	_ =	sdelay $0x1  }
0xa1: {  	s23 =	simm.s32 $0x1B8B  }
0xa2: {  	_ =	swait.ge [sflag:s23], $0x1  }
0xa3: {  	[sflag:s23] =	ssyncset.done $0x0  }
0xa4: {  	s25 =	simm.s32 $0x1B8E;
	s24 =	sld [smem:$0x3FFE];
	[sflag:s23] =	ssyncadd.s32 $0xFFFFFFFF  }
0xa5: {  	s26 =	simm.s32 $execute0_lowered;
	[smem:$0x3FD2] =	sst s25  }
0xa6: {  	s5 =	sshll.u32 s26, $0x1;
	_ =	strace $0x80000046;
	[dreg:$0x1] =	wrdreg $0xFFFFFFFF  }
0xa7: {  	s28 =	simm.s32 $_size_execute0_lowered;
	s3 =	sadd.s32 s3, s5;
	[dreg:$0x0] =	wrdreg $0x0  }
0xa8: {  	s5 =	sshll.u32 s28, $0x1;
	[dreg:$0x2] =	wrdreg s3  }
0xa9: {  	[dreg:$0x3] =	wrdreg s5  }
0xaa: {  	[dreg:$0x4] =	wrdreg $0xC0  }
0xab: {  	_ =	task [dreg:s7], $0x5FFFF  }
0xac: {  	[dreg:$0x1] =	wrdreg $0xFFFFFFFF  }
0xad: {  	[dreg:$0x0] =	wrdreg $0x60  }
0xae: {  	[dreg:$0x2] =	wrdreg s2  }
0xaf: {  	[dreg:$0x3] =	wrdreg s24  }
0xb0: {  	[dreg:$0x4] =	wrdreg $0xA2800  }
0xb1: {  	[dreg:$0x5] =	wrdreg $0x9  }
0xb2: {  	_ =	task.clear_ibuf [dreg:s7], $0x6FFFF;
	_ =	strace $0x90000046  }
0xb3: {  	s29 =	simm.s32 $0x9;
	_ =	strace $0x80000048  }
0xb4: {  	_ =	swait.ge [sflag:s29], $0x1  }
0xb5: {  	[sflag:s29] =	ssyncadd.s32 $0xFFFFFFFF  }
0xb6: {  	_ =	strace $0x90000048  }
0xb7: {  	_ =	sfence  }
0xb8: {  	s30 =	sld [smem:$0x0];
	_ =	sdelay $0x2  }
0xb9: {  	s31 =	sshll.u32 s1, $0xD;
	s1 =	sshrl.u32 s1, $0x2  }
0xba: {  	s3 =	sand.u32 $0x4000, s31;
	s1 =	sadd.s32 s1, s30  }
0xbb: {  	s0 =	sor.u32 s3, s0;
	s1 =	sshll.u32 s1, $0x11  }
0xbc: {  	s0 =	sor.u32 s1, s0  }
0xbd: {  	s0 =	sadd.s32 $0x8F2B, s0  }
0xbe: {  	[sflag:s0] =	ssyncadd.remote.s32 $0x1  }
0xbf: {  	_ =	sfence.sel $0xFFFF  }
0xc0: {  	[dreg:$0x0] =	wrdreg $0xFFFFFFFF;
	(pc) =	sbr.abs _section_cstart, $3  }
0xc1: {  	[dreg:$0x1] =	wrdreg $0xFFFFFFFF  }
0xc2: {  	_ =	task.clear_ibuf [dreg:s7], $0x2FFFF;
	_ =	strace $0x9FFFFFFF  }
0xc3: {  	(tm) =	ssettm $0x7FFFFFFF  }
tec
execute0_lowered:
.L_overlay_start_1:
0x0: {  	(tag) =	ssettag $0x1  }
0x1: {  	s0 =	srdreg.scid;
	s1 =	rddreg [dreg:$0x0]  }
0x2: {  	s2 =	rddreg [dreg:$0x1];
	s14 =	stileid.u32  }
0x3: {  	s12 =	rddreg [dreg:$0x2];
	s5 =	simm.s32 $0x0;
	s19 =	smul.u32 $0xA00, s14  }
0x4: {  	s0 =	sand.u32 $0x1, s0;
	[smem:$0x7FF] =	sst s5;
	s22 =	smul.u32 $0x2710, s14  }
0x5: {  	s7 =	sadd.s32 $0x1400, s2;
	s10 =	sshll.u32 s14, $0x6;
	s24 =	smul.u32 $0x9C40, s14  }
0x6: {  	_ =	strace $0x80000047;
	[dreg:$0x4] =	wrdreg s7;
	s7 =	smul.u32 $0x2800, s14  }
0x7: {  	s5 =	simm.s32 $0x1;
	s3 =	sshll.u32 s0, $0x4;
	s11 =	smul.u32 $0x27100, s0  }
0x8: {  	s16 =	ssub.s32 $0x2, s0;
	s10 =	sor.u32 $0x1C02, s10;
	s0 =	smul.u32 $0x9C400, s0  }
0x9: {  	s4 =	sor.u32 s14, s3;
	s17 =	sshrl.u32 s16, $0x1;
	s2 =	sadd.s32 s3, s2  }
0xa: {  	[dreg:$0x7] =	wrdreg s10;
	s4 =	smul.u32 $0x2710, s4;
	s3 =	ssub.s32 s16, s17  }
0xb: {  	s20 =	sadd.s32 s7, s12;
	s23 =	sadd.s32 s22, s11;
	s0 =	sadd.s32 s24, s0  }
0xc: {  	s16 =	smul.u32 $0xA0, s14;
	s2 =	sadd.s32 $0x1A00, s2;
	s14 =	simm.s32 $0x80  }
0xd: {  	s3 =	smax.u32 s3, $0x1;
	s20 =	sshrl.u32 s20, $0x3;
	s6 =	sand.u32 $0x7FF80, s4  }
0xe: {  	s8 =	sand.u32 $0x70, s4;
	[dreg:$0xd] =	wrdreg s3;
	s6 =	smin.u32 s6, $0x4BA00  }
0xf: {  	[dreg:$0xf] =	wrdreg s20;
	s18 =	sshrl.u32 s6, $0x2;
	s9 =	ssub.s32 s4, s6  }
0x10: {  	s1 =	sadd.s32 s1, s18;
	s6 =	sshra.s32 s9, $0x4;
	s21 =	sand.u32 $0xFFFFFF80, s9  }
0x11: {  	s9 =	sand.u32 $0x7FF80, s23;
	[dreg:$0x5] =	wrdreg s1;
	s1 =	sadd.s32 $0x10, s1  }
0x12: {  	s10 =	ssub.s32 $0xF, s6;
	s13 =	sor.u32 s8, s21;
	s9 =	smin.u32 s9, $0x4BA00  }
0x13: {  	p0 =	slt.s32 s6, $0x1;
	p1 =	sgt.s32 s6, $0xE;
	[dreg:$0x6] =	wrdreg s1  }
0x14: {  	s1 =	sshrl.u32 s19, $0x2;
	[dreg:$0x8] =	wrdreg s13;
	s13 =	sadd.s32 $0x2700, s13  }
0x15: {  	s28 =	sshll.u32 s9, $0x2;
	s18 =	ssub.s32 s23, s9;
	s12 =	sadd.s32 s1, s12  }
0x16: {  	s0 =	ssub.s32 s0, s28;
	s1 =	sadd.s32 s16, s2;
	s16 =	simm.s32 $0x2  }
0x17: {  	s25 =	sadd.s32 $0x2800, s12;
	s26 =	sadd.s32 $0x5000, s12;
	s30 =	sadd.s32 $0x7800, s12  }
0x18: {  	s15 =	sadd.s32 $0xA000, s12;
	s17 =	sadd.s32 $0x9C40, s0;
	[dreg:$0xe] =	wrdreg s1  }
0x19: {  	s0 =	sadd.s32 $0x100, s0;
	s24 =	sadd.s32 $0xC800, s12;
	[dreg:$0x9] =	wrdreg s25  }
0x1a: {  	s28 =	sadd.s32 $0x14000, s12;
	s31 =	sadd.s32 $0x19000, s12;
	[dreg:$0xa] =	wrdreg s26  }
0x1b: {  	s1 =	sadd.s32 $0x1B800, s12;
	s3 =	sadd.s32 $0x20800, s12;
	[dreg:$0xb] =	wrdreg s30  }
0x1c: {  	s2 =	sadd.s32 $0x23000, s12;
	s4 =	sadd.s32 $0x25800, s12;
	[dreg:$0xc] =	wrdreg s15  }
0x1d: {  	s19 =	sshra.s32 s17, $0x2;
	s23 =	sshra.s32 s0, $0x2;
	[dreg:$0x10] =	wrdreg s24  }
0x1e: {  	s25 =	sadd.s32 $0xF000, s12;
	s26 =	sadd.s32 $0x11800, s12;
	[dreg:$0x13] =	wrdreg s28  }
0x1f: {  	s30 =	sadd.s32 $0x16800, s12;
	s0 =	sadd.s32 $0x1E000, s12;
	[dreg:$0x11] =	wrdreg s25  }
0x20: {  	s15 =	simm.s32 $0x100;
	s17 =	simm.s32 $0x2800;
	[dreg:$0x12] =	wrdreg s26  }
0x21: {  	s21 =	sadd.s32 $0x2800, s19;
	s22 =	sadd.s32 $0x5000, s19;
	[dreg:$0x14] =	wrdreg s30  }
0x22: {  	v1 =	vimm.f32 $0.0e+00;
	v2 =	vimm.f32 $1.000000000e+00;
	v0 =	vmov s7;
	s29 =	sadd.s32 $0x2800, s23;
	s9 =	sadd.s32 $0x5000, s23;
	s19 =	simm.s32 $0x0  }
.LBB2_1:
0x23: {  	s11 =	rddreg [dreg:$0x5]  }
0x24: {  	s26 =	rddreg [dreg:$0x6]  }
0x25: {  	s28 =	rddreg [dreg:$0x4]  }
0x26: {  	s7 =	simm.s32 $0x0;
	s30 =	rddreg [dreg:$0x7]  }
0x27: {  	[tilespmem:s7], [sflag:$0x1] =	stream.strided.gather [hbm4b:s11+s14], $0x2800, s15, s14, $0x38;
	[tilespmem:$0xCA80] =	vst v63  }
0x28: {  	s20 =	rddreg [dreg:$0xf]  }
0x29: {  	[tilespmem:s17], [sflag:$0x1] =	stream.strided.gather [hbm4b:s26+s14], $0x2800, s15, s14, $0x38;
	[tilespmem:$0xCA80] =	vst v63  }
0x2a: {  	[spmem:s20], [sflag:s30] =	dma.local [hbm:s28], $0x500  }
0x2b: {  	_ =	swait.ge [sflag:s16], $0x500  }
0x2c: {  	[sflag:s16] =	ssyncset.done $0x0  }
0x2d: {  	[sflag:s16] =	ssyncadd.s32 $0xFFFFFB00  }
0x2e: {  	_ =	swait.ge [sflag:s5], $0x2800  }
.Ltmp0:
0x2f: {  	[sflag:s5] =	ssyncset.done $0x0;
	(pc) =	sbr.rel @p0 .LBB2_5-.Ltmp0, $4  }
0x30: {  	[sflag:s5] =	ssyncadd.s32 $0xFFFFD800  }
0x31: {  	_ =	swait.ge [sflag:s5], $0x2800  }
0x32: {  	[sflag:s5] =	ssyncset.done $0x0  }
0x33: {  	[sflag:s5] =	ssyncadd.s32 $0xFFFFD800  }
0x34: {  	p2 =	sne.s32 s6, $0x1  }
.Ltmp1:
0x35: {  	_ = 	snop;
	(pc) =	sbr.rel @!p2 .LBB2_4-.Ltmp1, $3  }
0x36: {  	_ =	sdelay $0x1  }
0x37: {  	[tilespmem:s17+$0x0] =	vst v0;
	s7 =	simm.s32 $0x5000  }
0x38: {  	s11 =	sadd.s32 $0x10, s17;
	s20 =	simm.s32 $0x5000;
	[tilespmem:s7+$0x0] =	vst v1;
	s7 =	sadd.s32 $0xFFFFFFFF, s6  }
.LBB2_3:
0x39: {  	[tilespmem:s11+$0x0] =	vst v0;
	s20 =	sadd.s32 $0x10, s20;
	p2 =	sne.s32 s7, $0x1  }
.Ltmp2:
0x3a: {  	s7 =	sadd.s32 $0xFFFFFFFF, s7;
	[tilespmem:s20+$0x0] =	vst v1;
	(pc) =	sbr.rel @p2 .LBB2_3-.Ltmp2, $2  }
0x3b: {  	_ =	sdelay $0x2  }
0x3c: {  	s11 =	sadd.s32 $0x10, s11  }
.LBB2_4:
.Ltmp3:
0x3d: {  	(pc) =	sbr.rel @p1 .LBB2_7-.Ltmp3, $1  }
0x3e: {  	_ =	sdelay $0x3  }
.LBB2_5:
0x3f: {  	p2 =	sne.s32 s10, $0x1  }
.Ltmp4:
0x40: {  	_ = 	snop;
	(pc) =	sbr.rel @!p2 .LBB2_7-.Ltmp4, $3  }
0x41: {  	_ =	sdelay $0x1  }
0x42: {  	[tilespmem:s21+$0x0] =	vst v0  }
0x43: {  	s7 =	sadd.s32 $0xFFFFFFFF, s10;
	s11 =	sadd.s32 $0x10, s21;
	s20 =	smov.u32 s22;
	[tilespmem:s22+$0x0] =	vst v1  }
.LBB2_6:
0x44: {  	[tilespmem:s11+$0x0] =	vst v0;
	s20 =	sadd.s32 $0x10, s20;
	p2 =	sne.s32 s7, $0x1  }
.Ltmp5:
0x45: {  	s7 =	sadd.s32 $0xFFFFFFFF, s7;
	[tilespmem:s20+$0x0] =	vst v1;
	(pc) =	sbr.rel @p2 .LBB2_6-.Ltmp5, $2  }
0x46: {  	_ =	sdelay $0x2  }
0x47: {  	s11 =	sadd.s32 $0x10, s11  }
.LBB2_7:
0x48: {  	s7 =	sand.u32 $0xFFFFFF80, s18  }
0x49: {  	s7 =	sor.u32 s8, s7  }
0x4a: {  	v3 =	vld [tilespmem:s7+$0x0]  }
0x4b: {  	v4 =	vld [tilespmem:s7+$0x2800];
	_ =	sdelay $0x4  }
0x4c: {  	vm0 =	veq.s32 v3, v4;
	v3 =	vadd.s32 v0, v4  }
0x4d: {  	v4 =	vsel vm0, $0x0, v2;
	[tilespmem:s7+$0x2800] =	vst v3  }
0x4e: {  	[tilespmem:s7+$0x5000] =	vst v4  }
0x4f: {  	v3 =	vld [tilespmem:s23+$0xFFFFFFD0]  }
0x50: {  	v4 =	vld [tilespmem:s29+$0xFFFFFFD0];
	_ =	sdelay $0x4  }
0x51: {  	vm0 =	veq.s32 v3, v4  }
0x52: {  	v3 =	vsel vm0, $0x0, v2  }
0x53: {  	v4 =	vadd.s32 v0, v4;
	[tilespmem:s9+$0xFFFFFFD0] =	vst v3  }
0x54: {  	[tilespmem:s29+$0xFFFFFFD0] =	vst v4;
	v3 =	vld [tilespmem:s29+$0xFFFFFFE0]  }
0x55: {  	v4 =	vld [tilespmem:s23+$0xFFFFFFE0];
	_ =	sdelay $0x4  }
0x56: {  	vm0 =	veq.s32 v4, v3  }
0x57: {  	v4 =	vsel vm0, $0x0, v2  }
0x58: {  	v3 =	vadd.s32 v0, v3;
	[tilespmem:s9+$0xFFFFFFE0] =	vst v4  }
0x59: {  	[tilespmem:s29+$0xFFFFFFE0] =	vst v3;
	v3 =	vld [tilespmem:s29+$0xFFFFFFF0]  }
0x5a: {  	v4 =	vld [tilespmem:s23+$0xFFFFFFF0];
	_ =	sdelay $0x4  }
0x5b: {  	vm0 =	veq.s32 v4, v3  }
0x5c: {  	v4 =	vsel vm0, $0x0, v2  }
0x5d: {  	v3 =	vadd.s32 v0, v3;
	[tilespmem:s9+$0xFFFFFFF0] =	vst v4  }
0x5e: {  	[tilespmem:s29+$0xFFFFFFF0] =	vst v3;
	v3 =	vld [tilespmem:s29+$0x0]  }
0x5f: {  	v4 =	vld [tilespmem:s23+$0x0];
	_ =	sdelay $0x4  }
0x60: {  	vm0 =	veq.s32 v4, v3  }
0x61: {  	v4 =	vsel vm0, $0x0, v2  }
0x62: {  	v3 =	vadd.s32 v0, v3;
	[tilespmem:s9+$0x0] =	vst v4  }
0x63: {  	[tilespmem:s29+$0x0] =	vst v3;
	v3 =	vld [tilespmem:s29+$0x10]  }
0x64: {  	v4 =	vld [tilespmem:s23+$0x10];
	_ =	sdelay $0x4  }
0x65: {  	vm0 =	veq.s32 v4, v3  }
0x66: {  	v4 =	vsel vm0, $0x0, v2  }
0x67: {  	v3 =	vadd.s32 v0, v3;
	[tilespmem:s9+$0x10] =	vst v4  }
0x68: {  	[tilespmem:s29+$0x10] =	vst v3;
	v3 =	vld [tilespmem:s29+$0x20]  }
0x69: {  	v4 =	vld [tilespmem:s23+$0x20];
	_ =	sdelay $0x4  }
0x6a: {  	vm0 =	veq.s32 v4, v3  }
0x6b: {  	v4 =	vsel vm0, $0x0, v2  }
0x6c: {  	v3 =	vadd.s32 v0, v3;
	[tilespmem:s9+$0x20] =	vst v4  }
0x6d: {  	[tilespmem:s29+$0x20] =	vst v3;
	v3 =	vld [tilespmem:s29+$0x30]  }
0x6e: {  	v4 =	vld [tilespmem:s23+$0x30];
	_ =	sdelay $0x2  }
0x6f: {  	s11 =	simm.s32 $0x0  }
0x70: {  	s20 =	sadd.s32 $0x80, s9;
	s24 =	sadd.s32 $0x80, s23;
	s25 =	smov.u32 s18  }
0x71: {  	s28 =	smov.u32 s29;
	s26 =	smov.u32 s9;
	s7 =	smov.u32 s29;
	vm0 =	veq.s32 v4, v3;
	v3 =	vadd.s32 v0, v3  }
.LBB2_8:
0x72: {  	s11 =	sadd.s32 $0x8, s11;
	v4 =	vsel vm0, $0x0, v2;
	s25 =	sadd.s32 $0x80, s25;
	s28 =	sadd.s32 $0x80, s28  }
0x73: {  	s30 =	sand.u32 $0xFFFFFF80, s25;
	p2 =	slt.u32 s11, $0x268;
	[tilespmem:s26+$0x30] =	vst v4;
	s26 =	smov.u32 s20  }
0x74: {  	s30 =	sor.u32 s8, s30;
	[tilespmem:s7+$0x30] =	vst v3;
	s7 =	smov.u32 s28  }
0x75: {  	v3 =	vld [tilespmem:s30+$0x0]  }
0x76: {  	v4 =	vld [tilespmem:s30+$0x2800];
	_ =	sdelay $0x4  }
0x77: {  	vm0 =	veq.s32 v3, v4;
	v3 =	vadd.s32 v0, v4  }
0x78: {  	v4 =	vsel vm0, $0x0, v2;
	[tilespmem:s30+$0x2800] =	vst v3  }
0x79: {  	[tilespmem:s30+$0x5000] =	vst v4  }
0x7a: {  	v3 =	vld [tilespmem:s24+$0xFFFFFFD0]  }
0x7b: {  	v4 =	vld [tilespmem:s28+$0xFFFFFFD0];
	_ =	sdelay $0x4  }
0x7c: {  	vm0 =	veq.s32 v3, v4;
	v3 =	vadd.s32 v0, v4  }
0x7d: {  	v4 =	vsel vm0, $0x0, v2  }
0x7e: {  	[tilespmem:s20+$0xFFFFFFD0] =	vst v4  }
0x7f: {  	[tilespmem:s28+$0xFFFFFFD0] =	vst v3;
	v3 =	vld [tilespmem:s28+$0xFFFFFFE0]  }
0x80: {  	v4 =	vld [tilespmem:s24+$0xFFFFFFE0];
	_ =	sdelay $0x4  }
0x81: {  	vm0 =	veq.s32 v4, v3;
	v3 =	vadd.s32 v0, v3  }
0x82: {  	v4 =	vsel vm0, $0x0, v2  }
0x83: {  	[tilespmem:s20+$0xFFFFFFE0] =	vst v4  }
0x84: {  	[tilespmem:s28+$0xFFFFFFE0] =	vst v3;
	v3 =	vld [tilespmem:s28+$0xFFFFFFF0]  }
0x85: {  	v4 =	vld [tilespmem:s24+$0xFFFFFFF0];
	_ =	sdelay $0x4  }
0x86: {  	vm0 =	veq.s32 v4, v3;
	v3 =	vadd.s32 v0, v3  }
0x87: {  	v4 =	vsel vm0, $0x0, v2  }
0x88: {  	[tilespmem:s20+$0xFFFFFFF0] =	vst v4  }
0x89: {  	[tilespmem:s28+$0xFFFFFFF0] =	vst v3;
	v3 =	vld [tilespmem:s28+$0x0]  }
0x8a: {  	v4 =	vld [tilespmem:s24+$0x0];
	_ =	sdelay $0x4  }
0x8b: {  	vm0 =	veq.s32 v4, v3;
	v3 =	vadd.s32 v0, v3  }
0x8c: {  	v4 =	vsel vm0, $0x0, v2  }
0x8d: {  	[tilespmem:s20+$0x0] =	vst v4  }
0x8e: {  	[tilespmem:s28+$0x0] =	vst v3;
	v3 =	vld [tilespmem:s28+$0x10]  }
0x8f: {  	v4 =	vld [tilespmem:s24+$0x10];
	_ =	sdelay $0x4  }
0x90: {  	vm0 =	veq.s32 v4, v3;
	v3 =	vadd.s32 v0, v3  }
0x91: {  	v4 =	vsel vm0, $0x0, v2  }
0x92: {  	[tilespmem:s20+$0x10] =	vst v4  }
0x93: {  	[tilespmem:s28+$0x10] =	vst v3;
	v3 =	vld [tilespmem:s28+$0x20]  }
0x94: {  	v4 =	vld [tilespmem:s24+$0x20];
	_ =	sdelay $0x4  }
0x95: {  	vm0 =	veq.s32 v4, v3;
	v3 =	vadd.s32 v0, v3  }
0x96: {  	v4 =	vsel vm0, $0x0, v2  }
0x97: {  	[tilespmem:s20+$0x20] =	vst v4  }
0x98: {  	[tilespmem:s28+$0x20] =	vst v3;
	v3 =	vld [tilespmem:s28+$0x30]  }
0x99: {  	v4 =	vld [tilespmem:s24+$0x30]  }
.Ltmp6:
0x9a: {  	(pc) =	sbr.rel @p2 .LBB2_8-.Ltmp6, $2  }
0x9b: {  	_ =	sdelay $0x2  }
0x9c: {  	s20 =	sadd.s32 $0x80, s20;
	s24 =	sadd.s32 $0x80, s24;
	vm0 =	veq.s32 v4, v3;
	v3 =	vadd.s32 v0, v3  }
0x9d: {  	v4 =	vsel vm0, $0x0, v2  }
0x9e: {  	[tilespmem:s26+$0x30] =	vst v4  }
0x9f: {  	s28 =	rddreg [dreg:$0x8];
	[tilespmem:s7+$0x30] =	vst v3  }
0xa0: {  	v3 =	vld [tilespmem:s28+$0x2700]  }
0xa1: {  	v4 =	vld [tilespmem:s13+$0x2800];
	_ =	sdelay $0x4  }
0xa2: {  	vm15 =	veq.s32 v3, v4  }
0xa3: {  	v3 =	vsel vm15, $0x0, v2  }
0xa4: {  	[tilespmem:s13+$0x5000] =	vst v3;
	v3 =	vadd.s32 v0, v4  }
0xa5: {  	s30 =	rddreg [dreg:$0x2];
	s11 =	simm.s32 $0x5000;
	[tilespmem:s13+$0x2800] =	vst v3  }
0xa6: {  	[spmem:s30] =	stream.indirect.scatter.add.f32 [tilespmem:s11], [sflag:$0x2], $0x1, s17, s17, $0xb8;
	[tilespmem:$0xCA80] =	vst v63  }
0xa7: {  	_ =	swait.ge [sflag:s16], $0x2800  }
0xa8: {  	[sflag:s16] =	ssyncset.done $0x0  }
0xa9: {  	[sflag:s16] =	ssyncadd.s32 $0xFFFFD800  }
0xaa: {  	s11 =	simm.s32 $0x7800;
	[bflag:$0x0] =	sbarrier.arrive $0xFFFF  }
0xab: {  	[tilespmem:s11], [sflag:$0x1] =	stream.linear.gather [spmem:s12], $0x280, $0x38;
	[tilespmem:$0xCA80] =	vst v63  }
0xac: {  	s24 =	simm.s32 $0x7A80;
	s20 =	rddreg [dreg:$0x9]  }
0xad: {  	[tilespmem:s24], [sflag:$0x1] =	stream.linear.gather [spmem:s20], $0x280, $0x38;
	[tilespmem:$0xCA80] =	vst v63  }
0xae: {  	s26 =	simm.s32 $0x7D00;
	s25 =	rddreg [dreg:$0xa]  }
0xaf: {  	[tilespmem:s26], [sflag:$0x1] =	stream.linear.gather [spmem:s25], $0x280, $0x38;
	[tilespmem:$0xCA80] =	vst v63  }
0xb0: {  	s30 =	simm.s32 $0x7F80;
	s28 =	rddreg [dreg:$0xb]  }
0xb1: {  	[tilespmem:s30], [sflag:$0x1] =	stream.linear.gather [spmem:s28], $0x280, $0x38;
	[tilespmem:$0xCA80] =	vst v63  }
0xb2: {  	s20 =	rddreg [dreg:$0xc];
	s24 =	simm.s32 $0x8200  }
0xb3: {  	[tilespmem:s24], [sflag:$0x1] =	stream.linear.gather [spmem:s20], $0x280, $0x38;
	[tilespmem:$0xCA80] =	vst v63  }
0xb4: {  	s25 =	rddreg [dreg:$0x10];
	s26 =	simm.s32 $0x8480  }
0xb5: {  	[tilespmem:s26], [sflag:$0x1] =	stream.linear.gather [spmem:s25], $0x280, $0x38;
	[tilespmem:$0xCA80] =	vst v63  }
0xb6: {  	s28 =	rddreg [dreg:$0x11];
	s30 =	simm.s32 $0x8700  }
0xb7: {  	[tilespmem:s30], [sflag:$0x1] =	stream.linear.gather [spmem:s28], $0x280, $0x38;
	[tilespmem:$0xCA80] =	vst v63  }
0xb8: {  	s20 =	rddreg [dreg:$0x12];
	s24 =	simm.s32 $0x8980  }
0xb9: {  	[tilespmem:s24], [sflag:$0x1] =	stream.linear.gather [spmem:s20], $0x280, $0x38;
	[tilespmem:$0xCA80] =	vst v63  }
0xba: {  	s25 =	rddreg [dreg:$0x13];
	s26 =	simm.s32 $0x8C00  }
0xbb: {  	[tilespmem:s26], [sflag:$0x1] =	stream.linear.gather [spmem:s25], $0x280, $0x38;
	[tilespmem:$0xCA80] =	vst v63  }
0xbc: {  	s28 =	rddreg [dreg:$0x14];
	s30 =	simm.s32 $0x8E80  }
0xbd: {  	[tilespmem:s30], [sflag:$0x1] =	stream.linear.gather [spmem:s28], $0x280, $0x38;
	[tilespmem:$0xCA80] =	vst v63  }
0xbe: {  	s11 =	simm.s32 $0x9100  }
0xbf: {  	[tilespmem:s11], [sflag:$0x1] =	stream.linear.gather [spmem:s31], $0x280, $0x38;
	[tilespmem:$0xCA80] =	vst v63  }
0xc0: {  	s20 =	simm.s32 $0x9380  }
0xc1: {  	[tilespmem:s20], [sflag:$0x1] =	stream.linear.gather [spmem:s1], $0x280, $0x38;
	[tilespmem:$0xCA80] =	vst v63  }
0xc2: {  	s24 =	simm.s32 $0x9600  }
0xc3: {  	[tilespmem:s24], [sflag:$0x1] =	stream.linear.gather [spmem:s0], $0x280, $0x38;
	[tilespmem:$0xCA80] =	vst v63  }
0xc4: {  	s25 =	simm.s32 $0x9880  }
0xc5: {  	[tilespmem:s25], [sflag:$0x1] =	stream.linear.gather [spmem:s3], $0x280, $0x38;
	[tilespmem:$0xCA80] =	vst v63  }
0xc6: {  	s26 =	simm.s32 $0x9B00  }
0xc7: {  	[tilespmem:s26], [sflag:$0x1] =	stream.linear.gather [spmem:s2], $0x280, $0x38;
	[tilespmem:$0xCA80] =	vst v63  }
0xc8: {  	s28 =	simm.s32 $0x9D80  }
0xc9: {  	[tilespmem:s28], [sflag:$0x1] =	stream.linear.gather [spmem:s4], $0x280, $0x38;
	[tilespmem:$0xCA80] =	vst v63  }
0xca: {  	_ =	swait.ge [sflag:s5], $0x280  }
0xcb: {  	[sflag:s5] =	ssyncset.done $0x0  }
0xcc: {  	[sflag:s5] =	ssyncadd.s32 $0xFFFFFD80  }
0xcd: {  	_ =	swait.ge [sflag:s5], $0x280  }
0xce: {  	[sflag:s5] =	ssyncset.done $0x0  }
0xcf: {  	[sflag:s5] =	ssyncadd.s32 $0xFFFFFD80  }
0xd0: {  	_ =	swait.ge [sflag:s5], $0x280  }
0xd1: {  	[sflag:s5] =	ssyncset.done $0x0  }
0xd2: {  	[sflag:s5] =	ssyncadd.s32 $0xFFFFFD80  }
0xd3: {  	_ =	swait.ge [sflag:s5], $0x280  }
0xd4: {  	[sflag:s5] =	ssyncset.done $0x0  }
0xd5: {  	[sflag:s5] =	ssyncadd.s32 $0xFFFFFD80  }
0xd6: {  	_ =	swait.ge [sflag:s5], $0x280  }
0xd7: {  	[sflag:s5] =	ssyncset.done $0x0  }
0xd8: {  	[sflag:s5] =	ssyncadd.s32 $0xFFFFFD80  }
0xd9: {  	_ =	swait.ge [sflag:s5], $0x280  }
0xda: {  	[sflag:s5] =	ssyncset.done $0x0  }
0xdb: {  	[sflag:s5] =	ssyncadd.s32 $0xFFFFFD80  }
0xdc: {  	_ =	swait.ge [sflag:s5], $0x280  }
0xdd: {  	[sflag:s5] =	ssyncset.done $0x0  }
0xde: {  	[sflag:s5] =	ssyncadd.s32 $0xFFFFFD80  }
0xdf: {  	_ =	swait.ge [sflag:s5], $0x280  }
0xe0: {  	[sflag:s5] =	ssyncset.done $0x0  }
0xe1: {  	[sflag:s5] =	ssyncadd.s32 $0xFFFFFD80  }
0xe2: {  	_ =	swait.ge [sflag:s5], $0x280  }
0xe3: {  	[sflag:s5] =	ssyncset.done $0x0  }
0xe4: {  	[sflag:s5] =	ssyncadd.s32 $0xFFFFFD80  }
0xe5: {  	_ =	swait.ge [sflag:s5], $0x280  }
0xe6: {  	[sflag:s5] =	ssyncset.done $0x0  }
0xe7: {  	[sflag:s5] =	ssyncadd.s32 $0xFFFFFD80  }
0xe8: {  	_ =	swait.ge [sflag:s5], $0x280  }
0xe9: {  	[sflag:s5] =	ssyncset.done $0x0  }
0xea: {  	[sflag:s5] =	ssyncadd.s32 $0xFFFFFD80  }
0xeb: {  	_ =	swait.ge [sflag:s5], $0x280  }
0xec: {  	[sflag:s5] =	ssyncset.done $0x0  }
0xed: {  	[sflag:s5] =	ssyncadd.s32 $0xFFFFFD80  }
0xee: {  	_ =	swait.ge [sflag:s5], $0x280  }
0xef: {  	[sflag:s5] =	ssyncset.done $0x0  }
0xf0: {  	[sflag:s5] =	ssyncadd.s32 $0xFFFFFD80  }
0xf1: {  	_ =	swait.ge [sflag:s5], $0x280  }
0xf2: {  	[sflag:s5] =	ssyncset.done $0x0  }
0xf3: {  	[sflag:s5] =	ssyncadd.s32 $0xFFFFFD80  }
0xf4: {  	_ =	swait.ge [sflag:s5], $0x280  }
0xf5: {  	[sflag:s5] =	ssyncset.done $0x0  }
0xf6: {  	[sflag:s5] =	ssyncadd.s32 $0xFFFFFD80  }
0xf7: {  	_ =	swait.ge [sflag:s5], $0x280  }
0xf8: {  	s20 =	simm.s32 $0x0;
	[sflag:s5] =	ssyncset.done $0x0  }
0xf9: {  	s30 =	sand.u32 $0x3C0, s20;
	[sflag:s5] =	ssyncadd.s32 $0xFFFFFD80  }
0xfa: {  	s11 =	simm.s32 $0x8C10;
	v3 =	vld [tilespmem:s30+$0x7A80]  }
0xfb: {  	v4 =	vld [tilespmem:s11+$0xFFFFEBF0];
	_ =	sdelay $0x1  }
0xfc: {  	v5 =	vld [tilespmem:s30+$0x7D00];
	_ =	sdelay $0x1  }
0xfd: {  	v6 =	vld [tilespmem:s30+$0x7F80]  }
0xfe: {  	v3 =	vadd.f32 v3, v4  }
0xff: {  	v4 =	vld [tilespmem:s30+$0x8200]  }
0x100: {  	v3 =	vadd.f32 v5, v3  }
0x101: {  	v5 =	vld [tilespmem:s30+$0x8480]  }
0x102: {  	v3 =	vadd.f32 v6, v3  }
0x103: {  	v6 =	vld [tilespmem:s30+$0x8700]  }
0x104: {  	v3 =	vadd.f32 v4, v3  }
0x105: {  	v4 =	vld [tilespmem:s30+$0x8980]  }
0x106: {  	v3 =	vadd.f32 v5, v3  }
0x107: {  	v5 =	vld [tilespmem:s30+$0x8C00]  }
0x108: {  	v3 =	vadd.f32 v6, v3  }
0x109: {  	v6 =	vld [tilespmem:s30+$0x8E80]  }
0x10a: {  	v3 =	vadd.f32 v4, v3  }
0x10b: {  	v4 =	vld [tilespmem:s30+$0x9100]  }
0x10c: {  	v3 =	vadd.f32 v5, v3  }
0x10d: {  	v5 =	vld [tilespmem:s30+$0x9380]  }
0x10e: {  	v3 =	vadd.f32 v6, v3  }
0x10f: {  	v6 =	vld [tilespmem:s30+$0x9600]  }
0x110: {  	v3 =	vadd.f32 v4, v3  }
0x111: {  	v4 =	vld [tilespmem:s30+$0x9880]  }
0x112: {  	v3 =	vadd.f32 v5, v3  }
0x113: {  	v5 =	vld [tilespmem:s30+$0x9B00]  }
0x114: {  	v3 =	vadd.f32 v6, v3  }
0x115: {  	v6 =	vld [tilespmem:s30+$0x9D80]  }
0x116: {  	v3 =	vadd.f32 v4, v3;
	_ =	sdelay $0x1  }
0x117: {  	v3 =	vadd.f32 v5, v3;
	_ =	sdelay $0x1  }
0x118: {  	v3 =	vadd.f32 v6, v3  }
0x119: {  	s24 =	simm.s32 $0xA020  }
0x11a: {  	[tilespmem:s24+$0xFFFFFFE0] =	vst v3  }
0x11b: {  	v3 =	vld [tilespmem:s11+$0xFFFFEC00]  }
0x11c: {  	v4 =	vld [tilespmem:s11+$0xFFFFEE80];
	_ =	sdelay $0x1  }
0x11d: {  	v5 =	vld [tilespmem:s11+$0xFFFFF100];
	_ =	sdelay $0x1  }
0x11e: {  	v6 =	vld [tilespmem:s11+$0xFFFFF380]  }
0x11f: {  	v3 =	vadd.f32 v4, v3  }
0x120: {  	v4 =	vld [tilespmem:s11+$0xFFFFF600]  }
0x121: {  	v3 =	vadd.f32 v5, v3  }
0x122: {  	v5 =	vld [tilespmem:s11+$0xFFFFF880]  }
0x123: {  	v3 =	vadd.f32 v6, v3  }
0x124: {  	v6 =	vld [tilespmem:s11+$0xFFFFFB00]  }
0x125: {  	v3 =	vadd.f32 v4, v3  }
0x126: {  	v4 =	vld [tilespmem:s11+$0xFFFFFD80]  }
0x127: {  	v3 =	vadd.f32 v5, v3  }
0x128: {  	v5 =	vld [tilespmem:s11+$0x0]  }
0x129: {  	v3 =	vadd.f32 v6, v3  }
0x12a: {  	v6 =	vld [tilespmem:s11+$0x280]  }
0x12b: {  	v3 =	vadd.f32 v4, v3  }
0x12c: {  	v4 =	vld [tilespmem:s11+$0x500]  }
0x12d: {  	v3 =	vadd.f32 v5, v3  }
0x12e: {  	v5 =	vld [tilespmem:s11+$0x780]  }
0x12f: {  	v3 =	vadd.f32 v6, v3  }
0x130: {  	v6 =	vld [tilespmem:s11+$0xA00]  }
0x131: {  	v3 =	vadd.f32 v4, v3  }
0x132: {  	v4 =	vld [tilespmem:s11+$0xC80]  }
0x133: {  	v3 =	vadd.f32 v5, v3  }
0x134: {  	v5 =	vld [tilespmem:s11+$0xF00]  }
0x135: {  	v3 =	vadd.f32 v6, v3  }
0x136: {  	v6 =	vld [tilespmem:s11+$0x1180]  }
0x137: {  	v3 =	vadd.f32 v4, v3;
	_ =	sdelay $0x1  }
0x138: {  	v3 =	vadd.f32 v5, v3;
	_ =	sdelay $0x1  }
0x139: {  	v3 =	vadd.f32 v6, v3;
	_ =	sdelay $0x1  }
0x13a: {  	[tilespmem:s24+$0xFFFFFFF0] =	vst v3  }
0x13b: {  	v3 =	vld [tilespmem:s11+$0xFFFFEC10]  }
0x13c: {  	v4 =	vld [tilespmem:s11+$0xFFFFEE90];
	_ =	sdelay $0x1  }
0x13d: {  	v5 =	vld [tilespmem:s11+$0xFFFFF110];
	_ =	sdelay $0x1  }
0x13e: {  	v6 =	vld [tilespmem:s11+$0xFFFFF390]  }
0x13f: {  	v3 =	vadd.f32 v4, v3  }
0x140: {  	v4 =	vld [tilespmem:s11+$0xFFFFF610]  }
0x141: {  	v3 =	vadd.f32 v5, v3  }
0x142: {  	v5 =	vld [tilespmem:s11+$0xFFFFF890]  }
0x143: {  	v3 =	vadd.f32 v6, v3  }
0x144: {  	v6 =	vld [tilespmem:s11+$0xFFFFFB10]  }
0x145: {  	v3 =	vadd.f32 v4, v3  }
0x146: {  	v4 =	vld [tilespmem:s11+$0xFFFFFD90]  }
0x147: {  	v3 =	vadd.f32 v5, v3  }
0x148: {  	v5 =	vld [tilespmem:s11+$0x10]  }
0x149: {  	v3 =	vadd.f32 v6, v3  }
0x14a: {  	v6 =	vld [tilespmem:s11+$0x290]  }
0x14b: {  	v3 =	vadd.f32 v4, v3  }
0x14c: {  	v4 =	vld [tilespmem:s11+$0x510]  }
0x14d: {  	v3 =	vadd.f32 v5, v3  }
0x14e: {  	v5 =	vld [tilespmem:s11+$0x790]  }
0x14f: {  	v3 =	vadd.f32 v6, v3  }
0x150: {  	v6 =	vld [tilespmem:s11+$0xA10]  }
0x151: {  	v3 =	vadd.f32 v4, v3  }
0x152: {  	v4 =	vld [tilespmem:s11+$0xC90]  }
0x153: {  	v3 =	vadd.f32 v5, v3  }
0x154: {  	v5 =	vld [tilespmem:s11+$0xF10]  }
0x155: {  	v3 =	vadd.f32 v6, v3  }
0x156: {  	v6 =	vld [tilespmem:s11+$0x1190]  }
0x157: {  	v3 =	vadd.f32 v4, v3;
	_ =	sdelay $0x1  }
0x158: {  	v3 =	vadd.f32 v5, v3;
	_ =	sdelay $0x1  }
0x159: {  	v3 =	vadd.f32 v6, v3;
	_ =	sdelay $0x1  }
0x15a: {  	[tilespmem:s24+$0x0] =	vst v3  }
0x15b: {  	v3 =	vld [tilespmem:s11+$0xFFFFEC20]  }
0x15c: {  	v4 =	vld [tilespmem:s11+$0xFFFFEEA0];
	_ =	sdelay $0x1  }
0x15d: {  	v5 =	vld [tilespmem:s11+$0xFFFFF120];
	_ =	sdelay $0x1  }
0x15e: {  	v6 =	vld [tilespmem:s11+$0xFFFFF3A0]  }
0x15f: {  	v3 =	vadd.f32 v4, v3  }
0x160: {  	v4 =	vld [tilespmem:s11+$0xFFFFF620]  }
0x161: {  	v3 =	vadd.f32 v5, v3  }
0x162: {  	v5 =	vld [tilespmem:s11+$0xFFFFF8A0]  }
0x163: {  	v3 =	vadd.f32 v6, v3  }
0x164: {  	v6 =	vld [tilespmem:s11+$0xFFFFFB20]  }
0x165: {  	v3 =	vadd.f32 v4, v3  }
0x166: {  	v4 =	vld [tilespmem:s11+$0xFFFFFDA0]  }
0x167: {  	v3 =	vadd.f32 v5, v3  }
0x168: {  	v5 =	vld [tilespmem:s11+$0x20]  }
0x169: {  	v3 =	vadd.f32 v6, v3  }
0x16a: {  	v6 =	vld [tilespmem:s11+$0x2A0]  }
0x16b: {  	v3 =	vadd.f32 v4, v3  }
0x16c: {  	v4 =	vld [tilespmem:s11+$0x520]  }
0x16d: {  	v3 =	vadd.f32 v5, v3  }
0x16e: {  	v5 =	vld [tilespmem:s11+$0x7A0]  }
0x16f: {  	v3 =	vadd.f32 v6, v3  }
0x170: {  	v6 =	vld [tilespmem:s11+$0xA20]  }
0x171: {  	v3 =	vadd.f32 v4, v3  }
0x172: {  	v7 =	vld [tilespmem:s11+$0xCA0]  }
0x173: {  	v3 =	vadd.f32 v5, v3  }
0x174: {  	v4 =	vld [tilespmem:s11+$0xF20]  }
0x175: {  	v5 =	vadd.f32 v6, v3  }
0x176: {  	v3 =	vld [tilespmem:s11+$0x11A0]  }
0x177: {  	v5 =	vadd.f32 v7, v5  }
0x178: {  	s25 =	simm.s32 $0x0;
	s26 =	simm.s32 $0xA060  }
.LBB2_10:
0x179: {  	s25 =	sadd.s32 $0x4, s25;
	v4 =	vadd.f32 v4, v5;
	s11 =	sadd.s32 $0x40, s11;
	s20 =	sadd.s32 $0x40, s20  }
0x17a: {  	p2 =	slt.u32 s25, $0x24  }
0x17b: {  	v3 =	vadd.f32 v3, v4;
	_ =	sdelay $0x1  }
0x17c: {  	s7 =	sand.u32 $0x3C0, s20;
	[tilespmem:s24+$0x10] =	vst v3;
	s24 =	smov.u32 s26  }
0x17d: {  	v3 =	vld [tilespmem:s7+$0x7A80]  }
0x17e: {  	v4 =	vld [tilespmem:s11+$0xFFFFEBF0];
	_ =	sdelay $0x1  }
0x17f: {  	v5 =	vld [tilespmem:s7+$0x7D00];
	_ =	sdelay $0x1  }
0x180: {  	v6 =	vld [tilespmem:s7+$0x7F80]  }
0x181: {  	v3 =	vadd.f32 v3, v4  }
0x182: {  	v4 =	vld [tilespmem:s7+$0x8200]  }
0x183: {  	v3 =	vadd.f32 v5, v3  }
0x184: {  	v5 =	vld [tilespmem:s7+$0x8480]  }
0x185: {  	v3 =	vadd.f32 v6, v3  }
0x186: {  	v6 =	vld [tilespmem:s7+$0x8700]  }
0x187: {  	v3 =	vadd.f32 v4, v3  }
0x188: {  	v4 =	vld [tilespmem:s7+$0x8980]  }
0x189: {  	v3 =	vadd.f32 v5, v3  }
0x18a: {  	v5 =	vld [tilespmem:s7+$0x8C00]  }
0x18b: {  	v3 =	vadd.f32 v6, v3  }
0x18c: {  	v6 =	vld [tilespmem:s7+$0x8E80]  }
0x18d: {  	v3 =	vadd.f32 v4, v3  }
0x18e: {  	v4 =	vld [tilespmem:s7+$0x9100]  }
0x18f: {  	v3 =	vadd.f32 v5, v3  }
0x190: {  	v5 =	vld [tilespmem:s7+$0x9380]  }
0x191: {  	v3 =	vadd.f32 v6, v3  }
0x192: {  	v6 =	vld [tilespmem:s7+$0x9600]  }
0x193: {  	v3 =	vadd.f32 v4, v3  }
0x194: {  	v4 =	vld [tilespmem:s7+$0x9880]  }
0x195: {  	v3 =	vadd.f32 v5, v3  }
0x196: {  	v5 =	vld [tilespmem:s7+$0x9B00]  }
0x197: {  	v3 =	vadd.f32 v6, v3  }
0x198: {  	v6 =	vld [tilespmem:s7+$0x9D80]  }
0x199: {  	v3 =	vadd.f32 v4, v3;
	_ =	sdelay $0x1  }
0x19a: {  	v3 =	vadd.f32 v5, v3;
	_ =	sdelay $0x1  }
0x19b: {  	v3 =	vadd.f32 v6, v3;
	_ =	sdelay $0x1  }
0x19c: {  	[tilespmem:s26+$0xFFFFFFE0] =	vst v3  }
0x19d: {  	v3 =	vld [tilespmem:s11+$0xFFFFEC00]  }
0x19e: {  	v4 =	vld [tilespmem:s11+$0xFFFFEE80];
	_ =	sdelay $0x1  }
0x19f: {  	v5 =	vld [tilespmem:s11+$0xFFFFF100];
	_ =	sdelay $0x1  }
0x1a0: {  	v6 =	vld [tilespmem:s11+$0xFFFFF380]  }
0x1a1: {  	v3 =	vadd.f32 v4, v3  }
0x1a2: {  	v4 =	vld [tilespmem:s11+$0xFFFFF600]  }
0x1a3: {  	v3 =	vadd.f32 v5, v3  }
0x1a4: {  	v5 =	vld [tilespmem:s11+$0xFFFFF880]  }
0x1a5: {  	v3 =	vadd.f32 v6, v3  }
0x1a6: {  	v6 =	vld [tilespmem:s11+$0xFFFFFB00]  }
0x1a7: {  	v3 =	vadd.f32 v4, v3  }
0x1a8: {  	v4 =	vld [tilespmem:s11+$0xFFFFFD80]  }
0x1a9: {  	v3 =	vadd.f32 v5, v3  }
0x1aa: {  	v5 =	vld [tilespmem:s11+$0x0]  }
0x1ab: {  	v3 =	vadd.f32 v6, v3  }
0x1ac: {  	v6 =	vld [tilespmem:s11+$0x280]  }
0x1ad: {  	v3 =	vadd.f32 v4, v3  }
0x1ae: {  	v4 =	vld [tilespmem:s11+$0x500]  }
0x1af: {  	v3 =	vadd.f32 v5, v3  }
0x1b0: {  	v5 =	vld [tilespmem:s11+$0x780]  }
0x1b1: {  	v3 =	vadd.f32 v6, v3  }
0x1b2: {  	v6 =	vld [tilespmem:s11+$0xA00]  }
0x1b3: {  	v3 =	vadd.f32 v4, v3  }
0x1b4: {  	v4 =	vld [tilespmem:s11+$0xC80]  }
0x1b5: {  	v3 =	vadd.f32 v5, v3  }
0x1b6: {  	v5 =	vld [tilespmem:s11+$0xF00]  }
0x1b7: {  	v3 =	vadd.f32 v6, v3  }
0x1b8: {  	v6 =	vld [tilespmem:s11+$0x1180]  }
0x1b9: {  	v3 =	vadd.f32 v4, v3;
	_ =	sdelay $0x1  }
0x1ba: {  	v3 =	vadd.f32 v5, v3;
	_ =	sdelay $0x1  }
0x1bb: {  	v3 =	vadd.f32 v6, v3;
	_ =	sdelay $0x1  }
0x1bc: {  	[tilespmem:s26+$0xFFFFFFF0] =	vst v3  }
0x1bd: {  	v3 =	vld [tilespmem:s11+$0xFFFFEC10]  }
0x1be: {  	v4 =	vld [tilespmem:s11+$0xFFFFEE90];
	_ =	sdelay $0x1  }
0x1bf: {  	v5 =	vld [tilespmem:s11+$0xFFFFF110];
	_ =	sdelay $0x1  }
0x1c0: {  	v6 =	vld [tilespmem:s11+$0xFFFFF390]  }
0x1c1: {  	v3 =	vadd.f32 v4, v3  }
0x1c2: {  	v4 =	vld [tilespmem:s11+$0xFFFFF610]  }
0x1c3: {  	v3 =	vadd.f32 v5, v3  }
0x1c4: {  	v5 =	vld [tilespmem:s11+$0xFFFFF890]  }
0x1c5: {  	v3 =	vadd.f32 v6, v3  }
0x1c6: {  	v6 =	vld [tilespmem:s11+$0xFFFFFB10]  }
0x1c7: {  	v3 =	vadd.f32 v4, v3  }
0x1c8: {  	v4 =	vld [tilespmem:s11+$0xFFFFFD90]  }
0x1c9: {  	v3 =	vadd.f32 v5, v3  }
0x1ca: {  	v5 =	vld [tilespmem:s11+$0x10]  }
0x1cb: {  	v3 =	vadd.f32 v6, v3  }
0x1cc: {  	v6 =	vld [tilespmem:s11+$0x290]  }
0x1cd: {  	v3 =	vadd.f32 v4, v3  }
0x1ce: {  	v4 =	vld [tilespmem:s11+$0x510]  }
0x1cf: {  	v3 =	vadd.f32 v5, v3  }
0x1d0: {  	v5 =	vld [tilespmem:s11+$0x790]  }
0x1d1: {  	v3 =	vadd.f32 v6, v3  }
0x1d2: {  	v6 =	vld [tilespmem:s11+$0xA10]  }
0x1d3: {  	v3 =	vadd.f32 v4, v3  }
0x1d4: {  	v4 =	vld [tilespmem:s11+$0xC90]  }
0x1d5: {  	v3 =	vadd.f32 v5, v3  }
0x1d6: {  	v5 =	vld [tilespmem:s11+$0xF10]  }
0x1d7: {  	v3 =	vadd.f32 v6, v3  }
0x1d8: {  	v6 =	vld [tilespmem:s11+$0x1190]  }
0x1d9: {  	v3 =	vadd.f32 v4, v3;
	_ =	sdelay $0x1  }
0x1da: {  	v3 =	vadd.f32 v5, v3;
	_ =	sdelay $0x1  }
0x1db: {  	v3 =	vadd.f32 v6, v3;
	_ =	sdelay $0x1  }
0x1dc: {  	[tilespmem:s26+$0x0] =	vst v3  }
0x1dd: {  	v3 =	vld [tilespmem:s11+$0xFFFFEC20]  }
0x1de: {  	v4 =	vld [tilespmem:s11+$0xFFFFEEA0]  }
0x1df: {  	v5 =	vld [tilespmem:s11+$0xFFFFF120]  }
0x1e0: {  	v6 =	vld [tilespmem:s11+$0xFFFFF3A0]  }
0x1e1: {  	v7 =	vld [tilespmem:s11+$0xFFFFF620]  }
0x1e2: {  	v8 =	vld [tilespmem:s11+$0xFFFFF8A0]  }
0x1e3: {  	v3 =	vadd.f32 v4, v3;
	v9 =	vld [tilespmem:s11+$0xFFFFFB20]  }
0x1e4: {  	v10 =	vld [tilespmem:s11+$0xFFFFFDA0]  }
0x1e5: {  	v3 =	vadd.f32 v5, v3;
	v5 =	vld [tilespmem:s11+$0x20]  }
0x1e6: {  	v11 =	vld [tilespmem:s11+$0x2A0]  }
0x1e7: {  	v3 =	vadd.f32 v6, v3;
	v6 =	vld [tilespmem:s11+$0x520]  }
0x1e8: {  	v12 =	vld [tilespmem:s11+$0x7A0]  }
0x1e9: {  	v3 =	vadd.f32 v7, v3;
	v7 =	vld [tilespmem:s11+$0xA20]  }
0x1ea: {  	v13 =	vld [tilespmem:s11+$0xCA0]  }
0x1eb: {  	v8 =	vadd.f32 v8, v3;
	v4 =	vld [tilespmem:s11+$0xF20]  }
0x1ec: {  	v3 =	vld [tilespmem:s11+$0x11A0]  }
0x1ed: {  	v8 =	vadd.f32 v9, v8;
	_ =	sdelay $0x1  }
0x1ee: {  	v8 =	vadd.f32 v10, v8;
	_ =	sdelay $0x1  }
0x1ef: {  	v5 =	vadd.f32 v5, v8;
	_ =	sdelay $0x1  }
0x1f0: {  	v5 =	vadd.f32 v11, v5;
	_ =	sdelay $0x1  }
0x1f1: {  	v5 =	vadd.f32 v6, v5;
	_ =	sdelay $0x1  }
0x1f2: {  	v5 =	vadd.f32 v12, v5  }
.Ltmp7:
0x1f3: {  	(pc) =	sbr.rel @p2 .LBB2_10-.Ltmp7, $3  }
0x1f4: {  	v5 =	vadd.f32 v7, v5;
	_ =	sdelay $0x1  }
0x1f5: {  	v5 =	vadd.f32 v13, v5  }
0x1f6: {  	s26 =	sadd.s32 $0x40, s26  }
0x1f7: {  	v4 =	vadd.f32 v4, v5;
	_ =	sdelay $0x1  }
0x1f8: {  	v3 =	vadd.f32 v3, v4;
	_ =	sdelay $0x1  }
0x1f9: {  	s7 =	rddreg [dreg:$0xe];
	s11 =	simm.s32 $0xA000;
	[tilespmem:s24+$0x10] =	vst v3  }
0x1fa: {  	[hbm4b:s7+s14] =	stream.strided.scatter [tilespmem:s11], [sflag:$0x2], $0x280, s15, s14, $0x38;
	[tilespmem:$0xCA80] =	vst v63  }
0x1fb: {  	_ =	swait.ge [sflag:s16], $0x280  }
0x1fc: {  	s19 =	sadd.s32 $0x1, s19;
	s30 =	rddreg [dreg:$0xd]  }
0x1fd: {  	p2 =	sne.s32 s19, s30  }
.Ltmp8:
0x1fe: {  	_ = 	snop;
	(pc) =	sbr.rel @p2 .LBB2_1-.Ltmp8, $3  }
0x1ff: {  	_ =	sdelay $0x1  }
0x200: {  	[sflag:s16] =	ssyncset.done $0x0  }
0x201: {  	[sflag:s16] =	ssyncadd.s32 $0xFFFFFD80  }
0x202: {  	_ =	sfence.sel $0x180000  }
0x203: {  	[bflag:$0x0] =	sbarrier.arrive $0xFFFF  }
0x204: {  	_ =	strace $0x90000047  }
0x205: {  	s0 =	stileid.u32;
	[bflag:$0x2] =	sbarrier.arrive $0xFFFF  }
0x206: {  	p0 =	sne.s32 s0, $0x0;
	s0 =	rddreg [dreg:$0x3]  }
0x207: {  	s0 =	sadd.s32 @!p0 $0x100000, s0  }
0x208: {  	[sflag:s0] =	ssyncadd.tile.s32 @!p0 $0x1;
	_ =	shalt  }
.Lfunc_end2:
_tile_overlayer_lowered:
.L_overlay_start_2:
0x209: {  	(tag) =	ssettag $0x2  }
0x20a: {  	s0 =	rddreg [dreg:$0x0];
	s2 =	stileid.u32  }
0x20b: {  	s1 =	rddreg [dreg:$0x1];
	p0 =	sne.s32 s2, $0x0  }
0x20c: {  	s3 =	rddreg [dreg:$0x2];
	[bflag:$0x3] =	sbarrier.arrive $0xFFFF;
	s2 =	simm.s32 @!p0 $0x1C02  }
0x20d: {  	[timem:s3], [sflag:s2] =	dma.local @!p0 [hbm:s0], s1  }
0x20e: {  	s0 =	simm.s32 @!p0 $0x2  }
0x20f: {  	_ =	swait.ge @!p0 [sflag:s0], s1  }
0x210: {  	s1 =	ssub.s32 @!p0 $0x0, s1;
	[sflag:s0] =	ssyncset.done @!p0 $0x0  }
0x211: {  	[sflag:s0] =	ssyncadd.s32 @!p0 s1  }
0x212: {  	[bflag:$0x3] =	sbarrier.arrive $0xFFFF  }
0x213: {  	_ =	shalt  }

</sc_bundles>
